<compile_context>
chip_gen: v7x
topology: tpu7x:2x2x1
jax: 0.10.2.dev20260603
libtpu: 0.0.44.dev20260713+nightly
codegen_flags: <defaults>
</compile_context>

<pallas_src>
import functools

import jax
import jax.numpy as jnp
from jax import lax
from jax.experimental import pallas as pl
from jax.experimental.pallas import tpu as pltpu
from jax.experimental.pallas import tpu_sc as plsc

N = 10000
E = 320000
D = 128

NC, NS = 2, 16
NW = NC * NS
K = 80
NCHUNK = E // (NW * K)
KC = 64
CH = 156
NTAIL = (E - NW * CH * KC) // KC
S0 = 624
TAIL = N - NS * S0
ZR = 104
DW = 16

_mesh = plsc.VectorSubcoreMesh(core_axis_name="c", subcore_axis_name="s")



NBUF = 4


@functools.partial(
    pl.kernel,
    out_type=jax.ShapeDtypeStruct((NC * N, D), jnp.float32),
    mesh=_mesh,
    scratch_types=(
        [pltpu.VMEM((1, KC), jnp.int32) for _ in range(NBUF)] +
        [pltpu.VMEM((1, KC), jnp.int32) for _ in range(NBUF)] +
        [pltpu.VMEM((KC, D), jnp.float32) for _ in range(NBUF)] +
        [pltpu.VMEM((ZR, D), jnp.float32),
         pltpu.VMEM_SHARED((N, D), jnp.float32)] +
        [pltpu.SemaphoreType.DMA for _ in range(4 * NBUF)]
    ),
)
def _scatter_rows(m_hbm, row_hbm, col_hbm, trow_hbm, tcol_hbm, out_hbm,
                  *bufs):
    ridx = bufs[0:NBUF]
    cidx = bufs[NBUF:2 * NBUF]
    gbuf = bufs[2 * NBUF:3 * NBUF]
    zbuf = bufs[3 * NBUF]
    acc = bufs[3 * NBUF + 1]
    gsem = bufs[3 * NBUF + 2:3 * NBUF + 2 + NBUF]
    ssem = bufs[3 * NBUF + 2 + NBUF:3 * NBUF + 2 + 2 * NBUF]
    rsem = bufs[3 * NBUF + 2 + 2 * NBUF:3 * NBUF + 2 + 3 * NBUF]
    csem = bufs[3 * NBUF + 2 + 3 * NBUF:3 * NBUF + 2 + 4 * NBUF]

    c = lax.axis_index("c")
    s = lax.axis_index("s")
    w = c * NS + s
    base = pl.multiple_of(s * S0, 8)

    z = jnp.zeros((16,), jnp.float32)

    def _zrow(j, carry):
        for i in range(D // 16):
            zbuf[j, pl.ds(i * 16, 16)] = z
        return carry

    lax.fori_loop(0, ZR, _zrow, 0)
    for t in range(S0 // ZR):
        pltpu.sync_copy(zbuf, acc.at[pl.ds(base + t * ZR, ZR)])

    @pl.when(s == 0)
    def _zero_tail():
        pltpu.sync_copy(zbuf.at[pl.ds(0, TAIL)], acc.at[pl.ds(NS * S0, TAIL)])

    plsc.subcore_barrier()

    for b in range(NBUF):
        pltpu.async_copy(row_hbm.at[w, b], ridx[b], rsem[b])
        pltpu.async_copy(col_hbm.at[w, b], cidx[b], csem[b])
    for b in range(NBUF):
        pltpu.make_async_copy(row_hbm.at[w, 0], ridx[b], rsem[b]).wait()
        pltpu.async_copy(m_hbm.at[ridx[b].at[0]], gbuf[b], gsem[b])

    def _group(g, carry):
        j0 = g * NBUF
        for b in range(NBUF):
            pltpu.make_async_copy(m_hbm.at[ridx[b].at[0]], gbuf[b],
                                  gsem[b]).wait()
            pltpu.make_async_copy(col_hbm.at[w, 0], cidx[b], csem[b]).wait()
            pltpu.async_copy(gbuf[b], acc.at[cidx[b].at[0]], ssem[b],
                             add=True)

            @pl.when(j0 + b + NBUF < CH)
            def _r():
                pltpu.async_copy(row_hbm.at[w, j0 + b + NBUF], ridx[b],
                                 rsem[b])

        for b in range(NBUF):
            @pl.when(j0 + b + NBUF < CH)
            def _g():
                pltpu.make_async_copy(gbuf[b], acc.at[cidx[b].at[0]],
                                      ssem[b]).wait()
                pltpu.make_async_copy(row_hbm.at[w, 0], ridx[b],
                                      rsem[b]).wait()
                pltpu.async_copy(m_hbm.at[ridx[b].at[0]], gbuf[b], gsem[b])
                pltpu.async_copy(col_hbm.at[w, j0 + b + NBUF], cidx[b],
                                 csem[b])

        return carry

    lax.fori_loop(0, CH // NBUF, _group, 0)

    for b in range(NBUF):
        pltpu.make_async_copy(gbuf[b], acc.at[cidx[b].at[0]], ssem[b]).wait()

    @pl.when(w < NTAIL)
    def _tail_chunk():
        pltpu.sync_copy(trow_hbm.at[w], ridx[0])
        pltpu.sync_copy(tcol_hbm.at[w], cidx[0])
        pltpu.async_copy(m_hbm.at[ridx[0].at[0]], gbuf[0], gsem[0]).wait()
        pltpu.sync_copy(gbuf[0], acc.at[cidx[0].at[0]], add=True)

    plsc.subcore_barrier()

    off = pl.multiple_of(c * N + s * S0, 8)
    pltpu.sync_copy(acc.at[pl.ds(base, S0)], out_hbm.at[pl.ds(off, S0)])

    @pl.when(s == 0)
    def _write_tail():
        toff = pl.multiple_of(c * N + NS * S0, 8)
        pltpu.sync_copy(acc.at[pl.ds(NS * S0, TAIL)],
                        out_hbm.at[pl.ds(toff, TAIL)])


NP_ = 10240
SD = NP_ // NS


@functools.partial(
    pl.kernel,
    out_type=jax.ShapeDtypeStruct((NC * NP_,), jnp.float32),
    mesh=_mesh,
    scratch_types=[
        pltpu.VMEM((NCHUNK, K), jnp.int32),
        pltpu.VMEM((K,), jnp.float32),
        pltpu.VMEM((SD,), jnp.float32),
        pltpu.VMEM_SHARED((NP_,), jnp.float32),
    ],
)
def _degree(col_hbm, out_hbm, cidx, ones_v, zbuf, acc):
    c = lax.axis_index("c")
    s = lax.axis_index("s")
    w = c * NS + s
    base = pl.multiple_of(s * SD, 8)

    z = jnp.zeros((16,), jnp.float32)
    o = jnp.ones((16,), jnp.float32)

    def _zrow(j, carry):
        zbuf[pl.ds(j * 16, 16)] = z
        return carry

    lax.fori_loop(0, SD // 16, _zrow, 0)
    for i in range(K // 16):
        ones_v[pl.ds(i * 16, 16)] = o
    pltpu.sync_copy(zbuf, acc.at[pl.ds(base, SD)])
    plsc.subcore_barrier()

    pltpu.sync_copy(col_hbm.at[w], cidx)

    def _chunk(j, carry):
        pltpu.sync_copy(ones_v, acc.at[cidx.at[j]], add=True)
        return carry

    lax.fori_loop(0, NCHUNK, _chunk, 0)
    plsc.subcore_barrier()

    off = pl.multiple_of(c * NP_ + s * SD, 8)
    pltpu.sync_copy(acc.at[pl.ds(base, SD)], out_hbm.at[pl.ds(off, SD)])



_R = 2000


def _mm_plain_body(x_ref, w_ref, b_ref, t_ref):
    t_ref[...] = (
        jnp.dot(x_ref[...], w_ref[...], preferred_element_type=jnp.float32)
        + b_ref[...])


def _mm_scale_body(dg_ref, t_ref, dinv_ref, m_ref):
    deg = dg_ref[0] + dg_ref[1]
    dinv = jnp.where(deg > 0, lax.rsqrt(deg), 0.0)
    dinv_ref[...] = jnp.broadcast_to(dinv, (dinv.shape[0], DW))
    m_ref[...] = dinv * t_ref[...]


def _mm_mid_body(dinv_ref, h_ref, sp_ref, w_ref, b_ref, hn_ref, m_ref):
    dinv = dinv_ref[:, 0:1]
    hn = jnp.maximum(dinv * (sp_ref[0] + sp_ref[1]) + h_ref[...], 0.0)
    hn_ref[...] = hn
    t = jnp.dot(hn, w_ref[...], preferred_element_type=jnp.float32)
    m_ref[...] = dinv * (t + b_ref[...])


def _mm_last_body(dinv_ref, h_ref, sp_ref, w_ref, b_ref, out_ref):
    dinv = dinv_ref[:, 0:1]
    hn = jnp.maximum(dinv * (sp_ref[0] + sp_ref[1]) + h_ref[...], 0.0)
    out_ref[...] = (
        jnp.dot(hn, w_ref[...], preferred_element_type=jnp.float32)
        + b_ref[...])


def _mm_plain(x, w, b):
    return pl.pallas_call(
        _mm_plain_body,
        grid=(N // _R,),
        in_specs=[
            pl.BlockSpec((_R, D), lambda i: (i, 0)),
            pl.BlockSpec((D, D), lambda i: (0, 0)),
            pl.BlockSpec((1, D), lambda i: (0, 0)),
        ],
        out_specs=pl.BlockSpec((_R, D), lambda i: (i, 0)),
        out_shape=jax.ShapeDtypeStruct((N, D), jnp.float32),
    )(x, w, b)


def _mm_scale(degp, t):
    return pl.pallas_call(
        _mm_scale_body,
        grid=(N // _R,),
        in_specs=[
            pl.BlockSpec((2, _R, 1), lambda i: (0, i, 0)),
            pl.BlockSpec((_R, D), lambda i: (i, 0)),
        ],
        out_specs=[
            pl.BlockSpec((_R, DW), lambda i: (i, 0)),
            pl.BlockSpec((_R, D), lambda i: (i, 0)),
        ],
        out_shape=[
            jax.ShapeDtypeStruct((N, DW), jnp.float32),
            jax.ShapeDtypeStruct((N, D), jnp.float32),
        ],
    )(degp, t)


def _mm_mid(dinv, h, sp, w, b):
    return pl.pallas_call(
        _mm_mid_body,
        grid=(N // _R,),
        in_specs=[
            pl.BlockSpec((_R, DW), lambda i: (i, 0)),
            pl.BlockSpec((_R, D), lambda i: (i, 0)),
            pl.BlockSpec((2, _R, D), lambda i: (0, i, 0)),
            pl.BlockSpec((D, D), lambda i: (0, 0)),
            pl.BlockSpec((1, D), lambda i: (0, 0)),
        ],
        out_specs=[
            pl.BlockSpec((_R, D), lambda i: (i, 0)),
            pl.BlockSpec((_R, D), lambda i: (i, 0)),
        ],
        out_shape=[
            jax.ShapeDtypeStruct((N, D), jnp.float32),
            jax.ShapeDtypeStruct((N, D), jnp.float32),
        ],
    )(dinv, h, sp, w, b)


def _mm_last(dinv, h, sp, w, b):
    return pl.pallas_call(
        _mm_last_body,
        grid=(N // _R,),
        in_specs=[
            pl.BlockSpec((_R, DW), lambda i: (i, 0)),
            pl.BlockSpec((_R, D), lambda i: (i, 0)),
            pl.BlockSpec((2, _R, D), lambda i: (0, i, 0)),
            pl.BlockSpec((D, D), lambda i: (0, 0)),
            pl.BlockSpec((1, D), lambda i: (0, 0)),
        ],
        out_specs=pl.BlockSpec((_R, D), lambda i: (i, 0)),
        out_shape=jax.ShapeDtypeStruct((N, D), jnp.float32),
    )(dinv, h, sp, w, b)



def kernel(x, edge_index, W1, b1, W2, b2, W3, b3, Wh, bh):
    row_fl = edge_index[0]
    col_fl = edge_index[1]
    nmain = NW * CH * KC
    row2 = row_fl[:nmain].reshape(NW, CH, 1, KC)
    col2 = col_fl[:nmain].reshape(NW, CH, 1, KC)
    trow = row_fl[nmain:].reshape(NTAIL, 1, KC)
    tcol = col_fl[nmain:].reshape(NTAIL, 1, KC)
    col = col_fl.reshape(NW, NCHUNK, K)
    b1r = b1.reshape(1, D)
    b2r = b2.reshape(1, D)
    b3r = b3.reshape(1, D)
    bhr = bh.reshape(1, D)

    t1 = _mm_plain(x, W1, b1r)
    degp = _degree(col).reshape(NC, NP_)[:, :N].reshape(NC, N, 1)
    dinv, m = _mm_scale(degp, t1)
    h = x
    for w, b in ((W2, b2r), (W3, b3r)):
        sp = _scatter_rows(m, row2, col2, trow, tcol).reshape(NC, N, D)
        h, m = _mm_mid(dinv, h, sp, w, b)
    sp = _scatter_rows(m, row2, col2, trow, tcol).reshape(NC, N, D)
    return _mm_last(dinv, h, sp, Wh, bhr)

# --- scband reference (transcript-rebuilt; emitter-appended) ---
"""Pipeline reference for scband-custom-gnn-29059748725145 (READ-ONLY COPY).

The authoritative reference and input builder live on the scoring server;
editing this copy changes nothing except your own understanding.
"""

import jax, jax.numpy as jnp
import numpy as np

N = 10000
E = 320000
D = 128
L = 3


def setup_inputs(seed: int = 0) -> dict:
    key = jax.random.key(seed)
    ks = jax.random.split(key, 2 * L + 4)
    inp = {}
    inp["x"] = jax.random.normal(ks[0], (N, D), dtype=jnp.float32)
    inp["edge_index"] = jax.random.randint(ks[1], (2, E), 0, N, dtype=jnp.int32)
    for i in range(L):
        inp[f"W{i+1}"] = jax.random.normal(ks[2 + 2 * i], (D, D), dtype=jnp.float32) * 0.05
        inp[f"b{i+1}"] = jnp.zeros((D,), dtype=jnp.float32)
    inp["Wh"] = jax.random.normal(ks[2 + 2 * L], (D, D), dtype=jnp.float32) * 0.05
    inp["bh"] = jnp.zeros((D,), dtype=jnp.float32)
    return inp


def reference(x, edge_index, W1, b1, W2, b2, W3, b3, Wh, bh):
    # CustomGNN with cfg.gnn.layer_type='gcnconv', layers_mp=3, residual=True,
    # layers_pre_mp=0, jk=None, linear GNN head.
    n = x.shape[0]
    row = edge_index[0]  # source
    col = edge_index[1]  # target (flow: source_to_target)
    # gcn_norm(edge_index, None, N, improved=False, add_self_loops=False)
    ones = jnp.ones((row.shape[0],), dtype=jnp.float32)
    deg = jax.ops.segment_sum(ones, col, num_segments=n)
    dinv = jnp.where(deg > 0, jax.lax.rsqrt(deg), 0.0)
    edge_weight = dinv[row] * dinv[col]
    Ws = [W1, W2, W3]
    bs = [b1, b2, b3]
    h = x
    for W, b in zip(Ws, bs):
        m = h @ W + b                              # per-node linear transform
        msg = edge_weight[:, None] * m[row]        # gather source features (memory-bound)
        agg = jax.ops.segment_sum(msg, col, num_segments=n)  # scatter-add to dst
        h = jax.nn.relu(agg + h)                   # residual + act
    out = h @ Wh + bh                              # post_mp head
    return out

if __name__ == "__main__":
    import jax
    _d = setup_inputs()
    print(jax.jit(kernel)(*tuple(_d.values())))

</pallas_src>

<mosaic_0001>
#map = affine_map<(d0, d1) -> (0, 0, 0)>
#map1 = affine_map<(d0, d1) -> (0)>
module attributes {stable_mosaic.version = 14 : i64} {
  func.func @_degree(%arg0: i32, %arg1: i32, %arg2: memref<32x125x80xi32, #tpu.memory_space<hbm>>, %arg3: memref<20480xf32, #tpu.memory_space<hbm>>, %arg4: memref<125x80xi32, #tpu.memory_space<vmem>>, %arg5: memref<80xf32, #tpu.memory_space<vmem>>, %arg6: memref<640xf32, #tpu.memory_space<vmem>>, %arg7: memref<10240xf32, #tpu.memory_space<vmem_shared>>) attributes {dimension_semantics = [#tpu.dimension_semantics<core_parallel>, #tpu.dimension_semantics<subcore_parallel>], iteration_bounds = array<i64: 2, 16>, scalar_prefetch = 0 : i64, scratch_operands = 4 : i64, tpu.core_type = #tpu.core_type<sc_vector_subcore>, window_params = [{transform_indices = #map}, {transform_indices = #map1}]} {
    %mul3A = arith.constant 16 : i32
    %mul3A_0 = arith.muli %arg0, %mul3A : i32
    %add3A = arith.addi %mul3A_0, %arg1 : i32
    %mul3A_1 = arith.constant 640 : i32
    %mul3A_2 = arith.muli %arg1, %mul3A_1 : i32
    %multiple_of3A = tpu.assume_multiple %mul3A_2, 8 : i32
    %broadcast_in_dim3A = arith.constant 0.000000e+00 : f32
    %broadcast_in_dim3A_3 = vector.broadcast %broadcast_in_dim3A : f32 to vector<16xf32>
    %broadcast_in_dim3A_4 = arith.constant 1.000000e+00 : f32
    %broadcast_in_dim3A_5 = vector.broadcast %broadcast_in_dim3A_4 : f32 to vector<16xf32>
    %scan3A = arith.constant 0 : i32
    %scan3A_6 = arith.constant 0 : i32
    %scan3A_7 = arith.constant 40 : i32
    %scan3A_8 = arith.addi %scan3A_6, %scan3A_7 : i32
    %scan3A_9 = arith.constant 1 : i32
    scf.for %scan3A_43 = %scan3A_6 to %scan3A_8 step %scan3A_9  : i32 {
      %mul3A_44 = arith.constant 16 : i32
      %mul3A_45 = arith.muli %scan3A_43, %mul3A_44 : i32
      %swap3A_46 = arith.index_cast %mul3A_45 : i32 to index
      %swap3A_47 = tpu.vector_load %arg6[%swap3A_46] {strides = array<i32>} : memref<640xf32, #tpu.memory_space<vmem>>, vector<16xf32>,
      %swap3A_48 = vector.shape_cast %swap3A_47 : vector<16xf32> to vector<16xf32>
      %swap3A_49 = vector.shape_cast %broadcast_in_dim3A_3 : vector<16xf32> to vector<16xf32>
      tpu.vector_store %arg6[%swap3A_46], %swap3A_49 {strides = array<i32>} : memref<640xf32, #tpu.memory_space<vmem>>, vector<16xf32>,
    }
    %scan3A_10 = arith.constant 40 : i32
    %swap3A = arith.constant 0 : index
    %swap3A_11 = tpu.vector_load %arg5[%swap3A] {strides = array<i32>} : memref<80xf32, #tpu.memory_space<vmem>>, vector<16xf32>,
    %swap3A_12 = vector.shape_cast %swap3A_11 : vector<16xf32> to vector<16xf32>
    %swap3A_13 = vector.shape_cast %broadcast_in_dim3A_5 : vector<16xf32> to vector<16xf32>
    tpu.vector_store %arg5[%swap3A], %swap3A_13 {strides = array<i32>} : memref<80xf32, #tpu.memory_space<vmem>>, vector<16xf32>,
    %swap3A_14 = arith.constant 16 : index
    %swap3A_15 = tpu.vector_load %arg5[%swap3A_14] {strides = array<i32>} : memref<80xf32, #tpu.memory_space<vmem>>, vector<16xf32>,
    %swap3A_16 = vector.shape_cast %swap3A_15 : vector<16xf32> to vector<16xf32>
    %swap3A_17 = vector.shape_cast %broadcast_in_dim3A_5 : vector<16xf32> to vector<16xf32>
    tpu.vector_store %arg5[%swap3A_14], %swap3A_17 {strides = array<i32>} : memref<80xf32, #tpu.memory_space<vmem>>, vector<16xf32>,
    %swap3A_18 = arith.constant 32 : index
    %swap3A_19 = tpu.vector_load %arg5[%swap3A_18] {strides = array<i32>} : memref<80xf32, #tpu.memory_space<vmem>>, vector<16xf32>,
    %swap3A_20 = vector.shape_cast %swap3A_19 : vector<16xf32> to vector<16xf32>
    %swap3A_21 = vector.shape_cast %broadcast_in_dim3A_5 : vector<16xf32> to vector<16xf32>
    tpu.vector_store %arg5[%swap3A_18], %swap3A_21 {strides = array<i32>} : memref<80xf32, #tpu.memory_space<vmem>>, vector<16xf32>,
    %swap3A_22 = arith.constant 48 : index
    %swap3A_23 = tpu.vector_load %arg5[%swap3A_22] {strides = array<i32>} : memref<80xf32, #tpu.memory_space<vmem>>, vector<16xf32>,
    %swap3A_24 = vector.shape_cast %swap3A_23 : vector<16xf32> to vector<16xf32>
    %swap3A_25 = vector.shape_cast %broadcast_in_dim3A_5 : vector<16xf32> to vector<16xf32>
    tpu.vector_store %arg5[%swap3A_22], %swap3A_25 {strides = array<i32>} : memref<80xf32, #tpu.memory_space<vmem>>, vector<16xf32>,
    %swap3A_26 = arith.constant 64 : index
    %swap3A_27 = tpu.vector_load %arg5[%swap3A_26] {strides = array<i32>} : memref<80xf32, #tpu.memory_space<vmem>>, vector<16xf32>,
    %swap3A_28 = vector.shape_cast %swap3A_27 : vector<16xf32> to vector<16xf32>
    %swap3A_29 = vector.shape_cast %broadcast_in_dim3A_5 : vector<16xf32> to vector<16xf32>
    tpu.vector_store %arg5[%swap3A_26], %swap3A_29 {strides = array<i32>} : memref<80xf32, #tpu.memory_space<vmem>>, vector<16xf32>,
    "tpu.region"() ({
      %run_scoped3A = tpu.sem_alloc : memref<!tpu.dma_semaphore, #tpu.memory_space<semaphore_mem>>
      %dma_start3A = tpu.memref_slice %arg7[%multiple_of3A] : memref<10240xf32, #tpu.memory_space<vmem_shared>> -> memref<640xf32, #tpu.memory_space<vmem_shared>>
      %dma_start3A_43 = tpu.memref_slice %arg7[%multiple_of3A] : memref<10240xf32, #tpu.memory_space<vmem_shared>> -> memref<640xf32, #tpu.memory_space<vmem_shared>>
      tpu.enqueue_dma source(%arg6 : memref<640xf32, #tpu.memory_space<vmem>>) target(%dma_start3A_43 : memref<640xf32, #tpu.memory_space<vmem_shared>>) target_semaphore(%run_scoped3A : memref<!tpu.dma_semaphore, #tpu.memory_space<semaphore_mem>>)
      %dma_wait3A = tpu.memref_slice %arg7[%multiple_of3A] : memref<10240xf32, #tpu.memory_space<vmem_shared>> -> memref<640xf32, #tpu.memory_space<vmem_shared>>
      %dma_wait3A_44 = tpu.memref_slice %arg7[%multiple_of3A] : memref<10240xf32, #tpu.memory_space<vmem_shared>> -> memref<640xf32, #tpu.memory_space<vmem_shared>>
      tpu.wait_dma2 semaphore(%run_scoped3A : memref<!tpu.dma_semaphore, #tpu.memory_space<semaphore_mem>>) src(%arg6 : memref<640xf32, #tpu.memory_space<vmem>>) dst(%dma_wait3A_44 : memref<640xf32, #tpu.memory_space<vmem_shared>>)
      tpu.yield
    }) : () -> ()
    %barrier3A = arith.constant 0 : index
    tpu.barrier barrier_id(%barrier3A)
    "tpu.region"() ({
      %run_scoped3A = tpu.sem_alloc : memref<!tpu.dma_semaphore, #tpu.memory_space<semaphore_mem>>
      %dma_start3A = arith.constant 0 : i32
      %dma_start3A_43 = arith.constant 0 : i32
      %dma_start3A_44 = tpu.memref_slice %arg2[%add3A, %dma_start3A, %dma_start3A_43] : memref<32x125x80xi32, #tpu.memory_space<hbm>> -> memref<1x125x80xi32, #tpu.memory_space<hbm>>
      %dma_start3A_45 = tpu.memref_squeeze %dma_start3A_44 : memref<1x125x80xi32, #tpu.memory_space<hbm>> -> memref<125x80xi32, #tpu.memory_space<hbm>>
      %dma_start3A_46 = arith.constant 0 : i32
      %dma_start3A_47 = arith.constant 0 : i32
      %dma_start3A_48 = tpu.memref_slice %arg2[%add3A, %dma_start3A_46, %dma_start3A_47] : memref<32x125x80xi32, #tpu.memory_space<hbm>> -> memref<1x125x80xi32, #tpu.memory_space<hbm>>
      %dma_start3A_49 = tpu.memref_squeeze %dma_start3A_48 : memref<1x125x80xi32, #tpu.memory_space<hbm>> -> memref<125x80xi32, #tpu.memory_space<hbm>>
      tpu.enqueue_dma source(%dma_start3A_49 : memref<125x80xi32, #tpu.memory_space<hbm>>) target(%arg4 : memref<125x80xi32, #tpu.memory_space<vmem>>) target_semaphore(%run_scoped3A : memref<!tpu.dma_semaphore, #tpu.memory_space<semaphore_mem>>)
      %dma_wait3A = arith.constant 0 : i32
      %dma_wait3A_50 = arith.constant 0 : i32
      %dma_wait3A_51 = tpu.memref_slice %arg2[%add3A, %dma_wait3A, %dma_wait3A_50] : memref<32x125x80xi32, #tpu.memory_space<hbm>> -> memref<1x125x80xi32, #tpu.memory_space<hbm>>
      %dma_wait3A_52 = tpu.memref_squeeze %dma_wait3A_51 : memref<1x125x80xi32, #tpu.memory_space<hbm>> -> memref<125x80xi32, #tpu.memory_space<hbm>>
      %dma_wait3A_53 = arith.constant 0 : i32
      %dma_wait3A_54 = arith.constant 0 : i32
      %dma_wait3A_55 = tpu.memref_slice %arg2[%add3A, %dma_wait3A_53, %dma_wait3A_54] : memref<32x125x80xi32, #tpu.memory_space<hbm>> -> memref<1x125x80xi32, #tpu.memory_space<hbm>>
      %dma_wait3A_56 = tpu.memref_squeeze %dma_wait3A_55 : memref<1x125x80xi32, #tpu.memory_space<hbm>> -> memref<125x80xi32, #tpu.memory_space<hbm>>
      tpu.wait_dma2 semaphore(%run_scoped3A : memref<!tpu.dma_semaphore, #tpu.memory_space<semaphore_mem>>) src(%dma_wait3A_56 : memref<125x80xi32, #tpu.memory_space<hbm>>) dst(%arg4 : memref<125x80xi32, #tpu.memory_space<vmem>>)
      tpu.yield
    }) : () -> ()
    %scan3A_30 = arith.constant 0 : i32
    %scan3A_31 = arith.constant 0 : i32
    %scan3A_32 = arith.constant 125 : i32
    %scan3A_33 = arith.addi %scan3A_31, %scan3A_32 : i32
    %scan3A_34 = arith.constant 1 : i32
    scf.for %scan3A_43 = %scan3A_31 to %scan3A_33 step %scan3A_34  : i32 {
      "tpu.region"() ({
        %run_scoped3A = tpu.sem_alloc : memref<!tpu.dma_semaphore, #tpu.memory_space<semaphore_mem>>
        %dma_start3A = arith.constant 0 : i32
        %dma_start3A_44 = tpu.memref_slice %arg4[%scan3A_43, %dma_start3A] : memref<125x80xi32, #tpu.memory_space<vmem>> -> memref<1x80xi32, #tpu.memory_space<vmem>>
        %dma_start3A_45 = tpu.memref_squeeze %dma_start3A_44 : memref<1x80xi32, #tpu.memory_space<vmem>> -> memref<80xi32, #tpu.memory_space<vmem>>
        %dma_start3A_46 = arith.constant 0 : i32
        %dma_start3A_47 = tpu.memref_slice %arg7[%dma_start3A_46] : memref<10240xf32, #tpu.memory_space<vmem_shared>> -> memref<10240xf32, #tpu.memory_space<vmem_shared>>
        tpu.enqueue_indirect_dma source(%arg5 : memref<80xf32, #tpu.memory_space<vmem>>) target(%dma_start3A_47 : memref<10240xf32, #tpu.memory_space<vmem_shared>>) offsets(%dma_start3A_45 : memref<80xi32, #tpu.memory_space<vmem>>) semaphore(%run_scoped3A : memref<!tpu.dma_semaphore, #tpu.memory_space<semaphore_mem>>) {add = true}
        %dma_wait3A = arith.constant 0 : i32
        %dma_wait3A_48 = tpu.memref_slice %arg4[%scan3A_43, %dma_wait3A] : memref<125x80xi32, #tpu.memory_space<vmem>> -> memref<1x80xi32, #tpu.memory_space<vmem>>
        %dma_wait3A_49 = tpu.memref_squeeze %dma_wait3A_48 : memref<1x80xi32, #tpu.memory_space<vmem>> -> memref<80xi32, #tpu.memory_space<vmem>>
        %dma_wait3A_50 = arith.constant 0 : i32
        %dma_wait3A_51 = tpu.memref_slice %arg7[%dma_wait3A_50] : memref<10240xf32, #tpu.memory_space<vmem_shared>> -> memref<10240xf32, #tpu.memory_space<vmem_shared>>
        tpu.wait_indirect_dma semaphore(%run_scoped3A : memref<!tpu.dma_semaphore, #tpu.memory_space<semaphore_mem>>) src(%arg5 : memref<80xf32, #tpu.memory_space<vmem>>) dst(%dma_wait3A_51 : memref<10240xf32, #tpu.memory_space<vmem_shared>>)
        tpu.yield
      }) : () -> ()
    }
    %scan3A_35 = arith.constant 125 : i32
    %barrier3A_36 = arith.constant 0 : index
    tpu.barrier barrier_id(%barrier3A_36)
    %mul3A_37 = arith.constant 10240 : i32
    %mul3A_38 = arith.muli %arg0, %mul3A_37 : i32
    %mul3A_39 = arith.constant 640 : i32
    %mul3A_40 = arith.muli %arg1, %mul3A_39 : i32
    %add3A_41 = arith.addi %mul3A_38, %mul3A_40 : i32
    %multiple_of3A_42 = tpu.assume_multiple %add3A_41, 8 : i32
    "tpu.region"() ({
      %run_scoped3A = tpu.sem_alloc : memref<!tpu.dma_semaphore, #tpu.memory_space<semaphore_mem>>
      %dma_start3A = tpu.memref_slice %arg3[%multiple_of3A_42] : memref<20480xf32, #tpu.memory_space<hbm>> -> memref<640xf32, #tpu.memory_space<hbm>>
      %dma_start3A_43 = tpu.memref_slice %arg7[%multiple_of3A] : memref<10240xf32, #tpu.memory_space<vmem_shared>> -> memref<640xf32, #tpu.memory_space<vmem_shared>>
      tpu.enqueue_dma source(%dma_start3A_43 : memref<640xf32, #tpu.memory_space<vmem_shared>>) target(%dma_start3A : memref<640xf32, #tpu.memory_space<hbm>>) target_semaphore(%run_scoped3A : memref<!tpu.dma_semaphore, #tpu.memory_space<semaphore_mem>>)
      %dma_wait3A = tpu.memref_slice %arg3[%multiple_of3A_42] : memref<20480xf32, #tpu.memory_space<hbm>> -> memref<640xf32, #tpu.memory_space<hbm>>
      %dma_wait3A_44 = tpu.memref_slice %arg7[%multiple_of3A] : memref<10240xf32, #tpu.memory_space<vmem_shared>> -> memref<640xf32, #tpu.memory_space<vmem_shared>>
      tpu.wait_dma2 semaphore(%run_scoped3A : memref<!tpu.dma_semaphore, #tpu.memory_space<semaphore_mem>>) src(%dma_wait3A_44 : memref<640xf32, #tpu.memory_space<vmem_shared>>) dst(%dma_wait3A : memref<640xf32, #tpu.memory_space<hbm>>)
      tpu.yield
    }) : () -> ()
    return
  }
}

#map = affine_map<(d0, d1) -> (0, 0)>
#map1 = affine_map<(d0, d1) -> (0, 0, 0, 0)>
#map2 = affine_map<(d0, d1) -> (0, 0, 0)>
module attributes {stable_mosaic.version = 14 : i64} {
  func.func @_scatter_rows(%arg0: i32, %arg1: i32, %arg2: memref<10000x128xf32, #tpu.memory_space<hbm>>, %arg3: memref<32x156x1x64xi32, #tpu.memory_space<hbm>>, %arg4: memref<32x156x1x64xi32, #tpu.memory_space<hbm>>, %arg5: memref<8x1x64xi32, #tpu.memory_space<hbm>>, %arg6: memref<8x1x64xi32, #tpu.memory_space<hbm>>, %arg7: memref<20000x128xf32, #tpu.memory_space<hbm>>, %arg8: memref<1x64xi32, #tpu.memory_space<vmem>>, %arg9: memref<1x64xi32, #tpu.memory_space<vmem>>, %arg10: memref<1x64xi32, #tpu.memory_space<vmem>>, %arg11: memref<1x64xi32, #tpu.memory_space<vmem>>, %arg12: memref<1x64xi32, #tpu.memory_space<vmem>>, %arg13: memref<1x64xi32, #tpu.memory_space<vmem>>, %arg14: memref<1x64xi32, #tpu.memory_space<vmem>>, %arg15: memref<1x64xi32, #tpu.memory_space<vmem>>, %arg16: memref<64x128xf32, #tpu.memory_space<vmem>>, %arg17: memref<64x128xf32, #tpu.memory_space<vmem>>, %arg18: memref<64x128xf32, #tpu.memory_space<vmem>>, %arg19: memref<64x128xf32, #tpu.memory_space<vmem>>, %arg20: memref<104x128xf32, #tpu.memory_space<vmem>>, %arg21: memref<10000x128xf32, #tpu.memory_space<vmem_shared>>, %arg22: memref<!tpu.dma_semaphore, #tpu.memory_space<semaphore_mem>>, %arg23: memref<!tpu.dma_semaphore, #tpu.memory_space<semaphore_mem>>, %arg24: memref<!tpu.dma_semaphore, #tpu.memory_space<semaphore_mem>>, %arg25: memref<!tpu.dma_semaphore, #tpu.memory_space<semaphore_mem>>, %arg26: memref<!tpu.dma_semaphore, #tpu.memory_space<semaphore_mem>>, %arg27: memref<!tpu.dma_semaphore, #tpu.memory_space<semaphore_mem>>, %arg28: memref<!tpu.dma_semaphore, #tpu.memory_space<semaphore_mem>>, %arg29: memref<!tpu.dma_semaphore, #tpu.memory_space<semaphore_mem>>, %arg30: memref<!tpu.dma_semaphore, #tpu.memory_space<semaphore_mem>>, %arg31: memref<!tpu.dma_semaphore, #tpu.memory_space<semaphore_mem>>, %arg32: memref<!tpu.dma_semaphore, #tpu.memory_space<semaphore_mem>>, %arg33: memref<!tpu.dma_semaphore, #tpu.memory_space<semaphore_mem>>, %arg34: memref<!tpu.dma_semaphore, #tpu.memory_space<semaphore_mem>>, %arg35: memref<!tpu.dma_semaphore, #tpu.memory_space<semaphore_mem>>, %arg36: memref<!tpu.dma_semaphore, #tpu.memory_space<semaphore_mem>>, %arg37: memref<!tpu.dma_semaphore, #tpu.memory_space<semaphore_mem>>) attributes {dimension_semantics = [#tpu.dimension_semantics<core_parallel>, #tpu.dimension_semantics<subcore_parallel>], iteration_bounds = array<i64: 2, 16>, scalar_prefetch = 0 : i64, scratch_operands = 30 : i64, tpu.core_type = #tpu.core_type<sc_vector_subcore>, window_params = [{transform_indices = #map}, {transform_indices = #map1}, {transform_indices = #map1}, {transform_indices = #map2}, {transform_indices = #map2}, {transform_indices = #map}]} {
    %mul3A = arith.constant 16 : i32
    %mul3A_0 = arith.muli %arg0, %mul3A : i32
    %add3A = arith.addi %mul3A_0, %arg1 : i32
    %mul3A_1 = arith.constant 624 : i32
    %mul3A_2 = arith.muli %arg1, %mul3A_1 : i32
    %multiple_of3A = tpu.assume_multiple %mul3A_2, 8 : i32
    %broadcast_in_dim3A = arith.constant 0.000000e+00 : f32
    %broadcast_in_dim3A_3 = vector.broadcast %broadcast_in_dim3A : f32 to vector<16xf32>
    %scan3A = arith.constant 0 : i32
    %scan3A_4 = arith.constant 0 : i32
    %scan3A_5 = arith.constant 104 : i32
    %scan3A_6 = arith.addi %scan3A_4, %scan3A_5 : i32
    %scan3A_7 = arith.constant 1 : i32
    scf.for %scan3A_207 = %scan3A_4 to %scan3A_6 step %scan3A_7  : i32 {
      %swap3A = arith.index_cast %scan3A_207 : i32 to index
      %swap3A_208 = arith.constant 0 : index
      %swap3A_209 = tpu.vector_load %arg20[%swap3A, %swap3A_208] {strides = array<i32>} : memref<104x128xf32, #tpu.memory_space<vmem>>, vector<1x16xf32>,
      %swap3A_210 = vector.shape_cast %swap3A_209 : vector<1x16xf32> to vector<16xf32>
      %swap3A_211 = vector.shape_cast %broadcast_in_dim3A_3 : vector<16xf32> to vector<1x16xf32>
      tpu.vector_store %arg20[%swap3A, %swap3A_208], %swap3A_211 {strides = array<i32>} : memref<104x128xf32, #tpu.memory_space<vmem>>, vector<1x16xf32>,
      %swap3A_212 = arith.index_cast %scan3A_207 : i32 to index
      %swap3A_213 = arith.constant 16 : index
      %swap3A_214 = tpu.vector_load %arg20[%swap3A_212, %swap3A_213] {strides = array<i32>} : memref<104x128xf32, #tpu.memory_space<vmem>>, vector<1x16xf32>,
      %swap3A_215 = vector.shape_cast %swap3A_214 : vector<1x16xf32> to vector<16xf32>
      %swap3A_216 = vector.shape_cast %broadcast_in_dim3A_3 : vector<16xf32> to vector<1x16xf32>
      tpu.vector_store %arg20[%swap3A_212, %swap3A_213], %swap3A_216 {strides = array<i32>} : memref<104x128xf32, #tpu.memory_space<vmem>>, vector<1x16xf32>,
      %swap3A_217 = arith.index_cast %scan3A_207 : i32 to index
      %swap3A_218 = arith.constant 32 : index
      %swap3A_219 = tpu.vector_load %arg20[%swap3A_217, %swap3A_218] {strides = array<i32>} : memref<104x128xf32, #tpu.memory_space<vmem>>, vector<1x16xf32>,
      %swap3A_220 = vector.shape_cast %swap3A_219 : vector<1x16xf32> to vector<16xf32>
      %swap3A_221 = vector.shape_cast %broadcast_in_dim3A_3 : vector<16xf32> to vector<1x16xf32>
      tpu.vector_store %arg20[%swap3A_217, %swap3A_218], %swap3A_221 {strides = array<i32>} : memref<104x128xf32, #tpu.memory_space<vmem>>, vector<1x16xf32>,
      %swap3A_222 = arith.index_cast %scan3A_207 : i32 to index
      %swap3A_223 = arith.constant 48 : index
      %swap3A_224 = tpu.vector_load %arg20[%swap3A_222, %swap3A_223] {strides = array<i32>} : memref<104x128xf32, #tpu.memory_space<vmem>>, vector<1x16xf32>,
      %swap3A_225 = vector.shape_cast %swap3A_224 : vector<1x16xf32> to vector<16xf32>
      %swap3A_226 = vector.shape_cast %broadcast_in_dim3A_3 : vector<16xf32> to vector<1x16xf32>
      tpu.vector_store %arg20[%swap3A_222, %swap3A_223], %swap3A_226 {strides = array<i32>} : memref<104x128xf32, #tpu.memory_space<vmem>>, vector<1x16xf32>,
      %swap3A_227 = arith.index_cast %scan3A_207 : i32 to index
      %swap3A_228 = arith.constant 64 : index
      %swap3A_229 = tpu.vector_load %arg20[%swap3A_227, %swap3A_228] {strides = array<i32>} : memref<104x128xf32, #tpu.memory_space<vmem>>, vector<1x16xf32>,
      %swap3A_230 = vector.shape_cast %swap3A_229 : vector<1x16xf32> to vector<16xf32>
      %swap3A_231 = vector.shape_cast %broadcast_in_dim3A_3 : vector<16xf32> to vector<1x16xf32>
      tpu.vector_store %arg20[%swap3A_227, %swap3A_228], %swap3A_231 {strides = array<i32>} : memref<104x128xf32, #tpu.memory_space<vmem>>, vector<1x16xf32>,
      %swap3A_232 = arith.index_cast %scan3A_207 : i32 to index
      %swap3A_233 = arith.constant 80 : index
      %swap3A_234 = tpu.vector_load %arg20[%swap3A_232, %swap3A_233] {strides = array<i32>} : memref<104x128xf32, #tpu.memory_space<vmem>>, vector<1x16xf32>,
      %swap3A_235 = vector.shape_cast %swap3A_234 : vector<1x16xf32> to vector<16xf32>
      %swap3A_236 = vector.shape_cast %broadcast_in_dim3A_3 : vector<16xf32> to vector<1x16xf32>
      tpu.vector_store %arg20[%swap3A_232, %swap3A_233], %swap3A_236 {strides = array<i32>} : memref<104x128xf32, #tpu.memory_space<vmem>>, vector<1x16xf32>,
      %swap3A_237 = arith.index_cast %scan3A_207 : i32 to index
      %swap3A_238 = arith.constant 96 : index
      %swap3A_239 = tpu.vector_load %arg20[%swap3A_237, %swap3A_238] {strides = array<i32>} : memref<104x128xf32, #tpu.memory_space<vmem>>, vector<1x16xf32>,
      %swap3A_240 = vector.shape_cast %swap3A_239 : vector<1x16xf32> to vector<16xf32>
      %swap3A_241 = vector.shape_cast %broadcast_in_dim3A_3 : vector<16xf32> to vector<1x16xf32>
      tpu.vector_store %arg20[%swap3A_237, %swap3A_238], %swap3A_241 {strides = array<i32>} : memref<104x128xf32, #tpu.memory_space<vmem>>, vector<1x16xf32>,
      %swap3A_242 = arith.index_cast %scan3A_207 : i32 to index
      %swap3A_243 = arith.constant 112 : index
      %swap3A_244 = tpu.vector_load %arg20[%swap3A_242, %swap3A_243] {strides = array<i32>} : memref<104x128xf32, #tpu.memory_space<vmem>>, vector<1x16xf32>,
      %swap3A_245 = vector.shape_cast %swap3A_244 : vector<1x16xf32> to vector<16xf32>
      %swap3A_246 = vector.shape_cast %broadcast_in_dim3A_3 : vector<16xf32> to vector<1x16xf32>
      tpu.vector_store %arg20[%swap3A_242, %swap3A_243], %swap3A_246 {strides = array<i32>} : memref<104x128xf32, #tpu.memory_space<vmem>>, vector<1x16xf32>,
    }
    %scan3A_8 = arith.constant 104 : i32
    %add3A_9 = arith.constant 0 : i32
    %add3A_10 = arith.addi %multiple_of3A, %add3A_9 : i32
    "tpu.region"() ({
      %run_scoped3A = tpu.sem_alloc : memref<!tpu.dma_semaphore, #tpu.memory_space<semaphore_mem>>
      %dma_start3A_207 = arith.constant 0 : i32
      %dma_start3A_208 = tpu.memref_slice %arg21[%add3A_10, %dma_start3A_207] : memref<10000x128xf32, #tpu.memory_space<vmem_shared>> -> memref<104x128xf32, #tpu.memory_space<vmem_shared>>
      %dma_start3A_209 = arith.constant 0 : i32
      %dma_start3A_210 = tpu.memref_slice %arg21[%add3A_10, %dma_start3A_209] : memref<10000x128xf32, #tpu.memory_space<vmem_shared>> -> memref<104x128xf32, #tpu.memory_space<vmem_shared>>
      tpu.enqueue_dma source(%arg20 : memref<104x128xf32, #tpu.memory_space<vmem>>) target(%dma_start3A_210 : memref<104x128xf32, #tpu.memory_space<vmem_shared>>) target_semaphore(%run_scoped3A : memref<!tpu.dma_semaphore, #tpu.memory_space<semaphore_mem>>)
      %dma_wait3A_211 = arith.constant 0 : i32
      %dma_wait3A_212 = tpu.memref_slice %arg21[%add3A_10, %dma_wait3A_211] : memref<10000x128xf32, #tpu.memory_space<vmem_shared>> -> memref<104x128xf32, #tpu.memory_space<vmem_shared>>
      %dma_wait3A_213 = arith.constant 0 : i32
      %dma_wait3A_214 = tpu.memref_slice %arg21[%add3A_10, %dma_wait3A_213] : memref<10000x128xf32, #tpu.memory_space<vmem_shared>> -> memref<104x128xf32, #tpu.memory_space<vmem_shared>>
      tpu.wait_dma2 semaphore(%run_scoped3A : memref<!tpu.dma_semaphore, #tpu.memory_space<semaphore_mem>>) src(%arg20 : memref<104x128xf32, #tpu.memory_space<vmem>>) dst(%dma_wait3A_214 : memref<104x128xf32, #tpu.memory_space<vmem_shared>>)
      tpu.yield
    }) : () -> ()
    %add3A_11 = arith.constant 104 : i32
    %add3A_12 = arith.addi %multiple_of3A, %add3A_11 : i32
    "tpu.region"() ({
      %run_scoped3A = tpu.sem_alloc : memref<!tpu.dma_semaphore, #tpu.memory_space<semaphore_mem>>
      %dma_start3A_207 = arith.constant 0 : i32
      %dma_start3A_208 = tpu.memref_slice %arg21[%add3A_12, %dma_start3A_207] : memref<10000x128xf32, #tpu.memory_space<vmem_shared>> -> memref<104x128xf32, #tpu.memory_space<vmem_shared>>
      %dma_start3A_209 = arith.constant 0 : i32
      %dma_start3A_210 = tpu.memref_slice %arg21[%add3A_12, %dma_start3A_209] : memref<10000x128xf32, #tpu.memory_space<vmem_shared>> -> memref<104x128xf32, #tpu.memory_space<vmem_shared>>
      tpu.enqueue_dma source(%arg20 : memref<104x128xf32, #tpu.memory_space<vmem>>) target(%dma_start3A_210 : memref<104x128xf32, #tpu.memory_space<vmem_shared>>) target_semaphore(%run_scoped3A : memref<!tpu.dma_semaphore, #tpu.memory_space<semaphore_mem>>)
      %dma_wait3A_211 = arith.constant 0 : i32
      %dma_wait3A_212 = tpu.memref_slice %arg21[%add3A_12, %dma_wait3A_211] : memref<10000x128xf32, #tpu.memory_space<vmem_shared>> -> memref<104x128xf32, #tpu.memory_space<vmem_shared>>
      %dma_wait3A_213 = arith.constant 0 : i32
      %dma_wait3A_214 = tpu.memref_slice %arg21[%add3A_12, %dma_wait3A_213] : memref<10000x128xf32, #tpu.memory_space<vmem_shared>> -> memref<104x128xf32, #tpu.memory_space<vmem_shared>>
      tpu.wait_dma2 semaphore(%run_scoped3A : memref<!tpu.dma_semaphore, #tpu.memory_space<semaphore_mem>>) src(%arg20 : memref<104x128xf32, #tpu.memory_space<vmem>>) dst(%dma_wait3A_214 : memref<104x128xf32, #tpu.memory_space<vmem_shared>>)
      tpu.yield
    }) : () -> ()
    %add3A_13 = arith.constant 208 : i32
    %add3A_14 = arith.addi %multiple_of3A, %add3A_13 : i32
    "tpu.region"() ({
      %run_scoped3A = tpu.sem_alloc : memref<!tpu.dma_semaphore, #tpu.memory_space<semaphore_mem>>
      %dma_start3A_207 = arith.constant 0 : i32
      %dma_start3A_208 = tpu.memref_slice %arg21[%add3A_14, %dma_start3A_207] : memref<10000x128xf32, #tpu.memory_space<vmem_shared>> -> memref<104x128xf32, #tpu.memory_space<vmem_shared>>
      %dma_start3A_209 = arith.constant 0 : i32
      %dma_start3A_210 = tpu.memref_slice %arg21[%add3A_14, %dma_start3A_209] : memref<10000x128xf32, #tpu.memory_space<vmem_shared>> -> memref<104x128xf32, #tpu.memory_space<vmem_shared>>
      tpu.enqueue_dma source(%arg20 : memref<104x128xf32, #tpu.memory_space<vmem>>) target(%dma_start3A_210 : memref<104x128xf32, #tpu.memory_space<vmem_shared>>) target_semaphore(%run_scoped3A : memref<!tpu.dma_semaphore, #tpu.memory_space<semaphore_mem>>)
      %dma_wait3A_211 = arith.constant 0 : i32
      %dma_wait3A_212 = tpu.memref_slice %arg21[%add3A_14, %dma_wait3A_211] : memref<10000x128xf32, #tpu.memory_space<vmem_shared>> -> memref<104x128xf32, #tpu.memory_space<vmem_shared>>
      %dma_wait3A_213 = arith.constant 0 : i32
      %dma_wait3A_214 = tpu.memref_slice %arg21[%add3A_14, %dma_wait3A_213] : memref<10000x128xf32, #tpu.memory_space<vmem_shared>> -> memref<104x128xf32, #tpu.memory_space<vmem_shared>>
      tpu.wait_dma2 semaphore(%run_scoped3A : memref<!tpu.dma_semaphore, #tpu.memory_space<semaphore_mem>>) src(%arg20 : memref<104x128xf32, #tpu.memory_space<vmem>>) dst(%dma_wait3A_214 : memref<104x128xf32, #tpu.memory_space<vmem_shared>>)
      tpu.yield
    }) : () -> ()
    %add3A_15 = arith.constant 312 : i32
    %add3A_16 = arith.addi %multiple_of3A, %add3A_15 : i32
    "tpu.region"() ({
      %run_scoped3A = tpu.sem_alloc : memref<!tpu.dma_semaphore, #tpu.memory_space<semaphore_mem>>
      %dma_start3A_207 = arith.constant 0 : i32
      %dma_start3A_208 = tpu.memref_slice %arg21[%add3A_16, %dma_start3A_207] : memref<10000x128xf32, #tpu.memory_space<vmem_shared>> -> memref<104x128xf32, #tpu.memory_space<vmem_shared>>
      %dma_start3A_209 = arith.constant 0 : i32
      %dma_start3A_210 = tpu.memref_slice %arg21[%add3A_16, %dma_start3A_209] : memref<10000x128xf32, #tpu.memory_space<vmem_shared>> -> memref<104x128xf32, #tpu.memory_space<vmem_shared>>
      tpu.enqueue_dma source(%arg20 : memref<104x128xf32, #tpu.memory_space<vmem>>) target(%dma_start3A_210 : memref<104x128xf32, #tpu.memory_space<vmem_shared>>) target_semaphore(%run_scoped3A : memref<!tpu.dma_semaphore, #tpu.memory_space<semaphore_mem>>)
      %dma_wait3A_211 = arith.constant 0 : i32
      %dma_wait3A_212 = tpu.memref_slice %arg21[%add3A_16, %dma_wait3A_211] : memref<10000x128xf32, #tpu.memory_space<vmem_shared>> -> memref<104x128xf32, #tpu.memory_space<vmem_shared>>
      %dma_wait3A_213 = arith.constant 0 : i32
      %dma_wait3A_214 = tpu.memref_slice %arg21[%add3A_16, %dma_wait3A_213] : memref<10000x128xf32, #tpu.memory_space<vmem_shared>> -> memref<104x128xf32, #tpu.memory_space<vmem_shared>>
      tpu.wait_dma2 semaphore(%run_scoped3A : memref<!tpu.dma_semaphore, #tpu.memory_space<semaphore_mem>>) src(%arg20 : memref<104x128xf32, #tpu.memory_space<vmem>>) dst(%dma_wait3A_214 : memref<104x128xf32, #tpu.memory_space<vmem_shared>>)
      tpu.yield
    }) : () -> ()
    %add3A_17 = arith.constant 416 : i32
    %add3A_18 = arith.addi %multiple_of3A, %add3A_17 : i32
    "tpu.region"() ({
      %run_scoped3A = tpu.sem_alloc : memref<!tpu.dma_semaphore, #tpu.memory_space<semaphore_mem>>
      %dma_start3A_207 = arith.constant 0 : i32
      %dma_start3A_208 = tpu.memref_slice %arg21[%add3A_18, %dma_start3A_207] : memref<10000x128xf32, #tpu.memory_space<vmem_shared>> -> memref<104x128xf32, #tpu.memory_space<vmem_shared>>
      %dma_start3A_209 = arith.constant 0 : i32
      %dma_start3A_210 = tpu.memref_slice %arg21[%add3A_18, %dma_start3A_209] : memref<10000x128xf32, #tpu.memory_space<vmem_shared>> -> memref<104x128xf32, #tpu.memory_space<vmem_shared>>
      tpu.enqueue_dma source(%arg20 : memref<104x128xf32, #tpu.memory_space<vmem>>) target(%dma_start3A_210 : memref<104x128xf32, #tpu.memory_space<vmem_shared>>) target_semaphore(%run_scoped3A : memref<!tpu.dma_semaphore, #tpu.memory_space<semaphore_mem>>)
      %dma_wait3A_211 = arith.constant 0 : i32
      %dma_wait3A_212 = tpu.memref_slice %arg21[%add3A_18, %dma_wait3A_211] : memref<10000x128xf32, #tpu.memory_space<vmem_shared>> -> memref<104x128xf32, #tpu.memory_space<vmem_shared>>
      %dma_wait3A_213 = arith.constant 0 : i32
      %dma_wait3A_214 = tpu.memref_slice %arg21[%add3A_18, %dma_wait3A_213] : memref<10000x128xf32, #tpu.memory_space<vmem_shared>> -> memref<104x128xf32, #tpu.memory_space<vmem_shared>>
      tpu.wait_dma2 semaphore(%run_scoped3A : memref<!tpu.dma_semaphore, #tpu.memory_space<semaphore_mem>>) src(%arg20 : memref<104x128xf32, #tpu.memory_space<vmem>>) dst(%dma_wait3A_214 : memref<104x128xf32, #tpu.memory_space<vmem_shared>>)
      tpu.yield
    }) : () -> ()
    %add3A_19 = arith.constant 520 : i32
    %add3A_20 = arith.addi %multiple_of3A, %add3A_19 : i32
    "tpu.region"() ({
      %run_scoped3A = tpu.sem_alloc : memref<!tpu.dma_semaphore, #tpu.memory_space<semaphore_mem>>
      %dma_start3A_207 = arith.constant 0 : i32
      %dma_start3A_208 = tpu.memref_slice %arg21[%add3A_20, %dma_start3A_207] : memref<10000x128xf32, #tpu.memory_space<vmem_shared>> -> memref<104x128xf32, #tpu.memory_space<vmem_shared>>
      %dma_start3A_209 = arith.constant 0 : i32
      %dma_start3A_210 = tpu.memref_slice %arg21[%add3A_20, %dma_start3A_209] : memref<10000x128xf32, #tpu.memory_space<vmem_shared>> -> memref<104x128xf32, #tpu.memory_space<vmem_shared>>
      tpu.enqueue_dma source(%arg20 : memref<104x128xf32, #tpu.memory_space<vmem>>) target(%dma_start3A_210 : memref<104x128xf32, #tpu.memory_space<vmem_shared>>) target_semaphore(%run_scoped3A : memref<!tpu.dma_semaphore, #tpu.memory_space<semaphore_mem>>)
      %dma_wait3A_211 = arith.constant 0 : i32
      %dma_wait3A_212 = tpu.memref_slice %arg21[%add3A_20, %dma_wait3A_211] : memref<10000x128xf32, #tpu.memory_space<vmem_shared>> -> memref<104x128xf32, #tpu.memory_space<vmem_shared>>
      %dma_wait3A_213 = arith.constant 0 : i32
      %dma_wait3A_214 = tpu.memref_slice %arg21[%add3A_20, %dma_wait3A_213] : memref<10000x128xf32, #tpu.memory_space<vmem_shared>> -> memref<104x128xf32, #tpu.memory_space<vmem_shared>>
      tpu.wait_dma2 semaphore(%run_scoped3A : memref<!tpu.dma_semaphore, #tpu.memory_space<semaphore_mem>>) src(%arg20 : memref<104x128xf32, #tpu.memory_space<vmem>>) dst(%dma_wait3A_214 : memref<104x128xf32, #tpu.memory_space<vmem_shared>>)
      tpu.yield
    }) : () -> ()
    %eq3A = arith.constant 0 : i32
    %eq3A_21 = arith.cmpi eq, %arg1, %eq3A : i32
    %convert_element_type3A = arith.extui %eq3A_21 : i1 to i32
    %cond3A = arith.constant 0 : i32
    %cond3A_22 = arith.cmpi ne, %convert_element_type3A, %cond3A : i32
    scf.if %cond3A_22 {
      "tpu.region"() ({
        %run_scoped3A = tpu.sem_alloc : memref<!tpu.dma_semaphore, #tpu.memory_space<semaphore_mem>>
        %dma_start3A_207 = arith.constant 0 : i32
        %dma_start3A_208 = arith.constant 0 : i32
        %dma_start3A_209 = tpu.memref_slice %arg20[%dma_start3A_207, %dma_start3A_208] : memref<104x128xf32, #tpu.memory_space<vmem>> -> memref<16x128xf32, #tpu.memory_space<vmem>>
        %dma_start3A_210 = arith.constant 9984 : i32
        %dma_start3A_211 = arith.constant 0 : i32
        %dma_start3A_212 = tpu.memref_slice %arg21[%dma_start3A_210, %dma_start3A_211] : memref<10000x128xf32, #tpu.memory_space<vmem_shared>> -> memref<16x128xf32, #tpu.memory_space<vmem_shared>>
        %dma_start3A_213 = arith.constant 9984 : i32
        %dma_start3A_214 = arith.constant 0 : i32
        %dma_start3A_215 = tpu.memref_slice %arg21[%dma_start3A_213, %dma_start3A_214] : memref<10000x128xf32, #tpu.memory_space<vmem_shared>> -> memref<16x128xf32, #tpu.memory_space<vmem_shared>>
        %dma_start3A_216 = arith.constant 0 : i32
        %dma_start3A_217 = arith.constant 0 : i32
        %dma_start3A_218 = tpu.memref_slice %arg20[%dma_start3A_216, %dma_start3A_217] : memref<104x128xf32, #tpu.memory_space<vmem>> -> memref<16x128xf32, #tpu.memory_space<vmem>>
        tpu.enqueue_dma source(%dma_start3A_218 : memref<16x128xf32, #tpu.memory_space<vmem>>) target(%dma_start3A_215 : memref<16x128xf32, #tpu.memory_space<vmem_shared>>) target_semaphore(%run_scoped3A : memref<!tpu.dma_semaphore, #tpu.memory_space<semaphore_mem>>)
        %dma_wait3A_219 = arith.constant 0 : i32
        %dma_wait3A_220 = arith.constant 0 : i32
        %dma_wait3A_221 = tpu.memref_slice %arg20[%dma_wait3A_219, %dma_wait3A_220] : memref<104x128xf32, #tpu.memory_space<vmem>> -> memref<16x128xf32, #tpu.memory_space<vmem>>
        %dma_wait3A_222 = arith.constant 9984 : i32
        %dma_wait3A_223 = arith.constant 0 : i32
        %dma_wait3A_224 = tpu.memref_slice %arg21[%dma_wait3A_222, %dma_wait3A_223] : memref<10000x128xf32, #tpu.memory_space<vmem_shared>> -> memref<16x128xf32, #tpu.memory_space<vmem_shared>>
        %dma_wait3A_225 = arith.constant 9984 : i32
        %dma_wait3A_226 = arith.constant 0 : i32
        %dma_wait3A_227 = tpu.memref_slice %arg21[%dma_wait3A_225, %dma_wait3A_226] : memref<10000x128xf32, #tpu.memory_space<vmem_shared>> -> memref<16x128xf32, #tpu.memory_space<vmem_shared>>
        %dma_wait3A_228 = arith.constant 0 : i32
        %dma_wait3A_229 = arith.constant 0 : i32
        %dma_wait3A_230 = tpu.memref_slice %arg20[%dma_wait3A_228, %dma_wait3A_229] : memref<104x128xf32, #tpu.memory_space<vmem>> -> memref<16x128xf32, #tpu.memory_space<vmem>>
        tpu.wait_dma2 semaphore(%run_scoped3A : memref<!tpu.dma_semaphore, #tpu.memory_space<semaphore_mem>>) src(%dma_wait3A_230 : memref<16x128xf32, #tpu.memory_space<vmem>>) dst(%dma_wait3A_227 : memref<16x128xf32, #tpu.memory_space<vmem_shared>>)
        tpu.yield
      }) : () -> ()
    } else {
    }
    %barrier3A = arith.constant 0 : index
    tpu.barrier barrier_id(%barrier3A)
    %dma_start3A = arith.constant 0 : i32
    %dma_start3A_23 = arith.constant 0 : i32
    %dma_start3A_24 = arith.constant 0 : i32
    %dma_start3A_25 = tpu.memref_slice %arg3[%add3A, %dma_start3A, %dma_start3A_23, %dma_start3A_24] : memref<32x156x1x64xi32, #tpu.memory_space<hbm>> -> memref<1x1x1x64xi32, #tpu.memory_space<hbm>>
    %dma_start3A_26 = tpu.memref_squeeze %dma_start3A_25 : memref<1x1x1x64xi32, #tpu.memory_space<hbm>> -> memref<1x64xi32, #tpu.memory_space<hbm>>
    %dma_start3A_27 = arith.constant 0 : i32
    %dma_start3A_28 = arith.constant 0 : i32
    %dma_start3A_29 = tpu.memref_slice %arg3[%add3A, %dma_start3A, %dma_start3A_27, %dma_start3A_28] : memref<32x156x1x64xi32, #tpu.memory_space<hbm>> -> memref<1x1x1x64xi32, #tpu.memory_space<hbm>>
    %dma_start3A_30 = tpu.memref_squeeze %dma_start3A_29 : memref<1x1x1x64xi32, #tpu.memory_space<hbm>> -> memref<1x64xi32, #tpu.memory_space<hbm>>
    tpu.enqueue_dma source(%dma_start3A_30 : memref<1x64xi32, #tpu.memory_space<hbm>>) target(%arg8 : memref<1x64xi32, #tpu.memory_space<vmem>>) target_semaphore(%arg30 : memref<!tpu.dma_semaphore, #tpu.memory_space<semaphore_mem>>)
    %dma_start3A_31 = arith.constant 0 : i32
    %dma_start3A_32 = arith.constant 0 : i32
    %dma_start3A_33 = arith.constant 0 : i32
    %dma_start3A_34 = tpu.memref_slice %arg4[%add3A, %dma_start3A_31, %dma_start3A_32, %dma_start3A_33] : memref<32x156x1x64xi32, #tpu.memory_space<hbm>> -> memref<1x1x1x64xi32, #tpu.memory_space<hbm>>
    %dma_start3A_35 = tpu.memref_squeeze %dma_start3A_34 : memref<1x1x1x64xi32, #tpu.memory_space<hbm>> -> memref<1x64xi32, #tpu.memory_space<hbm>>
    %dma_start3A_36 = arith.constant 0 : i32
    %dma_start3A_37 = arith.constant 0 : i32
    %dma_start3A_38 = tpu.memref_slice %arg4[%add3A, %dma_start3A_31, %dma_start3A_36, %dma_start3A_37] : memref<32x156x1x64xi32, #tpu.memory_space<hbm>> -> memref<1x1x1x64xi32, #tpu.memory_space<hbm>>
    %dma_start3A_39 = tpu.memref_squeeze %dma_start3A_38 : memref<1x1x1x64xi32, #tpu.memory_space<hbm>> -> memref<1x64xi32, #tpu.memory_space<hbm>>
    tpu.enqueue_dma source(%dma_start3A_39 : memref<1x64xi32, #tpu.memory_space<hbm>>) target(%arg12 : memref<1x64xi32, #tpu.memory_space<vmem>>) target_semaphore(%arg34 : memref<!tpu.dma_semaphore, #tpu.memory_space<semaphore_mem>>)
    %dma_start3A_40 = arith.constant 1 : i32
    %dma_start3A_41 = arith.constant 0 : i32
    %dma_start3A_42 = arith.constant 0 : i32
    %dma_start3A_43 = tpu.memref_slice %arg3[%add3A, %dma_start3A_40, %dma_start3A_41, %dma_start3A_42] : memref<32x156x1x64xi32, #tpu.memory_space<hbm>> -> memref<1x1x1x64xi32, #tpu.memory_space<hbm>>
    %dma_start3A_44 = tpu.memref_squeeze %dma_start3A_43 : memref<1x1x1x64xi32, #tpu.memory_space<hbm>> -> memref<1x64xi32, #tpu.memory_space<hbm>>
    %dma_start3A_45 = arith.constant 0 : i32
    %dma_start3A_46 = arith.constant 0 : i32
    %dma_start3A_47 = tpu.memref_slice %arg3[%add3A, %dma_start3A_40, %dma_start3A_45, %dma_start3A_46] : memref<32x156x1x64xi32, #tpu.memory_space<hbm>> -> memref<1x1x1x64xi32, #tpu.memory_space<hbm>>
    %dma_start3A_48 = tpu.memref_squeeze %dma_start3A_47 : memref<1x1x1x64xi32, #tpu.memory_space<hbm>> -> memref<1x64xi32, #tpu.memory_space<hbm>>
    tpu.enqueue_dma source(%dma_start3A_48 : memref<1x64xi32, #tpu.memory_space<hbm>>) target(%arg9 : memref<1x64xi32, #tpu.memory_space<vmem>>) target_semaphore(%arg31 : memref<!tpu.dma_semaphore, #tpu.memory_space<semaphore_mem>>)
    %dma_start3A_49 = arith.constant 1 : i32
    %dma_start3A_50 = arith.constant 0 : i32
    %dma_start3A_51 = arith.constant 0 : i32
    %dma_start3A_52 = tpu.memref_slice %arg4[%add3A, %dma_start3A_49, %dma_start3A_50, %dma_start3A_51] : memref<32x156x1x64xi32, #tpu.memory_space<hbm>> -> memref<1x1x1x64xi32, #tpu.memory_space<hbm>>
    %dma_start3A_53 = tpu.memref_squeeze %dma_start3A_52 : memref<1x1x1x64xi32, #tpu.memory_space<hbm>> -> memref<1x64xi32, #tpu.memory_space<hbm>>
    %dma_start3A_54 = arith.constant 0 : i32
    %dma_start3A_55 = arith.constant 0 : i32
    %dma_start3A_56 = tpu.memref_slice %arg4[%add3A, %dma_start3A_49, %dma_start3A_54, %dma_start3A_55] : memref<32x156x1x64xi32, #tpu.memory_space<hbm>> -> memref<1x1x1x64xi32, #tpu.memory_space<hbm>>
    %dma_start3A_57 = tpu.memref_squeeze %dma_start3A_56 : memref<1x1x1x64xi32, #tpu.memory_space<hbm>> -> memref<1x64xi32, #tpu.memory_space<hbm>>
    tpu.enqueue_dma source(%dma_start3A_57 : memref<1x64xi32, #tpu.memory_space<hbm>>) target(%arg13 : memref<1x64xi32, #tpu.memory_space<vmem>>) target_semaphore(%arg35 : memref<!tpu.dma_semaphore, #tpu.memory_space<semaphore_mem>>)
    %dma_start3A_58 = arith.constant 2 : i32
    %dma_start3A_59 = arith.constant 0 : i32
    %dma_start3A_60 = arith.constant 0 : i32
    %dma_start3A_61 = tpu.memref_slice %arg3[%add3A, %dma_start3A_58, %dma_start3A_59, %dma_start3A_60] : memref<32x156x1x64xi32, #tpu.memory_space<hbm>> -> memref<1x1x1x64xi32, #tpu.memory_space<hbm>>
    %dma_start3A_62 = tpu.memref_squeeze %dma_start3A_61 : memref<1x1x1x64xi32, #tpu.memory_space<hbm>> -> memref<1x64xi32, #tpu.memory_space<hbm>>
    %dma_start3A_63 = arith.constant 0 : i32
    %dma_start3A_64 = arith.constant 0 : i32
    %dma_start3A_65 = tpu.memref_slice %arg3[%add3A, %dma_start3A_58, %dma_start3A_63, %dma_start3A_64] : memref<32x156x1x64xi32, #tpu.memory_space<hbm>> -> memref<1x1x1x64xi32, #tpu.memory_space<hbm>>
    %dma_start3A_66 = tpu.memref_squeeze %dma_start3A_65 : memref<1x1x1x64xi32, #tpu.memory_space<hbm>> -> memref<1x64xi32, #tpu.memory_space<hbm>>
    tpu.enqueue_dma source(%dma_start3A_66 : memref<1x64xi32, #tpu.memory_space<hbm>>) target(%arg10 : memref<1x64xi32, #tpu.memory_space<vmem>>) target_semaphore(%arg32 : memref<!tpu.dma_semaphore, #tpu.memory_space<semaphore_mem>>)
    %dma_start3A_67 = arith.constant 2 : i32
    %dma_start3A_68 = arith.constant 0 : i32
    %dma_start3A_69 = arith.constant 0 : i32
    %dma_start3A_70 = tpu.memref_slice %arg4[%add3A, %dma_start3A_67, %dma_start3A_68, %dma_start3A_69] : memref<32x156x1x64xi32, #tpu.memory_space<hbm>> -> memref<1x1x1x64xi32, #tpu.memory_space<hbm>>
    %dma_start3A_71 = tpu.memref_squeeze %dma_start3A_70 : memref<1x1x1x64xi32, #tpu.memory_space<hbm>> -> memref<1x64xi32, #tpu.memory_space<hbm>>
    %dma_start3A_72 = arith.constant 0 : i32
    %dma_start3A_73 = arith.constant 0 : i32
    %dma_start3A_74 = tpu.memref_slice %arg4[%add3A, %dma_start3A_67, %dma_start3A_72, %dma_start3A_73] : memref<32x156x1x64xi32, #tpu.memory_space<hbm>> -> memref<1x1x1x64xi32, #tpu.memory_space<hbm>>
    %dma_start3A_75 = tpu.memref_squeeze %dma_start3A_74 : memref<1x1x1x64xi32, #tpu.memory_space<hbm>> -> memref<1x64xi32, #tpu.memory_space<hbm>>
    tpu.enqueue_dma source(%dma_start3A_75 : memref<1x64xi32, #tpu.memory_space<hbm>>) target(%arg14 : memref<1x64xi32, #tpu.memory_space<vmem>>) target_semaphore(%arg36 : memref<!tpu.dma_semaphore, #tpu.memory_space<semaphore_mem>>)
    %dma_start3A_76 = arith.constant 3 : i32
    %dma_start3A_77 = arith.constant 0 : i32
    %dma_start3A_78 = arith.constant 0 : i32
    %dma_start3A_79 = tpu.memref_slice %arg3[%add3A, %dma_start3A_76, %dma_start3A_77, %dma_start3A_78] : memref<32x156x1x64xi32, #tpu.memory_space<hbm>> -> memref<1x1x1x64xi32, #tpu.memory_space<hbm>>
    %dma_start3A_80 = tpu.memref_squeeze %dma_start3A_79 : memref<1x1x1x64xi32, #tpu.memory_space<hbm>> -> memref<1x64xi32, #tpu.memory_space<hbm>>
    %dma_start3A_81 = arith.constant 0 : i32
    %dma_start3A_82 = arith.constant 0 : i32
    %dma_start3A_83 = tpu.memref_slice %arg3[%add3A, %dma_start3A_76, %dma_start3A_81, %dma_start3A_82] : memref<32x156x1x64xi32, #tpu.memory_space<hbm>> -> memref<1x1x1x64xi32, #tpu.memory_space<hbm>>
    %dma_start3A_84 = tpu.memref_squeeze %dma_start3A_83 : memref<1x1x1x64xi32, #tpu.memory_space<hbm>> -> memref<1x64xi32, #tpu.memory_space<hbm>>
    tpu.enqueue_dma source(%dma_start3A_84 : memref<1x64xi32, #tpu.memory_space<hbm>>) target(%arg11 : memref<1x64xi32, #tpu.memory_space<vmem>>) target_semaphore(%arg33 : memref<!tpu.dma_semaphore, #tpu.memory_space<semaphore_mem>>)
    %dma_start3A_85 = arith.constant 3 : i32
    %dma_start3A_86 = arith.constant 0 : i32
    %dma_start3A_87 = arith.constant 0 : i32
    %dma_start3A_88 = tpu.memref_slice %arg4[%add3A, %dma_start3A_85, %dma_start3A_86, %dma_start3A_87] : memref<32x156x1x64xi32, #tpu.memory_space<hbm>> -> memref<1x1x1x64xi32, #tpu.memory_space<hbm>>
    %dma_start3A_89 = tpu.memref_squeeze %dma_start3A_88 : memref<1x1x1x64xi32, #tpu.memory_space<hbm>> -> memref<1x64xi32, #tpu.memory_space<hbm>>
    %dma_start3A_90 = arith.constant 0 : i32
    %dma_start3A_91 = arith.constant 0 : i32
    %dma_start3A_92 = tpu.memref_slice %arg4[%add3A, %dma_start3A_85, %dma_start3A_90, %dma_start3A_91] : memref<32x156x1x64xi32, #tpu.memory_space<hbm>> -> memref<1x1x1x64xi32, #tpu.memory_space<hbm>>
    %dma_start3A_93 = tpu.memref_squeeze %dma_start3A_92 : memref<1x1x1x64xi32, #tpu.memory_space<hbm>> -> memref<1x64xi32, #tpu.memory_space<hbm>>
    tpu.enqueue_dma source(%dma_start3A_93 : memref<1x64xi32, #tpu.memory_space<hbm>>) target(%arg15 : memref<1x64xi32, #tpu.memory_space<vmem>>) target_semaphore(%arg37 : memref<!tpu.dma_semaphore, #tpu.memory_space<semaphore_mem>>)
    %dma_wait3A = arith.constant 0 : i32
    %dma_wait3A_94 = arith.constant 0 : i32
    %dma_wait3A_95 = arith.constant 0 : i32
    %dma_wait3A_96 = tpu.memref_slice %arg3[%add3A, %dma_wait3A, %dma_wait3A_94, %dma_wait3A_95] : memref<32x156x1x64xi32, #tpu.memory_space<hbm>> -> memref<1x1x1x64xi32, #tpu.memory_space<hbm>>
    %dma_wait3A_97 = tpu.memref_squeeze %dma_wait3A_96 : memref<1x1x1x64xi32, #tpu.memory_space<hbm>> -> memref<1x64xi32, #tpu.memory_space<hbm>>
    %dma_wait3A_98 = arith.constant 0 : i32
    %dma_wait3A_99 = arith.constant 0 : i32
    %dma_wait3A_100 = tpu.memref_slice %arg3[%add3A, %dma_wait3A, %dma_wait3A_98, %dma_wait3A_99] : memref<32x156x1x64xi32, #tpu.memory_space<hbm>> -> memref<1x1x1x64xi32, #tpu.memory_space<hbm>>
    %dma_wait3A_101 = tpu.memref_squeeze %dma_wait3A_100 : memref<1x1x1x64xi32, #tpu.memory_space<hbm>> -> memref<1x64xi32, #tpu.memory_space<hbm>>
    tpu.wait_dma2 semaphore(%arg30 : memref<!tpu.dma_semaphore, #tpu.memory_space<semaphore_mem>>) src(%dma_wait3A_101 : memref<1x64xi32, #tpu.memory_space<hbm>>) dst(%arg8 : memref<1x64xi32, #tpu.memory_space<vmem>>)
    %dma_start3A_102 = arith.constant 0 : i32
    %dma_start3A_103 = arith.constant 0 : i32
    %dma_start3A_104 = tpu.memref_slice %arg8[%dma_start3A_102, %dma_start3A_103] : memref<1x64xi32, #tpu.memory_space<vmem>> -> memref<1x64xi32, #tpu.memory_space<vmem>>
    %dma_start3A_105 = tpu.memref_squeeze %dma_start3A_104 : memref<1x64xi32, #tpu.memory_space<vmem>> -> memref<64xi32, #tpu.memory_space<vmem>>
    %dma_start3A_106 = arith.constant 0 : i32
    %dma_start3A_107 = arith.constant 0 : i32
    %dma_start3A_108 = tpu.memref_slice %arg2[%dma_start3A_106, %dma_start3A_107] : memref<10000x128xf32, #tpu.memory_space<hbm>> -> memref<10000x128xf32, #tpu.memory_space<hbm>>
    tpu.enqueue_indirect_dma source(%dma_start3A_108 : memref<10000x128xf32, #tpu.memory_space<hbm>>) target(%arg16 : memref<64x128xf32, #tpu.memory_space<vmem>>) offsets(%dma_start3A_105 : memref<64xi32, #tpu.memory_space<vmem>>) semaphore(%arg22 : memref<!tpu.dma_semaphore, #tpu.memory_space<semaphore_mem>>)
    %dma_wait3A_109 = arith.constant 0 : i32
    %dma_wait3A_110 = arith.constant 0 : i32
    %dma_wait3A_111 = arith.constant 0 : i32
    %dma_wait3A_112 = tpu.memref_slice %arg3[%add3A, %dma_wait3A_109, %dma_wait3A_110, %dma_wait3A_111] : memref<32x156x1x64xi32, #tpu.memory_space<hbm>> -> memref<1x1x1x64xi32, #tpu.memory_space<hbm>>
    %dma_wait3A_113 = tpu.memref_squeeze %dma_wait3A_112 : memref<1x1x1x64xi32, #tpu.memory_space<hbm>> -> memref<1x64xi32, #tpu.memory_space<hbm>>
    %dma_wait3A_114 = arith.constant 0 : i32
    %dma_wait3A_115 = arith.constant 0 : i32
    %dma_wait3A_116 = tpu.memref_slice %arg3[%add3A, %dma_wait3A_109, %dma_wait3A_114, %dma_wait3A_115] : memref<32x156x1x64xi32, #tpu.memory_space<hbm>> -> memref<1x1x1x64xi32, #tpu.memory_space<hbm>>
    %dma_wait3A_117 = tpu.memref_squeeze %dma_wait3A_116 : memref<1x1x1x64xi32, #tpu.memory_space<hbm>> -> memref<1x64xi32, #tpu.memory_space<hbm>>
    tpu.wait_dma2 semaphore(%arg31 : memref<!tpu.dma_semaphore, #tpu.memory_space<semaphore_mem>>) src(%dma_wait3A_117 : memref<1x64xi32, #tpu.memory_space<hbm>>) dst(%arg9 : memref<1x64xi32, #tpu.memory_space<vmem>>)
    %dma_start3A_118 = arith.constant 0 : i32
    %dma_start3A_119 = arith.constant 0 : i32
    %dma_start3A_120 = tpu.memref_slice %arg9[%dma_start3A_118, %dma_start3A_119] : memref<1x64xi32, #tpu.memory_space<vmem>> -> memref<1x64xi32, #tpu.memory_space<vmem>>
    %dma_start3A_121 = tpu.memref_squeeze %dma_start3A_120 : memref<1x64xi32, #tpu.memory_space<vmem>> -> memref<64xi32, #tpu.memory_space<vmem>>
    %dma_start3A_122 = arith.constant 0 : i32
    %dma_start3A_123 = arith.constant 0 : i32
    %dma_start3A_124 = tpu.memref_slice %arg2[%dma_start3A_122, %dma_start3A_123] : memref<10000x128xf32, #tpu.memory_space<hbm>> -> memref<10000x128xf32, #tpu.memory_space<hbm>>
    tpu.enqueue_indirect_dma source(%dma_start3A_124 : memref<10000x128xf32, #tpu.memory_space<hbm>>) target(%arg17 : memref<64x128xf32, #tpu.memory_space<vmem>>) offsets(%dma_start3A_121 : memref<64xi32, #tpu.memory_space<vmem>>) semaphore(%arg23 : memref<!tpu.dma_semaphore, #tpu.memory_space<semaphore_mem>>)
    %dma_wait3A_125 = arith.constant 0 : i32
    %dma_wait3A_126 = arith.constant 0 : i32
    %dma_wait3A_127 = arith.constant 0 : i32
    %dma_wait3A_128 = tpu.memref_slice %arg3[%add3A, %dma_wait3A_125, %dma_wait3A_126, %dma_wait3A_127] : memref<32x156x1x64xi32, #tpu.memory_space<hbm>> -> memref<1x1x1x64xi32, #tpu.memory_space<hbm>>
    %dma_wait3A_129 = tpu.memref_squeeze %dma_wait3A_128 : memref<1x1x1x64xi32, #tpu.memory_space<hbm>> -> memref<1x64xi32, #tpu.memory_space<hbm>>
    %dma_wait3A_130 = arith.constant 0 : i32
    %dma_wait3A_131 = arith.constant 0 : i32
    %dma_wait3A_132 = tpu.memref_slice %arg3[%add3A, %dma_wait3A_125, %dma_wait3A_130, %dma_wait3A_131] : memref<32x156x1x64xi32, #tpu.memory_space<hbm>> -> memref<1x1x1x64xi32, #tpu.memory_space<hbm>>
    %dma_wait3A_133 = tpu.memref_squeeze %dma_wait3A_132 : memref<1x1x1x64xi32, #tpu.memory_space<hbm>> -> memref<1x64xi32, #tpu.memory_space<hbm>>
    tpu.wait_dma2 semaphore(%arg32 : memref<!tpu.dma_semaphore, #tpu.memory_space<semaphore_mem>>) src(%dma_wait3A_133 : memref<1x64xi32, #tpu.memory_space<hbm>>) dst(%arg10 : memref<1x64xi32, #tpu.memory_space<vmem>>)
    %dma_start3A_134 = arith.constant 0 : i32
    %dma_start3A_135 = arith.constant 0 : i32
    %dma_start3A_136 = tpu.memref_slice %arg10[%dma_start3A_134, %dma_start3A_135] : memref<1x64xi32, #tpu.memory_space<vmem>> -> memref<1x64xi32, #tpu.memory_space<vmem>>
    %dma_start3A_137 = tpu.memref_squeeze %dma_start3A_136 : memref<1x64xi32, #tpu.memory_space<vmem>> -> memref<64xi32, #tpu.memory_space<vmem>>
    %dma_start3A_138 = arith.constant 0 : i32
    %dma_start3A_139 = arith.constant 0 : i32
    %dma_start3A_140 = tpu.memref_slice %arg2[%dma_start3A_138, %dma_start3A_139] : memref<10000x128xf32, #tpu.memory_space<hbm>> -> memref<10000x128xf32, #tpu.memory_space<hbm>>
    tpu.enqueue_indirect_dma source(%dma_start3A_140 : memref<10000x128xf32, #tpu.memory_space<hbm>>) target(%arg18 : memref<64x128xf32, #tpu.memory_space<vmem>>) offsets(%dma_start3A_137 : memref<64xi32, #tpu.memory_space<vmem>>) semaphore(%arg24 : memref<!tpu.dma_semaphore, #tpu.memory_space<semaphore_mem>>)
    %dma_wait3A_141 = arith.constant 0 : i32
    %dma_wait3A_142 = arith.constant 0 : i32
    %dma_wait3A_143 = arith.constant 0 : i32
    %dma_wait3A_144 = tpu.memref_slice %arg3[%add3A, %dma_wait3A_141, %dma_wait3A_142, %dma_wait3A_143] : memref<32x156x1x64xi32, #tpu.memory_space<hbm>> -> memref<1x1x1x64xi32, #tpu.memory_space<hbm>>
    %dma_wait3A_145 = tpu.memref_squeeze %dma_wait3A_144 : memref<1x1x1x64xi32, #tpu.memory_space<hbm>> -> memref<1x64xi32, #tpu.memory_space<hbm>>
    %dma_wait3A_146 = arith.constant 0 : i32
    %dma_wait3A_147 = arith.constant 0 : i32
    %dma_wait3A_148 = tpu.memref_slice %arg3[%add3A, %dma_wait3A_141, %dma_wait3A_146, %dma_wait3A_147] : memref<32x156x1x64xi32, #tpu.memory_space<hbm>> -> memref<1x1x1x64xi32, #tpu.memory_space<hbm>>
    %dma_wait3A_149 = tpu.memref_squeeze %dma_wait3A_148 : memref<1x1x1x64xi32, #tpu.memory_space<hbm>> -> memref<1x64xi32, #tpu.memory_space<hbm>>
    tpu.wait_dma2 semaphore(%arg33 : memref<!tpu.dma_semaphore, #tpu.memory_space<semaphore_mem>>) src(%dma_wait3A_149 : memref<1x64xi32, #tpu.memory_space<hbm>>) dst(%arg11 : memref<1x64xi32, #tpu.memory_space<vmem>>)
    %dma_start3A_150 = arith.constant 0 : i32
    %dma_start3A_151 = arith.constant 0 : i32
    %dma_start3A_152 = tpu.memref_slice %arg11[%dma_start3A_150, %dma_start3A_151] : memref<1x64xi32, #tpu.memory_space<vmem>> -> memref<1x64xi32, #tpu.memory_space<vmem>>
    %dma_start3A_153 = tpu.memref_squeeze %dma_start3A_152 : memref<1x64xi32, #tpu.memory_space<vmem>> -> memref<64xi32, #tpu.memory_space<vmem>>
    %dma_start3A_154 = arith.constant 0 : i32
    %dma_start3A_155 = arith.constant 0 : i32
    %dma_start3A_156 = tpu.memref_slice %arg2[%dma_start3A_154, %dma_start3A_155] : memref<10000x128xf32, #tpu.memory_space<hbm>> -> memref<10000x128xf32, #tpu.memory_space<hbm>>
    tpu.enqueue_indirect_dma source(%dma_start3A_156 : memref<10000x128xf32, #tpu.memory_space<hbm>>) target(%arg19 : memref<64x128xf32, #tpu.memory_space<vmem>>) offsets(%dma_start3A_153 : memref<64xi32, #tpu.memory_space<vmem>>) semaphore(%arg25 : memref<!tpu.dma_semaphore, #tpu.memory_space<semaphore_mem>>)
    %scan3A_157 = arith.constant 0 : i32
    %scan3A_158 = arith.constant 0 : i32
    %scan3A_159 = arith.constant 39 : i32
    %scan3A_160 = arith.addi %scan3A_158, %scan3A_159 : i32
    %scan3A_161 = arith.constant 1 : i32
    scf.for %scan3A_207 = %scan3A_158 to %scan3A_160 step %scan3A_161  : i32 {
      %mul3A_208 = arith.constant 4 : i32
      %mul3A_209 = arith.muli %scan3A_207, %mul3A_208 : i32
      %dma_wait3A_210 = arith.constant 0 : i32
      %dma_wait3A_211 = arith.constant 0 : i32
      %dma_wait3A_212 = tpu.memref_slice %arg8[%dma_wait3A_210, %dma_wait3A_211] : memref<1x64xi32, #tpu.memory_space<vmem>> -> memref<1x64xi32, #tpu.memory_space<vmem>>
      %dma_wait3A_213 = tpu.memref_squeeze %dma_wait3A_212 : memref<1x64xi32, #tpu.memory_space<vmem>> -> memref<64xi32, #tpu.memory_space<vmem>>
      %dma_wait3A_214 = arith.constant 0 : i32
      %dma_wait3A_215 = arith.constant 0 : i32
      %dma_wait3A_216 = tpu.memref_slice %arg2[%dma_wait3A_214, %dma_wait3A_215] : memref<10000x128xf32, #tpu.memory_space<hbm>> -> memref<10000x128xf32, #tpu.memory_space<hbm>>
      tpu.wait_indirect_dma semaphore(%arg22 : memref<!tpu.dma_semaphore, #tpu.memory_space<semaphore_mem>>) src(%dma_wait3A_216 : memref<10000x128xf32, #tpu.memory_space<hbm>>) dst(%arg16 : memref<64x128xf32, #tpu.memory_space<vmem>>)
      %dma_wait3A_217 = arith.constant 0 : i32
      %dma_wait3A_218 = arith.constant 0 : i32
      %dma_wait3A_219 = arith.constant 0 : i32
      %dma_wait3A_220 = tpu.memref_slice %arg4[%add3A, %dma_wait3A_217, %dma_wait3A_218, %dma_wait3A_219] : memref<32x156x1x64xi32, #tpu.memory_space<hbm>> -> memref<1x1x1x64xi32, #tpu.memory_space<hbm>>
      %dma_wait3A_221 = tpu.memref_squeeze %dma_wait3A_220 : memref<1x1x1x64xi32, #tpu.memory_space<hbm>> -> memref<1x64xi32, #tpu.memory_space<hbm>>
      %dma_wait3A_222 = arith.constant 0 : i32
      %dma_wait3A_223 = arith.constant 0 : i32
      %dma_wait3A_224 = tpu.memref_slice %arg4[%add3A, %dma_wait3A_217, %dma_wait3A_222, %dma_wait3A_223] : memref<32x156x1x64xi32, #tpu.memory_space<hbm>> -> memref<1x1x1x64xi32, #tpu.memory_space<hbm>>
      %dma_wait3A_225 = tpu.memref_squeeze %dma_wait3A_224 : memref<1x1x1x64xi32, #tpu.memory_space<hbm>> -> memref<1x64xi32, #tpu.memory_space<hbm>>
      tpu.wait_dma2 semaphore(%arg34 : memref<!tpu.dma_semaphore, #tpu.memory_space<semaphore_mem>>) src(%dma_wait3A_225 : memref<1x64xi32, #tpu.memory_space<hbm>>) dst(%arg12 : memref<1x64xi32, #tpu.memory_space<vmem>>)
      %dma_start3A_226 = arith.constant 0 : i32
      %dma_start3A_227 = arith.constant 0 : i32
      %dma_start3A_228 = tpu.memref_slice %arg12[%dma_start3A_226, %dma_start3A_227] : memref<1x64xi32, #tpu.memory_space<vmem>> -> memref<1x64xi32, #tpu.memory_space<vmem>>
      %dma_start3A_229 = tpu.memref_squeeze %dma_start3A_228 : memref<1x64xi32, #tpu.memory_space<vmem>> -> memref<64xi32, #tpu.memory_space<vmem>>
      %dma_start3A_230 = arith.constant 0 : i32
      %dma_start3A_231 = arith.constant 0 : i32
      %dma_start3A_232 = tpu.memref_slice %arg21[%dma_start3A_230, %dma_start3A_231] : memref<10000x128xf32, #tpu.memory_space<vmem_shared>> -> memref<10000x128xf32, #tpu.memory_space<vmem_shared>>
      tpu.enqueue_indirect_dma source(%arg16 : memref<64x128xf32, #tpu.memory_space<vmem>>) target(%dma_start3A_232 : memref<10000x128xf32, #tpu.memory_space<vmem_shared>>) offsets(%dma_start3A_229 : memref<64xi32, #tpu.memory_space<vmem>>) semaphore(%arg26 : memref<!tpu.dma_semaphore, #tpu.memory_space<semaphore_mem>>) {add = true}
      %add3A_233 = arith.constant 0 : i32
      %add3A_234 = arith.addi %mul3A_209, %add3A_233 : i32
      %add3A_235 = arith.constant 4 : i32
      %add3A_236 = arith.addi %add3A_234, %add3A_235 : i32
      %lt3A_237 = arith.constant 156 : i32
      %lt3A_238 = arith.cmpi slt, %add3A_236, %lt3A_237 : i32
      %convert_element_type3A_239 = arith.extui %lt3A_238 : i1 to i32
      %cond3A_240 = arith.constant 0 : i32
      %cond3A_241 = arith.cmpi ne, %convert_element_type3A_239, %cond3A_240 : i32
      scf.if %cond3A_241 {
        %add3A_374 = arith.constant 0 : i32
        %add3A_375 = arith.addi %mul3A_209, %add3A_374 : i32
        %add3A_376 = arith.constant 4 : i32
        %add3A_377 = arith.addi %add3A_375, %add3A_376 : i32
        %dma_start3A_378 = arith.constant 0 : i32
        %dma_start3A_379 = arith.constant 0 : i32
        %dma_start3A_380 = tpu.memref_slice %arg3[%add3A, %add3A_377, %dma_start3A_378, %dma_start3A_379] : memref<32x156x1x64xi32, #tpu.memory_space<hbm>> -> memref<1x1x1x64xi32, #tpu.memory_space<hbm>>
        %dma_start3A_381 = tpu.memref_squeeze %dma_start3A_380 : memref<1x1x1x64xi32, #tpu.memory_space<hbm>> -> memref<1x64xi32, #tpu.memory_space<hbm>>
        %dma_start3A_382 = arith.constant 0 : i32
        %dma_start3A_383 = arith.constant 0 : i32
        %dma_start3A_384 = tpu.memref_slice %arg3[%add3A, %add3A_377, %dma_start3A_382, %dma_start3A_383] : memref<32x156x1x64xi32, #tpu.memory_space<hbm>> -> memref<1x1x1x64xi32, #tpu.memory_space<hbm>>
        %dma_start3A_385 = tpu.memref_squeeze %dma_start3A_384 : memref<1x1x1x64xi32, #tpu.memory_space<hbm>> -> memref<1x64xi32, #tpu.memory_space<hbm>>
        tpu.enqueue_dma source(%dma_start3A_385 : memref<1x64xi32, #tpu.memory_space<hbm>>) target(%arg8 : memref<1x64xi32, #tpu.memory_space<vmem>>) target_semaphore(%arg30 : memref<!tpu.dma_semaphore, #tpu.memory_space<semaphore_mem>>)
      } else {
      }
      %dma_wait3A_242 = arith.constant 0 : i32
      %dma_wait3A_243 = arith.constant 0 : i32
      %dma_wait3A_244 = tpu.memref_slice %arg9[%dma_wait3A_242, %dma_wait3A_243] : memref<1x64xi32, #tpu.memory_space<vmem>> -> memref<1x64xi32, #tpu.memory_space<vmem>>
      %dma_wait3A_245 = tpu.memref_squeeze %dma_wait3A_244 : memref<1x64xi32, #tpu.memory_space<vmem>> -> memref<64xi32, #tpu.memory_space<vmem>>
      %dma_wait3A_246 = arith.constant 0 : i32
      %dma_wait3A_247 = arith.constant 0 : i32
      %dma_wait3A_248 = tpu.memref_slice %arg2[%dma_wait3A_246, %dma_wait3A_247] : memref<10000x128xf32, #tpu.memory_space<hbm>> -> memref<10000x128xf32, #tpu.memory_space<hbm>>
      tpu.wait_indirect_dma semaphore(%arg23 : memref<!tpu.dma_semaphore, #tpu.memory_space<semaphore_mem>>) src(%dma_wait3A_248 : memref<10000x128xf32, #tpu.memory_space<hbm>>) dst(%arg17 : memref<64x128xf32, #tpu.memory_space<vmem>>)
      %dma_wait3A_249 = arith.constant 0 : i32
      %dma_wait3A_250 = arith.constant 0 : i32
      %dma_wait3A_251 = arith.constant 0 : i32
      %dma_wait3A_252 = tpu.memref_slice %arg4[%add3A, %dma_wait3A_249, %dma_wait3A_250, %dma_wait3A_251] : memref<32x156x1x64xi32, #tpu.memory_space<hbm>> -> memref<1x1x1x64xi32, #tpu.memory_space<hbm>>
      %dma_wait3A_253 = tpu.memref_squeeze %dma_wait3A_252 : memref<1x1x1x64xi32, #tpu.memory_space<hbm>> -> memref<1x64xi32, #tpu.memory_space<hbm>>
      %dma_wait3A_254 = arith.constant 0 : i32
      %dma_wait3A_255 = arith.constant 0 : i32
      %dma_wait3A_256 = tpu.memref_slice %arg4[%add3A, %dma_wait3A_249, %dma_wait3A_254, %dma_wait3A_255] : memref<32x156x1x64xi32, #tpu.memory_space<hbm>> -> memref<1x1x1x64xi32, #tpu.memory_space<hbm>>
      %dma_wait3A_257 = tpu.memref_squeeze %dma_wait3A_256 : memref<1x1x1x64xi32, #tpu.memory_space<hbm>> -> memref<1x64xi32, #tpu.memory_space<hbm>>
      tpu.wait_dma2 semaphore(%arg35 : memref<!tpu.dma_semaphore, #tpu.memory_space<semaphore_mem>>) src(%dma_wait3A_257 : memref<1x64xi32, #tpu.memory_space<hbm>>) dst(%arg13 : memref<1x64xi32, #tpu.memory_space<vmem>>)
      %dma_start3A_258 = arith.constant 0 : i32
      %dma_start3A_259 = arith.constant 0 : i32
      %dma_start3A_260 = tpu.memref_slice %arg13[%dma_start3A_258, %dma_start3A_259] : memref<1x64xi32, #tpu.memory_space<vmem>> -> memref<1x64xi32, #tpu.memory_space<vmem>>
      %dma_start3A_261 = tpu.memref_squeeze %dma_start3A_260 : memref<1x64xi32, #tpu.memory_space<vmem>> -> memref<64xi32, #tpu.memory_space<vmem>>
      %dma_start3A_262 = arith.constant 0 : i32
      %dma_start3A_263 = arith.constant 0 : i32
      %dma_start3A_264 = tpu.memref_slice %arg21[%dma_start3A_262, %dma_start3A_263] : memref<10000x128xf32, #tpu.memory_space<vmem_shared>> -> memref<10000x128xf32, #tpu.memory_space<vmem_shared>>
      tpu.enqueue_indirect_dma source(%arg17 : memref<64x128xf32, #tpu.memory_space<vmem>>) target(%dma_start3A_264 : memref<10000x128xf32, #tpu.memory_space<vmem_shared>>) offsets(%dma_start3A_261 : memref<64xi32, #tpu.memory_space<vmem>>) semaphore(%arg27 : memref<!tpu.dma_semaphore, #tpu.memory_space<semaphore_mem>>) {add = true}
      %add3A_265 = arith.constant 1 : i32
      %add3A_266 = arith.addi %mul3A_209, %add3A_265 : i32
      %add3A_267 = arith.constant 4 : i32
      %add3A_268 = arith.addi %add3A_266, %add3A_267 : i32
      %lt3A_269 = arith.constant 156 : i32
      %lt3A_270 = arith.cmpi slt, %add3A_268, %lt3A_269 : i32
      %convert_element_type3A_271 = arith.extui %lt3A_270 : i1 to i32
      %cond3A_272 = arith.constant 0 : i32
      %cond3A_273 = arith.cmpi ne, %convert_element_type3A_271, %cond3A_272 : i32
      scf.if %cond3A_273 {
        %add3A_374 = arith.constant 1 : i32
        %add3A_375 = arith.addi %mul3A_209, %add3A_374 : i32
        %add3A_376 = arith.constant 4 : i32
        %add3A_377 = arith.addi %add3A_375, %add3A_376 : i32
        %dma_start3A_378 = arith.constant 0 : i32
        %dma_start3A_379 = arith.constant 0 : i32
        %dma_start3A_380 = tpu.memref_slice %arg3[%add3A, %add3A_377, %dma_start3A_378, %dma_start3A_379] : memref<32x156x1x64xi32, #tpu.memory_space<hbm>> -> memref<1x1x1x64xi32, #tpu.memory_space<hbm>>
        %dma_start3A_381 = tpu.memref_squeeze %dma_start3A_380 : memref<1x1x1x64xi32, #tpu.memory_space<hbm>> -> memref<1x64xi32, #tpu.memory_space<hbm>>
        %dma_start3A_382 = arith.constant 0 : i32
        %dma_start3A_383 = arith.constant 0 : i32
        %dma_start3A_384 = tpu.memref_slice %arg3[%add3A, %add3A_377, %dma_start3A_382, %dma_start3A_383] : memref<32x156x1x64xi32, #tpu.memory_space<hbm>> -> memref<1x1x1x64xi32, #tpu.memory_space<hbm>>
        %dma_start3A_385 = tpu.memref_squeeze %dma_start3A_384 : memref<1x1x1x64xi32, #tpu.memory_space<hbm>> -> memref<1x64xi32, #tpu.memory_space<hbm>>
        tpu.enqueue_dma source(%dma_start3A_385 : memref<1x64xi32, #tpu.memory_space<hbm>>) target(%arg9 : memref<1x64xi32, #tpu.memory_space<vmem>>) target_semaphore(%arg31 : memref<!tpu.dma_semaphore, #tpu.memory_space<semaphore_mem>>)
      } else {
      }
      %dma_wait3A_274 = arith.constant 0 : i32
      %dma_wait3A_275 = arith.constant 0 : i32
      %dma_wait3A_276 = tpu.memref_slice %arg10[%dma_wait3A_274, %dma_wait3A_275] : memref<1x64xi32, #tpu.memory_space<vmem>> -> memref<1x64xi32, #tpu.memory_space<vmem>>
      %dma_wait3A_277 = tpu.memref_squeeze %dma_wait3A_276 : memref<1x64xi32, #tpu.memory_space<vmem>> -> memref<64xi32, #tpu.memory_space<vmem>>
      %dma_wait3A_278 = arith.constant 0 : i32
      %dma_wait3A_279 = arith.constant 0 : i32
      %dma_wait3A_280 = tpu.memref_slice %arg2[%dma_wait3A_278, %dma_wait3A_279] : memref<10000x128xf32, #tpu.memory_space<hbm>> -> memref<10000x128xf32, #tpu.memory_space<hbm>>
      tpu.wait_indirect_dma semaphore(%arg24 : memref<!tpu.dma_semaphore, #tpu.memory_space<semaphore_mem>>) src(%dma_wait3A_280 : memref<10000x128xf32, #tpu.memory_space<hbm>>) dst(%arg18 : memref<64x128xf32, #tpu.memory_space<vmem>>)
      %dma_wait3A_281 = arith.constant 0 : i32
      %dma_wait3A_282 = arith.constant 0 : i32
      %dma_wait3A_283 = arith.constant 0 : i32
      %dma_wait3A_284 = tpu.memref_slice %arg4[%add3A, %dma_wait3A_281, %dma_wait3A_282, %dma_wait3A_283] : memref<32x156x1x64xi32, #tpu.memory_space<hbm>> -> memref<1x1x1x64xi32, #tpu.memory_space<hbm>>
      %dma_wait3A_285 = tpu.memref_squeeze %dma_wait3A_284 : memref<1x1x1x64xi32, #tpu.memory_space<hbm>> -> memref<1x64xi32, #tpu.memory_space<hbm>>
      %dma_wait3A_286 = arith.constant 0 : i32
      %dma_wait3A_287 = arith.constant 0 : i32
      %dma_wait3A_288 = tpu.memref_slice %arg4[%add3A, %dma_wait3A_281, %dma_wait3A_286, %dma_wait3A_287] : memref<32x156x1x64xi32, #tpu.memory_space<hbm>> -> memref<1x1x1x64xi32, #tpu.memory_space<hbm>>
      %dma_wait3A_289 = tpu.memref_squeeze %dma_wait3A_288 : memref<1x1x1x64xi32, #tpu.memory_space<hbm>> -> memref<1x64xi32, #tpu.memory_space<hbm>>
      tpu.wait_dma2 semaphore(%arg36 : memref<!tpu.dma_semaphore, #tpu.memory_space<semaphore_mem>>) src(%dma_wait3A_289 : memref<1x64xi32, #tpu.memory_space<hbm>>) dst(%arg14 : memref<1x64xi32, #tpu.memory_space<vmem>>)
      %dma_start3A_290 = arith.constant 0 : i32
      %dma_start3A_291 = arith.constant 0 : i32
      %dma_start3A_292 = tpu.memref_slice %arg14[%dma_start3A_290, %dma_start3A_291] : memref<1x64xi32, #tpu.memory_space<vmem>> -> memref<1x64xi32, #tpu.memory_space<vmem>>
      %dma_start3A_293 = tpu.memref_squeeze %dma_start3A_292 : memref<1x64xi32, #tpu.memory_space<vmem>> -> memref<64xi32, #tpu.memory_space<vmem>>
      %dma_start3A_294 = arith.constant 0 : i32
      %dma_start3A_295 = arith.constant 0 : i32
      %dma_start3A_296 = tpu.memref_slice %arg21[%dma_start3A_294, %dma_start3A_295] : memref<10000x128xf32, #tpu.memory_space<vmem_shared>> -> memref<10000x128xf32, #tpu.memory_space<vmem_shared>>
      tpu.enqueue_indirect_dma source(%arg18 : memref<64x128xf32, #tpu.memory_space<vmem>>) target(%dma_start3A_296 : memref<10000x128xf32, #tpu.memory_space<vmem_shared>>) offsets(%dma_start3A_293 : memref<64xi32, #tpu.memory_space<vmem>>) semaphore(%arg28 : memref<!tpu.dma_semaphore, #tpu.memory_space<semaphore_mem>>) {add = true}
      %add3A_297 = arith.constant 2 : i32
      %add3A_298 = arith.addi %mul3A_209, %add3A_297 : i32
      %add3A_299 = arith.constant 4 : i32
      %add3A_300 = arith.addi %add3A_298, %add3A_299 : i32
      %lt3A_301 = arith.constant 156 : i32
      %lt3A_302 = arith.cmpi slt, %add3A_300, %lt3A_301 : i32
      %convert_element_type3A_303 = arith.extui %lt3A_302 : i1 to i32
      %cond3A_304 = arith.constant 0 : i32
      %cond3A_305 = arith.cmpi ne, %convert_element_type3A_303, %cond3A_304 : i32
      scf.if %cond3A_305 {
        %add3A_374 = arith.constant 2 : i32
        %add3A_375 = arith.addi %mul3A_209, %add3A_374 : i32
        %add3A_376 = arith.constant 4 : i32
        %add3A_377 = arith.addi %add3A_375, %add3A_376 : i32
        %dma_start3A_378 = arith.constant 0 : i32
        %dma_start3A_379 = arith.constant 0 : i32
        %dma_start3A_380 = tpu.memref_slice %arg3[%add3A, %add3A_377, %dma_start3A_378, %dma_start3A_379] : memref<32x156x1x64xi32, #tpu.memory_space<hbm>> -> memref<1x1x1x64xi32, #tpu.memory_space<hbm>>
        %dma_start3A_381 = tpu.memref_squeeze %dma_start3A_380 : memref<1x1x1x64xi32, #tpu.memory_space<hbm>> -> memref<1x64xi32, #tpu.memory_space<hbm>>
        %dma_start3A_382 = arith.constant 0 : i32
        %dma_start3A_383 = arith.constant 0 : i32
        %dma_start3A_384 = tpu.memref_slice %arg3[%add3A, %add3A_377, %dma_start3A_382, %dma_start3A_383] : memref<32x156x1x64xi32, #tpu.memory_space<hbm>> -> memref<1x1x1x64xi32, #tpu.memory_space<hbm>>
        %dma_start3A_385 = tpu.memref_squeeze %dma_start3A_384 : memref<1x1x1x64xi32, #tpu.memory_space<hbm>> -> memref<1x64xi32, #tpu.memory_space<hbm>>
        tpu.enqueue_dma source(%dma_start3A_385 : memref<1x64xi32, #tpu.memory_space<hbm>>) target(%arg10 : memref<1x64xi32, #tpu.memory_space<vmem>>) target_semaphore(%arg32 : memref<!tpu.dma_semaphore, #tpu.memory_space<semaphore_mem>>)
      } else {
      }
      %dma_wait3A_306 = arith.constant 0 : i32
      %dma_wait3A_307 = arith.constant 0 : i32
      %dma_wait3A_308 = tpu.memref_slice %arg11[%dma_wait3A_306, %dma_wait3A_307] : memref<1x64xi32, #tpu.memory_space<vmem>> -> memref<1x64xi32, #tpu.memory_space<vmem>>
      %dma_wait3A_309 = tpu.memref_squeeze %dma_wait3A_308 : memref<1x64xi32, #tpu.memory_space<vmem>> -> memref<64xi32, #tpu.memory_space<vmem>>
      %dma_wait3A_310 = arith.constant 0 : i32
      %dma_wait3A_311 = arith.constant 0 : i32
      %dma_wait3A_312 = tpu.memref_slice %arg2[%dma_wait3A_310, %dma_wait3A_311] : memref<10000x128xf32, #tpu.memory_space<hbm>> -> memref<10000x128xf32, #tpu.memory_space<hbm>>
      tpu.wait_indirect_dma semaphore(%arg25 : memref<!tpu.dma_semaphore, #tpu.memory_space<semaphore_mem>>) src(%dma_wait3A_312 : memref<10000x128xf32, #tpu.memory_space<hbm>>) dst(%arg19 : memref<64x128xf32, #tpu.memory_space<vmem>>)
      %dma_wait3A_313 = arith.constant 0 : i32
      %dma_wait3A_314 = arith.constant 0 : i32
      %dma_wait3A_315 = arith.constant 0 : i32
      %dma_wait3A_316 = tpu.memref_slice %arg4[%add3A, %dma_wait3A_313, %dma_wait3A_314, %dma_wait3A_315] : memref<32x156x1x64xi32, #tpu.memory_space<hbm>> -> memref<1x1x1x64xi32, #tpu.memory_space<hbm>>
      %dma_wait3A_317 = tpu.memref_squeeze %dma_wait3A_316 : memref<1x1x1x64xi32, #tpu.memory_space<hbm>> -> memref<1x64xi32, #tpu.memory_space<hbm>>
      %dma_wait3A_318 = arith.constant 0 : i32
      %dma_wait3A_319 = arith.constant 0 : i32
      %dma_wait3A_320 = tpu.memref_slice %arg4[%add3A, %dma_wait3A_313, %dma_wait3A_318, %dma_wait3A_319] : memref<32x156x1x64xi32, #tpu.memory_space<hbm>> -> memref<1x1x1x64xi32, #tpu.memory_space<hbm>>
      %dma_wait3A_321 = tpu.memref_squeeze %dma_wait3A_320 : memref<1x1x1x64xi32, #tpu.memory_space<hbm>> -> memref<1x64xi32, #tpu.memory_space<hbm>>
      tpu.wait_dma2 semaphore(%arg37 : memref<!tpu.dma_semaphore, #tpu.memory_space<semaphore_mem>>) src(%dma_wait3A_321 : memref<1x64xi32, #tpu.memory_space<hbm>>) dst(%arg15 : memref<1x64xi32, #tpu.memory_space<vmem>>)
      %dma_start3A_322 = arith.constant 0 : i32
      %dma_start3A_323 = arith.constant 0 : i32
      %dma_start3A_324 = tpu.memref_slice %arg15[%dma_start3A_322, %dma_start3A_323] : memref<1x64xi32, #tpu.memory_space<vmem>> -> memref<1x64xi32, #tpu.memory_space<vmem>>
      %dma_start3A_325 = tpu.memref_squeeze %dma_start3A_324 : memref<1x64xi32, #tpu.memory_space<vmem>> -> memref<64xi32, #tpu.memory_space<vmem>>
      %dma_start3A_326 = arith.constant 0 : i32
      %dma_start3A_327 = arith.constant 0 : i32
      %dma_start3A_328 = tpu.memref_slice %arg21[%dma_start3A_326, %dma_start3A_327] : memref<10000x128xf32, #tpu.memory_space<vmem_shared>> -> memref<10000x128xf32, #tpu.memory_space<vmem_shared>>
      tpu.enqueue_indirect_dma source(%arg19 : memref<64x128xf32, #tpu.memory_space<vmem>>) target(%dma_start3A_328 : memref<10000x128xf32, #tpu.memory_space<vmem_shared>>) offsets(%dma_start3A_325 : memref<64xi32, #tpu.memory_space<vmem>>) semaphore(%arg29 : memref<!tpu.dma_semaphore, #tpu.memory_space<semaphore_mem>>) {add = true}
      %add3A_329 = arith.constant 3 : i32
      %add3A_330 = arith.addi %mul3A_209, %add3A_329 : i32
      %add3A_331 = arith.constant 4 : i32
      %add3A_332 = arith.addi %add3A_330, %add3A_331 : i32
      %lt3A_333 = arith.constant 156 : i32
      %lt3A_334 = arith.cmpi slt, %add3A_332, %lt3A_333 : i32
      %convert_element_type3A_335 = arith.extui %lt3A_334 : i1 to i32
      %cond3A_336 = arith.constant 0 : i32
      %cond3A_337 = arith.cmpi ne, %convert_element_type3A_335, %cond3A_336 : i32
      scf.if %cond3A_337 {
        %add3A_374 = arith.constant 3 : i32
        %add3A_375 = arith.addi %mul3A_209, %add3A_374 : i32
        %add3A_376 = arith.constant 4 : i32
        %add3A_377 = arith.addi %add3A_375, %add3A_376 : i32
        %dma_start3A_378 = arith.constant 0 : i32
        %dma_start3A_379 = arith.constant 0 : i32
        %dma_start3A_380 = tpu.memref_slice %arg3[%add3A, %add3A_377, %dma_start3A_378, %dma_start3A_379] : memref<32x156x1x64xi32, #tpu.memory_space<hbm>> -> memref<1x1x1x64xi32, #tpu.memory_space<hbm>>
        %dma_start3A_381 = tpu.memref_squeeze %dma_start3A_380 : memref<1x1x1x64xi32, #tpu.memory_space<hbm>> -> memref<1x64xi32, #tpu.memory_space<hbm>>
        %dma_start3A_382 = arith.constant 0 : i32
        %dma_start3A_383 = arith.constant 0 : i32
        %dma_start3A_384 = tpu.memref_slice %arg3[%add3A, %add3A_377, %dma_start3A_382, %dma_start3A_383] : memref<32x156x1x64xi32, #tpu.memory_space<hbm>> -> memref<1x1x1x64xi32, #tpu.memory_space<hbm>>
        %dma_start3A_385 = tpu.memref_squeeze %dma_start3A_384 : memref<1x1x1x64xi32, #tpu.memory_space<hbm>> -> memref<1x64xi32, #tpu.memory_space<hbm>>
        tpu.enqueue_dma source(%dma_start3A_385 : memref<1x64xi32, #tpu.memory_space<hbm>>) target(%arg11 : memref<1x64xi32, #tpu.memory_space<vmem>>) target_semaphore(%arg33 : memref<!tpu.dma_semaphore, #tpu.memory_space<semaphore_mem>>)
      } else {
      }
      %add3A_338 = arith.constant 0 : i32
      %add3A_339 = arith.addi %mul3A_209, %add3A_338 : i32
      %add3A_340 = arith.constant 4 : i32
      %add3A_341 = arith.addi %add3A_339, %add3A_340 : i32
      %lt3A_342 = arith.constant 156 : i32
      %lt3A_343 = arith.cmpi slt, %add3A_341, %lt3A_342 : i32
      %convert_element_type3A_344 = arith.extui %lt3A_343 : i1 to i32
      %cond3A_345 = arith.constant 0 : i32
      %cond3A_346 = arith.cmpi ne, %convert_element_type3A_344, %cond3A_345 : i32
      scf.if %cond3A_346 {
        %dma_wait3A_374 = arith.constant 0 : i32
        %dma_wait3A_375 = arith.constant 0 : i32
        %dma_wait3A_376 = tpu.memref_slice %arg12[%dma_wait3A_374, %dma_wait3A_375] : memref<1x64xi32, #tpu.memory_space<vmem>> -> memref<1x64xi32, #tpu.memory_space<vmem>>
        %dma_wait3A_377 = tpu.memref_squeeze %dma_wait3A_376 : memref<1x64xi32, #tpu.memory_space<vmem>> -> memref<64xi32, #tpu.memory_space<vmem>>
        %dma_wait3A_378 = arith.constant 0 : i32
        %dma_wait3A_379 = arith.constant 0 : i32
        %dma_wait3A_380 = tpu.memref_slice %arg21[%dma_wait3A_378, %dma_wait3A_379] : memref<10000x128xf32, #tpu.memory_space<vmem_shared>> -> memref<10000x128xf32, #tpu.memory_space<vmem_shared>>
        tpu.wait_indirect_dma semaphore(%arg26 : memref<!tpu.dma_semaphore, #tpu.memory_space<semaphore_mem>>) src(%arg16 : memref<64x128xf32, #tpu.memory_space<vmem>>) dst(%dma_wait3A_380 : memref<10000x128xf32, #tpu.memory_space<vmem_shared>>)
        %dma_wait3A_381 = arith.constant 0 : i32
        %dma_wait3A_382 = arith.constant 0 : i32
        %dma_wait3A_383 = arith.constant 0 : i32
        %dma_wait3A_384 = tpu.memref_slice %arg3[%add3A, %dma_wait3A_381, %dma_wait3A_382, %dma_wait3A_383] : memref<32x156x1x64xi32, #tpu.memory_space<hbm>> -> memref<1x1x1x64xi32, #tpu.memory_space<hbm>>
        %dma_wait3A_385 = tpu.memref_squeeze %dma_wait3A_384 : memref<1x1x1x64xi32, #tpu.memory_space<hbm>> -> memref<1x64xi32, #tpu.memory_space<hbm>>
        %dma_wait3A_386 = arith.constant 0 : i32
        %dma_wait3A_387 = arith.constant 0 : i32
        %dma_wait3A_388 = tpu.memref_slice %arg3[%add3A, %dma_wait3A_381, %dma_wait3A_386, %dma_wait3A_387] : memref<32x156x1x64xi32, #tpu.memory_space<hbm>> -> memref<1x1x1x64xi32, #tpu.memory_space<hbm>>
        %dma_wait3A_389 = tpu.memref_squeeze %dma_wait3A_388 : memref<1x1x1x64xi32, #tpu.memory_space<hbm>> -> memref<1x64xi32, #tpu.memory_space<hbm>>
        tpu.wait_dma2 semaphore(%arg30 : memref<!tpu.dma_semaphore, #tpu.memory_space<semaphore_mem>>) src(%dma_wait3A_389 : memref<1x64xi32, #tpu.memory_space<hbm>>) dst(%arg8 : memref<1x64xi32, #tpu.memory_space<vmem>>)
        %dma_start3A_390 = arith.constant 0 : i32
        %dma_start3A_391 = arith.constant 0 : i32
        %dma_start3A_392 = tpu.memref_slice %arg8[%dma_start3A_390, %dma_start3A_391] : memref<1x64xi32, #tpu.memory_space<vmem>> -> memref<1x64xi32, #tpu.memory_space<vmem>>
        %dma_start3A_393 = tpu.memref_squeeze %dma_start3A_392 : memref<1x64xi32, #tpu.memory_space<vmem>> -> memref<64xi32, #tpu.memory_space<vmem>>
        %dma_start3A_394 = arith.constant 0 : i32
        %dma_start3A_395 = arith.constant 0 : i32
        %dma_start3A_396 = tpu.memref_slice %arg2[%dma_start3A_394, %dma_start3A_395] : memref<10000x128xf32, #tpu.memory_space<hbm>> -> memref<10000x128xf32, #tpu.memory_space<hbm>>
        tpu.enqueue_indirect_dma source(%dma_start3A_396 : memref<10000x128xf32, #tpu.memory_space<hbm>>) target(%arg16 : memref<64x128xf32, #tpu.memory_space<vmem>>) offsets(%dma_start3A_393 : memref<64xi32, #tpu.memory_space<vmem>>) semaphore(%arg22 : memref<!tpu.dma_semaphore, #tpu.memory_space<semaphore_mem>>)
        %add3A_397 = arith.constant 0 : i32
        %add3A_398 = arith.addi %mul3A_209, %add3A_397 : i32
        %add3A_399 = arith.constant 4 : i32
        %add3A_400 = arith.addi %add3A_398, %add3A_399 : i32
        %dma_start3A_401 = arith.constant 0 : i32
        %dma_start3A_402 = arith.constant 0 : i32
        %dma_start3A_403 = tpu.memref_slice %arg4[%add3A, %add3A_400, %dma_start3A_401, %dma_start3A_402] : memref<32x156x1x64xi32, #tpu.memory_space<hbm>> -> memref<1x1x1x64xi32, #tpu.memory_space<hbm>>
        %dma_start3A_404 = tpu.memref_squeeze %dma_start3A_403 : memref<1x1x1x64xi32, #tpu.memory_space<hbm>> -> memref<1x64xi32, #tpu.memory_space<hbm>>
        %dma_start3A_405 = arith.constant 0 : i32
        %dma_start3A_406 = arith.constant 0 : i32
        %dma_start3A_407 = tpu.memref_slice %arg4[%add3A, %add3A_400, %dma_start3A_405, %dma_start3A_406] : memref<32x156x1x64xi32, #tpu.memory_space<hbm>> -> memref<1x1x1x64xi32, #tpu.memory_space<hbm>>
        %dma_start3A_408 = tpu.memref_squeeze %dma_start3A_407 : memref<1x1x1x64xi32, #tpu.memory_space<hbm>> -> memref<1x64xi32, #tpu.memory_space<hbm>>
        tpu.enqueue_dma source(%dma_start3A_408 : memref<1x64xi32, #tpu.memory_space<hbm>>) target(%arg12 : memref<1x64xi32, #tpu.memory_space<vmem>>) target_semaphore(%arg34 : memref<!tpu.dma_semaphore, #tpu.memory_space<semaphore_mem>>)
      } else {
      }
      %add3A_347 = arith.constant 1 : i32
      %add3A_348 = arith.addi %mul3A_209, %add3A_347 : i32
      %add3A_349 = arith.constant 4 : i32
      %add3A_350 = arith.addi %add3A_348, %add3A_349 : i32
      %lt3A_351 = arith.constant 156 : i32
      %lt3A_352 = arith.cmpi slt, %add3A_350, %lt3A_351 : i32
      %convert_element_type3A_353 = arith.extui %lt3A_352 : i1 to i32
      %cond3A_354 = arith.constant 0 : i32
      %cond3A_355 = arith.cmpi ne, %convert_element_type3A_353, %cond3A_354 : i32
      scf.if %cond3A_355 {
        %dma_wait3A_374 = arith.constant 0 : i32
        %dma_wait3A_375 = arith.constant 0 : i32
        %dma_wait3A_376 = tpu.memref_slice %arg13[%dma_wait3A_374, %dma_wait3A_375] : memref<1x64xi32, #tpu.memory_space<vmem>> -> memref<1x64xi32, #tpu.memory_space<vmem>>
        %dma_wait3A_377 = tpu.memref_squeeze %dma_wait3A_376 : memref<1x64xi32, #tpu.memory_space<vmem>> -> memref<64xi32, #tpu.memory_space<vmem>>
        %dma_wait3A_378 = arith.constant 0 : i32
        %dma_wait3A_379 = arith.constant 0 : i32
        %dma_wait3A_380 = tpu.memref_slice %arg21[%dma_wait3A_378, %dma_wait3A_379] : memref<10000x128xf32, #tpu.memory_space<vmem_shared>> -> memref<10000x128xf32, #tpu.memory_space<vmem_shared>>
        tpu.wait_indirect_dma semaphore(%arg27 : memref<!tpu.dma_semaphore, #tpu.memory_space<semaphore_mem>>) src(%arg17 : memref<64x128xf32, #tpu.memory_space<vmem>>) dst(%dma_wait3A_380 : memref<10000x128xf32, #tpu.memory_space<vmem_shared>>)
        %dma_wait3A_381 = arith.constant 0 : i32
        %dma_wait3A_382 = arith.constant 0 : i32
        %dma_wait3A_383 = arith.constant 0 : i32
        %dma_wait3A_384 = tpu.memref_slice %arg3[%add3A, %dma_wait3A_381, %dma_wait3A_382, %dma_wait3A_383] : memref<32x156x1x64xi32, #tpu.memory_space<hbm>> -> memref<1x1x1x64xi32, #tpu.memory_space<hbm>>
        %dma_wait3A_385 = tpu.memref_squeeze %dma_wait3A_384 : memref<1x1x1x64xi32, #tpu.memory_space<hbm>> -> memref<1x64xi32, #tpu.memory_space<hbm>>
        %dma_wait3A_386 = arith.constant 0 : i32
        %dma_wait3A_387 = arith.constant 0 : i32
        %dma_wait3A_388 = tpu.memref_slice %arg3[%add3A, %dma_wait3A_381, %dma_wait3A_386, %dma_wait3A_387] : memref<32x156x1x64xi32, #tpu.memory_space<hbm>> -> memref<1x1x1x64xi32, #tpu.memory_space<hbm>>
        %dma_wait3A_389 = tpu.memref_squeeze %dma_wait3A_388 : memref<1x1x1x64xi32, #tpu.memory_space<hbm>> -> memref<1x64xi32, #tpu.memory_space<hbm>>
        tpu.wait_dma2 semaphore(%arg31 : memref<!tpu.dma_semaphore, #tpu.memory_space<semaphore_mem>>) src(%dma_wait3A_389 : memref<1x64xi32, #tpu.memory_space<hbm>>) dst(%arg9 : memref<1x64xi32, #tpu.memory_space<vmem>>)
        %dma_start3A_390 = arith.constant 0 : i32
        %dma_start3A_391 = arith.constant 0 : i32
        %dma_start3A_392 = tpu.memref_slice %arg9[%dma_start3A_390, %dma_start3A_391] : memref<1x64xi32, #tpu.memory_space<vmem>> -> memref<1x64xi32, #tpu.memory_space<vmem>>
        %dma_start3A_393 = tpu.memref_squeeze %dma_start3A_392 : memref<1x64xi32, #tpu.memory_space<vmem>> -> memref<64xi32, #tpu.memory_space<vmem>>
        %dma_start3A_394 = arith.constant 0 : i32
        %dma_start3A_395 = arith.constant 0 : i32
        %dma_start3A_396 = tpu.memref_slice %arg2[%dma_start3A_394, %dma_start3A_395] : memref<10000x128xf32, #tpu.memory_space<hbm>> -> memref<10000x128xf32, #tpu.memory_space<hbm>>
        tpu.enqueue_indirect_dma source(%dma_start3A_396 : memref<10000x128xf32, #tpu.memory_space<hbm>>) target(%arg17 : memref<64x128xf32, #tpu.memory_space<vmem>>) offsets(%dma_start3A_393 : memref<64xi32, #tpu.memory_space<vmem>>) semaphore(%arg23 : memref<!tpu.dma_semaphore, #tpu.memory_space<semaphore_mem>>)
        %add3A_397 = arith.constant 1 : i32
        %add3A_398 = arith.addi %mul3A_209, %add3A_397 : i32
        %add3A_399 = arith.constant 4 : i32
        %add3A_400 = arith.addi %add3A_398, %add3A_399 : i32
        %dma_start3A_401 = arith.constant 0 : i32
        %dma_start3A_402 = arith.constant 0 : i32
        %dma_start3A_403 = tpu.memref_slice %arg4[%add3A, %add3A_400, %dma_start3A_401, %dma_start3A_402] : memref<32x156x1x64xi32, #tpu.memory_space<hbm>> -> memref<1x1x1x64xi32, #tpu.memory_space<hbm>>
        %dma_start3A_404 = tpu.memref_squeeze %dma_start3A_403 : memref<1x1x1x64xi32, #tpu.memory_space<hbm>> -> memref<1x64xi32, #tpu.memory_space<hbm>>
        %dma_start3A_405 = arith.constant 0 : i32
        %dma_start3A_406 = arith.constant 0 : i32
        %dma_start3A_407 = tpu.memref_slice %arg4[%add3A, %add3A_400, %dma_start3A_405, %dma_start3A_406] : memref<32x156x1x64xi32, #tpu.memory_space<hbm>> -> memref<1x1x1x64xi32, #tpu.memory_space<hbm>>
        %dma_start3A_408 = tpu.memref_squeeze %dma_start3A_407 : memref<1x1x1x64xi32, #tpu.memory_space<hbm>> -> memref<1x64xi32, #tpu.memory_space<hbm>>
        tpu.enqueue_dma source(%dma_start3A_408 : memref<1x64xi32, #tpu.memory_space<hbm>>) target(%arg13 : memref<1x64xi32, #tpu.memory_space<vmem>>) target_semaphore(%arg35 : memref<!tpu.dma_semaphore, #tpu.memory_space<semaphore_mem>>)
      } else {
      }
      %add3A_356 = arith.constant 2 : i32
      %add3A_357 = arith.addi %mul3A_209, %add3A_356 : i32
      %add3A_358 = arith.constant 4 : i32
      %add3A_359 = arith.addi %add3A_357, %add3A_358 : i32
      %lt3A_360 = arith.constant 156 : i32
      %lt3A_361 = arith.cmpi slt, %add3A_359, %lt3A_360 : i32
      %convert_element_type3A_362 = arith.extui %lt3A_361 : i1 to i32
      %cond3A_363 = arith.constant 0 : i32
      %cond3A_364 = arith.cmpi ne, %convert_element_type3A_362, %cond3A_363 : i32
      scf.if %cond3A_364 {
        %dma_wait3A_374 = arith.constant 0 : i32
        %dma_wait3A_375 = arith.constant 0 : i32
        %dma_wait3A_376 = tpu.memref_slice %arg14[%dma_wait3A_374, %dma_wait3A_375] : memref<1x64xi32, #tpu.memory_space<vmem>> -> memref<1x64xi32, #tpu.memory_space<vmem>>
        %dma_wait3A_377 = tpu.memref_squeeze %dma_wait3A_376 : memref<1x64xi32, #tpu.memory_space<vmem>> -> memref<64xi32, #tpu.memory_space<vmem>>
        %dma_wait3A_378 = arith.constant 0 : i32
        %dma_wait3A_379 = arith.constant 0 : i32
        %dma_wait3A_380 = tpu.memref_slice %arg21[%dma_wait3A_378, %dma_wait3A_379] : memref<10000x128xf32, #tpu.memory_space<vmem_shared>> -> memref<10000x128xf32, #tpu.memory_space<vmem_shared>>
        tpu.wait_indirect_dma semaphore(%arg28 : memref<!tpu.dma_semaphore, #tpu.memory_space<semaphore_mem>>) src(%arg18 : memref<64x128xf32, #tpu.memory_space<vmem>>) dst(%dma_wait3A_380 : memref<10000x128xf32, #tpu.memory_space<vmem_shared>>)
        %dma_wait3A_381 = arith.constant 0 : i32
        %dma_wait3A_382 = arith.constant 0 : i32
        %dma_wait3A_383 = arith.constant 0 : i32
        %dma_wait3A_384 = tpu.memref_slice %arg3[%add3A, %dma_wait3A_381, %dma_wait3A_382, %dma_wait3A_383] : memref<32x156x1x64xi32, #tpu.memory_space<hbm>> -> memref<1x1x1x64xi32, #tpu.memory_space<hbm>>
        %dma_wait3A_385 = tpu.memref_squeeze %dma_wait3A_384 : memref<1x1x1x64xi32, #tpu.memory_space<hbm>> -> memref<1x64xi32, #tpu.memory_space<hbm>>
        %dma_wait3A_386 = arith.constant 0 : i32
        %dma_wait3A_387 = arith.constant 0 : i32
        %dma_wait3A_388 = tpu.memref_slice %arg3[%add3A, %dma_wait3A_381, %dma_wait3A_386, %dma_wait3A_387] : memref<32x156x1x64xi32, #tpu.memory_space<hbm>> -> memref<1x1x1x64xi32, #tpu.memory_space<hbm>>
        %dma_wait3A_389 = tpu.memref_squeeze %dma_wait3A_388 : memref<1x1x1x64xi32, #tpu.memory_space<hbm>> -> memref<1x64xi32, #tpu.memory_space<hbm>>
        tpu.wait_dma2 semaphore(%arg32 : memref<!tpu.dma_semaphore, #tpu.memory_space<semaphore_mem>>) src(%dma_wait3A_389 : memref<1x64xi32, #tpu.memory_space<hbm>>) dst(%arg10 : memref<1x64xi32, #tpu.memory_space<vmem>>)
        %dma_start3A_390 = arith.constant 0 : i32
        %dma_start3A_391 = arith.constant 0 : i32
        %dma_start3A_392 = tpu.memref_slice %arg10[%dma_start3A_390, %dma_start3A_391] : memref<1x64xi32, #tpu.memory_space<vmem>> -> memref<1x64xi32, #tpu.memory_space<vmem>>
        %dma_start3A_393 = tpu.memref_squeeze %dma_start3A_392 : memref<1x64xi32, #tpu.memory_space<vmem>> -> memref<64xi32, #tpu.memory_space<vmem>>
        %dma_start3A_394 = arith.constant 0 : i32
        %dma_start3A_395 = arith.constant 0 : i32
        %dma_start3A_396 = tpu.memref_slice %arg2[%dma_start3A_394, %dma_start3A_395] : memref<10000x128xf32, #tpu.memory_space<hbm>> -> memref<10000x128xf32, #tpu.memory_space<hbm>>
        tpu.enqueue_indirect_dma source(%dma_start3A_396 : memref<10000x128xf32, #tpu.memory_space<hbm>>) target(%arg18 : memref<64x128xf32, #tpu.memory_space<vmem>>) offsets(%dma_start3A_393 : memref<64xi32, #tpu.memory_space<vmem>>) semaphore(%arg24 : memref<!tpu.dma_semaphore, #tpu.memory_space<semaphore_mem>>)
        %add3A_397 = arith.constant 2 : i32
        %add3A_398 = arith.addi %mul3A_209, %add3A_397 : i32
        %add3A_399 = arith.constant 4 : i32
        %add3A_400 = arith.addi %add3A_398, %add3A_399 : i32
        %dma_start3A_401 = arith.constant 0 : i32
        %dma_start3A_402 = arith.constant 0 : i32
        %dma_start3A_403 = tpu.memref_slice %arg4[%add3A, %add3A_400, %dma_start3A_401, %dma_start3A_402] : memref<32x156x1x64xi32, #tpu.memory_space<hbm>> -> memref<1x1x1x64xi32, #tpu.memory_space<hbm>>
        %dma_start3A_404 = tpu.memref_squeeze %dma_start3A_403 : memref<1x1x1x64xi32, #tpu.memory_space<hbm>> -> memref<1x64xi32, #tpu.memory_space<hbm>>
        %dma_start3A_405 = arith.constant 0 : i32
        %dma_start3A_406 = arith.constant 0 : i32
        %dma_start3A_407 = tpu.memref_slice %arg4[%add3A, %add3A_400, %dma_start3A_405, %dma_start3A_406] : memref<32x156x1x64xi32, #tpu.memory_space<hbm>> -> memref<1x1x1x64xi32, #tpu.memory_space<hbm>>
        %dma_start3A_408 = tpu.memref_squeeze %dma_start3A_407 : memref<1x1x1x64xi32, #tpu.memory_space<hbm>> -> memref<1x64xi32, #tpu.memory_space<hbm>>
        tpu.enqueue_dma source(%dma_start3A_408 : memref<1x64xi32, #tpu.memory_space<hbm>>) target(%arg14 : memref<1x64xi32, #tpu.memory_space<vmem>>) target_semaphore(%arg36 : memref<!tpu.dma_semaphore, #tpu.memory_space<semaphore_mem>>)
      } else {
      }
      %add3A_365 = arith.constant 3 : i32
      %add3A_366 = arith.addi %mul3A_209, %add3A_365 : i32
      %add3A_367 = arith.constant 4 : i32
      %add3A_368 = arith.addi %add3A_366, %add3A_367 : i32
      %lt3A_369 = arith.constant 156 : i32
      %lt3A_370 = arith.cmpi slt, %add3A_368, %lt3A_369 : i32
      %convert_element_type3A_371 = arith.extui %lt3A_370 : i1 to i32
      %cond3A_372 = arith.constant 0 : i32
      %cond3A_373 = arith.cmpi ne, %convert_element_type3A_371, %cond3A_372 : i32
      scf.if %cond3A_373 {
        %dma_wait3A_374 = arith.constant 0 : i32
        %dma_wait3A_375 = arith.constant 0 : i32
        %dma_wait3A_376 = tpu.memref_slice %arg15[%dma_wait3A_374, %dma_wait3A_375] : memref<1x64xi32, #tpu.memory_space<vmem>> -> memref<1x64xi32, #tpu.memory_space<vmem>>
        %dma_wait3A_377 = tpu.memref_squeeze %dma_wait3A_376 : memref<1x64xi32, #tpu.memory_space<vmem>> -> memref<64xi32, #tpu.memory_space<vmem>>
        %dma_wait3A_378 = arith.constant 0 : i32
        %dma_wait3A_379 = arith.constant 0 : i32
        %dma_wait3A_380 = tpu.memref_slice %arg21[%dma_wait3A_378, %dma_wait3A_379] : memref<10000x128xf32, #tpu.memory_space<vmem_shared>> -> memref<10000x128xf32, #tpu.memory_space<vmem_shared>>
        tpu.wait_indirect_dma semaphore(%arg29 : memref<!tpu.dma_semaphore, #tpu.memory_space<semaphore_mem>>) src(%arg19 : memref<64x128xf32, #tpu.memory_space<vmem>>) dst(%dma_wait3A_380 : memref<10000x128xf32, #tpu.memory_space<vmem_shared>>)
        %dma_wait3A_381 = arith.constant 0 : i32
        %dma_wait3A_382 = arith.constant 0 : i32
        %dma_wait3A_383 = arith.constant 0 : i32
        %dma_wait3A_384 = tpu.memref_slice %arg3[%add3A, %dma_wait3A_381, %dma_wait3A_382, %dma_wait3A_383] : memref<32x156x1x64xi32, #tpu.memory_space<hbm>> -> memref<1x1x1x64xi32, #tpu.memory_space<hbm>>
        %dma_wait3A_385 = tpu.memref_squeeze %dma_wait3A_384 : memref<1x1x1x64xi32, #tpu.memory_space<hbm>> -> memref<1x64xi32, #tpu.memory_space<hbm>>
        %dma_wait3A_386 = arith.constant 0 : i32
        %dma_wait3A_387 = arith.constant 0 : i32
        %dma_wait3A_388 = tpu.memref_slice %arg3[%add3A, %dma_wait3A_381, %dma_wait3A_386, %dma_wait3A_387] : memref<32x156x1x64xi32, #tpu.memory_space<hbm>> -> memref<1x1x1x64xi32, #tpu.memory_space<hbm>>
        %dma_wait3A_389 = tpu.memref_squeeze %dma_wait3A_388 : memref<1x1x1x64xi32, #tpu.memory_space<hbm>> -> memref<1x64xi32, #tpu.memory_space<hbm>>
        tpu.wait_dma2 semaphore(%arg33 : memref<!tpu.dma_semaphore, #tpu.memory_space<semaphore_mem>>) src(%dma_wait3A_389 : memref<1x64xi32, #tpu.memory_space<hbm>>) dst(%arg11 : memref<1x64xi32, #tpu.memory_space<vmem>>)
        %dma_start3A_390 = arith.constant 0 : i32
        %dma_start3A_391 = arith.constant 0 : i32
        %dma_start3A_392 = tpu.memref_slice %arg11[%dma_start3A_390, %dma_start3A_391] : memref<1x64xi32, #tpu.memory_space<vmem>> -> memref<1x64xi32, #tpu.memory_space<vmem>>
        %dma_start3A_393 = tpu.memref_squeeze %dma_start3A_392 : memref<1x64xi32, #tpu.memory_space<vmem>> -> memref<64xi32, #tpu.memory_space<vmem>>
        %dma_start3A_394 = arith.constant 0 : i32
        %dma_start3A_395 = arith.constant 0 : i32
        %dma_start3A_396 = tpu.memref_slice %arg2[%dma_start3A_394, %dma_start3A_395] : memref<10000x128xf32, #tpu.memory_space<hbm>> -> memref<10000x128xf32, #tpu.memory_space<hbm>>
        tpu.enqueue_indirect_dma source(%dma_start3A_396 : memref<10000x128xf32, #tpu.memory_space<hbm>>) target(%arg19 : memref<64x128xf32, #tpu.memory_space<vmem>>) offsets(%dma_start3A_393 : memref<64xi32, #tpu.memory_space<vmem>>) semaphore(%arg25 : memref<!tpu.dma_semaphore, #tpu.memory_space<semaphore_mem>>)
        %add3A_397 = arith.constant 3 : i32
        %add3A_398 = arith.addi %mul3A_209, %add3A_397 : i32
        %add3A_399 = arith.constant 4 : i32
        %add3A_400 = arith.addi %add3A_398, %add3A_399 : i32
        %dma_start3A_401 = arith.constant 0 : i32
        %dma_start3A_402 = arith.constant 0 : i32
        %dma_start3A_403 = tpu.memref_slice %arg4[%add3A, %add3A_400, %dma_start3A_401, %dma_start3A_402] : memref<32x156x1x64xi32, #tpu.memory_space<hbm>> -> memref<1x1x1x64xi32, #tpu.memory_space<hbm>>
        %dma_start3A_404 = tpu.memref_squeeze %dma_start3A_403 : memref<1x1x1x64xi32, #tpu.memory_space<hbm>> -> memref<1x64xi32, #tpu.memory_space<hbm>>
        %dma_start3A_405 = arith.constant 0 : i32
        %dma_start3A_406 = arith.constant 0 : i32
        %dma_start3A_407 = tpu.memref_slice %arg4[%add3A, %add3A_400, %dma_start3A_405, %dma_start3A_406] : memref<32x156x1x64xi32, #tpu.memory_space<hbm>> -> memref<1x1x1x64xi32, #tpu.memory_space<hbm>>
        %dma_start3A_408 = tpu.memref_squeeze %dma_start3A_407 : memref<1x1x1x64xi32, #tpu.memory_space<hbm>> -> memref<1x64xi32, #tpu.memory_space<hbm>>
        tpu.enqueue_dma source(%dma_start3A_408 : memref<1x64xi32, #tpu.memory_space<hbm>>) target(%arg15 : memref<1x64xi32, #tpu.memory_space<vmem>>) target_semaphore(%arg37 : memref<!tpu.dma_semaphore, #tpu.memory_space<semaphore_mem>>)
      } else {
      }
    }
    %scan3A_162 = arith.constant 39 : i32
    %dma_wait3A_163 = arith.constant 0 : i32
    %dma_wait3A_164 = arith.constant 0 : i32
    %dma_wait3A_165 = tpu.memref_slice %arg12[%dma_wait3A_163, %dma_wait3A_164] : memref<1x64xi32, #tpu.memory_space<vmem>> -> memref<1x64xi32, #tpu.memory_space<vmem>>
    %dma_wait3A_166 = tpu.memref_squeeze %dma_wait3A_165 : memref<1x64xi32, #tpu.memory_space<vmem>> -> memref<64xi32, #tpu.memory_space<vmem>>
    %dma_wait3A_167 = arith.constant 0 : i32
    %dma_wait3A_168 = arith.constant 0 : i32
    %dma_wait3A_169 = tpu.memref_slice %arg21[%dma_wait3A_167, %dma_wait3A_168] : memref<10000x128xf32, #tpu.memory_space<vmem_shared>> -> memref<10000x128xf32, #tpu.memory_space<vmem_shared>>
    tpu.wait_indirect_dma semaphore(%arg26 : memref<!tpu.dma_semaphore, #tpu.memory_space<semaphore_mem>>) src(%arg16 : memref<64x128xf32, #tpu.memory_space<vmem>>) dst(%dma_wait3A_169 : memref<10000x128xf32, #tpu.memory_space<vmem_shared>>)
    %dma_wait3A_170 = arith.constant 0 : i32
    %dma_wait3A_171 = arith.constant 0 : i32
    %dma_wait3A_172 = tpu.memref_slice %arg13[%dma_wait3A_170, %dma_wait3A_171] : memref<1x64xi32, #tpu.memory_space<vmem>> -> memref<1x64xi32, #tpu.memory_space<vmem>>
    %dma_wait3A_173 = tpu.memref_squeeze %dma_wait3A_172 : memref<1x64xi32, #tpu.memory_space<vmem>> -> memref<64xi32, #tpu.memory_space<vmem>>
    %dma_wait3A_174 = arith.constant 0 : i32
    %dma_wait3A_175 = arith.constant 0 : i32
    %dma_wait3A_176 = tpu.memref_slice %arg21[%dma_wait3A_174, %dma_wait3A_175] : memref<10000x128xf32, #tpu.memory_space<vmem_shared>> -> memref<10000x128xf32, #tpu.memory_space<vmem_shared>>
    tpu.wait_indirect_dma semaphore(%arg27 : memref<!tpu.dma_semaphore, #tpu.memory_space<semaphore_mem>>) src(%arg17 : memref<64x128xf32, #tpu.memory_space<vmem>>) dst(%dma_wait3A_176 : memref<10000x128xf32, #tpu.memory_space<vmem_shared>>)
    %dma_wait3A_177 = arith.constant 0 : i32
    %dma_wait3A_178 = arith.constant 0 : i32
    %dma_wait3A_179 = tpu.memref_slice %arg14[%dma_wait3A_177, %dma_wait3A_178] : memref<1x64xi32, #tpu.memory_space<vmem>> -> memref<1x64xi32, #tpu.memory_space<vmem>>
    %dma_wait3A_180 = tpu.memref_squeeze %dma_wait3A_179 : memref<1x64xi32, #tpu.memory_space<vmem>> -> memref<64xi32, #tpu.memory_space<vmem>>
    %dma_wait3A_181 = arith.constant 0 : i32
    %dma_wait3A_182 = arith.constant 0 : i32
    %dma_wait3A_183 = tpu.memref_slice %arg21[%dma_wait3A_181, %dma_wait3A_182] : memref<10000x128xf32, #tpu.memory_space<vmem_shared>> -> memref<10000x128xf32, #tpu.memory_space<vmem_shared>>
    tpu.wait_indirect_dma semaphore(%arg28 : memref<!tpu.dma_semaphore, #tpu.memory_space<semaphore_mem>>) src(%arg18 : memref<64x128xf32, #tpu.memory_space<vmem>>) dst(%dma_wait3A_183 : memref<10000x128xf32, #tpu.memory_space<vmem_shared>>)
    %dma_wait3A_184 = arith.constant 0 : i32
    %dma_wait3A_185 = arith.constant 0 : i32
    %dma_wait3A_186 = tpu.memref_slice %arg15[%dma_wait3A_184, %dma_wait3A_185] : memref<1x64xi32, #tpu.memory_space<vmem>> -> memref<1x64xi32, #tpu.memory_space<vmem>>
    %dma_wait3A_187 = tpu.memref_squeeze %dma_wait3A_186 : memref<1x64xi32, #tpu.memory_space<vmem>> -> memref<64xi32, #tpu.memory_space<vmem>>
    %dma_wait3A_188 = arith.constant 0 : i32
    %dma_wait3A_189 = arith.constant 0 : i32
    %dma_wait3A_190 = tpu.memref_slice %arg21[%dma_wait3A_188, %dma_wait3A_189] : memref<10000x128xf32, #tpu.memory_space<vmem_shared>> -> memref<10000x128xf32, #tpu.memory_space<vmem_shared>>
    tpu.wait_indirect_dma semaphore(%arg29 : memref<!tpu.dma_semaphore, #tpu.memory_space<semaphore_mem>>) src(%arg19 : memref<64x128xf32, #tpu.memory_space<vmem>>) dst(%dma_wait3A_190 : memref<10000x128xf32, #tpu.memory_space<vmem_shared>>)
    %lt3A = arith.constant 8 : i32
    %lt3A_191 = arith.cmpi slt, %add3A, %lt3A : i32
    %convert_element_type3A_192 = arith.extui %lt3A_191 : i1 to i32
    %cond3A_193 = arith.constant 0 : i32
    %cond3A_194 = arith.cmpi ne, %convert_element_type3A_192, %cond3A_193 : i32
    scf.if %cond3A_194 {
      "tpu.region"() ({
        %run_scoped3A_221 = tpu.sem_alloc : memref<!tpu.dma_semaphore, #tpu.memory_space<semaphore_mem>>
        %dma_start3A_222 = arith.constant 0 : i32
        %dma_start3A_223 = arith.constant 0 : i32
        %dma_start3A_224 = tpu.memref_slice %arg5[%add3A, %dma_start3A_222, %dma_start3A_223] : memref<8x1x64xi32, #tpu.memory_space<hbm>> -> memref<1x1x64xi32, #tpu.memory_space<hbm>>
        %dma_start3A_225 = tpu.memref_squeeze %dma_start3A_224 : memref<1x1x64xi32, #tpu.memory_space<hbm>> -> memref<1x64xi32, #tpu.memory_space<hbm>>
        %dma_start3A_226 = arith.constant 0 : i32
        %dma_start3A_227 = arith.constant 0 : i32
        %dma_start3A_228 = tpu.memref_slice %arg5[%add3A, %dma_start3A_226, %dma_start3A_227] : memref<8x1x64xi32, #tpu.memory_space<hbm>> -> memref<1x1x64xi32, #tpu.memory_space<hbm>>
        %dma_start3A_229 = tpu.memref_squeeze %dma_start3A_228 : memref<1x1x64xi32, #tpu.memory_space<hbm>> -> memref<1x64xi32, #tpu.memory_space<hbm>>
        tpu.enqueue_dma source(%dma_start3A_229 : memref<1x64xi32, #tpu.memory_space<hbm>>) target(%arg8 : memref<1x64xi32, #tpu.memory_space<vmem>>) target_semaphore(%run_scoped3A_221 : memref<!tpu.dma_semaphore, #tpu.memory_space<semaphore_mem>>)
        %dma_wait3A_230 = arith.constant 0 : i32
        %dma_wait3A_231 = arith.constant 0 : i32
        %dma_wait3A_232 = tpu.memref_slice %arg5[%add3A, %dma_wait3A_230, %dma_wait3A_231] : memref<8x1x64xi32, #tpu.memory_space<hbm>> -> memref<1x1x64xi32, #tpu.memory_space<hbm>>
        %dma_wait3A_233 = tpu.memref_squeeze %dma_wait3A_232 : memref<1x1x64xi32, #tpu.memory_space<hbm>> -> memref<1x64xi32, #tpu.memory_space<hbm>>
        %dma_wait3A_234 = arith.constant 0 : i32
        %dma_wait3A_235 = arith.constant 0 : i32
        %dma_wait3A_236 = tpu.memref_slice %arg5[%add3A, %dma_wait3A_234, %dma_wait3A_235] : memref<8x1x64xi32, #tpu.memory_space<hbm>> -> memref<1x1x64xi32, #tpu.memory_space<hbm>>
        %dma_wait3A_237 = tpu.memref_squeeze %dma_wait3A_236 : memref<1x1x64xi32, #tpu.memory_space<hbm>> -> memref<1x64xi32, #tpu.memory_space<hbm>>
        tpu.wait_dma2 semaphore(%run_scoped3A_221 : memref<!tpu.dma_semaphore, #tpu.memory_space<semaphore_mem>>) src(%dma_wait3A_237 : memref<1x64xi32, #tpu.memory_space<hbm>>) dst(%arg8 : memref<1x64xi32, #tpu.memory_space<vmem>>)
        tpu.yield
      }) : () -> ()
      "tpu.region"() ({
        %run_scoped3A_221 = tpu.sem_alloc : memref<!tpu.dma_semaphore, #tpu.memory_space<semaphore_mem>>
        %dma_start3A_222 = arith.constant 0 : i32
        %dma_start3A_223 = arith.constant 0 : i32
        %dma_start3A_224 = tpu.memref_slice %arg6[%add3A, %dma_start3A_222, %dma_start3A_223] : memref<8x1x64xi32, #tpu.memory_space<hbm>> -> memref<1x1x64xi32, #tpu.memory_space<hbm>>
        %dma_start3A_225 = tpu.memref_squeeze %dma_start3A_224 : memref<1x1x64xi32, #tpu.memory_space<hbm>> -> memref<1x64xi32, #tpu.memory_space<hbm>>
        %dma_start3A_226 = arith.constant 0 : i32
        %dma_start3A_227 = arith.constant 0 : i32
        %dma_start3A_228 = tpu.memref_slice %arg6[%add3A, %dma_start3A_226, %dma_start3A_227] : memref<8x1x64xi32, #tpu.memory_space<hbm>> -> memref<1x1x64xi32, #tpu.memory_space<hbm>>
        %dma_start3A_229 = tpu.memref_squeeze %dma_start3A_228 : memref<1x1x64xi32, #tpu.memory_space<hbm>> -> memref<1x64xi32, #tpu.memory_space<hbm>>
        tpu.enqueue_dma source(%dma_start3A_229 : memref<1x64xi32, #tpu.memory_space<hbm>>) target(%arg12 : memref<1x64xi32, #tpu.memory_space<vmem>>) target_semaphore(%run_scoped3A_221 : memref<!tpu.dma_semaphore, #tpu.memory_space<semaphore_mem>>)
        %dma_wait3A_230 = arith.constant 0 : i32
        %dma_wait3A_231 = arith.constant 0 : i32
        %dma_wait3A_232 = tpu.memref_slice %arg6[%add3A, %dma_wait3A_230, %dma_wait3A_231] : memref<8x1x64xi32, #tpu.memory_space<hbm>> -> memref<1x1x64xi32, #tpu.memory_space<hbm>>
        %dma_wait3A_233 = tpu.memref_squeeze %dma_wait3A_232 : memref<1x1x64xi32, #tpu.memory_space<hbm>> -> memref<1x64xi32, #tpu.memory_space<hbm>>
        %dma_wait3A_234 = arith.constant 0 : i32
        %dma_wait3A_235 = arith.constant 0 : i32
        %dma_wait3A_236 = tpu.memref_slice %arg6[%add3A, %dma_wait3A_234, %dma_wait3A_235] : memref<8x1x64xi32, #tpu.memory_space<hbm>> -> memref<1x1x64xi32, #tpu.memory_space<hbm>>
        %dma_wait3A_237 = tpu.memref_squeeze %dma_wait3A_236 : memref<1x1x64xi32, #tpu.memory_space<hbm>> -> memref<1x64xi32, #tpu.memory_space<hbm>>
        tpu.wait_dma2 semaphore(%run_scoped3A_221 : memref<!tpu.dma_semaphore, #tpu.memory_space<semaphore_mem>>) src(%dma_wait3A_237 : memref<1x64xi32, #tpu.memory_space<hbm>>) dst(%arg12 : memref<1x64xi32, #tpu.memory_space<vmem>>)
        tpu.yield
      }) : () -> ()
      %dma_start3A_207 = arith.constant 0 : i32
      %dma_start3A_208 = arith.constant 0 : i32
      %dma_start3A_209 = tpu.memref_slice %arg8[%dma_start3A_207, %dma_start3A_208] : memref<1x64xi32, #tpu.memory_space<vmem>> -> memref<1x64xi32, #tpu.memory_space<vmem>>
      %dma_start3A_210 = tpu.memref_squeeze %dma_start3A_209 : memref<1x64xi32, #tpu.memory_space<vmem>> -> memref<64xi32, #tpu.memory_space<vmem>>
      %dma_start3A_211 = arith.constant 0 : i32
      %dma_start3A_212 = arith.constant 0 : i32
      %dma_start3A_213 = tpu.memref_slice %arg2[%dma_start3A_211, %dma_start3A_212] : memref<10000x128xf32, #tpu.memory_space<hbm>> -> memref<10000x128xf32, #tpu.memory_space<hbm>>
      tpu.enqueue_indirect_dma source(%dma_start3A_213 : memref<10000x128xf32, #tpu.memory_space<hbm>>) target(%arg16 : memref<64x128xf32, #tpu.memory_space<vmem>>) offsets(%dma_start3A_210 : memref<64xi32, #tpu.memory_space<vmem>>) semaphore(%arg22 : memref<!tpu.dma_semaphore, #tpu.memory_space<semaphore_mem>>)
      %dma_wait3A_214 = arith.constant 0 : i32
      %dma_wait3A_215 = arith.constant 0 : i32
      %dma_wait3A_216 = tpu.memref_slice %arg8[%dma_wait3A_214, %dma_wait3A_215] : memref<1x64xi32, #tpu.memory_space<vmem>> -> memref<1x64xi32, #tpu.memory_space<vmem>>
      %dma_wait3A_217 = tpu.memref_squeeze %dma_wait3A_216 : memref<1x64xi32, #tpu.memory_space<vmem>> -> memref<64xi32, #tpu.memory_space<vmem>>
      %dma_wait3A_218 = arith.constant 0 : i32
      %dma_wait3A_219 = arith.constant 0 : i32
      %dma_wait3A_220 = tpu.memref_slice %arg2[%dma_wait3A_218, %dma_wait3A_219] : memref<10000x128xf32, #tpu.memory_space<hbm>> -> memref<10000x128xf32, #tpu.memory_space<hbm>>
      tpu.wait_indirect_dma semaphore(%arg22 : memref<!tpu.dma_semaphore, #tpu.memory_space<semaphore_mem>>) src(%dma_wait3A_220 : memref<10000x128xf32, #tpu.memory_space<hbm>>) dst(%arg16 : memref<64x128xf32, #tpu.memory_space<vmem>>)
      %run_scoped3A = arith.constant 0 : i32
      "tpu.region"() ({
        %run_scoped3A_221 = tpu.sem_alloc : memref<!tpu.dma_semaphore, #tpu.memory_space<semaphore_mem>>
        %dma_start3A_222 = arith.constant 0 : i32
        %dma_start3A_223 = tpu.memref_slice %arg12[%run_scoped3A, %dma_start3A_222] : memref<1x64xi32, #tpu.memory_space<vmem>> -> memref<1x64xi32, #tpu.memory_space<vmem>>
        %dma_start3A_224 = tpu.memref_squeeze %dma_start3A_223 : memref<1x64xi32, #tpu.memory_space<vmem>> -> memref<64xi32, #tpu.memory_space<vmem>>
        %dma_start3A_225 = arith.constant 0 : i32
        %dma_start3A_226 = arith.constant 0 : i32
        %dma_start3A_227 = tpu.memref_slice %arg21[%dma_start3A_225, %dma_start3A_226] : memref<10000x128xf32, #tpu.memory_space<vmem_shared>> -> memref<10000x128xf32, #tpu.memory_space<vmem_shared>>
        tpu.enqueue_indirect_dma source(%arg16 : memref<64x128xf32, #tpu.memory_space<vmem>>) target(%dma_start3A_227 : memref<10000x128xf32, #tpu.memory_space<vmem_shared>>) offsets(%dma_start3A_224 : memref<64xi32, #tpu.memory_space<vmem>>) semaphore(%run_scoped3A_221 : memref<!tpu.dma_semaphore, #tpu.memory_space<semaphore_mem>>) {add = true}
        %dma_wait3A_228 = arith.constant 0 : i32
        %dma_wait3A_229 = tpu.memref_slice %arg12[%run_scoped3A, %dma_wait3A_228] : memref<1x64xi32, #tpu.memory_space<vmem>> -> memref<1x64xi32, #tpu.memory_space<vmem>>
        %dma_wait3A_230 = tpu.memref_squeeze %dma_wait3A_229 : memref<1x64xi32, #tpu.memory_space<vmem>> -> memref<64xi32, #tpu.memory_space<vmem>>
        %dma_wait3A_231 = arith.constant 0 : i32
        %dma_wait3A_232 = arith.constant 0 : i32
        %dma_wait3A_233 = tpu.memref_slice %arg21[%dma_wait3A_231, %dma_wait3A_232] : memref<10000x128xf32, #tpu.memory_space<vmem_shared>> -> memref<10000x128xf32, #tpu.memory_space<vmem_shared>>
        tpu.wait_indirect_dma semaphore(%run_scoped3A_221 : memref<!tpu.dma_semaphore, #tpu.memory_space<semaphore_mem>>) src(%arg16 : memref<64x128xf32, #tpu.memory_space<vmem>>) dst(%dma_wait3A_233 : memref<10000x128xf32, #tpu.memory_space<vmem_shared>>)
        tpu.yield
      }) : () -> ()
    } else {
    }
    %barrier3A_195 = arith.constant 0 : index
    tpu.barrier barrier_id(%barrier3A_195)
    %mul3A_196 = arith.constant 10000 : i32
    %mul3A_197 = arith.muli %arg0, %mul3A_196 : i32
    %mul3A_198 = arith.constant 624 : i32
    %mul3A_199 = arith.muli %arg1, %mul3A_198 : i32
    %add3A_200 = arith.addi %mul3A_197, %mul3A_199 : i32
    %multiple_of3A_201 = tpu.assume_multiple %add3A_200, 8 : i32
    "tpu.region"() ({
      %run_scoped3A = tpu.sem_alloc : memref<!tpu.dma_semaphore, #tpu.memory_space<semaphore_mem>>
      %dma_start3A_207 = arith.constant 0 : i32
      %dma_start3A_208 = tpu.memref_slice %arg7[%multiple_of3A_201, %dma_start3A_207] : memref<20000x128xf32, #tpu.memory_space<hbm>> -> memref<624x128xf32, #tpu.memory_space<hbm>>
      %dma_start3A_209 = arith.constant 0 : i32
      %dma_start3A_210 = tpu.memref_slice %arg21[%multiple_of3A, %dma_start3A_209] : memref<10000x128xf32, #tpu.memory_space<vmem_shared>> -> memref<624x128xf32, #tpu.memory_space<vmem_shared>>
      tpu.enqueue_dma source(%dma_start3A_210 : memref<624x128xf32, #tpu.memory_space<vmem_shared>>) target(%dma_start3A_208 : memref<624x128xf32, #tpu.memory_space<hbm>>) target_semaphore(%run_scoped3A : memref<!tpu.dma_semaphore, #tpu.memory_space<semaphore_mem>>)
      %dma_wait3A_211 = arith.constant 0 : i32
      %dma_wait3A_212 = tpu.memref_slice %arg7[%multiple_of3A_201, %dma_wait3A_211] : memref<20000x128xf32, #tpu.memory_space<hbm>> -> memref<624x128xf32, #tpu.memory_space<hbm>>
      %dma_wait3A_213 = arith.constant 0 : i32
      %dma_wait3A_214 = tpu.memref_slice %arg21[%multiple_of3A, %dma_wait3A_213] : memref<10000x128xf32, #tpu.memory_space<vmem_shared>> -> memref<624x128xf32, #tpu.memory_space<vmem_shared>>
      tpu.wait_dma2 semaphore(%run_scoped3A : memref<!tpu.dma_semaphore, #tpu.memory_space<semaphore_mem>>) src(%dma_wait3A_214 : memref<624x128xf32, #tpu.memory_space<vmem_shared>>) dst(%dma_wait3A_212 : memref<624x128xf32, #tpu.memory_space<hbm>>)
      tpu.yield
    }) : () -> ()
    %eq3A_202 = arith.constant 0 : i32
    %eq3A_203 = arith.cmpi eq, %arg1, %eq3A_202 : i32
    %convert_element_type3A_204 = arith.extui %eq3A_203 : i1 to i32
    %cond3A_205 = arith.constant 0 : i32
    %cond3A_206 = arith.cmpi ne, %convert_element_type3A_204, %cond3A_205 : i32
    scf.if %cond3A_206 {
      %mul3A_207 = arith.constant 10000 : i32
      %mul3A_208 = arith.muli %arg0, %mul3A_207 : i32
      %add3A_209 = arith.constant 9984 : i32
      %add3A_210 = arith.addi %mul3A_208, %add3A_209 : i32
      %multiple_of3A_211 = tpu.assume_multiple %add3A_210, 8 : i32
      "tpu.region"() ({
        %run_scoped3A = tpu.sem_alloc : memref<!tpu.dma_semaphore, #tpu.memory_space<semaphore_mem>>
        %dma_start3A_212 = arith.constant 0 : i32
        %dma_start3A_213 = tpu.memref_slice %arg7[%multiple_of3A_211, %dma_start3A_212] : memref<20000x128xf32, #tpu.memory_space<hbm>> -> memref<16x128xf32, #tpu.memory_space<hbm>>
        %dma_start3A_214 = arith.constant 9984 : i32
        %dma_start3A_215 = arith.constant 0 : i32
        %dma_start3A_216 = tpu.memref_slice %arg21[%dma_start3A_214, %dma_start3A_215] : memref<10000x128xf32, #tpu.memory_space<vmem_shared>> -> memref<16x128xf32, #tpu.memory_space<vmem_shared>>
        tpu.enqueue_dma source(%dma_start3A_216 : memref<16x128xf32, #tpu.memory_space<vmem_shared>>) target(%dma_start3A_213 : memref<16x128xf32, #tpu.memory_space<hbm>>) target_semaphore(%run_scoped3A : memref<!tpu.dma_semaphore, #tpu.memory_space<semaphore_mem>>)
        %dma_wait3A_217 = arith.constant 0 : i32
        %dma_wait3A_218 = tpu.memref_slice %arg7[%multiple_of3A_211, %dma_wait3A_217] : memref<20000x128xf32, #tpu.memory_space<hbm>> -> memref<16x128xf32, #tpu.memory_space<hbm>>
        %dma_wait3A_219 = arith.constant 9984 : i32
        %dma_wait3A_220 = arith.constant 0 : i32
        %dma_wait3A_221 = tpu.memref_slice %arg21[%dma_wait3A_219, %dma_wait3A_220] : memref<10000x128xf32, #tpu.memory_space<vmem_shared>> -> memref<16x128xf32, #tpu.memory_space<vmem_shared>>
        tpu.wait_dma2 semaphore(%run_scoped3A : memref<!tpu.dma_semaphore, #tpu.memory_space<semaphore_mem>>) src(%dma_wait3A_221 : memref<16x128xf32, #tpu.memory_space<vmem_shared>>) dst(%dma_wait3A_218 : memref<16x128xf32, #tpu.memory_space<hbm>>)
        tpu.yield
      }) : () -> ()
    } else {
    }
    return
  }
}

#map = affine_map<(d0, d1) -> (0, 0)>
#map1 = affine_map<(d0, d1) -> (0, 0, 0, 0)>
#map2 = affine_map<(d0, d1) -> (0, 0, 0)>
module attributes {stable_mosaic.version = 14 : i64} {
  func.func @_scatter_rows(%arg0: i32, %arg1: i32, %arg2: memref<10000x128xf32, #tpu.memory_space<hbm>>, %arg3: memref<32x156x1x64xi32, #tpu.memory_space<hbm>>, %arg4: memref<32x156x1x64xi32, #tpu.memory_space<hbm>>, %arg5: memref<8x1x64xi32, #tpu.memory_space<hbm>>, %arg6: memref<8x1x64xi32, #tpu.memory_space<hbm>>, %arg7: memref<20000x128xf32, #tpu.memory_space<hbm>>, %arg8: memref<1x64xi32, #tpu.memory_space<vmem>>, %arg9: memref<1x64xi32, #tpu.memory_space<vmem>>, %arg10: memref<1x64xi32, #tpu.memory_space<vmem>>, %arg11: memref<1x64xi32, #tpu.memory_space<vmem>>, %arg12: memref<1x64xi32, #tpu.memory_space<vmem>>, %arg13: memref<1x64xi32, #tpu.memory_space<vmem>>, %arg14: memref<1x64xi32, #tpu.memory_space<vmem>>, %arg15: memref<1x64xi32, #tpu.memory_space<vmem>>, %arg16: memref<64x128xf32, #tpu.memory_space<vmem>>, %arg17: memref<64x128xf32, #tpu.memory_space<vmem>>, %arg18: memref<64x128xf32, #tpu.memory_space<vmem>>, %arg19: memref<64x128xf32, #tpu.memory_space<vmem>>, %arg20: memref<104x128xf32, #tpu.memory_space<vmem>>, %arg21: memref<10000x128xf32, #tpu.memory_space<vmem_shared>>, %arg22: memref<!tpu.dma_semaphore, #tpu.memory_space<semaphore_mem>>, %arg23: memref<!tpu.dma_semaphore, #tpu.memory_space<semaphore_mem>>, %arg24: memref<!tpu.dma_semaphore, #tpu.memory_space<semaphore_mem>>, %arg25: memref<!tpu.dma_semaphore, #tpu.memory_space<semaphore_mem>>, %arg26: memref<!tpu.dma_semaphore, #tpu.memory_space<semaphore_mem>>, %arg27: memref<!tpu.dma_semaphore, #tpu.memory_space<semaphore_mem>>, %arg28: memref<!tpu.dma_semaphore, #tpu.memory_space<semaphore_mem>>, %arg29: memref<!tpu.dma_semaphore, #tpu.memory_space<semaphore_mem>>, %arg30: memref<!tpu.dma_semaphore, #tpu.memory_space<semaphore_mem>>, %arg31: memref<!tpu.dma_semaphore, #tpu.memory_space<semaphore_mem>>, %arg32: memref<!tpu.dma_semaphore, #tpu.memory_space<semaphore_mem>>, %arg33: memref<!tpu.dma_semaphore, #tpu.memory_space<semaphore_mem>>, %arg34: memref<!tpu.dma_semaphore, #tpu.memory_space<semaphore_mem>>, %arg35: memref<!tpu.dma_semaphore, #tpu.memory_space<semaphore_mem>>, %arg36: memref<!tpu.dma_semaphore, #tpu.memory_space<semaphore_mem>>, %arg37: memref<!tpu.dma_semaphore, #tpu.memory_space<semaphore_mem>>) attributes {dimension_semantics = [#tpu.dimension_semantics<core_parallel>, #tpu.dimension_semantics<subcore_parallel>], iteration_bounds = array<i64: 2, 16>, scalar_prefetch = 0 : i64, scratch_operands = 30 : i64, tpu.core_type = #tpu.core_type<sc_vector_subcore>, window_params = [{transform_indices = #map}, {transform_indices = #map1}, {transform_indices = #map1}, {transform_indices = #map2}, {transform_indices = #map2}, {transform_indices = #map}]} {
    %mul3A = arith.constant 16 : i32
    %mul3A_0 = arith.muli %arg0, %mul3A : i32
    %add3A = arith.addi %mul3A_0, %arg1 : i32
    %mul3A_1 = arith.constant 624 : i32
    %mul3A_2 = arith.muli %arg1, %mul3A_1 : i32
    %multiple_of3A = tpu.assume_multiple %mul3A_2, 8 : i32
    %broadcast_in_dim3A = arith.constant 0.000000e+00 : f32
    %broadcast_in_dim3A_3 = vector.broadcast %broadcast_in_dim3A : f32 to vector<16xf32>
    %scan3A = arith.constant 0 : i32
    %scan3A_4 = arith.constant 0 : i32
    %scan3A_5 = arith.constant 104 : i32
    %scan3A_6 = arith.addi %scan3A_4, %scan3A_5 : i32
    %scan3A_7 = arith.constant 1 : i32
    scf.for %scan3A_207 = %scan3A_4 to %scan3A_6 step %scan3A_7  : i32 {
      %swap3A = arith.index_cast %scan3A_207 : i32 to index
      %swap3A_208 = arith.constant 0 : index
      %swap3A_209 = tpu.vector_load %arg20[%swap3A, %swap3A_208] {strides = array<i32>} : memref<104x128xf32, #tpu.memory_space<vmem>>, vector<1x16xf32>,
      %swap3A_210 = vector.shape_cast %swap3A_209 : vector<1x16xf32> to vector<16xf32>
      %swap3A_211 = vector.shape_cast %broadcast_in_dim3A_3 : vector<16xf32> to vector<1x16xf32>
      tpu.vector_store %arg20[%swap3A, %swap3A_208], %swap3A_211 {strides = array<i32>} : memref<104x128xf32, #tpu.memory_space<vmem>>, vector<1x16xf32>,
      %swap3A_212 = arith.index_cast %scan3A_207 : i32 to index
      %swap3A_213 = arith.constant 16 : index
      %swap3A_214 = tpu.vector_load %arg20[%swap3A_212, %swap3A_213] {strides = array<i32>} : memref<104x128xf32, #tpu.memory_space<vmem>>, vector<1x16xf32>,
      %swap3A_215 = vector.shape_cast %swap3A_214 : vector<1x16xf32> to vector<16xf32>
      %swap3A_216 = vector.shape_cast %broadcast_in_dim3A_3 : vector<16xf32> to vector<1x16xf32>
      tpu.vector_store %arg20[%swap3A_212, %swap3A_213], %swap3A_216 {strides = array<i32>} : memref<104x128xf32, #tpu.memory_space<vmem>>, vector<1x16xf32>,
      %swap3A_217 = arith.index_cast %scan3A_207 : i32 to index
      %swap3A_218 = arith.constant 32 : index
      %swap3A_219 = tpu.vector_load %arg20[%swap3A_217, %swap3A_218] {strides = array<i32>} : memref<104x128xf32, #tpu.memory_space<vmem>>, vector<1x16xf32>,
      %swap3A_220 = vector.shape_cast %swap3A_219 : vector<1x16xf32> to vector<16xf32>
      %swap3A_221 = vector.shape_cast %broadcast_in_dim3A_3 : vector<16xf32> to vector<1x16xf32>
      tpu.vector_store %arg20[%swap3A_217, %swap3A_218], %swap3A_221 {strides = array<i32>} : memref<104x128xf32, #tpu.memory_space<vmem>>, vector<1x16xf32>,
      %swap3A_222 = arith.index_cast %scan3A_207 : i32 to index
      %swap3A_223 = arith.constant 48 : index
      %swap3A_224 = tpu.vector_load %arg20[%swap3A_222, %swap3A_223] {strides = array<i32>} : memref<104x128xf32, #tpu.memory_space<vmem>>, vector<1x16xf32>,
      %swap3A_225 = vector.shape_cast %swap3A_224 : vector<1x16xf32> to vector<16xf32>
      %swap3A_226 = vector.shape_cast %broadcast_in_dim3A_3 : vector<16xf32> to vector<1x16xf32>
      tpu.vector_store %arg20[%swap3A_222, %swap3A_223], %swap3A_226 {strides = array<i32>} : memref<104x128xf32, #tpu.memory_space<vmem>>, vector<1x16xf32>,
      %swap3A_227 = arith.index_cast %scan3A_207 : i32 to index
      %swap3A_228 = arith.constant 64 : index
      %swap3A_229 = tpu.vector_load %arg20[%swap3A_227, %swap3A_228] {strides = array<i32>} : memref<104x128xf32, #tpu.memory_space<vmem>>, vector<1x16xf32>,
      %swap3A_230 = vector.shape_cast %swap3A_229 : vector<1x16xf32> to vector<16xf32>
      %swap3A_231 = vector.shape_cast %broadcast_in_dim3A_3 : vector<16xf32> to vector<1x16xf32>
      tpu.vector_store %arg20[%swap3A_227, %swap3A_228], %swap3A_231 {strides = array<i32>} : memref<104x128xf32, #tpu.memory_space<vmem>>, vector<1x16xf32>,
      %swap3A_232 = arith.index_cast %scan3A_207 : i32 to index
      %swap3A_233 = arith.constant 80 : index
      %swap3A_234 = tpu.vector_load %arg20[%swap3A_232, %swap3A_233] {strides = array<i32>} : memref<104x128xf32, #tpu.memory_space<vmem>>, vector<1x16xf32>,
      %swap3A_235 = vector.shape_cast %swap3A_234 : vector<1x16xf32> to vector<16xf32>
      %swap3A_236 = vector.shape_cast %broadcast_in_dim3A_3 : vector<16xf32> to vector<1x16xf32>
      tpu.vector_store %arg20[%swap3A_232, %swap3A_233], %swap3A_236 {strides = array<i32>} : memref<104x128xf32, #tpu.memory_space<vmem>>, vector<1x16xf32>,
      %swap3A_237 = arith.index_cast %scan3A_207 : i32 to index
      %swap3A_238 = arith.constant 96 : index
      %swap3A_239 = tpu.vector_load %arg20[%swap3A_237, %swap3A_238] {strides = array<i32>} : memref<104x128xf32, #tpu.memory_space<vmem>>, vector<1x16xf32>,
      %swap3A_240 = vector.shape_cast %swap3A_239 : vector<1x16xf32> to vector<16xf32>
      %swap3A_241 = vector.shape_cast %broadcast_in_dim3A_3 : vector<16xf32> to vector<1x16xf32>
      tpu.vector_store %arg20[%swap3A_237, %swap3A_238], %swap3A_241 {strides = array<i32>} : memref<104x128xf32, #tpu.memory_space<vmem>>, vector<1x16xf32>,
      %swap3A_242 = arith.index_cast %scan3A_207 : i32 to index
      %swap3A_243 = arith.constant 112 : index
      %swap3A_244 = tpu.vector_load %arg20[%swap3A_242, %swap3A_243] {strides = array<i32>} : memref<104x128xf32, #tpu.memory_space<vmem>>, vector<1x16xf32>,
      %swap3A_245 = vector.shape_cast %swap3A_244 : vector<1x16xf32> to vector<16xf32>
      %swap3A_246 = vector.shape_cast %broadcast_in_dim3A_3 : vector<16xf32> to vector<1x16xf32>
      tpu.vector_store %arg20[%swap3A_242, %swap3A_243], %swap3A_246 {strides = array<i32>} : memref<104x128xf32, #tpu.memory_space<vmem>>, vector<1x16xf32>,
    }
    %scan3A_8 = arith.constant 104 : i32
    %add3A_9 = arith.constant 0 : i32
    %add3A_10 = arith.addi %multiple_of3A, %add3A_9 : i32
    "tpu.region"() ({
      %run_scoped3A = tpu.sem_alloc : memref<!tpu.dma_semaphore, #tpu.memory_space<semaphore_mem>>
      %dma_start3A_207 = arith.constant 0 : i32
      %dma_start3A_208 = tpu.memref_slice %arg21[%add3A_10, %dma_start3A_207] : memref<10000x128xf32, #tpu.memory_space<vmem_shared>> -> memref<104x128xf32, #tpu.memory_space<vmem_shared>>
      %dma_start3A_209 = arith.constant 0 : i32
      %dma_start3A_210 = tpu.memref_slice %arg21[%add3A_10, %dma_start3A_209] : memref<10000x128xf32, #tpu.memory_space<vmem_shared>> -> memref<104x128xf32, #tpu.memory_space<vmem_shared>>
      tpu.enqueue_dma source(%arg20 : memref<104x128xf32, #tpu.memory_space<vmem>>) target(%dma_start3A_210 : memref<104x128xf32, #tpu.memory_space<vmem_shared>>) target_semaphore(%run_scoped3A : memref<!tpu.dma_semaphore, #tpu.memory_space<semaphore_mem>>)
      %dma_wait3A_211 = arith.constant 0 : i32
      %dma_wait3A_212 = tpu.memref_slice %arg21[%add3A_10, %dma_wait3A_211] : memref<10000x128xf32, #tpu.memory_space<vmem_shared>> -> memref<104x128xf32, #tpu.memory_space<vmem_shared>>
      %dma_wait3A_213 = arith.constant 0 : i32
      %dma_wait3A_214 = tpu.memref_slice %arg21[%add3A_10, %dma_wait3A_213] : memref<10000x128xf32, #tpu.memory_space<vmem_shared>> -> memref<104x128xf32, #tpu.memory_space<vmem_shared>>
      tpu.wait_dma2 semaphore(%run_scoped3A : memref<!tpu.dma_semaphore, #tpu.memory_space<semaphore_mem>>) src(%arg20 : memref<104x128xf32, #tpu.memory_space<vmem>>) dst(%dma_wait3A_214 : memref<104x128xf32, #tpu.memory_space<vmem_shared>>)
      tpu.yield
    }) : () -> ()
    %add3A_11 = arith.constant 104 : i32
    %add3A_12 = arith.addi %multiple_of3A, %add3A_11 : i32
    "tpu.region"() ({
      %run_scoped3A = tpu.sem_alloc : memref<!tpu.dma_semaphore, #tpu.memory_space<semaphore_mem>>
      %dma_start3A_207 = arith.constant 0 : i32
      %dma_start3A_208 = tpu.memref_slice %arg21[%add3A_12, %dma_start3A_207] : memref<10000x128xf32, #tpu.memory_space<vmem_shared>> -> memref<104x128xf32, #tpu.memory_space<vmem_shared>>
      %dma_start3A_209 = arith.constant 0 : i32
      %dma_start3A_210 = tpu.memref_slice %arg21[%add3A_12, %dma_start3A_209] : memref<10000x128xf32, #tpu.memory_space<vmem_shared>> -> memref<104x128xf32, #tpu.memory_space<vmem_shared>>
      tpu.enqueue_dma source(%arg20 : memref<104x128xf32, #tpu.memory_space<vmem>>) target(%dma_start3A_210 : memref<104x128xf32, #tpu.memory_space<vmem_shared>>) target_semaphore(%run_scoped3A : memref<!tpu.dma_semaphore, #tpu.memory_space<semaphore_mem>>)
      %dma_wait3A_211 = arith.constant 0 : i32
      %dma_wait3A_212 = tpu.memref_slice %arg21[%add3A_12, %dma_wait3A_211] : memref<10000x128xf32, #tpu.memory_space<vmem_shared>> -> memref<104x128xf32, #tpu.memory_space<vmem_shared>>
      %dma_wait3A_213 = arith.constant 0 : i32
      %dma_wait3A_214 = tpu.memref_slice %arg21[%add3A_12, %dma_wait3A_213] : memref<10000x128xf32, #tpu.memory_space<vmem_shared>> -> memref<104x128xf32, #tpu.memory_space<vmem_shared>>
      tpu.wait_dma2 semaphore(%run_scoped3A : memref<!tpu.dma_semaphore, #tpu.memory_space<semaphore_mem>>) src(%arg20 : memref<104x128xf32, #tpu.memory_space<vmem>>) dst(%dma_wait3A_214 : memref<104x128xf32, #tpu.memory_space<vmem_shared>>)
      tpu.yield
    }) : () -> ()
    %add3A_13 = arith.constant 208 : i32
    %add3A_14 = arith.addi %multiple_of3A, %add3A_13 : i32
    "tpu.region"() ({
      %run_scoped3A = tpu.sem_alloc : memref<!tpu.dma_semaphore, #tpu.memory_space<semaphore_mem>>
      %dma_start3A_207 = arith.constant 0 : i32
      %dma_start3A_208 = tpu.memref_slice %arg21[%add3A_14, %dma_start3A_207] : memref<10000x128xf32, #tpu.memory_space<vmem_shared>> -> memref<104x128xf32, #tpu.memory_space<vmem_shared>>
      %dma_start3A_209 = arith.constant 0 : i32
      %dma_start3A_210 = tpu.memref_slice %arg21[%add3A_14, %dma_start3A_209] : memref<10000x128xf32, #tpu.memory_space<vmem_shared>> -> memref<104x128xf32, #tpu.memory_space<vmem_shared>>
      tpu.enqueue_dma source(%arg20 : memref<104x128xf32, #tpu.memory_space<vmem>>) target(%dma_start3A_210 : memref<104x128xf32, #tpu.memory_space<vmem_shared>>) target_semaphore(%run_scoped3A : memref<!tpu.dma_semaphore, #tpu.memory_space<semaphore_mem>>)
      %dma_wait3A_211 = arith.constant 0 : i32
      %dma_wait3A_212 = tpu.memref_slice %arg21[%add3A_14, %dma_wait3A_211] : memref<10000x128xf32, #tpu.memory_space<vmem_shared>> -> memref<104x128xf32, #tpu.memory_space<vmem_shared>>
      %dma_wait3A_213 = arith.constant 0 : i32
      %dma_wait3A_214 = tpu.memref_slice %arg21[%add3A_14, %dma_wait3A_213] : memref<10000x128xf32, #tpu.memory_space<vmem_shared>> -> memref<104x128xf32, #tpu.memory_space<vmem_shared>>
      tpu.wait_dma2 semaphore(%run_scoped3A : memref<!tpu.dma_semaphore, #tpu.memory_space<semaphore_mem>>) src(%arg20 : memref<104x128xf32, #tpu.memory_space<vmem>>) dst(%dma_wait3A_214 : memref<104x128xf32, #tpu.memory_space<vmem_shared>>)
      tpu.yield
    }) : () -> ()
    %add3A_15 = arith.constant 312 : i32
    %add3A_16 = arith.addi %multiple_of3A, %add3A_15 : i32
    "tpu.region"() ({
      %run_scoped3A = tpu.sem_alloc : memref<!tpu.dma_semaphore, #tpu.memory_space<semaphore_mem>>
      %dma_start3A_207 = arith.constant 0 : i32
      %dma_start3A_208 = tpu.memref_slice %arg21[%add3A_16, %dma_start3A_207] : memref<10000x128xf32, #tpu.memory_space<vmem_shared>> -> memref<104x128xf32, #tpu.memory_space<vmem_shared>>
      %dma_start3A_209 = arith.constant 0 : i32
      %dma_start3A_210 = tpu.memref_slice %arg21[%add3A_16, %dma_start3A_209] : memref<10000x128xf32, #tpu.memory_space<vmem_shared>> -> memref<104x128xf32, #tpu.memory_space<vmem_shared>>
      tpu.enqueue_dma source(%arg20 : memref<104x128xf32, #tpu.memory_space<vmem>>) target(%dma_start3A_210 : memref<104x128xf32, #tpu.memory_space<vmem_shared>>) target_semaphore(%run_scoped3A : memref<!tpu.dma_semaphore, #tpu.memory_space<semaphore_mem>>)
      %dma_wait3A_211 = arith.constant 0 : i32
      %dma_wait3A_212 = tpu.memref_slice %arg21[%add3A_16, %dma_wait3A_211] : memref<10000x128xf32, #tpu.memory_space<vmem_shared>> -> memref<104x128xf32, #tpu.memory_space<vmem_shared>>
      %dma_wait3A_213 = arith.constant 0 : i32
      %dma_wait3A_214 = tpu.memref_slice %arg21[%add3A_16, %dma_wait3A_213] : memref<10000x128xf32, #tpu.memory_space<vmem_shared>> -> memref<104x128xf32, #tpu.memory_space<vmem_shared>>
      tpu.wait_dma2 semaphore(%run_scoped3A : memref<!tpu.dma_semaphore, #tpu.memory_space<semaphore_mem>>) src(%arg20 : memref<104x128xf32, #tpu.memory_space<vmem>>) dst(%dma_wait3A_214 : memref<104x128xf32, #tpu.memory_space<vmem_shared>>)
      tpu.yield
    }) : () -> ()
    %add3A_17 = arith.constant 416 : i32
    %add3A_18 = arith.addi %multiple_of3A, %add3A_17 : i32
    "tpu.region"() ({
      %run_scoped3A = tpu.sem_alloc : memref<!tpu.dma_semaphore, #tpu.memory_space<semaphore_mem>>
      %dma_start3A_207 = arith.constant 0 : i32
      %dma_start3A_208 = tpu.memref_slice %arg21[%add3A_18, %dma_start3A_207] : memref<10000x128xf32, #tpu.memory_space<vmem_shared>> -> memref<104x128xf32, #tpu.memory_space<vmem_shared>>
      %dma_start3A_209 = arith.constant 0 : i32
      %dma_start3A_210 = tpu.memref_slice %arg21[%add3A_18, %dma_start3A_209] : memref<10000x128xf32, #tpu.memory_space<vmem_shared>> -> memref<104x128xf32, #tpu.memory_space<vmem_shared>>
      tpu.enqueue_dma source(%arg20 : memref<104x128xf32, #tpu.memory_space<vmem>>) target(%dma_start3A_210 : memref<104x128xf32, #tpu.memory_space<vmem_shared>>) target_semaphore(%run_scoped3A : memref<!tpu.dma_semaphore, #tpu.memory_space<semaphore_mem>>)
      %dma_wait3A_211 = arith.constant 0 : i32
      %dma_wait3A_212 = tpu.memref_slice %arg21[%add3A_18, %dma_wait3A_211] : memref<10000x128xf32, #tpu.memory_space<vmem_shared>> -> memref<104x128xf32, #tpu.memory_space<vmem_shared>>
      %dma_wait3A_213 = arith.constant 0 : i32
      %dma_wait3A_214 = tpu.memref_slice %arg21[%add3A_18, %dma_wait3A_213] : memref<10000x128xf32, #tpu.memory_space<vmem_shared>> -> memref<104x128xf32, #tpu.memory_space<vmem_shared>>
      tpu.wait_dma2 semaphore(%run_scoped3A : memref<!tpu.dma_semaphore, #tpu.memory_space<semaphore_mem>>) src(%arg20 : memref<104x128xf32, #tpu.memory_space<vmem>>) dst(%dma_wait3A_214 : memref<104x128xf32, #tpu.memory_space<vmem_shared>>)
      tpu.yield
    }) : () -> ()
    %add3A_19 = arith.constant 520 : i32
    %add3A_20 = arith.addi %multiple_of3A, %add3A_19 : i32
    "tpu.region"() ({
      %run_scoped3A = tpu.sem_alloc : memref<!tpu.dma_semaphore, #tpu.memory_space<semaphore_mem>>
      %dma_start3A_207 = arith.constant 0 : i32
      %dma_start3A_208 = tpu.memref_slice %arg21[%add3A_20, %dma_start3A_207] : memref<10000x128xf32, #tpu.memory_space<vmem_shared>> -> memref<104x128xf32, #tpu.memory_space<vmem_shared>>
      %dma_start3A_209 = arith.constant 0 : i32
      %dma_start3A_210 = tpu.memref_slice %arg21[%add3A_20, %dma_start3A_209] : memref<10000x128xf32, #tpu.memory_space<vmem_shared>> -> memref<104x128xf32, #tpu.memory_space<vmem_shared>>
      tpu.enqueue_dma source(%arg20 : memref<104x128xf32, #tpu.memory_space<vmem>>) target(%dma_start3A_210 : memref<104x128xf32, #tpu.memory_space<vmem_shared>>) target_semaphore(%run_scoped3A : memref<!tpu.dma_semaphore, #tpu.memory_space<semaphore_mem>>)
      %dma_wait3A_211 = arith.constant 0 : i32
      %dma_wait3A_212 = tpu.memref_slice %arg21[%add3A_20, %dma_wait3A_211] : memref<10000x128xf32, #tpu.memory_space<vmem_shared>> -> memref<104x128xf32, #tpu.memory_space<vmem_shared>>
      %dma_wait3A_213 = arith.constant 0 : i32
      %dma_wait3A_214 = tpu.memref_slice %arg21[%add3A_20, %dma_wait3A_213] : memref<10000x128xf32, #tpu.memory_space<vmem_shared>> -> memref<104x128xf32, #tpu.memory_space<vmem_shared>>
      tpu.wait_dma2 semaphore(%run_scoped3A : memref<!tpu.dma_semaphore, #tpu.memory_space<semaphore_mem>>) src(%arg20 : memref<104x128xf32, #tpu.memory_space<vmem>>) dst(%dma_wait3A_214 : memref<104x128xf32, #tpu.memory_space<vmem_shared>>)
      tpu.yield
    }) : () -> ()
    %eq3A = arith.constant 0 : i32
    %eq3A_21 = arith.cmpi eq, %arg1, %eq3A : i32
    %convert_element_type3A = arith.extui %eq3A_21 : i1 to i32
    %cond3A = arith.constant 0 : i32
    %cond3A_22 = arith.cmpi ne, %convert_element_type3A, %cond3A : i32
    scf.if %cond3A_22 {
      "tpu.region"() ({
        %run_scoped3A = tpu.sem_alloc : memref<!tpu.dma_semaphore, #tpu.memory_space<semaphore_mem>>
        %dma_start3A_207 = arith.constant 0 : i32
        %dma_start3A_208 = arith.constant 0 : i32
        %dma_start3A_209 = tpu.memref_slice %arg20[%dma_start3A_207, %dma_start3A_208] : memref<104x128xf32, #tpu.memory_space<vmem>> -> memref<16x128xf32, #tpu.memory_space<vmem>>
        %dma_start3A_210 = arith.constant 9984 : i32
        %dma_start3A_211 = arith.constant 0 : i32
        %dma_start3A_212 = tpu.memref_slice %arg21[%dma_start3A_210, %dma_start3A_211] : memref<10000x128xf32, #tpu.memory_space<vmem_shared>> -> memref<16x128xf32, #tpu.memory_space<vmem_shared>>
        %dma_start3A_213 = arith.constant 9984 : i32
        %dma_start3A_214 = arith.constant 0 : i32
        %dma_start3A_215 = tpu.memref_slice %arg21[%dma_start3A_213, %dma_start3A_214] : memref<10000x128xf32, #tpu.memory_space<vmem_shared>> -> memref<16x128xf32, #tpu.memory_space<vmem_shared>>
        %dma_start3A_216 = arith.constant 0 : i32
        %dma_start3A_217 = arith.constant 0 : i32
        %dma_start3A_218 = tpu.memref_slice %arg20[%dma_start3A_216, %dma_start3A_217] : memref<104x128xf32, #tpu.memory_space<vmem>> -> memref<16x128xf32, #tpu.memory_space<vmem>>
        tpu.enqueue_dma source(%dma_start3A_218 : memref<16x128xf32, #tpu.memory_space<vmem>>) target(%dma_start3A_215 : memref<16x128xf32, #tpu.memory_space<vmem_shared>>) target_semaphore(%run_scoped3A : memref<!tpu.dma_semaphore, #tpu.memory_space<semaphore_mem>>)
        %dma_wait3A_219 = arith.constant 0 : i32
        %dma_wait3A_220 = arith.constant 0 : i32
        %dma_wait3A_221 = tpu.memref_slice %arg20[%dma_wait3A_219, %dma_wait3A_220] : memref<104x128xf32, #tpu.memory_space<vmem>> -> memref<16x128xf32, #tpu.memory_space<vmem>>
        %dma_wait3A_222 = arith.constant 9984 : i32
        %dma_wait3A_223 = arith.constant 0 : i32
        %dma_wait3A_224 = tpu.memref_slice %arg21[%dma_wait3A_222, %dma_wait3A_223] : memref<10000x128xf32, #tpu.memory_space<vmem_shared>> -> memref<16x128xf32, #tpu.memory_space<vmem_shared>>
        %dma_wait3A_225 = arith.constant 9984 : i32
        %dma_wait3A_226 = arith.constant 0 : i32
        %dma_wait3A_227 = tpu.memref_slice %arg21[%dma_wait3A_225, %dma_wait3A_226] : memref<10000x128xf32, #tpu.memory_space<vmem_shared>> -> memref<16x128xf32, #tpu.memory_space<vmem_shared>>
        %dma_wait3A_228 = arith.constant 0 : i32
        %dma_wait3A_229 = arith.constant 0 : i32
        %dma_wait3A_230 = tpu.memref_slice %arg20[%dma_wait3A_228, %dma_wait3A_229] : memref<104x128xf32, #tpu.memory_space<vmem>> -> memref<16x128xf32, #tpu.memory_space<vmem>>
        tpu.wait_dma2 semaphore(%run_scoped3A : memref<!tpu.dma_semaphore, #tpu.memory_space<semaphore_mem>>) src(%dma_wait3A_230 : memref<16x128xf32, #tpu.memory_space<vmem>>) dst(%dma_wait3A_227 : memref<16x128xf32, #tpu.memory_space<vmem_shared>>)
        tpu.yield
      }) : () -> ()
    } else {
    }
    %barrier3A = arith.constant 0 : index
    tpu.barrier barrier_id(%barrier3A)
    %dma_start3A = arith.constant 0 : i32
    %dma_start3A_23 = arith.constant 0 : i32
    %dma_start3A_24 = arith.constant 0 : i32
    %dma_start3A_25 = tpu.memref_slice %arg3[%add3A, %dma_start3A, %dma_start3A_23, %dma_start3A_24] : memref<32x156x1x64xi32, #tpu.memory_space<hbm>> -> memref<1x1x1x64xi32, #tpu.memory_space<hbm>>
    %dma_start3A_26 = tpu.memref_squeeze %dma_start3A_25 : memref<1x1x1x64xi32, #tpu.memory_space<hbm>> -> memref<1x64xi32, #tpu.memory_space<hbm>>
    %dma_start3A_27 = arith.constant 0 : i32
    %dma_start3A_28 = arith.constant 0 : i32
    %dma_start3A_29 = tpu.memref_slice %arg3[%add3A, %dma_start3A, %dma_start3A_27, %dma_start3A_28] : memref<32x156x1x64xi32, #tpu.memory_space<hbm>> -> memref<1x1x1x64xi32, #tpu.memory_space<hbm>>
    %dma_start3A_30 = tpu.memref_squeeze %dma_start3A_29 : memref<1x1x1x64xi32, #tpu.memory_space<hbm>> -> memref<1x64xi32, #tpu.memory_space<hbm>>
    tpu.enqueue_dma source(%dma_start3A_30 : memref<1x64xi32, #tpu.memory_space<hbm>>) target(%arg8 : memref<1x64xi32, #tpu.memory_space<vmem>>) target_semaphore(%arg30 : memref<!tpu.dma_semaphore, #tpu.memory_space<semaphore_mem>>)
    %dma_start3A_31 = arith.constant 0 : i32
    %dma_start3A_32 = arith.constant 0 : i32
    %dma_start3A_33 = arith.constant 0 : i32
    %dma_start3A_34 = tpu.memref_slice %arg4[%add3A, %dma_start3A_31, %dma_start3A_32, %dma_start3A_33] : memref<32x156x1x64xi32, #tpu.memory_space<hbm>> -> memref<1x1x1x64xi32, #tpu.memory_space<hbm>>
    %dma_start3A_35 = tpu.memref_squeeze %dma_start3A_34 : memref<1x1x1x64xi32, #tpu.memory_space<hbm>> -> memref<1x64xi32, #tpu.memory_space<hbm>>
    %dma_start3A_36 = arith.constant 0 : i32
    %dma_start3A_37 = arith.constant 0 : i32
    %dma_start3A_38 = tpu.memref_slice %arg4[%add3A, %dma_start3A_31, %dma_start3A_36, %dma_start3A_37] : memref<32x156x1x64xi32, #tpu.memory_space<hbm>> -> memref<1x1x1x64xi32, #tpu.memory_space<hbm>>
    %dma_start3A_39 = tpu.memref_squeeze %dma_start3A_38 : memref<1x1x1x64xi32, #tpu.memory_space<hbm>> -> memref<1x64xi32, #tpu.memory_space<hbm>>
    tpu.enqueue_dma source(%dma_start3A_39 : memref<1x64xi32, #tpu.memory_space<hbm>>) target(%arg12 : memref<1x64xi32, #tpu.memory_space<vmem>>) target_semaphore(%arg34 : memref<!tpu.dma_semaphore, #tpu.memory_space<semaphore_mem>>)
    %dma_start3A_40 = arith.constant 1 : i32
    %dma_start3A_41 = arith.constant 0 : i32
    %dma_start3A_42 = arith.constant 0 : i32
    %dma_start3A_43 = tpu.memref_slice %arg3[%add3A, %dma_start3A_40, %dma_start3A_41, %dma_start3A_42] : memref<32x156x1x64xi32, #tpu.memory_space<hbm>> -> memref<1x1x1x64xi32, #tpu.memory_space<hbm>>
    %dma_start3A_44 = tpu.memref_squeeze %dma_start3A_43 : memref<1x1x1x64xi32, #tpu.memory_space<hbm>> -> memref<1x64xi32, #tpu.memory_space<hbm>>
    %dma_start3A_45 = arith.constant 0 : i32
    %dma_start3A_46 = arith.constant 0 : i32
    %dma_start3A_47 = tpu.memref_slice %arg3[%add3A, %dma_start3A_40, %dma_start3A_45, %dma_start3A_46] : memref<32x156x1x64xi32, #tpu.memory_space<hbm>> -> memref<1x1x1x64xi32, #tpu.memory_space<hbm>>
    %dma_start3A_48 = tpu.memref_squeeze %dma_start3A_47 : memref<1x1x1x64xi32, #tpu.memory_space<hbm>> -> memref<1x64xi32, #tpu.memory_space<hbm>>
    tpu.enqueue_dma source(%dma_start3A_48 : memref<1x64xi32, #tpu.memory_space<hbm>>) target(%arg9 : memref<1x64xi32, #tpu.memory_space<vmem>>) target_semaphore(%arg31 : memref<!tpu.dma_semaphore, #tpu.memory_space<semaphore_mem>>)
    %dma_start3A_49 = arith.constant 1 : i32
    %dma_start3A_50 = arith.constant 0 : i32
    %dma_start3A_51 = arith.constant 0 : i32
    %dma_start3A_52 = tpu.memref_slice %arg4[%add3A, %dma_start3A_49, %dma_start3A_50, %dma_start3A_51] : memref<32x156x1x64xi32, #tpu.memory_space<hbm>> -> memref<1x1x1x64xi32, #tpu.memory_space<hbm>>
    %dma_start3A_53 = tpu.memref_squeeze %dma_start3A_52 : memref<1x1x1x64xi32, #tpu.memory_space<hbm>> -> memref<1x64xi32, #tpu.memory_space<hbm>>
    %dma_start3A_54 = arith.constant 0 : i32
    %dma_start3A_55 = arith.constant 0 : i32
    %dma_start3A_56 = tpu.memref_slice %arg4[%add3A, %dma_start3A_49, %dma_start3A_54, %dma_start3A_55] : memref<32x156x1x64xi32, #tpu.memory_space<hbm>> -> memref<1x1x1x64xi32, #tpu.memory_space<hbm>>
    %dma_start3A_57 = tpu.memref_squeeze %dma_start3A_56 : memref<1x1x1x64xi32, #tpu.memory_space<hbm>> -> memref<1x64xi32, #tpu.memory_space<hbm>>
    tpu.enqueue_dma source(%dma_start3A_57 : memref<1x64xi32, #tpu.memory_space<hbm>>) target(%arg13 : memref<1x64xi32, #tpu.memory_space<vmem>>) target_semaphore(%arg35 : memref<!tpu.dma_semaphore, #tpu.memory_space<semaphore_mem>>)
    %dma_start3A_58 = arith.constant 2 : i32
    %dma_start3A_59 = arith.constant 0 : i32
    %dma_start3A_60 = arith.constant 0 : i32
    %dma_start3A_61 = tpu.memref_slice %arg3[%add3A, %dma_start3A_58, %dma_start3A_59, %dma_start3A_60] : memref<32x156x1x64xi32, #tpu.memory_space<hbm>> -> memref<1x1x1x64xi32, #tpu.memory_space<hbm>>
    %dma_start3A_62 = tpu.memref_squeeze %dma_start3A_61 : memref<1x1x1x64xi32, #tpu.memory_space<hbm>> -> memref<1x64xi32, #tpu.memory_space<hbm>>
    %dma_start3A_63 = arith.constant 0 : i32
    %dma_start3A_64 = arith.constant 0 : i32
    %dma_start3A_65 = tpu.memref_slice %arg3[%add3A, %dma_start3A_58, %dma_start3A_63, %dma_start3A_64] : memref<32x156x1x64xi32, #tpu.memory_space<hbm>> -> memref<1x1x1x64xi32, #tpu.memory_space<hbm>>
    %dma_start3A_66 = tpu.memref_squeeze %dma_start3A_65 : memref<1x1x1x64xi32, #tpu.memory_space<hbm>> -> memref<1x64xi32, #tpu.memory_space<hbm>>
    tpu.enqueue_dma source(%dma_start3A_66 : memref<1x64xi32, #tpu.memory_space<hbm>>) target(%arg10 : memref<1x64xi32, #tpu.memory_space<vmem>>) target_semaphore(%arg32 : memref<!tpu.dma_semaphore, #tpu.memory_space<semaphore_mem>>)
    %dma_start3A_67 = arith.constant 2 : i32
    %dma_start3A_68 = arith.constant 0 : i32
    %dma_start3A_69 = arith.constant 0 : i32
    %dma_start3A_70 = tpu.memref_slice %arg4[%add3A, %dma_start3A_67, %dma_start3A_68, %dma_start3A_69] : memref<32x156x1x64xi32, #tpu.memory_space<hbm>> -> memref<1x1x1x64xi32, #tpu.memory_space<hbm>>
    %dma_start3A_71 = tpu.memref_squeeze %dma_start3A_70 : memref<1x1x1x64xi32, #tpu.memory_space<hbm>> -> memref<1x64xi32, #tpu.memory_space<hbm>>
    %dma_start3A_72 = arith.constant 0 : i32
    %dma_start3A_73 = arith.constant 0 : i32
    %dma_start3A_74 = tpu.memref_slice %arg4[%add3A, %dma_start3A_67, %dma_start3A_72, %dma_start3A_73] : memref<32x156x1x64xi32, #tpu.memory_space<hbm>> -> memref<1x1x1x64xi32, #tpu.memory_space<hbm>>
    %dma_start3A_75 = tpu.memref_squeeze %dma_start3A_74 : memref<1x1x1x64xi32, #tpu.memory_space<hbm>> -> memref<1x64xi32, #tpu.memory_space<hbm>>
    tpu.enqueue_dma source(%dma_start3A_75 : memref<1x64xi32, #tpu.memory_space<hbm>>) target(%arg14 : memref<1x64xi32, #tpu.memory_space<vmem>>) target_semaphore(%arg36 : memref<!tpu.dma_semaphore, #tpu.memory_space<semaphore_mem>>)
    %dma_start3A_76 = arith.constant 3 : i32
    %dma_start3A_77 = arith.constant 0 : i32
    %dma_start3A_78 = arith.constant 0 : i32
    %dma_start3A_79 = tpu.memref_slice %arg3[%add3A, %dma_start3A_76, %dma_start3A_77, %dma_start3A_78] : memref<32x156x1x64xi32, #tpu.memory_space<hbm>> -> memref<1x1x1x64xi32, #tpu.memory_space<hbm>>
    %dma_start3A_80 = tpu.memref_squeeze %dma_start3A_79 : memref<1x1x1x64xi32, #tpu.memory_space<hbm>> -> memref<1x64xi32, #tpu.memory_space<hbm>>
    %dma_start3A_81 = arith.constant 0 : i32
    %dma_start3A_82 = arith.constant 0 : i32
    %dma_start3A_83 = tpu.memref_slice %arg3[%add3A, %dma_start3A_76, %dma_start3A_81, %dma_start3A_82] : memref<32x156x1x64xi32, #tpu.memory_space<hbm>> -> memref<1x1x1x64xi32, #tpu.memory_space<hbm>>
    %dma_start3A_84 = tpu.memref_squeeze %dma_start3A_83 : memref<1x1x1x64xi32, #tpu.memory_space<hbm>> -> memref<1x64xi32, #tpu.memory_space<hbm>>
    tpu.enqueue_dma source(%dma_start3A_84 : memref<1x64xi32, #tpu.memory_space<hbm>>) target(%arg11 : memref<1x64xi32, #tpu.memory_space<vmem>>) target_semaphore(%arg33 : memref<!tpu.dma_semaphore, #tpu.memory_space<semaphore_mem>>)
    %dma_start3A_85 = arith.constant 3 : i32
    %dma_start3A_86 = arith.constant 0 : i32
    %dma_start3A_87 = arith.constant 0 : i32
    %dma_start3A_88 = tpu.memref_slice %arg4[%add3A, %dma_start3A_85, %dma_start3A_86, %dma_start3A_87] : memref<32x156x1x64xi32, #tpu.memory_space<hbm>> -> memref<1x1x1x64xi32, #tpu.memory_space<hbm>>
    %dma_start3A_89 = tpu.memref_squeeze %dma_start3A_88 : memref<1x1x1x64xi32, #tpu.memory_space<hbm>> -> memref<1x64xi32, #tpu.memory_space<hbm>>
    %dma_start3A_90 = arith.constant 0 : i32
    %dma_start3A_91 = arith.constant 0 : i32
    %dma_start3A_92 = tpu.memref_slice %arg4[%add3A, %dma_start3A_85, %dma_start3A_90, %dma_start3A_91] : memref<32x156x1x64xi32, #tpu.memory_space<hbm>> -> memref<1x1x1x64xi32, #tpu.memory_space<hbm>>
    %dma_start3A_93 = tpu.memref_squeeze %dma_start3A_92 : memref<1x1x1x64xi32, #tpu.memory_space<hbm>> -> memref<1x64xi32, #tpu.memory_space<hbm>>
    tpu.enqueue_dma source(%dma_start3A_93 : memref<1x64xi32, #tpu.memory_space<hbm>>) target(%arg15 : memref<1x64xi32, #tpu.memory_space<vmem>>) target_semaphore(%arg37 : memref<!tpu.dma_semaphore, #tpu.memory_space<semaphore_mem>>)
    %dma_wait3A = arith.constant 0 : i32
    %dma_wait3A_94 = arith.constant 0 : i32
    %dma_wait3A_95 = arith.constant 0 : i32
    %dma_wait3A_96 = tpu.memref_slice %arg3[%add3A, %dma_wait3A, %dma_wait3A_94, %dma_wait3A_95] : memref<32x156x1x64xi32, #tpu.memory_space<hbm>> -> memref<1x1x1x64xi32, #tpu.memory_space<hbm>>
    %dma_wait3A_97 = tpu.memref_squeeze %dma_wait3A_96 : memref<1x1x1x64xi32, #tpu.memory_space<hbm>> -> memref<1x64xi32, #tpu.memory_space<hbm>>
    %dma_wait3A_98 = arith.constant 0 : i32
    %dma_wait3A_99 = arith.constant 0 : i32
    %dma_wait3A_100 = tpu.memref_slice %arg3[%add3A, %dma_wait3A, %dma_wait3A_98, %dma_wait3A_99] : memref<32x156x1x64xi32, #tpu.memory_space<hbm>> -> memref<1x1x1x64xi32, #tpu.memory_space<hbm>>
    %dma_wait3A_101 = tpu.memref_squeeze %dma_wait3A_100 : memref<1x1x1x64xi32, #tpu.memory_space<hbm>> -> memref<1x64xi32, #tpu.memory_space<hbm>>
    tpu.wait_dma2 semaphore(%arg30 : memref<!tpu.dma_semaphore, #tpu.memory_space<semaphore_mem>>) src(%dma_wait3A_101 : memref<1x64xi32, #tpu.memory_space<hbm>>) dst(%arg8 : memref<1x64xi32, #tpu.memory_space<vmem>>)
    %dma_start3A_102 = arith.constant 0 : i32
    %dma_start3A_103 = arith.constant 0 : i32
    %dma_start3A_104 = tpu.memref_slice %arg8[%dma_start3A_102, %dma_start3A_103] : memref<1x64xi32, #tpu.memory_space<vmem>> -> memref<1x64xi32, #tpu.memory_space<vmem>>
    %dma_start3A_105 = tpu.memref_squeeze %dma_start3A_104 : memref<1x64xi32, #tpu.memory_space<vmem>> -> memref<64xi32, #tpu.memory_space<vmem>>
    %dma_start3A_106 = arith.constant 0 : i32
    %dma_start3A_107 = arith.constant 0 : i32
    %dma_start3A_108 = tpu.memref_slice %arg2[%dma_start3A_106, %dma_start3A_107] : memref<10000x128xf32, #tpu.memory_space<hbm>> -> memref<10000x128xf32, #tpu.memory_space<hbm>>
    tpu.enqueue_indirect_dma source(%dma_start3A_108 : memref<10000x128xf32, #tpu.memory_space<hbm>>) target(%arg16 : memref<64x128xf32, #tpu.memory_space<vmem>>) offsets(%dma_start3A_105 : memref<64xi32, #tpu.memory_space<vmem>>) semaphore(%arg22 : memref<!tpu.dma_semaphore, #tpu.memory_space<semaphore_mem>>)
    %dma_wait3A_109 = arith.constant 0 : i32
    %dma_wait3A_110 = arith.constant 0 : i32
    %dma_wait3A_111 = arith.constant 0 : i32
    %dma_wait3A_112 = tpu.memref_slice %arg3[%add3A, %dma_wait3A_109, %dma_wait3A_110, %dma_wait3A_111] : memref<32x156x1x64xi32, #tpu.memory_space<hbm>> -> memref<1x1x1x64xi32, #tpu.memory_space<hbm>>
    %dma_wait3A_113 = tpu.memref_squeeze %dma_wait3A_112 : memref<1x1x1x64xi32, #tpu.memory_space<hbm>> -> memref<1x64xi32, #tpu.memory_space<hbm>>
    %dma_wait3A_114 = arith.constant 0 : i32
    %dma_wait3A_115 = arith.constant 0 : i32
    %dma_wait3A_116 = tpu.memref_slice %arg3[%add3A, %dma_wait3A_109, %dma_wait3A_114, %dma_wait3A_115] : memref<32x156x1x64xi32, #tpu.memory_space<hbm>> -> memref<1x1x1x64xi32, #tpu.memory_space<hbm>>
    %dma_wait3A_117 = tpu.memref_squeeze %dma_wait3A_116 : memref<1x1x1x64xi32, #tpu.memory_space<hbm>> -> memref<1x64xi32, #tpu.memory_space<hbm>>
    tpu.wait_dma2 semaphore(%arg31 : memref<!tpu.dma_semaphore, #tpu.memory_space<semaphore_mem>>) src(%dma_wait3A_117 : memref<1x64xi32, #tpu.memory_space<hbm>>) dst(%arg9 : memref<1x64xi32, #tpu.memory_space<vmem>>)
    %dma_start3A_118 = arith.constant 0 : i32
    %dma_start3A_119 = arith.constant 0 : i32
    %dma_start3A_120 = tpu.memref_slice %arg9[%dma_start3A_118, %dma_start3A_119] : memref<1x64xi32, #tpu.memory_space<vmem>> -> memref<1x64xi32, #tpu.memory_space<vmem>>
    %dma_start3A_121 = tpu.memref_squeeze %dma_start3A_120 : memref<1x64xi32, #tpu.memory_space<vmem>> -> memref<64xi32, #tpu.memory_space<vmem>>
    %dma_start3A_122 = arith.constant 0 : i32
    %dma_start3A_123 = arith.constant 0 : i32
    %dma_start3A_124 = tpu.memref_slice %arg2[%dma_start3A_122, %dma_start3A_123] : memref<10000x128xf32, #tpu.memory_space<hbm>> -> memref<10000x128xf32, #tpu.memory_space<hbm>>
    tpu.enqueue_indirect_dma source(%dma_start3A_124 : memref<10000x128xf32, #tpu.memory_space<hbm>>) target(%arg17 : memref<64x128xf32, #tpu.memory_space<vmem>>) offsets(%dma_start3A_121 : memref<64xi32, #tpu.memory_space<vmem>>) semaphore(%arg23 : memref<!tpu.dma_semaphore, #tpu.memory_space<semaphore_mem>>)
    %dma_wait3A_125 = arith.constant 0 : i32
    %dma_wait3A_126 = arith.constant 0 : i32
    %dma_wait3A_127 = arith.constant 0 : i32
    %dma_wait3A_128 = tpu.memref_slice %arg3[%add3A, %dma_wait3A_125, %dma_wait3A_126, %dma_wait3A_127] : memref<32x156x1x64xi32, #tpu.memory_space<hbm>> -> memref<1x1x1x64xi32, #tpu.memory_space<hbm>>
    %dma_wait3A_129 = tpu.memref_squeeze %dma_wait3A_128 : memref<1x1x1x64xi32, #tpu.memory_space<hbm>> -> memref<1x64xi32, #tpu.memory_space<hbm>>
    %dma_wait3A_130 = arith.constant 0 : i32
    %dma_wait3A_131 = arith.constant 0 : i32
    %dma_wait3A_132 = tpu.memref_slice %arg3[%add3A, %dma_wait3A_125, %dma_wait3A_130, %dma_wait3A_131] : memref<32x156x1x64xi32, #tpu.memory_space<hbm>> -> memref<1x1x1x64xi32, #tpu.memory_space<hbm>>
    %dma_wait3A_133 = tpu.memref_squeeze %dma_wait3A_132 : memref<1x1x1x64xi32, #tpu.memory_space<hbm>> -> memref<1x64xi32, #tpu.memory_space<hbm>>
    tpu.wait_dma2 semaphore(%arg32 : memref<!tpu.dma_semaphore, #tpu.memory_space<semaphore_mem>>) src(%dma_wait3A_133 : memref<1x64xi32, #tpu.memory_space<hbm>>) dst(%arg10 : memref<1x64xi32, #tpu.memory_space<vmem>>)
    %dma_start3A_134 = arith.constant 0 : i32
    %dma_start3A_135 = arith.constant 0 : i32
    %dma_start3A_136 = tpu.memref_slice %arg10[%dma_start3A_134, %dma_start3A_135] : memref<1x64xi32, #tpu.memory_space<vmem>> -> memref<1x64xi32, #tpu.memory_space<vmem>>
    %dma_start3A_137 = tpu.memref_squeeze %dma_start3A_136 : memref<1x64xi32, #tpu.memory_space<vmem>> -> memref<64xi32, #tpu.memory_space<vmem>>
    %dma_start3A_138 = arith.constant 0 : i32
    %dma_start3A_139 = arith.constant 0 : i32
    %dma_start3A_140 = tpu.memref_slice %arg2[%dma_start3A_138, %dma_start3A_139] : memref<10000x128xf32, #tpu.memory_space<hbm>> -> memref<10000x128xf32, #tpu.memory_space<hbm>>
    tpu.enqueue_indirect_dma source(%dma_start3A_140 : memref<10000x128xf32, #tpu.memory_space<hbm>>) target(%arg18 : memref<64x128xf32, #tpu.memory_space<vmem>>) offsets(%dma_start3A_137 : memref<64xi32, #tpu.memory_space<vmem>>) semaphore(%arg24 : memref<!tpu.dma_semaphore, #tpu.memory_space<semaphore_mem>>)
    %dma_wait3A_141 = arith.constant 0 : i32
    %dma_wait3A_142 = arith.constant 0 : i32
    %dma_wait3A_143 = arith.constant 0 : i32
    %dma_wait3A_144 = tpu.memref_slice %arg3[%add3A, %dma_wait3A_141, %dma_wait3A_142, %dma_wait3A_143] : memref<32x156x1x64xi32, #tpu.memory_space<hbm>> -> memref<1x1x1x64xi32, #tpu.memory_space<hbm>>
    %dma_wait3A_145 = tpu.memref_squeeze %dma_wait3A_144 : memref<1x1x1x64xi32, #tpu.memory_space<hbm>> -> memref<1x64xi32, #tpu.memory_space<hbm>>
    %dma_wait3A_146 = arith.constant 0 : i32
    %dma_wait3A_147 = arith.constant 0 : i32
    %dma_wait3A_148 = tpu.memref_slice %arg3[%add3A, %dma_wait3A_141, %dma_wait3A_146, %dma_wait3A_147] : memref<32x156x1x64xi32, #tpu.memory_space<hbm>> -> memref<1x1x1x64xi32, #tpu.memory_space<hbm>>
    %dma_wait3A_149 = tpu.memref_squeeze %dma_wait3A_148 : memref<1x1x1x64xi32, #tpu.memory_space<hbm>> -> memref<1x64xi32, #tpu.memory_space<hbm>>
    tpu.wait_dma2 semaphore(%arg33 : memref<!tpu.dma_semaphore, #tpu.memory_space<semaphore_mem>>) src(%dma_wait3A_149 : memref<1x64xi32, #tpu.memory_space<hbm>>) dst(%arg11 : memref<1x64xi32, #tpu.memory_space<vmem>>)
    %dma_start3A_150 = arith.constant 0 : i32
    %dma_start3A_151 = arith.constant 0 : i32
    %dma_start3A_152 = tpu.memref_slice %arg11[%dma_start3A_150, %dma_start3A_151] : memref<1x64xi32, #tpu.memory_space<vmem>> -> memref<1x64xi32, #tpu.memory_space<vmem>>
    %dma_start3A_153 = tpu.memref_squeeze %dma_start3A_152 : memref<1x64xi32, #tpu.memory_space<vmem>> -> memref<64xi32, #tpu.memory_space<vmem>>
    %dma_start3A_154 = arith.constant 0 : i32
    %dma_start3A_155 = arith.constant 0 : i32
    %dma_start3A_156 = tpu.memref_slice %arg2[%dma_start3A_154, %dma_start3A_155] : memref<10000x128xf32, #tpu.memory_space<hbm>> -> memref<10000x128xf32, #tpu.memory_space<hbm>>
    tpu.enqueue_indirect_dma source(%dma_start3A_156 : memref<10000x128xf32, #tpu.memory_space<hbm>>) target(%arg19 : memref<64x128xf32, #tpu.memory_space<vmem>>) offsets(%dma_start3A_153 : memref<64xi32, #tpu.memory_space<vmem>>) semaphore(%arg25 : memref<!tpu.dma_semaphore, #tpu.memory_space<semaphore_mem>>)
    %scan3A_157 = arith.constant 0 : i32
    %scan3A_158 = arith.constant 0 : i32
    %scan3A_159 = arith.constant 39 : i32
    %scan3A_160 = arith.addi %scan3A_158, %scan3A_159 : i32
    %scan3A_161 = arith.constant 1 : i32
    scf.for %scan3A_207 = %scan3A_158 to %scan3A_160 step %scan3A_161  : i32 {
      %mul3A_208 = arith.constant 4 : i32
      %mul3A_209 = arith.muli %scan3A_207, %mul3A_208 : i32
      %dma_wait3A_210 = arith.constant 0 : i32
      %dma_wait3A_211 = arith.constant 0 : i32
      %dma_wait3A_212 = tpu.memref_slice %arg8[%dma_wait3A_210, %dma_wait3A_211] : memref<1x64xi32, #tpu.memory_space<vmem>> -> memref<1x64xi32, #tpu.memory_space<vmem>>
      %dma_wait3A_213 = tpu.memref_squeeze %dma_wait3A_212 : memref<1x64xi32, #tpu.memory_space<vmem>> -> memref<64xi32, #tpu.memory_space<vmem>>
      %dma_wait3A_214 = arith.constant 0 : i32
      %dma_wait3A_215 = arith.constant 0 : i32
      %dma_wait3A_216 = tpu.memref_slice %arg2[%dma_wait3A_214, %dma_wait3A_215] : memref<10000x128xf32, #tpu.memory_space<hbm>> -> memref<10000x128xf32, #tpu.memory_space<hbm>>
      tpu.wait_indirect_dma semaphore(%arg22 : memref<!tpu.dma_semaphore, #tpu.memory_space<semaphore_mem>>) src(%dma_wait3A_216 : memref<10000x128xf32, #tpu.memory_space<hbm>>) dst(%arg16 : memref<64x128xf32, #tpu.memory_space<vmem>>)
      %dma_wait3A_217 = arith.constant 0 : i32
      %dma_wait3A_218 = arith.constant 0 : i32
      %dma_wait3A_219 = arith.constant 0 : i32
      %dma_wait3A_220 = tpu.memref_slice %arg4[%add3A, %dma_wait3A_217, %dma_wait3A_218, %dma_wait3A_219] : memref<32x156x1x64xi32, #tpu.memory_space<hbm>> -> memref<1x1x1x64xi32, #tpu.memory_space<hbm>>
      %dma_wait3A_221 = tpu.memref_squeeze %dma_wait3A_220 : memref<1x1x1x64xi32, #tpu.memory_space<hbm>> -> memref<1x64xi32, #tpu.memory_space<hbm>>
      %dma_wait3A_222 = arith.constant 0 : i32
      %dma_wait3A_223 = arith.constant 0 : i32
      %dma_wait3A_224 = tpu.memref_slice %arg4[%add3A, %dma_wait3A_217, %dma_wait3A_222, %dma_wait3A_223] : memref<32x156x1x64xi32, #tpu.memory_space<hbm>> -> memref<1x1x1x64xi32, #tpu.memory_space<hbm>>
      %dma_wait3A_225 = tpu.memref_squeeze %dma_wait3A_224 : memref<1x1x1x64xi32, #tpu.memory_space<hbm>> -> memref<1x64xi32, #tpu.memory_space<hbm>>
      tpu.wait_dma2 semaphore(%arg34 : memref<!tpu.dma_semaphore, #tpu.memory_space<semaphore_mem>>) src(%dma_wait3A_225 : memref<1x64xi32, #tpu.memory_space<hbm>>) dst(%arg12 : memref<1x64xi32, #tpu.memory_space<vmem>>)
      %dma_start3A_226 = arith.constant 0 : i32
      %dma_start3A_227 = arith.constant 0 : i32
      %dma_start3A_228 = tpu.memref_slice %arg12[%dma_start3A_226, %dma_start3A_227] : memref<1x64xi32, #tpu.memory_space<vmem>> -> memref<1x64xi32, #tpu.memory_space<vmem>>
      %dma_start3A_229 = tpu.memref_squeeze %dma_start3A_228 : memref<1x64xi32, #tpu.memory_space<vmem>> -> memref<64xi32, #tpu.memory_space<vmem>>
      %dma_start3A_230 = arith.constant 0 : i32
      %dma_start3A_231 = arith.constant 0 : i32
      %dma_start3A_232 = tpu.memref_slice %arg21[%dma_start3A_230, %dma_start3A_231] : memref<10000x128xf32, #tpu.memory_space<vmem_shared>> -> memref<10000x128xf32, #tpu.memory_space<vmem_shared>>
      tpu.enqueue_indirect_dma source(%arg16 : memref<64x128xf32, #tpu.memory_space<vmem>>) target(%dma_start3A_232 : memref<10000x128xf32, #tpu.memory_space<vmem_shared>>) offsets(%dma_start3A_229 : memref<64xi32, #tpu.memory_space<vmem>>) semaphore(%arg26 : memref<!tpu.dma_semaphore, #tpu.memory_space<semaphore_mem>>) {add = true}
      %add3A_233 = arith.constant 0 : i32
      %add3A_234 = arith.addi %mul3A_209, %add3A_233 : i32
      %add3A_235 = arith.constant 4 : i32
      %add3A_236 = arith.addi %add3A_234, %add3A_235 : i32
      %lt3A_237 = arith.constant 156 : i32
      %lt3A_238 = arith.cmpi slt, %add3A_236, %lt3A_237 : i32
      %convert_element_type3A_239 = arith.extui %lt3A_238 : i1 to i32
      %cond3A_240 = arith.constant 0 : i32
      %cond3A_241 = arith.cmpi ne, %convert_element_type3A_239, %cond3A_240 : i32
      scf.if %cond3A_241 {
        %add3A_374 = arith.constant 0 : i32
        %add3A_375 = arith.addi %mul3A_209, %add3A_374 : i32
        %add3A_376 = arith.constant 4 : i32
        %add3A_377 = arith.addi %add3A_375, %add3A_376 : i32
        %dma_start3A_378 = arith.constant 0 : i32
        %dma_start3A_379 = arith.constant 0 : i32
        %dma_start3A_380 = tpu.memref_slice %arg3[%add3A, %add3A_377, %dma_start3A_378, %dma_start3A_379] : memref<32x156x1x64xi32, #tpu.memory_space<hbm>> -> memref<1x1x1x64xi32, #tpu.memory_space<hbm>>
        %dma_start3A_381 = tpu.memref_squeeze %dma_start3A_380 : memref<1x1x1x64xi32, #tpu.memory_space<hbm>> -> memref<1x64xi32, #tpu.memory_space<hbm>>
        %dma_start3A_382 = arith.constant 0 : i32
        %dma_start3A_383 = arith.constant 0 : i32
        %dma_start3A_384 = tpu.memref_slice %arg3[%add3A, %add3A_377, %dma_start3A_382, %dma_start3A_383] : memref<32x156x1x64xi32, #tpu.memory_space<hbm>> -> memref<1x1x1x64xi32, #tpu.memory_space<hbm>>
        %dma_start3A_385 = tpu.memref_squeeze %dma_start3A_384 : memref<1x1x1x64xi32, #tpu.memory_space<hbm>> -> memref<1x64xi32, #tpu.memory_space<hbm>>
        tpu.enqueue_dma source(%dma_start3A_385 : memref<1x64xi32, #tpu.memory_space<hbm>>) target(%arg8 : memref<1x64xi32, #tpu.memory_space<vmem>>) target_semaphore(%arg30 : memref<!tpu.dma_semaphore, #tpu.memory_space<semaphore_mem>>)
      } else {
      }
      %dma_wait3A_242 = arith.constant 0 : i32
      %dma_wait3A_243 = arith.constant 0 : i32
      %dma_wait3A_244 = tpu.memref_slice %arg9[%dma_wait3A_242, %dma_wait3A_243] : memref<1x64xi32, #tpu.memory_space<vmem>> -> memref<1x64xi32, #tpu.memory_space<vmem>>
      %dma_wait3A_245 = tpu.memref_squeeze %dma_wait3A_244 : memref<1x64xi32, #tpu.memory_space<vmem>> -> memref<64xi32, #tpu.memory_space<vmem>>
      %dma_wait3A_246 = arith.constant 0 : i32
      %dma_wait3A_247 = arith.constant 0 : i32
      %dma_wait3A_248 = tpu.memref_slice %arg2[%dma_wait3A_246, %dma_wait3A_247] : memref<10000x128xf32, #tpu.memory_space<hbm>> -> memref<10000x128xf32, #tpu.memory_space<hbm>>
      tpu.wait_indirect_dma semaphore(%arg23 : memref<!tpu.dma_semaphore, #tpu.memory_space<semaphore_mem>>) src(%dma_wait3A_248 : memref<10000x128xf32, #tpu.memory_space<hbm>>) dst(%arg17 : memref<64x128xf32, #tpu.memory_space<vmem>>)
      %dma_wait3A_249 = arith.constant 0 : i32
      %dma_wait3A_250 = arith.constant 0 : i32
      %dma_wait3A_251 = arith.constant 0 : i32
      %dma_wait3A_252 = tpu.memref_slice %arg4[%add3A, %dma_wait3A_249, %dma_wait3A_250, %dma_wait3A_251] : memref<32x156x1x64xi32, #tpu.memory_space<hbm>> -> memref<1x1x1x64xi32, #tpu.memory_space<hbm>>
      %dma_wait3A_253 = tpu.memref_squeeze %dma_wait3A_252 : memref<1x1x1x64xi32, #tpu.memory_space<hbm>> -> memref<1x64xi32, #tpu.memory_space<hbm>>
      %dma_wait3A_254 = arith.constant 0 : i32
      %dma_wait3A_255 = arith.constant 0 : i32
      %dma_wait3A_256 = tpu.memref_slice %arg4[%add3A, %dma_wait3A_249, %dma_wait3A_254, %dma_wait3A_255] : memref<32x156x1x64xi32, #tpu.memory_space<hbm>> -> memref<1x1x1x64xi32, #tpu.memory_space<hbm>>
      %dma_wait3A_257 = tpu.memref_squeeze %dma_wait3A_256 : memref<1x1x1x64xi32, #tpu.memory_space<hbm>> -> memref<1x64xi32, #tpu.memory_space<hbm>>
      tpu.wait_dma2 semaphore(%arg35 : memref<!tpu.dma_semaphore, #tpu.memory_space<semaphore_mem>>) src(%dma_wait3A_257 : memref<1x64xi32, #tpu.memory_space<hbm>>) dst(%arg13 : memref<1x64xi32, #tpu.memory_space<vmem>>)
      %dma_start3A_258 = arith.constant 0 : i32
      %dma_start3A_259 = arith.constant 0 : i32
      %dma_start3A_260 = tpu.memref_slice %arg13[%dma_start3A_258, %dma_start3A_259] : memref<1x64xi32, #tpu.memory_space<vmem>> -> memref<1x64xi32, #tpu.memory_space<vmem>>
      %dma_start3A_261 = tpu.memref_squeeze %dma_start3A_260 : memref<1x64xi32, #tpu.memory_space<vmem>> -> memref<64xi32, #tpu.memory_space<vmem>>
      %dma_start3A_262 = arith.constant 0 : i32
      %dma_start3A_263 = arith.constant 0 : i32
      %dma_start3A_264 = tpu.memref_slice %arg21[%dma_start3A_262, %dma_start3A_263] : memref<10000x128xf32, #tpu.memory_space<vmem_shared>> -> memref<10000x128xf32, #tpu.memory_space<vmem_shared>>
      tpu.enqueue_indirect_dma source(%arg17 : memref<64x128xf32, #tpu.memory_space<vmem>>) target(%dma_start3A_264 : memref<10000x128xf32, #tpu.memory_space<vmem_shared>>) offsets(%dma_start3A_261 : memref<64xi32, #tpu.memory_space<vmem>>) semaphore(%arg27 : memref<!tpu.dma_semaphore, #tpu.memory_space<semaphore_mem>>) {add = true}
      %add3A_265 = arith.constant 1 : i32
      %add3A_266 = arith.addi %mul3A_209, %add3A_265 : i32
      %add3A_267 = arith.constant 4 : i32
      %add3A_268 = arith.addi %add3A_266, %add3A_267 : i32
      %lt3A_269 = arith.constant 156 : i32
      %lt3A_270 = arith.cmpi slt, %add3A_268, %lt3A_269 : i32
      %convert_element_type3A_271 = arith.extui %lt3A_270 : i1 to i32
      %cond3A_272 = arith.constant 0 : i32
      %cond3A_273 = arith.cmpi ne, %convert_element_type3A_271, %cond3A_272 : i32
      scf.if %cond3A_273 {
        %add3A_374 = arith.constant 1 : i32
        %add3A_375 = arith.addi %mul3A_209, %add3A_374 : i32
        %add3A_376 = arith.constant 4 : i32
        %add3A_377 = arith.addi %add3A_375, %add3A_376 : i32
        %dma_start3A_378 = arith.constant 0 : i32
        %dma_start3A_379 = arith.constant 0 : i32
        %dma_start3A_380 = tpu.memref_slice %arg3[%add3A, %add3A_377, %dma_start3A_378, %dma_start3A_379] : memref<32x156x1x64xi32, #tpu.memory_space<hbm>> -> memref<1x1x1x64xi32, #tpu.memory_space<hbm>>
        %dma_start3A_381 = tpu.memref_squeeze %dma_start3A_380 : memref<1x1x1x64xi32, #tpu.memory_space<hbm>> -> memref<1x64xi32, #tpu.memory_space<hbm>>
        %dma_start3A_382 = arith.constant 0 : i32
        %dma_start3A_383 = arith.constant 0 : i32
        %dma_start3A_384 = tpu.memref_slice %arg3[%add3A, %add3A_377, %dma_start3A_382, %dma_start3A_383] : memref<32x156x1x64xi32, #tpu.memory_space<hbm>> -> memref<1x1x1x64xi32, #tpu.memory_space<hbm>>
        %dma_start3A_385 = tpu.memref_squeeze %dma_start3A_384 : memref<1x1x1x64xi32, #tpu.memory_space<hbm>> -> memref<1x64xi32, #tpu.memory_space<hbm>>
        tpu.enqueue_dma source(%dma_start3A_385 : memref<1x64xi32, #tpu.memory_space<hbm>>) target(%arg9 : memref<1x64xi32, #tpu.memory_space<vmem>>) target_semaphore(%arg31 : memref<!tpu.dma_semaphore, #tpu.memory_space<semaphore_mem>>)
      } else {
      }
      %dma_wait3A_274 = arith.constant 0 : i32
      %dma_wait3A_275 = arith.constant 0 : i32
      %dma_wait3A_276 = tpu.memref_slice %arg10[%dma_wait3A_274, %dma_wait3A_275] : memref<1x64xi32, #tpu.memory_space<vmem>> -> memref<1x64xi32, #tpu.memory_space<vmem>>
      %dma_wait3A_277 = tpu.memref_squeeze %dma_wait3A_276 : memref<1x64xi32, #tpu.memory_space<vmem>> -> memref<64xi32, #tpu.memory_space<vmem>>
      %dma_wait3A_278 = arith.constant 0 : i32
      %dma_wait3A_279 = arith.constant 0 : i32
      %dma_wait3A_280 = tpu.memref_slice %arg2[%dma_wait3A_278, %dma_wait3A_279] : memref<10000x128xf32, #tpu.memory_space<hbm>> -> memref<10000x128xf32, #tpu.memory_space<hbm>>
      tpu.wait_indirect_dma semaphore(%arg24 : memref<!tpu.dma_semaphore, #tpu.memory_space<semaphore_mem>>) src(%dma_wait3A_280 : memref<10000x128xf32, #tpu.memory_space<hbm>>) dst(%arg18 : memref<64x128xf32, #tpu.memory_space<vmem>>)
      %dma_wait3A_281 = arith.constant 0 : i32
      %dma_wait3A_282 = arith.constant 0 : i32
      %dma_wait3A_283 = arith.constant 0 : i32
      %dma_wait3A_284 = tpu.memref_slice %arg4[%add3A, %dma_wait3A_281, %dma_wait3A_282, %dma_wait3A_283] : memref<32x156x1x64xi32, #tpu.memory_space<hbm>> -> memref<1x1x1x64xi32, #tpu.memory_space<hbm>>
      %dma_wait3A_285 = tpu.memref_squeeze %dma_wait3A_284 : memref<1x1x1x64xi32, #tpu.memory_space<hbm>> -> memref<1x64xi32, #tpu.memory_space<hbm>>
      %dma_wait3A_286 = arith.constant 0 : i32
      %dma_wait3A_287 = arith.constant 0 : i32
      %dma_wait3A_288 = tpu.memref_slice %arg4[%add3A, %dma_wait3A_281, %dma_wait3A_286, %dma_wait3A_287] : memref<32x156x1x64xi32, #tpu.memory_space<hbm>> -> memref<1x1x1x64xi32, #tpu.memory_space<hbm>>
      %dma_wait3A_289 = tpu.memref_squeeze %dma_wait3A_288 : memref<1x1x1x64xi32, #tpu.memory_space<hbm>> -> memref<1x64xi32, #tpu.memory_space<hbm>>
      tpu.wait_dma2 semaphore(%arg36 : memref<!tpu.dma_semaphore, #tpu.memory_space<semaphore_mem>>) src(%dma_wait3A_289 : memref<1x64xi32, #tpu.memory_space<hbm>>) dst(%arg14 : memref<1x64xi32, #tpu.memory_space<vmem>>)
      %dma_start3A_290 = arith.constant 0 : i32
      %dma_start3A_291 = arith.constant 0 : i32
      %dma_start3A_292 = tpu.memref_slice %arg14[%dma_start3A_290, %dma_start3A_291] : memref<1x64xi32, #tpu.memory_space<vmem>> -> memref<1x64xi32, #tpu.memory_space<vmem>>
      %dma_start3A_293 = tpu.memref_squeeze %dma_start3A_292 : memref<1x64xi32, #tpu.memory_space<vmem>> -> memref<64xi32, #tpu.memory_space<vmem>>
      %dma_start3A_294 = arith.constant 0 : i32
      %dma_start3A_295 = arith.constant 0 : i32
      %dma_start3A_296 = tpu.memref_slice %arg21[%dma_start3A_294, %dma_start3A_295] : memref<10000x128xf32, #tpu.memory_space<vmem_shared>> -> memref<10000x128xf32, #tpu.memory_space<vmem_shared>>
      tpu.enqueue_indirect_dma source(%arg18 : memref<64x128xf32, #tpu.memory_space<vmem>>) target(%dma_start3A_296 : memref<10000x128xf32, #tpu.memory_space<vmem_shared>>) offsets(%dma_start3A_293 : memref<64xi32, #tpu.memory_space<vmem>>) semaphore(%arg28 : memref<!tpu.dma_semaphore, #tpu.memory_space<semaphore_mem>>) {add = true}
      %add3A_297 = arith.constant 2 : i32
      %add3A_298 = arith.addi %mul3A_209, %add3A_297 : i32
      %add3A_299 = arith.constant 4 : i32
      %add3A_300 = arith.addi %add3A_298, %add3A_299 : i32
      %lt3A_301 = arith.constant 156 : i32
      %lt3A_302 = arith.cmpi slt, %add3A_300, %lt3A_301 : i32
      %convert_element_type3A_303 = arith.extui %lt3A_302 : i1 to i32
      %cond3A_304 = arith.constant 0 : i32
      %cond3A_305 = arith.cmpi ne, %convert_element_type3A_303, %cond3A_304 : i32
      scf.if %cond3A_305 {
        %add3A_374 = arith.constant 2 : i32
        %add3A_375 = arith.addi %mul3A_209, %add3A_374 : i32
        %add3A_376 = arith.constant 4 : i32
        %add3A_377 = arith.addi %add3A_375, %add3A_376 : i32
        %dma_start3A_378 = arith.constant 0 : i32
        %dma_start3A_379 = arith.constant 0 : i32
        %dma_start3A_380 = tpu.memref_slice %arg3[%add3A, %add3A_377, %dma_start3A_378, %dma_start3A_379] : memref<32x156x1x64xi32, #tpu.memory_space<hbm>> -> memref<1x1x1x64xi32, #tpu.memory_space<hbm>>
        %dma_start3A_381 = tpu.memref_squeeze %dma_start3A_380 : memref<1x1x1x64xi32, #tpu.memory_space<hbm>> -> memref<1x64xi32, #tpu.memory_space<hbm>>
        %dma_start3A_382 = arith.constant 0 : i32
        %dma_start3A_383 = arith.constant 0 : i32
        %dma_start3A_384 = tpu.memref_slice %arg3[%add3A, %add3A_377, %dma_start3A_382, %dma_start3A_383] : memref<32x156x1x64xi32, #tpu.memory_space<hbm>> -> memref<1x1x1x64xi32, #tpu.memory_space<hbm>>
        %dma_start3A_385 = tpu.memref_squeeze %dma_start3A_384 : memref<1x1x1x64xi32, #tpu.memory_space<hbm>> -> memref<1x64xi32, #tpu.memory_space<hbm>>
        tpu.enqueue_dma source(%dma_start3A_385 : memref<1x64xi32, #tpu.memory_space<hbm>>) target(%arg10 : memref<1x64xi32, #tpu.memory_space<vmem>>) target_semaphore(%arg32 : memref<!tpu.dma_semaphore, #tpu.memory_space<semaphore_mem>>)
      } else {
      }
      %dma_wait3A_306 = arith.constant 0 : i32
      %dma_wait3A_307 = arith.constant 0 : i32
      %dma_wait3A_308 = tpu.memref_slice %arg11[%dma_wait3A_306, %dma_wait3A_307] : memref<1x64xi32, #tpu.memory_space<vmem>> -> memref<1x64xi32, #tpu.memory_space<vmem>>
      %dma_wait3A_309 = tpu.memref_squeeze %dma_wait3A_308 : memref<1x64xi32, #tpu.memory_space<vmem>> -> memref<64xi32, #tpu.memory_space<vmem>>
      %dma_wait3A_310 = arith.constant 0 : i32
      %dma_wait3A_311 = arith.constant 0 : i32
      %dma_wait3A_312 = tpu.memref_slice %arg2[%dma_wait3A_310, %dma_wait3A_311] : memref<10000x128xf32, #tpu.memory_space<hbm>> -> memref<10000x128xf32, #tpu.memory_space<hbm>>
      tpu.wait_indirect_dma semaphore(%arg25 : memref<!tpu.dma_semaphore, #tpu.memory_space<semaphore_mem>>) src(%dma_wait3A_312 : memref<10000x128xf32, #tpu.memory_space<hbm>>) dst(%arg19 : memref<64x128xf32, #tpu.memory_space<vmem>>)
      %dma_wait3A_313 = arith.constant 0 : i32
      %dma_wait3A_314 = arith.constant 0 : i32
      %dma_wait3A_315 = arith.constant 0 : i32
      %dma_wait3A_316 = tpu.memref_slice %arg4[%add3A, %dma_wait3A_313, %dma_wait3A_314, %dma_wait3A_315] : memref<32x156x1x64xi32, #tpu.memory_space<hbm>> -> memref<1x1x1x64xi32, #tpu.memory_space<hbm>>
      %dma_wait3A_317 = tpu.memref_squeeze %dma_wait3A_316 : memref<1x1x1x64xi32, #tpu.memory_space<hbm>> -> memref<1x64xi32, #tpu.memory_space<hbm>>
      %dma_wait3A_318 = arith.constant 0 : i32
      %dma_wait3A_319 = arith.constant 0 : i32
      %dma_wait3A_320 = tpu.memref_slice %arg4[%add3A, %dma_wait3A_313, %dma_wait3A_318, %dma_wait3A_319] : memref<32x156x1x64xi32, #tpu.memory_space<hbm>> -> memref<1x1x1x64xi32, #tpu.memory_space<hbm>>
      %dma_wait3A_321 = tpu.memref_squeeze %dma_wait3A_320 : memref<1x1x1x64xi32, #tpu.memory_space<hbm>> -> memref<1x64xi32, #tpu.memory_space<hbm>>
      tpu.wait_dma2 semaphore(%arg37 : memref<!tpu.dma_semaphore, #tpu.memory_space<semaphore_mem>>) src(%dma_wait3A_321 : memref<1x64xi32, #tpu.memory_space<hbm>>) dst(%arg15 : memref<1x64xi32, #tpu.memory_space<vmem>>)
      %dma_start3A_322 = arith.constant 0 : i32
      %dma_start3A_323 = arith.constant 0 : i32
      %dma_start3A_324 = tpu.memref_slice %arg15[%dma_start3A_322, %dma_start3A_323] : memref<1x64xi32, #tpu.memory_space<vmem>> -> memref<1x64xi32, #tpu.memory_space<vmem>>
      %dma_start3A_325 = tpu.memref_squeeze %dma_start3A_324 : memref<1x64xi32, #tpu.memory_space<vmem>> -> memref<64xi32, #tpu.memory_space<vmem>>
      %dma_start3A_326 = arith.constant 0 : i32
      %dma_start3A_327 = arith.constant 0 : i32
      %dma_start3A_328 = tpu.memref_slice %arg21[%dma_start3A_326, %dma_start3A_327] : memref<10000x128xf32, #tpu.memory_space<vmem_shared>> -> memref<10000x128xf32, #tpu.memory_space<vmem_shared>>
      tpu.enqueue_indirect_dma source(%arg19 : memref<64x128xf32, #tpu.memory_space<vmem>>) target(%dma_start3A_328 : memref<10000x128xf32, #tpu.memory_space<vmem_shared>>) offsets(%dma_start3A_325 : memref<64xi32, #tpu.memory_space<vmem>>) semaphore(%arg29 : memref<!tpu.dma_semaphore, #tpu.memory_space<semaphore_mem>>) {add = true}
      %add3A_329 = arith.constant 3 : i32
      %add3A_330 = arith.addi %mul3A_209, %add3A_329 : i32
      %add3A_331 = arith.constant 4 : i32
      %add3A_332 = arith.addi %add3A_330, %add3A_331 : i32
      %lt3A_333 = arith.constant 156 : i32
      %lt3A_334 = arith.cmpi slt, %add3A_332, %lt3A_333 : i32
      %convert_element_type3A_335 = arith.extui %lt3A_334 : i1 to i32
      %cond3A_336 = arith.constant 0 : i32
      %cond3A_337 = arith.cmpi ne, %convert_element_type3A_335, %cond3A_336 : i32
      scf.if %cond3A_337 {
        %add3A_374 = arith.constant 3 : i32
        %add3A_375 = arith.addi %mul3A_209, %add3A_374 : i32
        %add3A_376 = arith.constant 4 : i32
        %add3A_377 = arith.addi %add3A_375, %add3A_376 : i32
        %dma_start3A_378 = arith.constant 0 : i32
        %dma_start3A_379 = arith.constant 0 : i32
        %dma_start3A_380 = tpu.memref_slice %arg3[%add3A, %add3A_377, %dma_start3A_378, %dma_start3A_379] : memref<32x156x1x64xi32, #tpu.memory_space<hbm>> -> memref<1x1x1x64xi32, #tpu.memory_space<hbm>>
        %dma_start3A_381 = tpu.memref_squeeze %dma_start3A_380 : memref<1x1x1x64xi32, #tpu.memory_space<hbm>> -> memref<1x64xi32, #tpu.memory_space<hbm>>
        %dma_start3A_382 = arith.constant 0 : i32
        %dma_start3A_383 = arith.constant 0 : i32
        %dma_start3A_384 = tpu.memref_slice %arg3[%add3A, %add3A_377, %dma_start3A_382, %dma_start3A_383] : memref<32x156x1x64xi32, #tpu.memory_space<hbm>> -> memref<1x1x1x64xi32, #tpu.memory_space<hbm>>
        %dma_start3A_385 = tpu.memref_squeeze %dma_start3A_384 : memref<1x1x1x64xi32, #tpu.memory_space<hbm>> -> memref<1x64xi32, #tpu.memory_space<hbm>>
        tpu.enqueue_dma source(%dma_start3A_385 : memref<1x64xi32, #tpu.memory_space<hbm>>) target(%arg11 : memref<1x64xi32, #tpu.memory_space<vmem>>) target_semaphore(%arg33 : memref<!tpu.dma_semaphore, #tpu.memory_space<semaphore_mem>>)
      } else {
      }
      %add3A_338 = arith.constant 0 : i32
      %add3A_339 = arith.addi %mul3A_209, %add3A_338 : i32
      %add3A_340 = arith.constant 4 : i32
      %add3A_341 = arith.addi %add3A_339, %add3A_340 : i32
      %lt3A_342 = arith.constant 156 : i32
      %lt3A_343 = arith.cmpi slt, %add3A_341, %lt3A_342 : i32
      %convert_element_type3A_344 = arith.extui %lt3A_343 : i1 to i32
      %cond3A_345 = arith.constant 0 : i32
      %cond3A_346 = arith.cmpi ne, %convert_element_type3A_344, %cond3A_345 : i32
      scf.if %cond3A_346 {
        %dma_wait3A_374 = arith.constant 0 : i32
        %dma_wait3A_375 = arith.constant 0 : i32
        %dma_wait3A_376 = tpu.memref_slice %arg12[%dma_wait3A_374, %dma_wait3A_375] : memref<1x64xi32, #tpu.memory_space<vmem>> -> memref<1x64xi32, #tpu.memory_space<vmem>>
        %dma_wait3A_377 = tpu.memref_squeeze %dma_wait3A_376 : memref<1x64xi32, #tpu.memory_space<vmem>> -> memref<64xi32, #tpu.memory_space<vmem>>
        %dma_wait3A_378 = arith.constant 0 : i32
        %dma_wait3A_379 = arith.constant 0 : i32
        %dma_wait3A_380 = tpu.memref_slice %arg21[%dma_wait3A_378, %dma_wait3A_379] : memref<10000x128xf32, #tpu.memory_space<vmem_shared>> -> memref<10000x128xf32, #tpu.memory_space<vmem_shared>>
        tpu.wait_indirect_dma semaphore(%arg26 : memref<!tpu.dma_semaphore, #tpu.memory_space<semaphore_mem>>) src(%arg16 : memref<64x128xf32, #tpu.memory_space<vmem>>) dst(%dma_wait3A_380 : memref<10000x128xf32, #tpu.memory_space<vmem_shared>>)
        %dma_wait3A_381 = arith.constant 0 : i32
        %dma_wait3A_382 = arith.constant 0 : i32
        %dma_wait3A_383 = arith.constant 0 : i32
        %dma_wait3A_384 = tpu.memref_slice %arg3[%add3A, %dma_wait3A_381, %dma_wait3A_382, %dma_wait3A_383] : memref<32x156x1x64xi32, #tpu.memory_space<hbm>> -> memref<1x1x1x64xi32, #tpu.memory_space<hbm>>
        %dma_wait3A_385 = tpu.memref_squeeze %dma_wait3A_384 : memref<1x1x1x64xi32, #tpu.memory_space<hbm>> -> memref<1x64xi32, #tpu.memory_space<hbm>>
        %dma_wait3A_386 = arith.constant 0 : i32
        %dma_wait3A_387 = arith.constant 0 : i32
        %dma_wait3A_388 = tpu.memref_slice %arg3[%add3A, %dma_wait3A_381, %dma_wait3A_386, %dma_wait3A_387] : memref<32x156x1x64xi32, #tpu.memory_space<hbm>> -> memref<1x1x1x64xi32, #tpu.memory_space<hbm>>
        %dma_wait3A_389 = tpu.memref_squeeze %dma_wait3A_388 : memref<1x1x1x64xi32, #tpu.memory_space<hbm>> -> memref<1x64xi32, #tpu.memory_space<hbm>>
        tpu.wait_dma2 semaphore(%arg30 : memref<!tpu.dma_semaphore, #tpu.memory_space<semaphore_mem>>) src(%dma_wait3A_389 : memref<1x64xi32, #tpu.memory_space<hbm>>) dst(%arg8 : memref<1x64xi32, #tpu.memory_space<vmem>>)
        %dma_start3A_390 = arith.constant 0 : i32
        %dma_start3A_391 = arith.constant 0 : i32
        %dma_start3A_392 = tpu.memref_slice %arg8[%dma_start3A_390, %dma_start3A_391] : memref<1x64xi32, #tpu.memory_space<vmem>> -> memref<1x64xi32, #tpu.memory_space<vmem>>
        %dma_start3A_393 = tpu.memref_squeeze %dma_start3A_392 : memref<1x64xi32, #tpu.memory_space<vmem>> -> memref<64xi32, #tpu.memory_space<vmem>>
        %dma_start3A_394 = arith.constant 0 : i32
        %dma_start3A_395 = arith.constant 0 : i32
        %dma_start3A_396 = tpu.memref_slice %arg2[%dma_start3A_394, %dma_start3A_395] : memref<10000x128xf32, #tpu.memory_space<hbm>> -> memref<10000x128xf32, #tpu.memory_space<hbm>>
        tpu.enqueue_indirect_dma source(%dma_start3A_396 : memref<10000x128xf32, #tpu.memory_space<hbm>>) target(%arg16 : memref<64x128xf32, #tpu.memory_space<vmem>>) offsets(%dma_start3A_393 : memref<64xi32, #tpu.memory_space<vmem>>) semaphore(%arg22 : memref<!tpu.dma_semaphore, #tpu.memory_space<semaphore_mem>>)
        %add3A_397 = arith.constant 0 : i32
        %add3A_398 = arith.addi %mul3A_209, %add3A_397 : i32
        %add3A_399 = arith.constant 4 : i32
        %add3A_400 = arith.addi %add3A_398, %add3A_399 : i32
        %dma_start3A_401 = arith.constant 0 : i32
        %dma_start3A_402 = arith.constant 0 : i32
        %dma_start3A_403 = tpu.memref_slice %arg4[%add3A, %add3A_400, %dma_start3A_401, %dma_start3A_402] : memref<32x156x1x64xi32, #tpu.memory_space<hbm>> -> memref<1x1x1x64xi32, #tpu.memory_space<hbm>>
        %dma_start3A_404 = tpu.memref_squeeze %dma_start3A_403 : memref<1x1x1x64xi32, #tpu.memory_space<hbm>> -> memref<1x64xi32, #tpu.memory_space<hbm>>
        %dma_start3A_405 = arith.constant 0 : i32
        %dma_start3A_406 = arith.constant 0 : i32
        %dma_start3A_407 = tpu.memref_slice %arg4[%add3A, %add3A_400, %dma_start3A_405, %dma_start3A_406] : memref<32x156x1x64xi32, #tpu.memory_space<hbm>> -> memref<1x1x1x64xi32, #tpu.memory_space<hbm>>
        %dma_start3A_408 = tpu.memref_squeeze %dma_start3A_407 : memref<1x1x1x64xi32, #tpu.memory_space<hbm>> -> memref<1x64xi32, #tpu.memory_space<hbm>>
        tpu.enqueue_dma source(%dma_start3A_408 : memref<1x64xi32, #tpu.memory_space<hbm>>) target(%arg12 : memref<1x64xi32, #tpu.memory_space<vmem>>) target_semaphore(%arg34 : memref<!tpu.dma_semaphore, #tpu.memory_space<semaphore_mem>>)
      } else {
      }
      %add3A_347 = arith.constant 1 : i32
      %add3A_348 = arith.addi %mul3A_209, %add3A_347 : i32
      %add3A_349 = arith.constant 4 : i32
      %add3A_350 = arith.addi %add3A_348, %add3A_349 : i32
      %lt3A_351 = arith.constant 156 : i32
      %lt3A_352 = arith.cmpi slt, %add3A_350, %lt3A_351 : i32
      %convert_element_type3A_353 = arith.extui %lt3A_352 : i1 to i32
      %cond3A_354 = arith.constant 0 : i32
      %cond3A_355 = arith.cmpi ne, %convert_element_type3A_353, %cond3A_354 : i32
      scf.if %cond3A_355 {
        %dma_wait3A_374 = arith.constant 0 : i32
        %dma_wait3A_375 = arith.constant 0 : i32
        %dma_wait3A_376 = tpu.memref_slice %arg13[%dma_wait3A_374, %dma_wait3A_375] : memref<1x64xi32, #tpu.memory_space<vmem>> -> memref<1x64xi32, #tpu.memory_space<vmem>>
        %dma_wait3A_377 = tpu.memref_squeeze %dma_wait3A_376 : memref<1x64xi32, #tpu.memory_space<vmem>> -> memref<64xi32, #tpu.memory_space<vmem>>
        %dma_wait3A_378 = arith.constant 0 : i32
        %dma_wait3A_379 = arith.constant 0 : i32
        %dma_wait3A_380 = tpu.memref_slice %arg21[%dma_wait3A_378, %dma_wait3A_379] : memref<10000x128xf32, #tpu.memory_space<vmem_shared>> -> memref<10000x128xf32, #tpu.memory_space<vmem_shared>>
        tpu.wait_indirect_dma semaphore(%arg27 : memref<!tpu.dma_semaphore, #tpu.memory_space<semaphore_mem>>) src(%arg17 : memref<64x128xf32, #tpu.memory_space<vmem>>) dst(%dma_wait3A_380 : memref<10000x128xf32, #tpu.memory_space<vmem_shared>>)
        %dma_wait3A_381 = arith.constant 0 : i32
        %dma_wait3A_382 = arith.constant 0 : i32
        %dma_wait3A_383 = arith.constant 0 : i32
        %dma_wait3A_384 = tpu.memref_slice %arg3[%add3A, %dma_wait3A_381, %dma_wait3A_382, %dma_wait3A_383] : memref<32x156x1x64xi32, #tpu.memory_space<hbm>> -> memref<1x1x1x64xi32, #tpu.memory_space<hbm>>
        %dma_wait3A_385 = tpu.memref_squeeze %dma_wait3A_384 : memref<1x1x1x64xi32, #tpu.memory_space<hbm>> -> memref<1x64xi32, #tpu.memory_space<hbm>>
        %dma_wait3A_386 = arith.constant 0 : i32
        %dma_wait3A_387 = arith.constant 0 : i32
        %dma_wait3A_388 = tpu.memref_slice %arg3[%add3A, %dma_wait3A_381, %dma_wait3A_386, %dma_wait3A_387] : memref<32x156x1x64xi32, #tpu.memory_space<hbm>> -> memref<1x1x1x64xi32, #tpu.memory_space<hbm>>
        %dma_wait3A_389 = tpu.memref_squeeze %dma_wait3A_388 : memref<1x1x1x64xi32, #tpu.memory_space<hbm>> -> memref<1x64xi32, #tpu.memory_space<hbm>>
        tpu.wait_dma2 semaphore(%arg31 : memref<!tpu.dma_semaphore, #tpu.memory_space<semaphore_mem>>) src(%dma_wait3A_389 : memref<1x64xi32, #tpu.memory_space<hbm>>) dst(%arg9 : memref<1x64xi32, #tpu.memory_space<vmem>>)
        %dma_start3A_390 = arith.constant 0 : i32
        %dma_start3A_391 = arith.constant 0 : i32
        %dma_start3A_392 = tpu.memref_slice %arg9[%dma_start3A_390, %dma_start3A_391] : memref<1x64xi32, #tpu.memory_space<vmem>> -> memref<1x64xi32, #tpu.memory_space<vmem>>
        %dma_start3A_393 = tpu.memref_squeeze %dma_start3A_392 : memref<1x64xi32, #tpu.memory_space<vmem>> -> memref<64xi32, #tpu.memory_space<vmem>>
        %dma_start3A_394 = arith.constant 0 : i32
        %dma_start3A_395 = arith.constant 0 : i32
        %dma_start3A_396 = tpu.memref_slice %arg2[%dma_start3A_394, %dma_start3A_395] : memref<10000x128xf32, #tpu.memory_space<hbm>> -> memref<10000x128xf32, #tpu.memory_space<hbm>>
        tpu.enqueue_indirect_dma source(%dma_start3A_396 : memref<10000x128xf32, #tpu.memory_space<hbm>>) target(%arg17 : memref<64x128xf32, #tpu.memory_space<vmem>>) offsets(%dma_start3A_393 : memref<64xi32, #tpu.memory_space<vmem>>) semaphore(%arg23 : memref<!tpu.dma_semaphore, #tpu.memory_space<semaphore_mem>>)
        %add3A_397 = arith.constant 1 : i32
        %add3A_398 = arith.addi %mul3A_209, %add3A_397 : i32
        %add3A_399 = arith.constant 4 : i32
        %add3A_400 = arith.addi %add3A_398, %add3A_399 : i32
        %dma_start3A_401 = arith.constant 0 : i32
        %dma_start3A_402 = arith.constant 0 : i32
        %dma_start3A_403 = tpu.memref_slice %arg4[%add3A, %add3A_400, %dma_start3A_401, %dma_start3A_402] : memref<32x156x1x64xi32, #tpu.memory_space<hbm>> -> memref<1x1x1x64xi32, #tpu.memory_space<hbm>>
        %dma_start3A_404 = tpu.memref_squeeze %dma_start3A_403 : memref<1x1x1x64xi32, #tpu.memory_space<hbm>> -> memref<1x64xi32, #tpu.memory_space<hbm>>
        %dma_start3A_405 = arith.constant 0 : i32
        %dma_start3A_406 = arith.constant 0 : i32
        %dma_start3A_407 = tpu.memref_slice %arg4[%add3A, %add3A_400, %dma_start3A_405, %dma_start3A_406] : memref<32x156x1x64xi32, #tpu.memory_space<hbm>> -> memref<1x1x1x64xi32, #tpu.memory_space<hbm>>
        %dma_start3A_408 = tpu.memref_squeeze %dma_start3A_407 : memref<1x1x1x64xi32, #tpu.memory_space<hbm>> -> memref<1x64xi32, #tpu.memory_space<hbm>>
        tpu.enqueue_dma source(%dma_start3A_408 : memref<1x64xi32, #tpu.memory_space<hbm>>) target(%arg13 : memref<1x64xi32, #tpu.memory_space<vmem>>) target_semaphore(%arg35 : memref<!tpu.dma_semaphore, #tpu.memory_space<semaphore_mem>>)
      } else {
      }
      %add3A_356 = arith.constant 2 : i32
      %add3A_357 = arith.addi %mul3A_209, %add3A_356 : i32
      %add3A_358 = arith.constant 4 : i32
      %add3A_359 = arith.addi %add3A_357, %add3A_358 : i32
      %lt3A_360 = arith.constant 156 : i32
      %lt3A_361 = arith.cmpi slt, %add3A_359, %lt3A_360 : i32
      %convert_element_type3A_362 = arith.extui %lt3A_361 : i1 to i32
      %cond3A_363 = arith.constant 0 : i32
      %cond3A_364 = arith.cmpi ne, %convert_element_type3A_362, %cond3A_363 : i32
      scf.if %cond3A_364 {
        %dma_wait3A_374 = arith.constant 0 : i32
        %dma_wait3A_375 = arith.constant 0 : i32
        %dma_wait3A_376 = tpu.memref_slice %arg14[%dma_wait3A_374, %dma_wait3A_375] : memref<1x64xi32, #tpu.memory_space<vmem>> -> memref<1x64xi32, #tpu.memory_space<vmem>>
        %dma_wait3A_377 = tpu.memref_squeeze %dma_wait3A_376 : memref<1x64xi32, #tpu.memory_space<vmem>> -> memref<64xi32, #tpu.memory_space<vmem>>
        %dma_wait3A_378 = arith.constant 0 : i32
        %dma_wait3A_379 = arith.constant 0 : i32
        %dma_wait3A_380 = tpu.memref_slice %arg21[%dma_wait3A_378, %dma_wait3A_379] : memref<10000x128xf32, #tpu.memory_space<vmem_shared>> -> memref<10000x128xf32, #tpu.memory_space<vmem_shared>>
        tpu.wait_indirect_dma semaphore(%arg28 : memref<!tpu.dma_semaphore, #tpu.memory_space<semaphore_mem>>) src(%arg18 : memref<64x128xf32, #tpu.memory_space<vmem>>) dst(%dma_wait3A_380 : memref<10000x128xf32, #tpu.memory_space<vmem_shared>>)
        %dma_wait3A_381 = arith.constant 0 : i32
        %dma_wait3A_382 = arith.constant 0 : i32
        %dma_wait3A_383 = arith.constant 0 : i32
        %dma_wait3A_384 = tpu.memref_slice %arg3[%add3A, %dma_wait3A_381, %dma_wait3A_382, %dma_wait3A_383] : memref<32x156x1x64xi32, #tpu.memory_space<hbm>> -> memref<1x1x1x64xi32, #tpu.memory_space<hbm>>
        %dma_wait3A_385 = tpu.memref_squeeze %dma_wait3A_384 : memref<1x1x1x64xi32, #tpu.memory_space<hbm>> -> memref<1x64xi32, #tpu.memory_space<hbm>>
        %dma_wait3A_386 = arith.constant 0 : i32
        %dma_wait3A_387 = arith.constant 0 : i32
        %dma_wait3A_388 = tpu.memref_slice %arg3[%add3A, %dma_wait3A_381, %dma_wait3A_386, %dma_wait3A_387] : memref<32x156x1x64xi32, #tpu.memory_space<hbm>> -> memref<1x1x1x64xi32, #tpu.memory_space<hbm>>
        %dma_wait3A_389 = tpu.memref_squeeze %dma_wait3A_388 : memref<1x1x1x64xi32, #tpu.memory_space<hbm>> -> memref<1x64xi32, #tpu.memory_space<hbm>>
        tpu.wait_dma2 semaphore(%arg32 : memref<!tpu.dma_semaphore, #tpu.memory_space<semaphore_mem>>) src(%dma_wait3A_389 : memref<1x64xi32, #tpu.memory_space<hbm>>) dst(%arg10 : memref<1x64xi32, #tpu.memory_space<vmem>>)
        %dma_start3A_390 = arith.constant 0 : i32
        %dma_start3A_391 = arith.constant 0 : i32
        %dma_start3A_392 = tpu.memref_slice %arg10[%dma_start3A_390, %dma_start3A_391] : memref<1x64xi32, #tpu.memory_space<vmem>> -> memref<1x64xi32, #tpu.memory_space<vmem>>
        %dma_start3A_393 = tpu.memref_squeeze %dma_start3A_392 : memref<1x64xi32, #tpu.memory_space<vmem>> -> memref<64xi32, #tpu.memory_space<vmem>>
        %dma_start3A_394 = arith.constant 0 : i32
        %dma_start3A_395 = arith.constant 0 : i32
        %dma_start3A_396 = tpu.memref_slice %arg2[%dma_start3A_394, %dma_start3A_395] : memref<10000x128xf32, #tpu.memory_space<hbm>> -> memref<10000x128xf32, #tpu.memory_space<hbm>>
        tpu.enqueue_indirect_dma source(%dma_start3A_396 : memref<10000x128xf32, #tpu.memory_space<hbm>>) target(%arg18 : memref<64x128xf32, #tpu.memory_space<vmem>>) offsets(%dma_start3A_393 : memref<64xi32, #tpu.memory_space<vmem>>) semaphore(%arg24 : memref<!tpu.dma_semaphore, #tpu.memory_space<semaphore_mem>>)
        %add3A_397 = arith.constant 2 : i32
        %add3A_398 = arith.addi %mul3A_209, %add3A_397 : i32
        %add3A_399 = arith.constant 4 : i32
        %add3A_400 = arith.addi %add3A_398, %add3A_399 : i32
        %dma_start3A_401 = arith.constant 0 : i32
        %dma_start3A_402 = arith.constant 0 : i32
        %dma_start3A_403 = tpu.memref_slice %arg4[%add3A, %add3A_400, %dma_start3A_401, %dma_start3A_402] : memref<32x156x1x64xi32, #tpu.memory_space<hbm>> -> memref<1x1x1x64xi32, #tpu.memory_space<hbm>>
        %dma_start3A_404 = tpu.memref_squeeze %dma_start3A_403 : memref<1x1x1x64xi32, #tpu.memory_space<hbm>> -> memref<1x64xi32, #tpu.memory_space<hbm>>
        %dma_start3A_405 = arith.constant 0 : i32
        %dma_start3A_406 = arith.constant 0 : i32
        %dma_start3A_407 = tpu.memref_slice %arg4[%add3A, %add3A_400, %dma_start3A_405, %dma_start3A_406] : memref<32x156x1x64xi32, #tpu.memory_space<hbm>> -> memref<1x1x1x64xi32, #tpu.memory_space<hbm>>
        %dma_start3A_408 = tpu.memref_squeeze %dma_start3A_407 : memref<1x1x1x64xi32, #tpu.memory_space<hbm>> -> memref<1x64xi32, #tpu.memory_space<hbm>>
        tpu.enqueue_dma source(%dma_start3A_408 : memref<1x64xi32, #tpu.memory_space<hbm>>) target(%arg14 : memref<1x64xi32, #tpu.memory_space<vmem>>) target_semaphore(%arg36 : memref<!tpu.dma_semaphore, #tpu.memory_space<semaphore_mem>>)
      } else {
      }
      %add3A_365 = arith.constant 3 : i32
      %add3A_366 = arith.addi %mul3A_209, %add3A_365 : i32
      %add3A_367 = arith.constant 4 : i32
      %add3A_368 = arith.addi %add3A_366, %add3A_367 : i32
      %lt3A_369 = arith.constant 156 : i32
      %lt3A_370 = arith.cmpi slt, %add3A_368, %lt3A_369 : i32
      %convert_element_type3A_371 = arith.extui %lt3A_370 : i1 to i32
      %cond3A_372 = arith.constant 0 : i32
      %cond3A_373 = arith.cmpi ne, %convert_element_type3A_371, %cond3A_372 : i32
      scf.if %cond3A_373 {
        %dma_wait3A_374 = arith.constant 0 : i32
        %dma_wait3A_375 = arith.constant 0 : i32
        %dma_wait3A_376 = tpu.memref_slice %arg15[%dma_wait3A_374, %dma_wait3A_375] : memref<1x64xi32, #tpu.memory_space<vmem>> -> memref<1x64xi32, #tpu.memory_space<vmem>>
        %dma_wait3A_377 = tpu.memref_squeeze %dma_wait3A_376 : memref<1x64xi32, #tpu.memory_space<vmem>> -> memref<64xi32, #tpu.memory_space<vmem>>
        %dma_wait3A_378 = arith.constant 0 : i32
        %dma_wait3A_379 = arith.constant 0 : i32
        %dma_wait3A_380 = tpu.memref_slice %arg21[%dma_wait3A_378, %dma_wait3A_379] : memref<10000x128xf32, #tpu.memory_space<vmem_shared>> -> memref<10000x128xf32, #tpu.memory_space<vmem_shared>>
        tpu.wait_indirect_dma semaphore(%arg29 : memref<!tpu.dma_semaphore, #tpu.memory_space<semaphore_mem>>) src(%arg19 : memref<64x128xf32, #tpu.memory_space<vmem>>) dst(%dma_wait3A_380 : memref<10000x128xf32, #tpu.memory_space<vmem_shared>>)
        %dma_wait3A_381 = arith.constant 0 : i32
        %dma_wait3A_382 = arith.constant 0 : i32
        %dma_wait3A_383 = arith.constant 0 : i32
        %dma_wait3A_384 = tpu.memref_slice %arg3[%add3A, %dma_wait3A_381, %dma_wait3A_382, %dma_wait3A_383] : memref<32x156x1x64xi32, #tpu.memory_space<hbm>> -> memref<1x1x1x64xi32, #tpu.memory_space<hbm>>
        %dma_wait3A_385 = tpu.memref_squeeze %dma_wait3A_384 : memref<1x1x1x64xi32, #tpu.memory_space<hbm>> -> memref<1x64xi32, #tpu.memory_space<hbm>>
        %dma_wait3A_386 = arith.constant 0 : i32
        %dma_wait3A_387 = arith.constant 0 : i32
        %dma_wait3A_388 = tpu.memref_slice %arg3[%add3A, %dma_wait3A_381, %dma_wait3A_386, %dma_wait3A_387] : memref<32x156x1x64xi32, #tpu.memory_space<hbm>> -> memref<1x1x1x64xi32, #tpu.memory_space<hbm>>
        %dma_wait3A_389 = tpu.memref_squeeze %dma_wait3A_388 : memref<1x1x1x64xi32, #tpu.memory_space<hbm>> -> memref<1x64xi32, #tpu.memory_space<hbm>>
        tpu.wait_dma2 semaphore(%arg33 : memref<!tpu.dma_semaphore, #tpu.memory_space<semaphore_mem>>) src(%dma_wait3A_389 : memref<1x64xi32, #tpu.memory_space<hbm>>) dst(%arg11 : memref<1x64xi32, #tpu.memory_space<vmem>>)
        %dma_start3A_390 = arith.constant 0 : i32
        %dma_start3A_391 = arith.constant 0 : i32
        %dma_start3A_392 = tpu.memref_slice %arg11[%dma_start3A_390, %dma_start3A_391] : memref<1x64xi32, #tpu.memory_space<vmem>> -> memref<1x64xi32, #tpu.memory_space<vmem>>
        %dma_start3A_393 = tpu.memref_squeeze %dma_start3A_392 : memref<1x64xi32, #tpu.memory_space<vmem>> -> memref<64xi32, #tpu.memory_space<vmem>>
        %dma_start3A_394 = arith.constant 0 : i32
        %dma_start3A_395 = arith.constant 0 : i32
        %dma_start3A_396 = tpu.memref_slice %arg2[%dma_start3A_394, %dma_start3A_395] : memref<10000x128xf32, #tpu.memory_space<hbm>> -> memref<10000x128xf32, #tpu.memory_space<hbm>>
        tpu.enqueue_indirect_dma source(%dma_start3A_396 : memref<10000x128xf32, #tpu.memory_space<hbm>>) target(%arg19 : memref<64x128xf32, #tpu.memory_space<vmem>>) offsets(%dma_start3A_393 : memref<64xi32, #tpu.memory_space<vmem>>) semaphore(%arg25 : memref<!tpu.dma_semaphore, #tpu.memory_space<semaphore_mem>>)
        %add3A_397 = arith.constant 3 : i32
        %add3A_398 = arith.addi %mul3A_209, %add3A_397 : i32
        %add3A_399 = arith.constant 4 : i32
        %add3A_400 = arith.addi %add3A_398, %add3A_399 : i32
        %dma_start3A_401 = arith.constant 0 : i32
        %dma_start3A_402 = arith.constant 0 : i32
        %dma_start3A_403 = tpu.memref_slice %arg4[%add3A, %add3A_400, %dma_start3A_401, %dma_start3A_402] : memref<32x156x1x64xi32, #tpu.memory_space<hbm>> -> memref<1x1x1x64xi32, #tpu.memory_space<hbm>>
        %dma_start3A_404 = tpu.memref_squeeze %dma_start3A_403 : memref<1x1x1x64xi32, #tpu.memory_space<hbm>> -> memref<1x64xi32, #tpu.memory_space<hbm>>
        %dma_start3A_405 = arith.constant 0 : i32
        %dma_start3A_406 = arith.constant 0 : i32
        %dma_start3A_407 = tpu.memref_slice %arg4[%add3A, %add3A_400, %dma_start3A_405, %dma_start3A_406] : memref<32x156x1x64xi32, #tpu.memory_space<hbm>> -> memref<1x1x1x64xi32, #tpu.memory_space<hbm>>
        %dma_start3A_408 = tpu.memref_squeeze %dma_start3A_407 : memref<1x1x1x64xi32, #tpu.memory_space<hbm>> -> memref<1x64xi32, #tpu.memory_space<hbm>>
        tpu.enqueue_dma source(%dma_start3A_408 : memref<1x64xi32, #tpu.memory_space<hbm>>) target(%arg15 : memref<1x64xi32, #tpu.memory_space<vmem>>) target_semaphore(%arg37 : memref<!tpu.dma_semaphore, #tpu.memory_space<semaphore_mem>>)
      } else {
      }
    }
    %scan3A_162 = arith.constant 39 : i32
    %dma_wait3A_163 = arith.constant 0 : i32
    %dma_wait3A_164 = arith.constant 0 : i32
    %dma_wait3A_165 = tpu.memref_slice %arg12[%dma_wait3A_163, %dma_wait3A_164] : memref<1x64xi32, #tpu.memory_space<vmem>> -> memref<1x64xi32, #tpu.memory_space<vmem>>
    %dma_wait3A_166 = tpu.memref_squeeze %dma_wait3A_165 : memref<1x64xi32, #tpu.memory_space<vmem>> -> memref<64xi32, #tpu.memory_space<vmem>>
    %dma_wait3A_167 = arith.constant 0 : i32
    %dma_wait3A_168 = arith.constant 0 : i32
    %dma_wait3A_169 = tpu.memref_slice %arg21[%dma_wait3A_167, %dma_wait3A_168] : memref<10000x128xf32, #tpu.memory_space<vmem_shared>> -> memref<10000x128xf32, #tpu.memory_space<vmem_shared>>
    tpu.wait_indirect_dma semaphore(%arg26 : memref<!tpu.dma_semaphore, #tpu.memory_space<semaphore_mem>>) src(%arg16 : memref<64x128xf32, #tpu.memory_space<vmem>>) dst(%dma_wait3A_169 : memref<10000x128xf32, #tpu.memory_space<vmem_shared>>)
    %dma_wait3A_170 = arith.constant 0 : i32
    %dma_wait3A_171 = arith.constant 0 : i32
    %dma_wait3A_172 = tpu.memref_slice %arg13[%dma_wait3A_170, %dma_wait3A_171] : memref<1x64xi32, #tpu.memory_space<vmem>> -> memref<1x64xi32, #tpu.memory_space<vmem>>
    %dma_wait3A_173 = tpu.memref_squeeze %dma_wait3A_172 : memref<1x64xi32, #tpu.memory_space<vmem>> -> memref<64xi32, #tpu.memory_space<vmem>>
    %dma_wait3A_174 = arith.constant 0 : i32
    %dma_wait3A_175 = arith.constant 0 : i32
    %dma_wait3A_176 = tpu.memref_slice %arg21[%dma_wait3A_174, %dma_wait3A_175] : memref<10000x128xf32, #tpu.memory_space<vmem_shared>> -> memref<10000x128xf32, #tpu.memory_space<vmem_shared>>
    tpu.wait_indirect_dma semaphore(%arg27 : memref<!tpu.dma_semaphore, #tpu.memory_space<semaphore_mem>>) src(%arg17 : memref<64x128xf32, #tpu.memory_space<vmem>>) dst(%dma_wait3A_176 : memref<10000x128xf32, #tpu.memory_space<vmem_shared>>)
    %dma_wait3A_177 = arith.constant 0 : i32
    %dma_wait3A_178 = arith.constant 0 : i32
    %dma_wait3A_179 = tpu.memref_slice %arg14[%dma_wait3A_177, %dma_wait3A_178] : memref<1x64xi32, #tpu.memory_space<vmem>> -> memref<1x64xi32, #tpu.memory_space<vmem>>
    %dma_wait3A_180 = tpu.memref_squeeze %dma_wait3A_179 : memref<1x64xi32, #tpu.memory_space<vmem>> -> memref<64xi32, #tpu.memory_space<vmem>>
    %dma_wait3A_181 = arith.constant 0 : i32
    %dma_wait3A_182 = arith.constant 0 : i32
    %dma_wait3A_183 = tpu.memref_slice %arg21[%dma_wait3A_181, %dma_wait3A_182] : memref<10000x128xf32, #tpu.memory_space<vmem_shared>> -> memref<10000x128xf32, #tpu.memory_space<vmem_shared>>
    tpu.wait_indirect_dma semaphore(%arg28 : memref<!tpu.dma_semaphore, #tpu.memory_space<semaphore_mem>>) src(%arg18 : memref<64x128xf32, #tpu.memory_space<vmem>>) dst(%dma_wait3A_183 : memref<10000x128xf32, #tpu.memory_space<vmem_shared>>)
    %dma_wait3A_184 = arith.constant 0 : i32
    %dma_wait3A_185 = arith.constant 0 : i32
    %dma_wait3A_186 = tpu.memref_slice %arg15[%dma_wait3A_184, %dma_wait3A_185] : memref<1x64xi32, #tpu.memory_space<vmem>> -> memref<1x64xi32, #tpu.memory_space<vmem>>
    %dma_wait3A_187 = tpu.memref_squeeze %dma_wait3A_186 : memref<1x64xi32, #tpu.memory_space<vmem>> -> memref<64xi32, #tpu.memory_space<vmem>>
    %dma_wait3A_188 = arith.constant 0 : i32
    %dma_wait3A_189 = arith.constant 0 : i32
    %dma_wait3A_190 = tpu.memref_slice %arg21[%dma_wait3A_188, %dma_wait3A_189] : memref<10000x128xf32, #tpu.memory_space<vmem_shared>> -> memref<10000x128xf32, #tpu.memory_space<vmem_shared>>
    tpu.wait_indirect_dma semaphore(%arg29 : memref<!tpu.dma_semaphore, #tpu.memory_space<semaphore_mem>>) src(%arg19 : memref<64x128xf32, #tpu.memory_space<vmem>>) dst(%dma_wait3A_190 : memref<10000x128xf32, #tpu.memory_space<vmem_shared>>)
    %lt3A = arith.constant 8 : i32
    %lt3A_191 = arith.cmpi slt, %add3A, %lt3A : i32
    %convert_element_type3A_192 = arith.extui %lt3A_191 : i1 to i32
    %cond3A_193 = arith.constant 0 : i32
    %cond3A_194 = arith.cmpi ne, %convert_element_type3A_192, %cond3A_193 : i32
    scf.if %cond3A_194 {
      "tpu.region"() ({
        %run_scoped3A_221 = tpu.sem_alloc : memref<!tpu.dma_semaphore, #tpu.memory_space<semaphore_mem>>
        %dma_start3A_222 = arith.constant 0 : i32
        %dma_start3A_223 = arith.constant 0 : i32
        %dma_start3A_224 = tpu.memref_slice %arg5[%add3A, %dma_start3A_222, %dma_start3A_223] : memref<8x1x64xi32, #tpu.memory_space<hbm>> -> memref<1x1x64xi32, #tpu.memory_space<hbm>>
        %dma_start3A_225 = tpu.memref_squeeze %dma_start3A_224 : memref<1x1x64xi32, #tpu.memory_space<hbm>> -> memref<1x64xi32, #tpu.memory_space<hbm>>
        %dma_start3A_226 = arith.constant 0 : i32
        %dma_start3A_227 = arith.constant 0 : i32
        %dma_start3A_228 = tpu.memref_slice %arg5[%add3A, %dma_start3A_226, %dma_start3A_227] : memref<8x1x64xi32, #tpu.memory_space<hbm>> -> memref<1x1x64xi32, #tpu.memory_space<hbm>>
        %dma_start3A_229 = tpu.memref_squeeze %dma_start3A_228 : memref<1x1x64xi32, #tpu.memory_space<hbm>> -> memref<1x64xi32, #tpu.memory_space<hbm>>
        tpu.enqueue_dma source(%dma_start3A_229 : memref<1x64xi32, #tpu.memory_space<hbm>>) target(%arg8 : memref<1x64xi32, #tpu.memory_space<vmem>>) target_semaphore(%run_scoped3A_221 : memref<!tpu.dma_semaphore, #tpu.memory_space<semaphore_mem>>)
        %dma_wait3A_230 = arith.constant 0 : i32
        %dma_wait3A_231 = arith.constant 0 : i32
        %dma_wait3A_232 = tpu.memref_slice %arg5[%add3A, %dma_wait3A_230, %dma_wait3A_231] : memref<8x1x64xi32, #tpu.memory_space<hbm>> -> memref<1x1x64xi32, #tpu.memory_space<hbm>>
        %dma_wait3A_233 = tpu.memref_squeeze %dma_wait3A_232 : memref<1x1x64xi32, #tpu.memory_space<hbm>> -> memref<1x64xi32, #tpu.memory_space<hbm>>
        %dma_wait3A_234 = arith.constant 0 : i32
        %dma_wait3A_235 = arith.constant 0 : i32
        %dma_wait3A_236 = tpu.memref_slice %arg5[%add3A, %dma_wait3A_234, %dma_wait3A_235] : memref<8x1x64xi32, #tpu.memory_space<hbm>> -> memref<1x1x64xi32, #tpu.memory_space<hbm>>
        %dma_wait3A_237 = tpu.memref_squeeze %dma_wait3A_236 : memref<1x1x64xi32, #tpu.memory_space<hbm>> -> memref<1x64xi32, #tpu.memory_space<hbm>>
        tpu.wait_dma2 semaphore(%run_scoped3A_221 : memref<!tpu.dma_semaphore, #tpu.memory_space<semaphore_mem>>) src(%dma_wait3A_237 : memref<1x64xi32, #tpu.memory_space<hbm>>) dst(%arg8 : memref<1x64xi32, #tpu.memory_space<vmem>>)
        tpu.yield
      }) : () -> ()
      "tpu.region"() ({
        %run_scoped3A_221 = tpu.sem_alloc : memref<!tpu.dma_semaphore, #tpu.memory_space<semaphore_mem>>
        %dma_start3A_222 = arith.constant 0 : i32
        %dma_start3A_223 = arith.constant 0 : i32
        %dma_start3A_224 = tpu.memref_slice %arg6[%add3A, %dma_start3A_222, %dma_start3A_223] : memref<8x1x64xi32, #tpu.memory_space<hbm>> -> memref<1x1x64xi32, #tpu.memory_space<hbm>>
        %dma_start3A_225 = tpu.memref_squeeze %dma_start3A_224 : memref<1x1x64xi32, #tpu.memory_space<hbm>> -> memref<1x64xi32, #tpu.memory_space<hbm>>
        %dma_start3A_226 = arith.constant 0 : i32
        %dma_start3A_227 = arith.constant 0 : i32
        %dma_start3A_228 = tpu.memref_slice %arg6[%add3A, %dma_start3A_226, %dma_start3A_227] : memref<8x1x64xi32, #tpu.memory_space<hbm>> -> memref<1x1x64xi32, #tpu.memory_space<hbm>>
        %dma_start3A_229 = tpu.memref_squeeze %dma_start3A_228 : memref<1x1x64xi32, #tpu.memory_space<hbm>> -> memref<1x64xi32, #tpu.memory_space<hbm>>
        tpu.enqueue_dma source(%dma_start3A_229 : memref<1x64xi32, #tpu.memory_space<hbm>>) target(%arg12 : memref<1x64xi32, #tpu.memory_space<vmem>>) target_semaphore(%run_scoped3A_221 : memref<!tpu.dma_semaphore, #tpu.memory_space<semaphore_mem>>)
        %dma_wait3A_230 = arith.constant 0 : i32
        %dma_wait3A_231 = arith.constant 0 : i32
        %dma_wait3A_232 = tpu.memref_slice %arg6[%add3A, %dma_wait3A_230, %dma_wait3A_231] : memref<8x1x64xi32, #tpu.memory_space<hbm>> -> memref<1x1x64xi32, #tpu.memory_space<hbm>>
        %dma_wait3A_233 = tpu.memref_squeeze %dma_wait3A_232 : memref<1x1x64xi32, #tpu.memory_space<hbm>> -> memref<1x64xi32, #tpu.memory_space<hbm>>
        %dma_wait3A_234 = arith.constant 0 : i32
        %dma_wait3A_235 = arith.constant 0 : i32
        %dma_wait3A_236 = tpu.memref_slice %arg6[%add3A, %dma_wait3A_234, %dma_wait3A_235] : memref<8x1x64xi32, #tpu.memory_space<hbm>> -> memref<1x1x64xi32, #tpu.memory_space<hbm>>
        %dma_wait3A_237 = tpu.memref_squeeze %dma_wait3A_236 : memref<1x1x64xi32, #tpu.memory_space<hbm>> -> memref<1x64xi32, #tpu.memory_space<hbm>>
        tpu.wait_dma2 semaphore(%run_scoped3A_221 : memref<!tpu.dma_semaphore, #tpu.memory_space<semaphore_mem>>) src(%dma_wait3A_237 : memref<1x64xi32, #tpu.memory_space<hbm>>) dst(%arg12 : memref<1x64xi32, #tpu.memory_space<vmem>>)
        tpu.yield
      }) : () -> ()
      %dma_start3A_207 = arith.constant 0 : i32
      %dma_start3A_208 = arith.constant 0 : i32
      %dma_start3A_209 = tpu.memref_slice %arg8[%dma_start3A_207, %dma_start3A_208] : memref<1x64xi32, #tpu.memory_space<vmem>> -> memref<1x64xi32, #tpu.memory_space<vmem>>
      %dma_start3A_210 = tpu.memref_squeeze %dma_start3A_209 : memref<1x64xi32, #tpu.memory_space<vmem>> -> memref<64xi32, #tpu.memory_space<vmem>>
      %dma_start3A_211 = arith.constant 0 : i32
      %dma_start3A_212 = arith.constant 0 : i32
      %dma_start3A_213 = tpu.memref_slice %arg2[%dma_start3A_211, %dma_start3A_212] : memref<10000x128xf32, #tpu.memory_space<hbm>> -> memref<10000x128xf32, #tpu.memory_space<hbm>>
      tpu.enqueue_indirect_dma source(%dma_start3A_213 : memref<10000x128xf32, #tpu.memory_space<hbm>>) target(%arg16 : memref<64x128xf32, #tpu.memory_space<vmem>>) offsets(%dma_start3A_210 : memref<64xi32, #tpu.memory_space<vmem>>) semaphore(%arg22 : memref<!tpu.dma_semaphore, #tpu.memory_space<semaphore_mem>>)
      %dma_wait3A_214 = arith.constant 0 : i32
      %dma_wait3A_215 = arith.constant 0 : i32
      %dma_wait3A_216 = tpu.memref_slice %arg8[%dma_wait3A_214, %dma_wait3A_215] : memref<1x64xi32, #tpu.memory_space<vmem>> -> memref<1x64xi32, #tpu.memory_space<vmem>>
      %dma_wait3A_217 = tpu.memref_squeeze %dma_wait3A_216 : memref<1x64xi32, #tpu.memory_space<vmem>> -> memref<64xi32, #tpu.memory_space<vmem>>
      %dma_wait3A_218 = arith.constant 0 : i32
      %dma_wait3A_219 = arith.constant 0 : i32
      %dma_wait3A_220 = tpu.memref_slice %arg2[%dma_wait3A_218, %dma_wait3A_219] : memref<10000x128xf32, #tpu.memory_space<hbm>> -> memref<10000x128xf32, #tpu.memory_space<hbm>>
      tpu.wait_indirect_dma semaphore(%arg22 : memref<!tpu.dma_semaphore, #tpu.memory_space<semaphore_mem>>) src(%dma_wait3A_220 : memref<10000x128xf32, #tpu.memory_space<hbm>>) dst(%arg16 : memref<64x128xf32, #tpu.memory_space<vmem>>)
      %run_scoped3A = arith.constant 0 : i32
      "tpu.region"() ({
        %run_scoped3A_221 = tpu.sem_alloc : memref<!tpu.dma_semaphore, #tpu.memory_space<semaphore_mem>>
        %dma_start3A_222 = arith.constant 0 : i32
        %dma_start3A_223 = tpu.memref_slice %arg12[%run_scoped3A, %dma_start3A_222] : memref<1x64xi32, #tpu.memory_space<vmem>> -> memref<1x64xi32, #tpu.memory_space<vmem>>
        %dma_start3A_224 = tpu.memref_squeeze %dma_start3A_223 : memref<1x64xi32, #tpu.memory_space<vmem>> -> memref<64xi32, #tpu.memory_space<vmem>>
        %dma_start3A_225 = arith.constant 0 : i32
        %dma_start3A_226 = arith.constant 0 : i32
        %dma_start3A_227 = tpu.memref_slice %arg21[%dma_start3A_225, %dma_start3A_226] : memref<10000x128xf32, #tpu.memory_space<vmem_shared>> -> memref<10000x128xf32, #tpu.memory_space<vmem_shared>>
        tpu.enqueue_indirect_dma source(%arg16 : memref<64x128xf32, #tpu.memory_space<vmem>>) target(%dma_start3A_227 : memref<10000x128xf32, #tpu.memory_space<vmem_shared>>) offsets(%dma_start3A_224 : memref<64xi32, #tpu.memory_space<vmem>>) semaphore(%run_scoped3A_221 : memref<!tpu.dma_semaphore, #tpu.memory_space<semaphore_mem>>) {add = true}
        %dma_wait3A_228 = arith.constant 0 : i32
        %dma_wait3A_229 = tpu.memref_slice %arg12[%run_scoped3A, %dma_wait3A_228] : memref<1x64xi32, #tpu.memory_space<vmem>> -> memref<1x64xi32, #tpu.memory_space<vmem>>
        %dma_wait3A_230 = tpu.memref_squeeze %dma_wait3A_229 : memref<1x64xi32, #tpu.memory_space<vmem>> -> memref<64xi32, #tpu.memory_space<vmem>>
        %dma_wait3A_231 = arith.constant 0 : i32
        %dma_wait3A_232 = arith.constant 0 : i32
        %dma_wait3A_233 = tpu.memref_slice %arg21[%dma_wait3A_231, %dma_wait3A_232] : memref<10000x128xf32, #tpu.memory_space<vmem_shared>> -> memref<10000x128xf32, #tpu.memory_space<vmem_shared>>
        tpu.wait_indirect_dma semaphore(%run_scoped3A_221 : memref<!tpu.dma_semaphore, #tpu.memory_space<semaphore_mem>>) src(%arg16 : memref<64x128xf32, #tpu.memory_space<vmem>>) dst(%dma_wait3A_233 : memref<10000x128xf32, #tpu.memory_space<vmem_shared>>)
        tpu.yield
      }) : () -> ()
    } else {
    }
    %barrier3A_195 = arith.constant 0 : index
    tpu.barrier barrier_id(%barrier3A_195)
    %mul3A_196 = arith.constant 10000 : i32
    %mul3A_197 = arith.muli %arg0, %mul3A_196 : i32
    %mul3A_198 = arith.constant 624 : i32
    %mul3A_199 = arith.muli %arg1, %mul3A_198 : i32
    %add3A_200 = arith.addi %mul3A_197, %mul3A_199 : i32
    %multiple_of3A_201 = tpu.assume_multiple %add3A_200, 8 : i32
    "tpu.region"() ({
      %run_scoped3A = tpu.sem_alloc : memref<!tpu.dma_semaphore, #tpu.memory_space<semaphore_mem>>
      %dma_start3A_207 = arith.constant 0 : i32
      %dma_start3A_208 = tpu.memref_slice %arg7[%multiple_of3A_201, %dma_start3A_207] : memref<20000x128xf32, #tpu.memory_space<hbm>> -> memref<624x128xf32, #tpu.memory_space<hbm>>
      %dma_start3A_209 = arith.constant 0 : i32
      %dma_start3A_210 = tpu.memref_slice %arg21[%multiple_of3A, %dma_start3A_209] : memref<10000x128xf32, #tpu.memory_space<vmem_shared>> -> memref<624x128xf32, #tpu.memory_space<vmem_shared>>
      tpu.enqueue_dma source(%dma_start3A_210 : memref<624x128xf32, #tpu.memory_space<vmem_shared>>) target(%dma_start3A_208 : memref<624x128xf32, #tpu.memory_space<hbm>>) target_semaphore(%run_scoped3A : memref<!tpu.dma_semaphore, #tpu.memory_space<semaphore_mem>>)
      %dma_wait3A_211 = arith.constant 0 : i32
      %dma_wait3A_212 = tpu.memref_slice %arg7[%multiple_of3A_201, %dma_wait3A_211] : memref<20000x128xf32, #tpu.memory_space<hbm>> -> memref<624x128xf32, #tpu.memory_space<hbm>>
      %dma_wait3A_213 = arith.constant 0 : i32
      %dma_wait3A_214 = tpu.memref_slice %arg21[%multiple_of3A, %dma_wait3A_213] : memref<10000x128xf32, #tpu.memory_space<vmem_shared>> -> memref<624x128xf32, #tpu.memory_space<vmem_shared>>
      tpu.wait_dma2 semaphore(%run_scoped3A : memref<!tpu.dma_semaphore, #tpu.memory_space<semaphore_mem>>) src(%dma_wait3A_214 : memref<624x128xf32, #tpu.memory_space<vmem_shared>>) dst(%dma_wait3A_212 : memref<624x128xf32, #tpu.memory_space<hbm>>)
      tpu.yield
    }) : () -> ()
    %eq3A_202 = arith.constant 0 : i32
    %eq3A_203 = arith.cmpi eq, %arg1, %eq3A_202 : i32
    %convert_element_type3A_204 = arith.extui %eq3A_203 : i1 to i32
    %cond3A_205 = arith.constant 0 : i32
    %cond3A_206 = arith.cmpi ne, %convert_element_type3A_204, %cond3A_205 : i32
    scf.if %cond3A_206 {
      %mul3A_207 = arith.constant 10000 : i32
      %mul3A_208 = arith.muli %arg0, %mul3A_207 : i32
      %add3A_209 = arith.constant 9984 : i32
      %add3A_210 = arith.addi %mul3A_208, %add3A_209 : i32
      %multiple_of3A_211 = tpu.assume_multiple %add3A_210, 8 : i32
      "tpu.region"() ({
        %run_scoped3A = tpu.sem_alloc : memref<!tpu.dma_semaphore, #tpu.memory_space<semaphore_mem>>
        %dma_start3A_212 = arith.constant 0 : i32
        %dma_start3A_213 = tpu.memref_slice %arg7[%multiple_of3A_211, %dma_start3A_212] : memref<20000x128xf32, #tpu.memory_space<hbm>> -> memref<16x128xf32, #tpu.memory_space<hbm>>
        %dma_start3A_214 = arith.constant 9984 : i32
        %dma_start3A_215 = arith.constant 0 : i32
        %dma_start3A_216 = tpu.memref_slice %arg21[%dma_start3A_214, %dma_start3A_215] : memref<10000x128xf32, #tpu.memory_space<vmem_shared>> -> memref<16x128xf32, #tpu.memory_space<vmem_shared>>
        tpu.enqueue_dma source(%dma_start3A_216 : memref<16x128xf32, #tpu.memory_space<vmem_shared>>) target(%dma_start3A_213 : memref<16x128xf32, #tpu.memory_space<hbm>>) target_semaphore(%run_scoped3A : memref<!tpu.dma_semaphore, #tpu.memory_space<semaphore_mem>>)
        %dma_wait3A_217 = arith.constant 0 : i32
        %dma_wait3A_218 = tpu.memref_slice %arg7[%multiple_of3A_211, %dma_wait3A_217] : memref<20000x128xf32, #tpu.memory_space<hbm>> -> memref<16x128xf32, #tpu.memory_space<hbm>>
        %dma_wait3A_219 = arith.constant 9984 : i32
        %dma_wait3A_220 = arith.constant 0 : i32
        %dma_wait3A_221 = tpu.memref_slice %arg21[%dma_wait3A_219, %dma_wait3A_220] : memref<10000x128xf32, #tpu.memory_space<vmem_shared>> -> memref<16x128xf32, #tpu.memory_space<vmem_shared>>
        tpu.wait_dma2 semaphore(%run_scoped3A : memref<!tpu.dma_semaphore, #tpu.memory_space<semaphore_mem>>) src(%dma_wait3A_221 : memref<16x128xf32, #tpu.memory_space<vmem_shared>>) dst(%dma_wait3A_218 : memref<16x128xf32, #tpu.memory_space<hbm>>)
        tpu.yield
      }) : () -> ()
    } else {
    }
    return
  }
}

#map = affine_map<(d0, d1) -> (0, 0)>
#map1 = affine_map<(d0, d1) -> (0, 0, 0, 0)>
#map2 = affine_map<(d0, d1) -> (0, 0, 0)>
module attributes {stable_mosaic.version = 14 : i64} {
  func.func @_scatter_rows(%arg0: i32, %arg1: i32, %arg2: memref<10000x128xf32, #tpu.memory_space<hbm>>, %arg3: memref<32x156x1x64xi32, #tpu.memory_space<hbm>>, %arg4: memref<32x156x1x64xi32, #tpu.memory_space<hbm>>, %arg5: memref<8x1x64xi32, #tpu.memory_space<hbm>>, %arg6: memref<8x1x64xi32, #tpu.memory_space<hbm>>, %arg7: memref<20000x128xf32, #tpu.memory_space<hbm>>, %arg8: memref<1x64xi32, #tpu.memory_space<vmem>>, %arg9: memref<1x64xi32, #tpu.memory_space<vmem>>, %arg10: memref<1x64xi32, #tpu.memory_space<vmem>>, %arg11: memref<1x64xi32, #tpu.memory_space<vmem>>, %arg12: memref<1x64xi32, #tpu.memory_space<vmem>>, %arg13: memref<1x64xi32, #tpu.memory_space<vmem>>, %arg14: memref<1x64xi32, #tpu.memory_space<vmem>>, %arg15: memref<1x64xi32, #tpu.memory_space<vmem>>, %arg16: memref<64x128xf32, #tpu.memory_space<vmem>>, %arg17: memref<64x128xf32, #tpu.memory_space<vmem>>, %arg18: memref<64x128xf32, #tpu.memory_space<vmem>>, %arg19: memref<64x128xf32, #tpu.memory_space<vmem>>, %arg20: memref<104x128xf32, #tpu.memory_space<vmem>>, %arg21: memref<10000x128xf32, #tpu.memory_space<vmem_shared>>, %arg22: memref<!tpu.dma_semaphore, #tpu.memory_space<semaphore_mem>>, %arg23: memref<!tpu.dma_semaphore, #tpu.memory_space<semaphore_mem>>, %arg24: memref<!tpu.dma_semaphore, #tpu.memory_space<semaphore_mem>>, %arg25: memref<!tpu.dma_semaphore, #tpu.memory_space<semaphore_mem>>, %arg26: memref<!tpu.dma_semaphore, #tpu.memory_space<semaphore_mem>>, %arg27: memref<!tpu.dma_semaphore, #tpu.memory_space<semaphore_mem>>, %arg28: memref<!tpu.dma_semaphore, #tpu.memory_space<semaphore_mem>>, %arg29: memref<!tpu.dma_semaphore, #tpu.memory_space<semaphore_mem>>, %arg30: memref<!tpu.dma_semaphore, #tpu.memory_space<semaphore_mem>>, %arg31: memref<!tpu.dma_semaphore, #tpu.memory_space<semaphore_mem>>, %arg32: memref<!tpu.dma_semaphore, #tpu.memory_space<semaphore_mem>>, %arg33: memref<!tpu.dma_semaphore, #tpu.memory_space<semaphore_mem>>, %arg34: memref<!tpu.dma_semaphore, #tpu.memory_space<semaphore_mem>>, %arg35: memref<!tpu.dma_semaphore, #tpu.memory_space<semaphore_mem>>, %arg36: memref<!tpu.dma_semaphore, #tpu.memory_space<semaphore_mem>>, %arg37: memref<!tpu.dma_semaphore, #tpu.memory_space<semaphore_mem>>) attributes {dimension_semantics = [#tpu.dimension_semantics<core_parallel>, #tpu.dimension_semantics<subcore_parallel>], iteration_bounds = array<i64: 2, 16>, scalar_prefetch = 0 : i64, scratch_operands = 30 : i64, tpu.core_type = #tpu.core_type<sc_vector_subcore>, window_params = [{transform_indices = #map}, {transform_indices = #map1}, {transform_indices = #map1}, {transform_indices = #map2}, {transform_indices = #map2}, {transform_indices = #map}]} {
    %mul3A = arith.constant 16 : i32
    %mul3A_0 = arith.muli %arg0, %mul3A : i32
    %add3A = arith.addi %mul3A_0, %arg1 : i32
    %mul3A_1 = arith.constant 624 : i32
    %mul3A_2 = arith.muli %arg1, %mul3A_1 : i32
    %multiple_of3A = tpu.assume_multiple %mul3A_2, 8 : i32
    %broadcast_in_dim3A = arith.constant 0.000000e+00 : f32
    %broadcast_in_dim3A_3 = vector.broadcast %broadcast_in_dim3A : f32 to vector<16xf32>
    %scan3A = arith.constant 0 : i32
    %scan3A_4 = arith.constant 0 : i32
    %scan3A_5 = arith.constant 104 : i32
    %scan3A_6 = arith.addi %scan3A_4, %scan3A_5 : i32
    %scan3A_7 = arith.constant 1 : i32
    scf.for %scan3A_207 = %scan3A_4 to %scan3A_6 step %scan3A_7  : i32 {
      %swap3A = arith.index_cast %scan3A_207 : i32 to index
      %swap3A_208 = arith.constant 0 : index
      %swap3A_209 = tpu.vector_load %arg20[%swap3A, %swap3A_208] {strides = array<i32>} : memref<104x128xf32, #tpu.memory_space<vmem>>, vector<1x16xf32>,
      %swap3A_210 = vector.shape_cast %swap3A_209 : vector<1x16xf32> to vector<16xf32>
      %swap3A_211 = vector.shape_cast %broadcast_in_dim3A_3 : vector<16xf32> to vector<1x16xf32>
      tpu.vector_store %arg20[%swap3A, %swap3A_208], %swap3A_211 {strides = array<i32>} : memref<104x128xf32, #tpu.memory_space<vmem>>, vector<1x16xf32>,
      %swap3A_212 = arith.index_cast %scan3A_207 : i32 to index
      %swap3A_213 = arith.constant 16 : index
      %swap3A_214 = tpu.vector_load %arg20[%swap3A_212, %swap3A_213] {strides = array<i32>} : memref<104x128xf32, #tpu.memory_space<vmem>>, vector<1x16xf32>,
      %swap3A_215 = vector.shape_cast %swap3A_214 : vector<1x16xf32> to vector<16xf32>
      %swap3A_216 = vector.shape_cast %broadcast_in_dim3A_3 : vector<16xf32> to vector<1x16xf32>
      tpu.vector_store %arg20[%swap3A_212, %swap3A_213], %swap3A_216 {strides = array<i32>} : memref<104x128xf32, #tpu.memory_space<vmem>>, vector<1x16xf32>,
      %swap3A_217 = arith.index_cast %scan3A_207 : i32 to index
      %swap3A_218 = arith.constant 32 : index
      %swap3A_219 = tpu.vector_load %arg20[%swap3A_217, %swap3A_218] {strides = array<i32>} : memref<104x128xf32, #tpu.memory_space<vmem>>, vector<1x16xf32>,
      %swap3A_220 = vector.shape_cast %swap3A_219 : vector<1x16xf32> to vector<16xf32>
      %swap3A_221 = vector.shape_cast %broadcast_in_dim3A_3 : vector<16xf32> to vector<1x16xf32>
      tpu.vector_store %arg20[%swap3A_217, %swap3A_218], %swap3A_221 {strides = array<i32>} : memref<104x128xf32, #tpu.memory_space<vmem>>, vector<1x16xf32>,
      %swap3A_222 = arith.index_cast %scan3A_207 : i32 to index
      %swap3A_223 = arith.constant 48 : index
      %swap3A_224 = tpu.vector_load %arg20[%swap3A_222, %swap3A_223] {strides = array<i32>} : memref<104x128xf32, #tpu.memory_space<vmem>>, vector<1x16xf32>,
      %swap3A_225 = vector.shape_cast %swap3A_224 : vector<1x16xf32> to vector<16xf32>
      %swap3A_226 = vector.shape_cast %broadcast_in_dim3A_3 : vector<16xf32> to vector<1x16xf32>
      tpu.vector_store %arg20[%swap3A_222, %swap3A_223], %swap3A_226 {strides = array<i32>} : memref<104x128xf32, #tpu.memory_space<vmem>>, vector<1x16xf32>,
      %swap3A_227 = arith.index_cast %scan3A_207 : i32 to index
      %swap3A_228 = arith.constant 64 : index
      %swap3A_229 = tpu.vector_load %arg20[%swap3A_227, %swap3A_228] {strides = array<i32>} : memref<104x128xf32, #tpu.memory_space<vmem>>, vector<1x16xf32>,
      %swap3A_230 = vector.shape_cast %swap3A_229 : vector<1x16xf32> to vector<16xf32>
      %swap3A_231 = vector.shape_cast %broadcast_in_dim3A_3 : vector<16xf32> to vector<1x16xf32>
      tpu.vector_store %arg20[%swap3A_227, %swap3A_228], %swap3A_231 {strides = array<i32>} : memref<104x128xf32, #tpu.memory_space<vmem>>, vector<1x16xf32>,
      %swap3A_232 = arith.index_cast %scan3A_207 : i32 to index
      %swap3A_233 = arith.constant 80 : index
      %swap3A_234 = tpu.vector_load %arg20[%swap3A_232, %swap3A_233] {strides = array<i32>} : memref<104x128xf32, #tpu.memory_space<vmem>>, vector<1x16xf32>,
      %swap3A_235 = vector.shape_cast %swap3A_234 : vector<1x16xf32> to vector<16xf32>
      %swap3A_236 = vector.shape_cast %broadcast_in_dim3A_3 : vector<16xf32> to vector<1x16xf32>
      tpu.vector_store %arg20[%swap3A_232, %swap3A_233], %swap3A_236 {strides = array<i32>} : memref<104x128xf32, #tpu.memory_space<vmem>>, vector<1x16xf32>,
      %swap3A_237 = arith.index_cast %scan3A_207 : i32 to index
      %swap3A_238 = arith.constant 96 : index
      %swap3A_239 = tpu.vector_load %arg20[%swap3A_237, %swap3A_238] {strides = array<i32>} : memref<104x128xf32, #tpu.memory_space<vmem>>, vector<1x16xf32>,
      %swap3A_240 = vector.shape_cast %swap3A_239 : vector<1x16xf32> to vector<16xf32>
      %swap3A_241 = vector.shape_cast %broadcast_in_dim3A_3 : vector<16xf32> to vector<1x16xf32>
      tpu.vector_store %arg20[%swap3A_237, %swap3A_238], %swap3A_241 {strides = array<i32>} : memref<104x128xf32, #tpu.memory_space<vmem>>, vector<1x16xf32>,
      %swap3A_242 = arith.index_cast %scan3A_207 : i32 to index
      %swap3A_243 = arith.constant 112 : index
      %swap3A_244 = tpu.vector_load %arg20[%swap3A_242, %swap3A_243] {strides = array<i32>} : memref<104x128xf32, #tpu.memory_space<vmem>>, vector<1x16xf32>,
      %swap3A_245 = vector.shape_cast %swap3A_244 : vector<1x16xf32> to vector<16xf32>
      %swap3A_246 = vector.shape_cast %broadcast_in_dim3A_3 : vector<16xf32> to vector<1x16xf32>
      tpu.vector_store %arg20[%swap3A_242, %swap3A_243], %swap3A_246 {strides = array<i32>} : memref<104x128xf32, #tpu.memory_space<vmem>>, vector<1x16xf32>,
    }
    %scan3A_8 = arith.constant 104 : i32
    %add3A_9 = arith.constant 0 : i32
    %add3A_10 = arith.addi %multiple_of3A, %add3A_9 : i32
    "tpu.region"() ({
      %run_scoped3A = tpu.sem_alloc : memref<!tpu.dma_semaphore, #tpu.memory_space<semaphore_mem>>
      %dma_start3A_207 = arith.constant 0 : i32
      %dma_start3A_208 = tpu.memref_slice %arg21[%add3A_10, %dma_start3A_207] : memref<10000x128xf32, #tpu.memory_space<vmem_shared>> -> memref<104x128xf32, #tpu.memory_space<vmem_shared>>
      %dma_start3A_209 = arith.constant 0 : i32
      %dma_start3A_210 = tpu.memref_slice %arg21[%add3A_10, %dma_start3A_209] : memref<10000x128xf32, #tpu.memory_space<vmem_shared>> -> memref<104x128xf32, #tpu.memory_space<vmem_shared>>
      tpu.enqueue_dma source(%arg20 : memref<104x128xf32, #tpu.memory_space<vmem>>) target(%dma_start3A_210 : memref<104x128xf32, #tpu.memory_space<vmem_shared>>) target_semaphore(%run_scoped3A : memref<!tpu.dma_semaphore, #tpu.memory_space<semaphore_mem>>)
      %dma_wait3A_211 = arith.constant 0 : i32
      %dma_wait3A_212 = tpu.memref_slice %arg21[%add3A_10, %dma_wait3A_211] : memref<10000x128xf32, #tpu.memory_space<vmem_shared>> -> memref<104x128xf32, #tpu.memory_space<vmem_shared>>
      %dma_wait3A_213 = arith.constant 0 : i32
      %dma_wait3A_214 = tpu.memref_slice %arg21[%add3A_10, %dma_wait3A_213] : memref<10000x128xf32, #tpu.memory_space<vmem_shared>> -> memref<104x128xf32, #tpu.memory_space<vmem_shared>>
      tpu.wait_dma2 semaphore(%run_scoped3A : memref<!tpu.dma_semaphore, #tpu.memory_space<semaphore_mem>>) src(%arg20 : memref<104x128xf32, #tpu.memory_space<vmem>>) dst(%dma_wait3A_214 : memref<104x128xf32, #tpu.memory_space<vmem_shared>>)
      tpu.yield
    }) : () -> ()
    %add3A_11 = arith.constant 104 : i32
    %add3A_12 = arith.addi %multiple_of3A, %add3A_11 : i32
    "tpu.region"() ({
      %run_scoped3A = tpu.sem_alloc : memref<!tpu.dma_semaphore, #tpu.memory_space<semaphore_mem>>
      %dma_start3A_207 = arith.constant 0 : i32
      %dma_start3A_208 = tpu.memref_slice %arg21[%add3A_12, %dma_start3A_207] : memref<10000x128xf32, #tpu.memory_space<vmem_shared>> -> memref<104x128xf32, #tpu.memory_space<vmem_shared>>
      %dma_start3A_209 = arith.constant 0 : i32
      %dma_start3A_210 = tpu.memref_slice %arg21[%add3A_12, %dma_start3A_209] : memref<10000x128xf32, #tpu.memory_space<vmem_shared>> -> memref<104x128xf32, #tpu.memory_space<vmem_shared>>
      tpu.enqueue_dma source(%arg20 : memref<104x128xf32, #tpu.memory_space<vmem>>) target(%dma_start3A_210 : memref<104x128xf32, #tpu.memory_space<vmem_shared>>) target_semaphore(%run_scoped3A : memref<!tpu.dma_semaphore, #tpu.memory_space<semaphore_mem>>)
      %dma_wait3A_211 = arith.constant 0 : i32
      %dma_wait3A_212 = tpu.memref_slice %arg21[%add3A_12, %dma_wait3A_211] : memref<10000x128xf32, #tpu.memory_space<vmem_shared>> -> memref<104x128xf32, #tpu.memory_space<vmem_shared>>
      %dma_wait3A_213 = arith.constant 0 : i32
      %dma_wait3A_214 = tpu.memref_slice %arg21[%add3A_12, %dma_wait3A_213] : memref<10000x128xf32, #tpu.memory_space<vmem_shared>> -> memref<104x128xf32, #tpu.memory_space<vmem_shared>>
      tpu.wait_dma2 semaphore(%run_scoped3A : memref<!tpu.dma_semaphore, #tpu.memory_space<semaphore_mem>>) src(%arg20 : memref<104x128xf32, #tpu.memory_space<vmem>>) dst(%dma_wait3A_214 : memref<104x128xf32, #tpu.memory_space<vmem_shared>>)
      tpu.yield
    }) : () -> ()
    %add3A_13 = arith.constant 208 : i32
    %add3A_14 = arith.addi %multiple_of3A, %add3A_13 : i32
    "tpu.region"() ({
      %run_scoped3A = tpu.sem_alloc : memref<!tpu.dma_semaphore, #tpu.memory_space<semaphore_mem>>
      %dma_start3A_207 = arith.constant 0 : i32
      %dma_start3A_208 = tpu.memref_slice %arg21[%add3A_14, %dma_start3A_207] : memref<10000x128xf32, #tpu.memory_space<vmem_shared>> -> memref<104x128xf32, #tpu.memory_space<vmem_shared>>
      %dma_start3A_209 = arith.constant 0 : i32
      %dma_start3A_210 = tpu.memref_slice %arg21[%add3A_14, %dma_start3A_209] : memref<10000x128xf32, #tpu.memory_space<vmem_shared>> -> memref<104x128xf32, #tpu.memory_space<vmem_shared>>
      tpu.enqueue_dma source(%arg20 : memref<104x128xf32, #tpu.memory_space<vmem>>) target(%dma_start3A_210 : memref<104x128xf32, #tpu.memory_space<vmem_shared>>) target_semaphore(%run_scoped3A : memref<!tpu.dma_semaphore, #tpu.memory_space<semaphore_mem>>)
      %dma_wait3A_211 = arith.constant 0 : i32
      %dma_wait3A_212 = tpu.memref_slice %arg21[%add3A_14, %dma_wait3A_211] : memref<10000x128xf32, #tpu.memory_space<vmem_shared>> -> memref<104x128xf32, #tpu.memory_space<vmem_shared>>
      %dma_wait3A_213 = arith.constant 0 : i32
      %dma_wait3A_214 = tpu.memref_slice %arg21[%add3A_14, %dma_wait3A_213] : memref<10000x128xf32, #tpu.memory_space<vmem_shared>> -> memref<104x128xf32, #tpu.memory_space<vmem_shared>>
      tpu.wait_dma2 semaphore(%run_scoped3A : memref<!tpu.dma_semaphore, #tpu.memory_space<semaphore_mem>>) src(%arg20 : memref<104x128xf32, #tpu.memory_space<vmem>>) dst(%dma_wait3A_214 : memref<104x128xf32, #tpu.memory_space<vmem_shared>>)
      tpu.yield
    }) : () -> ()
    %add3A_15 = arith.constant 312 : i32
    %add3A_16 = arith.addi %multiple_of3A, %add3A_15 : i32
    "tpu.region"() ({
      %run_scoped3A = tpu.sem_alloc : memref<!tpu.dma_semaphore, #tpu.memory_space<semaphore_mem>>
      %dma_start3A_207 = arith.constant 0 : i32
      %dma_start3A_208 = tpu.memref_slice %arg21[%add3A_16, %dma_start3A_207] : memref<10000x128xf32, #tpu.memory_space<vmem_shared>> -> memref<104x128xf32, #tpu.memory_space<vmem_shared>>
      %dma_start3A_209 = arith.constant 0 : i32
      %dma_start3A_210 = tpu.memref_slice %arg21[%add3A_16, %dma_start3A_209] : memref<10000x128xf32, #tpu.memory_space<vmem_shared>> -> memref<104x128xf32, #tpu.memory_space<vmem_shared>>
      tpu.enqueue_dma source(%arg20 : memref<104x128xf32, #tpu.memory_space<vmem>>) target(%dma_start3A_210 : memref<104x128xf32, #tpu.memory_space<vmem_shared>>) target_semaphore(%run_scoped3A : memref<!tpu.dma_semaphore, #tpu.memory_space<semaphore_mem>>)
      %dma_wait3A_211 = arith.constant 0 : i32
      %dma_wait3A_212 = tpu.memref_slice %arg21[%add3A_16, %dma_wait3A_211] : memref<10000x128xf32, #tpu.memory_space<vmem_shared>> -> memref<104x128xf32, #tpu.memory_space<vmem_shared>>
      %dma_wait3A_213 = arith.constant 0 : i32
      %dma_wait3A_214 = tpu.memref_slice %arg21[%add3A_16, %dma_wait3A_213] : memref<10000x128xf32, #tpu.memory_space<vmem_shared>> -> memref<104x128xf32, #tpu.memory_space<vmem_shared>>
      tpu.wait_dma2 semaphore(%run_scoped3A : memref<!tpu.dma_semaphore, #tpu.memory_space<semaphore_mem>>) src(%arg20 : memref<104x128xf32, #tpu.memory_space<vmem>>) dst(%dma_wait3A_214 : memref<104x128xf32, #tpu.memory_space<vmem_shared>>)
      tpu.yield
    }) : () -> ()
    %add3A_17 = arith.constant 416 : i32
    %add3A_18 = arith.addi %multiple_of3A, %add3A_17 : i32
    "tpu.region"() ({
      %run_scoped3A = tpu.sem_alloc : memref<!tpu.dma_semaphore, #tpu.memory_space<semaphore_mem>>
      %dma_start3A_207 = arith.constant 0 : i32
      %dma_start3A_208 = tpu.memref_slice %arg21[%add3A_18, %dma_start3A_207] : memref<10000x128xf32, #tpu.memory_space<vmem_shared>> -> memref<104x128xf32, #tpu.memory_space<vmem_shared>>
      %dma_start3A_209 = arith.constant 0 : i32
      %dma_start3A_210 = tpu.memref_slice %arg21[%add3A_18, %dma_start3A_209] : memref<10000x128xf32, #tpu.memory_space<vmem_shared>> -> memref<104x128xf32, #tpu.memory_space<vmem_shared>>
      tpu.enqueue_dma source(%arg20 : memref<104x128xf32, #tpu.memory_space<vmem>>) target(%dma_start3A_210 : memref<104x128xf32, #tpu.memory_space<vmem_shared>>) target_semaphore(%run_scoped3A : memref<!tpu.dma_semaphore, #tpu.memory_space<semaphore_mem>>)
      %dma_wait3A_211 = arith.constant 0 : i32
      %dma_wait3A_212 = tpu.memref_slice %arg21[%add3A_18, %dma_wait3A_211] : memref<10000x128xf32, #tpu.memory_space<vmem_shared>> -> memref<104x128xf32, #tpu.memory_space<vmem_shared>>
      %dma_wait3A_213 = arith.constant 0 : i32
      %dma_wait3A_214 = tpu.memref_slice %arg21[%add3A_18, %dma_wait3A_213] : memref<10000x128xf32, #tpu.memory_space<vmem_shared>> -> memref<104x128xf32, #tpu.memory_space<vmem_shared>>
      tpu.wait_dma2 semaphore(%run_scoped3A : memref<!tpu.dma_semaphore, #tpu.memory_space<semaphore_mem>>) src(%arg20 : memref<104x128xf32, #tpu.memory_space<vmem>>) dst(%dma_wait3A_214 : memref<104x128xf32, #tpu.memory_space<vmem_shared>>)
      tpu.yield
    }) : () -> ()
    %add3A_19 = arith.constant 520 : i32
    %add3A_20 = arith.addi %multiple_of3A, %add3A_19 : i32
    "tpu.region"() ({
      %run_scoped3A = tpu.sem_alloc : memref<!tpu.dma_semaphore, #tpu.memory_space<semaphore_mem>>
      %dma_start3A_207 = arith.constant 0 : i32
      %dma_start3A_208 = tpu.memref_slice %arg21[%add3A_20, %dma_start3A_207] : memref<10000x128xf32, #tpu.memory_space<vmem_shared>> -> memref<104x128xf32, #tpu.memory_space<vmem_shared>>
      %dma_start3A_209 = arith.constant 0 : i32
      %dma_start3A_210 = tpu.memref_slice %arg21[%add3A_20, %dma_start3A_209] : memref<10000x128xf32, #tpu.memory_space<vmem_shared>> -> memref<104x128xf32, #tpu.memory_space<vmem_shared>>
      tpu.enqueue_dma source(%arg20 : memref<104x128xf32, #tpu.memory_space<vmem>>) target(%dma_start3A_210 : memref<104x128xf32, #tpu.memory_space<vmem_shared>>) target_semaphore(%run_scoped3A : memref<!tpu.dma_semaphore, #tpu.memory_space<semaphore_mem>>)
      %dma_wait3A_211 = arith.constant 0 : i32
      %dma_wait3A_212 = tpu.memref_slice %arg21[%add3A_20, %dma_wait3A_211] : memref<10000x128xf32, #tpu.memory_space<vmem_shared>> -> memref<104x128xf32, #tpu.memory_space<vmem_shared>>
      %dma_wait3A_213 = arith.constant 0 : i32
      %dma_wait3A_214 = tpu.memref_slice %arg21[%add3A_20, %dma_wait3A_213] : memref<10000x128xf32, #tpu.memory_space<vmem_shared>> -> memref<104x128xf32, #tpu.memory_space<vmem_shared>>
      tpu.wait_dma2 semaphore(%run_scoped3A : memref<!tpu.dma_semaphore, #tpu.memory_space<semaphore_mem>>) src(%arg20 : memref<104x128xf32, #tpu.memory_space<vmem>>) dst(%dma_wait3A_214 : memref<104x128xf32, #tpu.memory_space<vmem_shared>>)
      tpu.yield
    }) : () -> ()
    %eq3A = arith.constant 0 : i32
    %eq3A_21 = arith.cmpi eq, %arg1, %eq3A : i32
    %convert_element_type3A = arith.extui %eq3A_21 : i1 to i32
    %cond3A = arith.constant 0 : i32
    %cond3A_22 = arith.cmpi ne, %convert_element_type3A, %cond3A : i32
    scf.if %cond3A_22 {
      "tpu.region"() ({
        %run_scoped3A = tpu.sem_alloc : memref<!tpu.dma_semaphore, #tpu.memory_space<semaphore_mem>>
        %dma_start3A_207 = arith.constant 0 : i32
        %dma_start3A_208 = arith.constant 0 : i32
        %dma_start3A_209 = tpu.memref_slice %arg20[%dma_start3A_207, %dma_start3A_208] : memref<104x128xf32, #tpu.memory_space<vmem>> -> memref<16x128xf32, #tpu.memory_space<vmem>>
        %dma_start3A_210 = arith.constant 9984 : i32
        %dma_start3A_211 = arith.constant 0 : i32
        %dma_start3A_212 = tpu.memref_slice %arg21[%dma_start3A_210, %dma_start3A_211] : memref<10000x128xf32, #tpu.memory_space<vmem_shared>> -> memref<16x128xf32, #tpu.memory_space<vmem_shared>>
        %dma_start3A_213 = arith.constant 9984 : i32
        %dma_start3A_214 = arith.constant 0 : i32
        %dma_start3A_215 = tpu.memref_slice %arg21[%dma_start3A_213, %dma_start3A_214] : memref<10000x128xf32, #tpu.memory_space<vmem_shared>> -> memref<16x128xf32, #tpu.memory_space<vmem_shared>>
        %dma_start3A_216 = arith.constant 0 : i32
        %dma_start3A_217 = arith.constant 0 : i32
        %dma_start3A_218 = tpu.memref_slice %arg20[%dma_start3A_216, %dma_start3A_217] : memref<104x128xf32, #tpu.memory_space<vmem>> -> memref<16x128xf32, #tpu.memory_space<vmem>>
        tpu.enqueue_dma source(%dma_start3A_218 : memref<16x128xf32, #tpu.memory_space<vmem>>) target(%dma_start3A_215 : memref<16x128xf32, #tpu.memory_space<vmem_shared>>) target_semaphore(%run_scoped3A : memref<!tpu.dma_semaphore, #tpu.memory_space<semaphore_mem>>)
        %dma_wait3A_219 = arith.constant 0 : i32
        %dma_wait3A_220 = arith.constant 0 : i32
        %dma_wait3A_221 = tpu.memref_slice %arg20[%dma_wait3A_219, %dma_wait3A_220] : memref<104x128xf32, #tpu.memory_space<vmem>> -> memref<16x128xf32, #tpu.memory_space<vmem>>
        %dma_wait3A_222 = arith.constant 9984 : i32
        %dma_wait3A_223 = arith.constant 0 : i32
        %dma_wait3A_224 = tpu.memref_slice %arg21[%dma_wait3A_222, %dma_wait3A_223] : memref<10000x128xf32, #tpu.memory_space<vmem_shared>> -> memref<16x128xf32, #tpu.memory_space<vmem_shared>>
        %dma_wait3A_225 = arith.constant 9984 : i32
        %dma_wait3A_226 = arith.constant 0 : i32
        %dma_wait3A_227 = tpu.memref_slice %arg21[%dma_wait3A_225, %dma_wait3A_226] : memref<10000x128xf32, #tpu.memory_space<vmem_shared>> -> memref<16x128xf32, #tpu.memory_space<vmem_shared>>
        %dma_wait3A_228 = arith.constant 0 : i32
        %dma_wait3A_229 = arith.constant 0 : i32
        %dma_wait3A_230 = tpu.memref_slice %arg20[%dma_wait3A_228, %dma_wait3A_229] : memref<104x128xf32, #tpu.memory_space<vmem>> -> memref<16x128xf32, #tpu.memory_space<vmem>>
        tpu.wait_dma2 semaphore(%run_scoped3A : memref<!tpu.dma_semaphore, #tpu.memory_space<semaphore_mem>>) src(%dma_wait3A_230 : memref<16x128xf32, #tpu.memory_space<vmem>>) dst(%dma_wait3A_227 : memref<16x128xf32, #tpu.memory_space<vmem_shared>>)
        tpu.yield
      }) : () -> ()
    } else {
    }
    %barrier3A = arith.constant 0 : index
    tpu.barrier barrier_id(%barrier3A)
    %dma_start3A = arith.constant 0 : i32
    %dma_start3A_23 = arith.constant 0 : i32
    %dma_start3A_24 = arith.constant 0 : i32
    %dma_start3A_25 = tpu.memref_slice %arg3[%add3A, %dma_start3A, %dma_start3A_23, %dma_start3A_24] : memref<32x156x1x64xi32, #tpu.memory_space<hbm>> -> memref<1x1x1x64xi32, #tpu.memory_space<hbm>>
    %dma_start3A_26 = tpu.memref_squeeze %dma_start3A_25 : memref<1x1x1x64xi32, #tpu.memory_space<hbm>> -> memref<1x64xi32, #tpu.memory_space<hbm>>
    %dma_start3A_27 = arith.constant 0 : i32
    %dma_start3A_28 = arith.constant 0 : i32
    %dma_start3A_29 = tpu.memref_slice %arg3[%add3A, %dma_start3A, %dma_start3A_27, %dma_start3A_28] : memref<32x156x1x64xi32, #tpu.memory_space<hbm>> -> memref<1x1x1x64xi32, #tpu.memory_space<hbm>>
    %dma_start3A_30 = tpu.memref_squeeze %dma_start3A_29 : memref<1x1x1x64xi32, #tpu.memory_space<hbm>> -> memref<1x64xi32, #tpu.memory_space<hbm>>
    tpu.enqueue_dma source(%dma_start3A_30 : memref<1x64xi32, #tpu.memory_space<hbm>>) target(%arg8 : memref<1x64xi32, #tpu.memory_space<vmem>>) target_semaphore(%arg30 : memref<!tpu.dma_semaphore, #tpu.memory_space<semaphore_mem>>)
    %dma_start3A_31 = arith.constant 0 : i32
    %dma_start3A_32 = arith.constant 0 : i32
    %dma_start3A_33 = arith.constant 0 : i32
    %dma_start3A_34 = tpu.memref_slice %arg4[%add3A, %dma_start3A_31, %dma_start3A_32, %dma_start3A_33] : memref<32x156x1x64xi32, #tpu.memory_space<hbm>> -> memref<1x1x1x64xi32, #tpu.memory_space<hbm>>
    %dma_start3A_35 = tpu.memref_squeeze %dma_start3A_34 : memref<1x1x1x64xi32, #tpu.memory_space<hbm>> -> memref<1x64xi32, #tpu.memory_space<hbm>>
    %dma_start3A_36 = arith.constant 0 : i32
    %dma_start3A_37 = arith.constant 0 : i32
    %dma_start3A_38 = tpu.memref_slice %arg4[%add3A, %dma_start3A_31, %dma_start3A_36, %dma_start3A_37] : memref<32x156x1x64xi32, #tpu.memory_space<hbm>> -> memref<1x1x1x64xi32, #tpu.memory_space<hbm>>
    %dma_start3A_39 = tpu.memref_squeeze %dma_start3A_38 : memref<1x1x1x64xi32, #tpu.memory_space<hbm>> -> memref<1x64xi32, #tpu.memory_space<hbm>>
    tpu.enqueue_dma source(%dma_start3A_39 : memref<1x64xi32, #tpu.memory_space<hbm>>) target(%arg12 : memref<1x64xi32, #tpu.memory_space<vmem>>) target_semaphore(%arg34 : memref<!tpu.dma_semaphore, #tpu.memory_space<semaphore_mem>>)
    %dma_start3A_40 = arith.constant 1 : i32
    %dma_start3A_41 = arith.constant 0 : i32
    %dma_start3A_42 = arith.constant 0 : i32
    %dma_start3A_43 = tpu.memref_slice %arg3[%add3A, %dma_start3A_40, %dma_start3A_41, %dma_start3A_42] : memref<32x156x1x64xi32, #tpu.memory_space<hbm>> -> memref<1x1x1x64xi32, #tpu.memory_space<hbm>>
    %dma_start3A_44 = tpu.memref_squeeze %dma_start3A_43 : memref<1x1x1x64xi32, #tpu.memory_space<hbm>> -> memref<1x64xi32, #tpu.memory_space<hbm>>
    %dma_start3A_45 = arith.constant 0 : i32
    %dma_start3A_46 = arith.constant 0 : i32
    %dma_start3A_47 = tpu.memref_slice %arg3[%add3A, %dma_start3A_40, %dma_start3A_45, %dma_start3A_46] : memref<32x156x1x64xi32, #tpu.memory_space<hbm>> -> memref<1x1x1x64xi32, #tpu.memory_space<hbm>>
    %dma_start3A_48 = tpu.memref_squeeze %dma_start3A_47 : memref<1x1x1x64xi32, #tpu.memory_space<hbm>> -> memref<1x64xi32, #tpu.memory_space<hbm>>
    tpu.enqueue_dma source(%dma_start3A_48 : memref<1x64xi32, #tpu.memory_space<hbm>>) target(%arg9 : memref<1x64xi32, #tpu.memory_space<vmem>>) target_semaphore(%arg31 : memref<!tpu.dma_semaphore, #tpu.memory_space<semaphore_mem>>)
    %dma_start3A_49 = arith.constant 1 : i32
    %dma_start3A_50 = arith.constant 0 : i32
    %dma_start3A_51 = arith.constant 0 : i32
    %dma_start3A_52 = tpu.memref_slice %arg4[%add3A, %dma_start3A_49, %dma_start3A_50, %dma_start3A_51] : memref<32x156x1x64xi32, #tpu.memory_space<hbm>> -> memref<1x1x1x64xi32, #tpu.memory_space<hbm>>
    %dma_start3A_53 = tpu.memref_squeeze %dma_start3A_52 : memref<1x1x1x64xi32, #tpu.memory_space<hbm>> -> memref<1x64xi32, #tpu.memory_space<hbm>>
    %dma_start3A_54 = arith.constant 0 : i32
    %dma_start3A_55 = arith.constant 0 : i32
    %dma_start3A_56 = tpu.memref_slice %arg4[%add3A, %dma_start3A_49, %dma_start3A_54, %dma_start3A_55] : memref<32x156x1x64xi32, #tpu.memory_space<hbm>> -> memref<1x1x1x64xi32, #tpu.memory_space<hbm>>
    %dma_start3A_57 = tpu.memref_squeeze %dma_start3A_56 : memref<1x1x1x64xi32, #tpu.memory_space<hbm>> -> memref<1x64xi32, #tpu.memory_space<hbm>>
    tpu.enqueue_dma source(%dma_start3A_57 : memref<1x64xi32, #tpu.memory_space<hbm>>) target(%arg13 : memref<1x64xi32, #tpu.memory_space<vmem>>) target_semaphore(%arg35 : memref<!tpu.dma_semaphore, #tpu.memory_space<semaphore_mem>>)
    %dma_start3A_58 = arith.constant 2 : i32
    %dma_start3A_59 = arith.constant 0 : i32
    %dma_start3A_60 = arith.constant 0 : i32
    %dma_start3A_61 = tpu.memref_slice %arg3[%add3A, %dma_start3A_58, %dma_start3A_59, %dma_start3A_60] : memref<32x156x1x64xi32, #tpu.memory_space<hbm>> -> memref<1x1x1x64xi32, #tpu.memory_space<hbm>>
    %dma_start3A_62 = tpu.memref_squeeze %dma_start3A_61 : memref<1x1x1x64xi32, #tpu.memory_space<hbm>> -> memref<1x64xi32, #tpu.memory_space<hbm>>
    %dma_start3A_63 = arith.constant 0 : i32
    %dma_start3A_64 = arith.constant 0 : i32
    %dma_start3A_65 = tpu.memref_slice %arg3[%add3A, %dma_start3A_58, %dma_start3A_63, %dma_start3A_64] : memref<32x156x1x64xi32, #tpu.memory_space<hbm>> -> memref<1x1x1x64xi32, #tpu.memory_space<hbm>>
    %dma_start3A_66 = tpu.memref_squeeze %dma_start3A_65 : memref<1x1x1x64xi32, #tpu.memory_space<hbm>> -> memref<1x64xi32, #tpu.memory_space<hbm>>
    tpu.enqueue_dma source(%dma_start3A_66 : memref<1x64xi32, #tpu.memory_space<hbm>>) target(%arg10 : memref<1x64xi32, #tpu.memory_space<vmem>>) target_semaphore(%arg32 : memref<!tpu.dma_semaphore, #tpu.memory_space<semaphore_mem>>)
    %dma_start3A_67 = arith.constant 2 : i32
    %dma_start3A_68 = arith.constant 0 : i32
    %dma_start3A_69 = arith.constant 0 : i32
    %dma_start3A_70 = tpu.memref_slice %arg4[%add3A, %dma_start3A_67, %dma_start3A_68, %dma_start3A_69] : memref<32x156x1x64xi32, #tpu.memory_space<hbm>> -> memref<1x1x1x64xi32, #tpu.memory_space<hbm>>
    %dma_start3A_71 = tpu.memref_squeeze %dma_start3A_70 : memref<1x1x1x64xi32, #tpu.memory_space<hbm>> -> memref<1x64xi32, #tpu.memory_space<hbm>>
    %dma_start3A_72 = arith.constant 0 : i32
    %dma_start3A_73 = arith.constant 0 : i32
    %dma_start3A_74 = tpu.memref_slice %arg4[%add3A, %dma_start3A_67, %dma_start3A_72, %dma_start3A_73] : memref<32x156x1x64xi32, #tpu.memory_space<hbm>> -> memref<1x1x1x64xi32, #tpu.memory_space<hbm>>
    %dma_start3A_75 = tpu.memref_squeeze %dma_start3A_74 : memref<1x1x1x64xi32, #tpu.memory_space<hbm>> -> memref<1x64xi32, #tpu.memory_space<hbm>>
    tpu.enqueue_dma source(%dma_start3A_75 : memref<1x64xi32, #tpu.memory_space<hbm>>) target(%arg14 : memref<1x64xi32, #tpu.memory_space<vmem>>) target_semaphore(%arg36 : memref<!tpu.dma_semaphore, #tpu.memory_space<semaphore_mem>>)
    %dma_start3A_76 = arith.constant 3 : i32
    %dma_start3A_77 = arith.constant 0 : i32
    %dma_start3A_78 = arith.constant 0 : i32
    %dma_start3A_79 = tpu.memref_slice %arg3[%add3A, %dma_start3A_76, %dma_start3A_77, %dma_start3A_78] : memref<32x156x1x64xi32, #tpu.memory_space<hbm>> -> memref<1x1x1x64xi32, #tpu.memory_space<hbm>>
    %dma_start3A_80 = tpu.memref_squeeze %dma_start3A_79 : memref<1x1x1x64xi32, #tpu.memory_space<hbm>> -> memref<1x64xi32, #tpu.memory_space<hbm>>
    %dma_start3A_81 = arith.constant 0 : i32
    %dma_start3A_82 = arith.constant 0 : i32
    %dma_start3A_83 = tpu.memref_slice %arg3[%add3A, %dma_start3A_76, %dma_start3A_81, %dma_start3A_82] : memref<32x156x1x64xi32, #tpu.memory_space<hbm>> -> memref<1x1x1x64xi32, #tpu.memory_space<hbm>>
    %dma_start3A_84 = tpu.memref_squeeze %dma_start3A_83 : memref<1x1x1x64xi32, #tpu.memory_space<hbm>> -> memref<1x64xi32, #tpu.memory_space<hbm>>
    tpu.enqueue_dma source(%dma_start3A_84 : memref<1x64xi32, #tpu.memory_space<hbm>>) target(%arg11 : memref<1x64xi32, #tpu.memory_space<vmem>>) target_semaphore(%arg33 : memref<!tpu.dma_semaphore, #tpu.memory_space<semaphore_mem>>)
    %dma_start3A_85 = arith.constant 3 : i32
    %dma_start3A_86 = arith.constant 0 : i32
    %dma_start3A_87 = arith.constant 0 : i32
    %dma_start3A_88 = tpu.memref_slice %arg4[%add3A, %dma_start3A_85, %dma_start3A_86, %dma_start3A_87] : memref<32x156x1x64xi32, #tpu.memory_space<hbm>> -> memref<1x1x1x64xi32, #tpu.memory_space<hbm>>
    %dma_start3A_89 = tpu.memref_squeeze %dma_start3A_88 : memref<1x1x1x64xi32, #tpu.memory_space<hbm>> -> memref<1x64xi32, #tpu.memory_space<hbm>>
    %dma_start3A_90 = arith.constant 0 : i32
    %dma_start3A_91 = arith.constant 0 : i32
    %dma_start3A_92 = tpu.memref_slice %arg4[%add3A, %dma_start3A_85, %dma_start3A_90, %dma_start3A_91] : memref<32x156x1x64xi32, #tpu.memory_space<hbm>> -> memref<1x1x1x64xi32, #tpu.memory_space<hbm>>
    %dma_start3A_93 = tpu.memref_squeeze %dma_start3A_92 : memref<1x1x1x64xi32, #tpu.memory_space<hbm>> -> memref<1x64xi32, #tpu.memory_space<hbm>>
    tpu.enqueue_dma source(%dma_start3A_93 : memref<1x64xi32, #tpu.memory_space<hbm>>) target(%arg15 : memref<1x64xi32, #tpu.memory_space<vmem>>) target_semaphore(%arg37 : memref<!tpu.dma_semaphore, #tpu.memory_space<semaphore_mem>>)
    %dma_wait3A = arith.constant 0 : i32
    %dma_wait3A_94 = arith.constant 0 : i32
    %dma_wait3A_95 = arith.constant 0 : i32
    %dma_wait3A_96 = tpu.memref_slice %arg3[%add3A, %dma_wait3A, %dma_wait3A_94, %dma_wait3A_95] : memref<32x156x1x64xi32, #tpu.memory_space<hbm>> -> memref<1x1x1x64xi32, #tpu.memory_space<hbm>>
    %dma_wait3A_97 = tpu.memref_squeeze %dma_wait3A_96 : memref<1x1x1x64xi32, #tpu.memory_space<hbm>> -> memref<1x64xi32, #tpu.memory_space<hbm>>
    %dma_wait3A_98 = arith.constant 0 : i32
    %dma_wait3A_99 = arith.constant 0 : i32
    %dma_wait3A_100 = tpu.memref_slice %arg3[%add3A, %dma_wait3A, %dma_wait3A_98, %dma_wait3A_99] : memref<32x156x1x64xi32, #tpu.memory_space<hbm>> -> memref<1x1x1x64xi32, #tpu.memory_space<hbm>>
    %dma_wait3A_101 = tpu.memref_squeeze %dma_wait3A_100 : memref<1x1x1x64xi32, #tpu.memory_space<hbm>> -> memref<1x64xi32, #tpu.memory_space<hbm>>
    tpu.wait_dma2 semaphore(%arg30 : memref<!tpu.dma_semaphore, #tpu.memory_space<semaphore_mem>>) src(%dma_wait3A_101 : memref<1x64xi32, #tpu.memory_space<hbm>>) dst(%arg8 : memref<1x64xi32, #tpu.memory_space<vmem>>)
    %dma_start3A_102 = arith.constant 0 : i32
    %dma_start3A_103 = arith.constant 0 : i32
    %dma_start3A_104 = tpu.memref_slice %arg8[%dma_start3A_102, %dma_start3A_103] : memref<1x64xi32, #tpu.memory_space<vmem>> -> memref<1x64xi32, #tpu.memory_space<vmem>>
    %dma_start3A_105 = tpu.memref_squeeze %dma_start3A_104 : memref<1x64xi32, #tpu.memory_space<vmem>> -> memref<64xi32, #tpu.memory_space<vmem>>
    %dma_start3A_106 = arith.constant 0 : i32
    %dma_start3A_107 = arith.constant 0 : i32
    %dma_start3A_108 = tpu.memref_slice %arg2[%dma_start3A_106, %dma_start3A_107] : memref<10000x128xf32, #tpu.memory_space<hbm>> -> memref<10000x128xf32, #tpu.memory_space<hbm>>
    tpu.enqueue_indirect_dma source(%dma_start3A_108 : memref<10000x128xf32, #tpu.memory_space<hbm>>) target(%arg16 : memref<64x128xf32, #tpu.memory_space<vmem>>) offsets(%dma_start3A_105 : memref<64xi32, #tpu.memory_space<vmem>>) semaphore(%arg22 : memref<!tpu.dma_semaphore, #tpu.memory_space<semaphore_mem>>)
    %dma_wait3A_109 = arith.constant 0 : i32
    %dma_wait3A_110 = arith.constant 0 : i32
    %dma_wait3A_111 = arith.constant 0 : i32
    %dma_wait3A_112 = tpu.memref_slice %arg3[%add3A, %dma_wait3A_109, %dma_wait3A_110, %dma_wait3A_111] : memref<32x156x1x64xi32, #tpu.memory_space<hbm>> -> memref<1x1x1x64xi32, #tpu.memory_space<hbm>>
    %dma_wait3A_113 = tpu.memref_squeeze %dma_wait3A_112 : memref<1x1x1x64xi32, #tpu.memory_space<hbm>> -> memref<1x64xi32, #tpu.memory_space<hbm>>
    %dma_wait3A_114 = arith.constant 0 : i32
    %dma_wait3A_115 = arith.constant 0 : i32
    %dma_wait3A_116 = tpu.memref_slice %arg3[%add3A, %dma_wait3A_109, %dma_wait3A_114, %dma_wait3A_115] : memref<32x156x1x64xi32, #tpu.memory_space<hbm>> -> memref<1x1x1x64xi32, #tpu.memory_space<hbm>>
    %dma_wait3A_117 = tpu.memref_squeeze %dma_wait3A_116 : memref<1x1x1x64xi32, #tpu.memory_space<hbm>> -> memref<1x64xi32, #tpu.memory_space<hbm>>
    tpu.wait_dma2 semaphore(%arg31 : memref<!tpu.dma_semaphore, #tpu.memory_space<semaphore_mem>>) src(%dma_wait3A_117 : memref<1x64xi32, #tpu.memory_space<hbm>>) dst(%arg9 : memref<1x64xi32, #tpu.memory_space<vmem>>)
    %dma_start3A_118 = arith.constant 0 : i32
    %dma_start3A_119 = arith.constant 0 : i32
    %dma_start3A_120 = tpu.memref_slice %arg9[%dma_start3A_118, %dma_start3A_119] : memref<1x64xi32, #tpu.memory_space<vmem>> -> memref<1x64xi32, #tpu.memory_space<vmem>>
    %dma_start3A_121 = tpu.memref_squeeze %dma_start3A_120 : memref<1x64xi32, #tpu.memory_space<vmem>> -> memref<64xi32, #tpu.memory_space<vmem>>
    %dma_start3A_122 = arith.constant 0 : i32
    %dma_start3A_123 = arith.constant 0 : i32
    %dma_start3A_124 = tpu.memref_slice %arg2[%dma_start3A_122, %dma_start3A_123] : memref<10000x128xf32, #tpu.memory_space<hbm>> -> memref<10000x128xf32, #tpu.memory_space<hbm>>
    tpu.enqueue_indirect_dma source(%dma_start3A_124 : memref<10000x128xf32, #tpu.memory_space<hbm>>) target(%arg17 : memref<64x128xf32, #tpu.memory_space<vmem>>) offsets(%dma_start3A_121 : memref<64xi32, #tpu.memory_space<vmem>>) semaphore(%arg23 : memref<!tpu.dma_semaphore, #tpu.memory_space<semaphore_mem>>)
    %dma_wait3A_125 = arith.constant 0 : i32
    %dma_wait3A_126 = arith.constant 0 : i32
    %dma_wait3A_127 = arith.constant 0 : i32
    %dma_wait3A_128 = tpu.memref_slice %arg3[%add3A, %dma_wait3A_125, %dma_wait3A_126, %dma_wait3A_127] : memref<32x156x1x64xi32, #tpu.memory_space<hbm>> -> memref<1x1x1x64xi32, #tpu.memory_space<hbm>>
    %dma_wait3A_129 = tpu.memref_squeeze %dma_wait3A_128 : memref<1x1x1x64xi32, #tpu.memory_space<hbm>> -> memref<1x64xi32, #tpu.memory_space<hbm>>
    %dma_wait3A_130 = arith.constant 0 : i32
    %dma_wait3A_131 = arith.constant 0 : i32
    %dma_wait3A_132 = tpu.memref_slice %arg3[%add3A, %dma_wait3A_125, %dma_wait3A_130, %dma_wait3A_131] : memref<32x156x1x64xi32, #tpu.memory_space<hbm>> -> memref<1x1x1x64xi32, #tpu.memory_space<hbm>>
    %dma_wait3A_133 = tpu.memref_squeeze %dma_wait3A_132 : memref<1x1x1x64xi32, #tpu.memory_space<hbm>> -> memref<1x64xi32, #tpu.memory_space<hbm>>
    tpu.wait_dma2 semaphore(%arg32 : memref<!tpu.dma_semaphore, #tpu.memory_space<semaphore_mem>>) src(%dma_wait3A_133 : memref<1x64xi32, #tpu.memory_space<hbm>>) dst(%arg10 : memref<1x64xi32, #tpu.memory_space<vmem>>)
    %dma_start3A_134 = arith.constant 0 : i32
    %dma_start3A_135 = arith.constant 0 : i32
    %dma_start3A_136 = tpu.memref_slice %arg10[%dma_start3A_134, %dma_start3A_135] : memref<1x64xi32, #tpu.memory_space<vmem>> -> memref<1x64xi32, #tpu.memory_space<vmem>>
    %dma_start3A_137 = tpu.memref_squeeze %dma_start3A_136 : memref<1x64xi32, #tpu.memory_space<vmem>> -> memref<64xi32, #tpu.memory_space<vmem>>
    %dma_start3A_138 = arith.constant 0 : i32
    %dma_start3A_139 = arith.constant 0 : i32
    %dma_start3A_140 = tpu.memref_slice %arg2[%dma_start3A_138, %dma_start3A_139] : memref<10000x128xf32, #tpu.memory_space<hbm>> -> memref<10000x128xf32, #tpu.memory_space<hbm>>
    tpu.enqueue_indirect_dma source(%dma_start3A_140 : memref<10000x128xf32, #tpu.memory_space<hbm>>) target(%arg18 : memref<64x128xf32, #tpu.memory_space<vmem>>) offsets(%dma_start3A_137 : memref<64xi32, #tpu.memory_space<vmem>>) semaphore(%arg24 : memref<!tpu.dma_semaphore, #tpu.memory_space<semaphore_mem>>)
    %dma_wait3A_141 = arith.constant 0 : i32
    %dma_wait3A_142 = arith.constant 0 : i32
    %dma_wait3A_143 = arith.constant 0 : i32
    %dma_wait3A_144 = tpu.memref_slice %arg3[%add3A, %dma_wait3A_141, %dma_wait3A_142, %dma_wait3A_143] : memref<32x156x1x64xi32, #tpu.memory_space<hbm>> -> memref<1x1x1x64xi32, #tpu.memory_space<hbm>>
    %dma_wait3A_145 = tpu.memref_squeeze %dma_wait3A_144 : memref<1x1x1x64xi32, #tpu.memory_space<hbm>> -> memref<1x64xi32, #tpu.memory_space<hbm>>
    %dma_wait3A_146 = arith.constant 0 : i32
    %dma_wait3A_147 = arith.constant 0 : i32
    %dma_wait3A_148 = tpu.memref_slice %arg3[%add3A, %dma_wait3A_141, %dma_wait3A_146, %dma_wait3A_147] : memref<32x156x1x64xi32, #tpu.memory_space<hbm>> -> memref<1x1x1x64xi32, #tpu.memory_space<hbm>>
    %dma_wait3A_149 = tpu.memref_squeeze %dma_wait3A_148 : memref<1x1x1x64xi32, #tpu.memory_space<hbm>> -> memref<1x64xi32, #tpu.memory_space<hbm>>
    tpu.wait_dma2 semaphore(%arg33 : memref<!tpu.dma_semaphore, #tpu.memory_space<semaphore_mem>>) src(%dma_wait3A_149 : memref<1x64xi32, #tpu.memory_space<hbm>>) dst(%arg11 : memref<1x64xi32, #tpu.memory_space<vmem>>)
    %dma_start3A_150 = arith.constant 0 : i32
    %dma_start3A_151 = arith.constant 0 : i32
    %dma_start3A_152 = tpu.memref_slice %arg11[%dma_start3A_150, %dma_start3A_151] : memref<1x64xi32, #tpu.memory_space<vmem>> -> memref<1x64xi32, #tpu.memory_space<vmem>>
    %dma_start3A_153 = tpu.memref_squeeze %dma_start3A_152 : memref<1x64xi32, #tpu.memory_space<vmem>> -> memref<64xi32, #tpu.memory_space<vmem>>
    %dma_start3A_154 = arith.constant 0 : i32
    %dma_start3A_155 = arith.constant 0 : i32
    %dma_start3A_156 = tpu.memref_slice %arg2[%dma_start3A_154, %dma_start3A_155] : memref<10000x128xf32, #tpu.memory_space<hbm>> -> memref<10000x128xf32, #tpu.memory_space<hbm>>
    tpu.enqueue_indirect_dma source(%dma_start3A_156 : memref<10000x128xf32, #tpu.memory_space<hbm>>) target(%arg19 : memref<64x128xf32, #tpu.memory_space<vmem>>) offsets(%dma_start3A_153 : memref<64xi32, #tpu.memory_space<vmem>>) semaphore(%arg25 : memref<!tpu.dma_semaphore, #tpu.memory_space<semaphore_mem>>)
    %scan3A_157 = arith.constant 0 : i32
    %scan3A_158 = arith.constant 0 : i32
    %scan3A_159 = arith.constant 39 : i32
    %scan3A_160 = arith.addi %scan3A_158, %scan3A_159 : i32
    %scan3A_161 = arith.constant 1 : i32
    scf.for %scan3A_207 = %scan3A_158 to %scan3A_160 step %scan3A_161  : i32 {
      %mul3A_208 = arith.constant 4 : i32
      %mul3A_209 = arith.muli %scan3A_207, %mul3A_208 : i32
      %dma_wait3A_210 = arith.constant 0 : i32
      %dma_wait3A_211 = arith.constant 0 : i32
      %dma_wait3A_212 = tpu.memref_slice %arg8[%dma_wait3A_210, %dma_wait3A_211] : memref<1x64xi32, #tpu.memory_space<vmem>> -> memref<1x64xi32, #tpu.memory_space<vmem>>
      %dma_wait3A_213 = tpu.memref_squeeze %dma_wait3A_212 : memref<1x64xi32, #tpu.memory_space<vmem>> -> memref<64xi32, #tpu.memory_space<vmem>>
      %dma_wait3A_214 = arith.constant 0 : i32
      %dma_wait3A_215 = arith.constant 0 : i32
      %dma_wait3A_216 = tpu.memref_slice %arg2[%dma_wait3A_214, %dma_wait3A_215] : memref<10000x128xf32, #tpu.memory_space<hbm>> -> memref<10000x128xf32, #tpu.memory_space<hbm>>
      tpu.wait_indirect_dma semaphore(%arg22 : memref<!tpu.dma_semaphore, #tpu.memory_space<semaphore_mem>>) src(%dma_wait3A_216 : memref<10000x128xf32, #tpu.memory_space<hbm>>) dst(%arg16 : memref<64x128xf32, #tpu.memory_space<vmem>>)
      %dma_wait3A_217 = arith.constant 0 : i32
      %dma_wait3A_218 = arith.constant 0 : i32
      %dma_wait3A_219 = arith.constant 0 : i32
      %dma_wait3A_220 = tpu.memref_slice %arg4[%add3A, %dma_wait3A_217, %dma_wait3A_218, %dma_wait3A_219] : memref<32x156x1x64xi32, #tpu.memory_space<hbm>> -> memref<1x1x1x64xi32, #tpu.memory_space<hbm>>
      %dma_wait3A_221 = tpu.memref_squeeze %dma_wait3A_220 : memref<1x1x1x64xi32, #tpu.memory_space<hbm>> -> memref<1x64xi32, #tpu.memory_space<hbm>>
      %dma_wait3A_222 = arith.constant 0 : i32
      %dma_wait3A_223 = arith.constant 0 : i32
      %dma_wait3A_224 = tpu.memref_slice %arg4[%add3A, %dma_wait3A_217, %dma_wait3A_222, %dma_wait3A_223] : memref<32x156x1x64xi32, #tpu.memory_space<hbm>> -> memref<1x1x1x64xi32, #tpu.memory_space<hbm>>
      %dma_wait3A_225 = tpu.memref_squeeze %dma_wait3A_224 : memref<1x1x1x64xi32, #tpu.memory_space<hbm>> -> memref<1x64xi32, #tpu.memory_space<hbm>>
      tpu.wait_dma2 semaphore(%arg34 : memref<!tpu.dma_semaphore, #tpu.memory_space<semaphore_mem>>) src(%dma_wait3A_225 : memref<1x64xi32, #tpu.memory_space<hbm>>) dst(%arg12 : memref<1x64xi32, #tpu.memory_space<vmem>>)
      %dma_start3A_226 = arith.constant 0 : i32
      %dma_start3A_227 = arith.constant 0 : i32
      %dma_start3A_228 = tpu.memref_slice %arg12[%dma_start3A_226, %dma_start3A_227] : memref<1x64xi32, #tpu.memory_space<vmem>> -> memref<1x64xi32, #tpu.memory_space<vmem>>
      %dma_start3A_229 = tpu.memref_squeeze %dma_start3A_228 : memref<1x64xi32, #tpu.memory_space<vmem>> -> memref<64xi32, #tpu.memory_space<vmem>>
      %dma_start3A_230 = arith.constant 0 : i32
      %dma_start3A_231 = arith.constant 0 : i32
      %dma_start3A_232 = tpu.memref_slice %arg21[%dma_start3A_230, %dma_start3A_231] : memref<10000x128xf32, #tpu.memory_space<vmem_shared>> -> memref<10000x128xf32, #tpu.memory_space<vmem_shared>>
      tpu.enqueue_indirect_dma source(%arg16 : memref<64x128xf32, #tpu.memory_space<vmem>>) target(%dma_start3A_232 : memref<10000x128xf32, #tpu.memory_space<vmem_shared>>) offsets(%dma_start3A_229 : memref<64xi32, #tpu.memory_space<vmem>>) semaphore(%arg26 : memref<!tpu.dma_semaphore, #tpu.memory_space<semaphore_mem>>) {add = true}
      %add3A_233 = arith.constant 0 : i32
      %add3A_234 = arith.addi %mul3A_209, %add3A_233 : i32
      %add3A_235 = arith.constant 4 : i32
      %add3A_236 = arith.addi %add3A_234, %add3A_235 : i32
      %lt3A_237 = arith.constant 156 : i32
      %lt3A_238 = arith.cmpi slt, %add3A_236, %lt3A_237 : i32
      %convert_element_type3A_239 = arith.extui %lt3A_238 : i1 to i32
      %cond3A_240 = arith.constant 0 : i32
      %cond3A_241 = arith.cmpi ne, %convert_element_type3A_239, %cond3A_240 : i32
      scf.if %cond3A_241 {
        %add3A_374 = arith.constant 0 : i32
        %add3A_375 = arith.addi %mul3A_209, %add3A_374 : i32
        %add3A_376 = arith.constant 4 : i32
        %add3A_377 = arith.addi %add3A_375, %add3A_376 : i32
        %dma_start3A_378 = arith.constant 0 : i32
        %dma_start3A_379 = arith.constant 0 : i32
        %dma_start3A_380 = tpu.memref_slice %arg3[%add3A, %add3A_377, %dma_start3A_378, %dma_start3A_379] : memref<32x156x1x64xi32, #tpu.memory_space<hbm>> -> memref<1x1x1x64xi32, #tpu.memory_space<hbm>>
        %dma_start3A_381 = tpu.memref_squeeze %dma_start3A_380 : memref<1x1x1x64xi32, #tpu.memory_space<hbm>> -> memref<1x64xi32, #tpu.memory_space<hbm>>
        %dma_start3A_382 = arith.constant 0 : i32
        %dma_start3A_383 = arith.constant 0 : i32
        %dma_start3A_384 = tpu.memref_slice %arg3[%add3A, %add3A_377, %dma_start3A_382, %dma_start3A_383] : memref<32x156x1x64xi32, #tpu.memory_space<hbm>> -> memref<1x1x1x64xi32, #tpu.memory_space<hbm>>
        %dma_start3A_385 = tpu.memref_squeeze %dma_start3A_384 : memref<1x1x1x64xi32, #tpu.memory_space<hbm>> -> memref<1x64xi32, #tpu.memory_space<hbm>>
        tpu.enqueue_dma source(%dma_start3A_385 : memref<1x64xi32, #tpu.memory_space<hbm>>) target(%arg8 : memref<1x64xi32, #tpu.memory_space<vmem>>) target_semaphore(%arg30 : memref<!tpu.dma_semaphore, #tpu.memory_space<semaphore_mem>>)
      } else {
      }
      %dma_wait3A_242 = arith.constant 0 : i32
      %dma_wait3A_243 = arith.constant 0 : i32
      %dma_wait3A_244 = tpu.memref_slice %arg9[%dma_wait3A_242, %dma_wait3A_243] : memref<1x64xi32, #tpu.memory_space<vmem>> -> memref<1x64xi32, #tpu.memory_space<vmem>>
      %dma_wait3A_245 = tpu.memref_squeeze %dma_wait3A_244 : memref<1x64xi32, #tpu.memory_space<vmem>> -> memref<64xi32, #tpu.memory_space<vmem>>
      %dma_wait3A_246 = arith.constant 0 : i32
      %dma_wait3A_247 = arith.constant 0 : i32
      %dma_wait3A_248 = tpu.memref_slice %arg2[%dma_wait3A_246, %dma_wait3A_247] : memref<10000x128xf32, #tpu.memory_space<hbm>> -> memref<10000x128xf32, #tpu.memory_space<hbm>>
      tpu.wait_indirect_dma semaphore(%arg23 : memref<!tpu.dma_semaphore, #tpu.memory_space<semaphore_mem>>) src(%dma_wait3A_248 : memref<10000x128xf32, #tpu.memory_space<hbm>>) dst(%arg17 : memref<64x128xf32, #tpu.memory_space<vmem>>)
      %dma_wait3A_249 = arith.constant 0 : i32
      %dma_wait3A_250 = arith.constant 0 : i32
      %dma_wait3A_251 = arith.constant 0 : i32
      %dma_wait3A_252 = tpu.memref_slice %arg4[%add3A, %dma_wait3A_249, %dma_wait3A_250, %dma_wait3A_251] : memref<32x156x1x64xi32, #tpu.memory_space<hbm>> -> memref<1x1x1x64xi32, #tpu.memory_space<hbm>>
      %dma_wait3A_253 = tpu.memref_squeeze %dma_wait3A_252 : memref<1x1x1x64xi32, #tpu.memory_space<hbm>> -> memref<1x64xi32, #tpu.memory_space<hbm>>
      %dma_wait3A_254 = arith.constant 0 : i32
      %dma_wait3A_255 = arith.constant 0 : i32
      %dma_wait3A_256 = tpu.memref_slice %arg4[%add3A, %dma_wait3A_249, %dma_wait3A_254, %dma_wait3A_255] : memref<32x156x1x64xi32, #tpu.memory_space<hbm>> -> memref<1x1x1x64xi32, #tpu.memory_space<hbm>>
      %dma_wait3A_257 = tpu.memref_squeeze %dma_wait3A_256 : memref<1x1x1x64xi32, #tpu.memory_space<hbm>> -> memref<1x64xi32, #tpu.memory_space<hbm>>
      tpu.wait_dma2 semaphore(%arg35 : memref<!tpu.dma_semaphore, #tpu.memory_space<semaphore_mem>>) src(%dma_wait3A_257 : memref<1x64xi32, #tpu.memory_space<hbm>>) dst(%arg13 : memref<1x64xi32, #tpu.memory_space<vmem>>)
      %dma_start3A_258 = arith.constant 0 : i32
      %dma_start3A_259 = arith.constant 0 : i32
      %dma_start3A_260 = tpu.memref_slice %arg13[%dma_start3A_258, %dma_start3A_259] : memref<1x64xi32, #tpu.memory_space<vmem>> -> memref<1x64xi32, #tpu.memory_space<vmem>>
      %dma_start3A_261 = tpu.memref_squeeze %dma_start3A_260 : memref<1x64xi32, #tpu.memory_space<vmem>> -> memref<64xi32, #tpu.memory_space<vmem>>
      %dma_start3A_262 = arith.constant 0 : i32
      %dma_start3A_263 = arith.constant 0 : i32
      %dma_start3A_264 = tpu.memref_slice %arg21[%dma_start3A_262, %dma_start3A_263] : memref<10000x128xf32, #tpu.memory_space<vmem_shared>> -> memref<10000x128xf32, #tpu.memory_space<vmem_shared>>
      tpu.enqueue_indirect_dma source(%arg17 : memref<64x128xf32, #tpu.memory_space<vmem>>) target(%dma_start3A_264 : memref<10000x128xf32, #tpu.memory_space<vmem_shared>>) offsets(%dma_start3A_261 : memref<64xi32, #tpu.memory_space<vmem>>) semaphore(%arg27 : memref<!tpu.dma_semaphore, #tpu.memory_space<semaphore_mem>>) {add = true}
      %add3A_265 = arith.constant 1 : i32
      %add3A_266 = arith.addi %mul3A_209, %add3A_265 : i32
      %add3A_267 = arith.constant 4 : i32
      %add3A_268 = arith.addi %add3A_266, %add3A_267 : i32
      %lt3A_269 = arith.constant 156 : i32
      %lt3A_270 = arith.cmpi slt, %add3A_268, %lt3A_269 : i32
      %convert_element_type3A_271 = arith.extui %lt3A_270 : i1 to i32
      %cond3A_272 = arith.constant 0 : i32
      %cond3A_273 = arith.cmpi ne, %convert_element_type3A_271, %cond3A_272 : i32
      scf.if %cond3A_273 {
        %add3A_374 = arith.constant 1 : i32
        %add3A_375 = arith.addi %mul3A_209, %add3A_374 : i32
        %add3A_376 = arith.constant 4 : i32
        %add3A_377 = arith.addi %add3A_375, %add3A_376 : i32
        %dma_start3A_378 = arith.constant 0 : i32
        %dma_start3A_379 = arith.constant 0 : i32
        %dma_start3A_380 = tpu.memref_slice %arg3[%add3A, %add3A_377, %dma_start3A_378, %dma_start3A_379] : memref<32x156x1x64xi32, #tpu.memory_space<hbm>> -> memref<1x1x1x64xi32, #tpu.memory_space<hbm>>
        %dma_start3A_381 = tpu.memref_squeeze %dma_start3A_380 : memref<1x1x1x64xi32, #tpu.memory_space<hbm>> -> memref<1x64xi32, #tpu.memory_space<hbm>>
        %dma_start3A_382 = arith.constant 0 : i32
        %dma_start3A_383 = arith.constant 0 : i32
        %dma_start3A_384 = tpu.memref_slice %arg3[%add3A, %add3A_377, %dma_start3A_382, %dma_start3A_383] : memref<32x156x1x64xi32, #tpu.memory_space<hbm>> -> memref<1x1x1x64xi32, #tpu.memory_space<hbm>>
        %dma_start3A_385 = tpu.memref_squeeze %dma_start3A_384 : memref<1x1x1x64xi32, #tpu.memory_space<hbm>> -> memref<1x64xi32, #tpu.memory_space<hbm>>
        tpu.enqueue_dma source(%dma_start3A_385 : memref<1x64xi32, #tpu.memory_space<hbm>>) target(%arg9 : memref<1x64xi32, #tpu.memory_space<vmem>>) target_semaphore(%arg31 : memref<!tpu.dma_semaphore, #tpu.memory_space<semaphore_mem>>)
      } else {
      }
      %dma_wait3A_274 = arith.constant 0 : i32
      %dma_wait3A_275 = arith.constant 0 : i32
      %dma_wait3A_276 = tpu.memref_slice %arg10[%dma_wait3A_274, %dma_wait3A_275] : memref<1x64xi32, #tpu.memory_space<vmem>> -> memref<1x64xi32, #tpu.memory_space<vmem>>
      %dma_wait3A_277 = tpu.memref_squeeze %dma_wait3A_276 : memref<1x64xi32, #tpu.memory_space<vmem>> -> memref<64xi32, #tpu.memory_space<vmem>>
      %dma_wait3A_278 = arith.constant 0 : i32
      %dma_wait3A_279 = arith.constant 0 : i32
      %dma_wait3A_280 = tpu.memref_slice %arg2[%dma_wait3A_278, %dma_wait3A_279] : memref<10000x128xf32, #tpu.memory_space<hbm>> -> memref<10000x128xf32, #tpu.memory_space<hbm>>
      tpu.wait_indirect_dma semaphore(%arg24 : memref<!tpu.dma_semaphore, #tpu.memory_space<semaphore_mem>>) src(%dma_wait3A_280 : memref<10000x128xf32, #tpu.memory_space<hbm>>) dst(%arg18 : memref<64x128xf32, #tpu.memory_space<vmem>>)
      %dma_wait3A_281 = arith.constant 0 : i32
      %dma_wait3A_282 = arith.constant 0 : i32
      %dma_wait3A_283 = arith.constant 0 : i32
      %dma_wait3A_284 = tpu.memref_slice %arg4[%add3A, %dma_wait3A_281, %dma_wait3A_282, %dma_wait3A_283] : memref<32x156x1x64xi32, #tpu.memory_space<hbm>> -> memref<1x1x1x64xi32, #tpu.memory_space<hbm>>
      %dma_wait3A_285 = tpu.memref_squeeze %dma_wait3A_284 : memref<1x1x1x64xi32, #tpu.memory_space<hbm>> -> memref<1x64xi32, #tpu.memory_space<hbm>>
      %dma_wait3A_286 = arith.constant 0 : i32
      %dma_wait3A_287 = arith.constant 0 : i32
      %dma_wait3A_288 = tpu.memref_slice %arg4[%add3A, %dma_wait3A_281, %dma_wait3A_286, %dma_wait3A_287] : memref<32x156x1x64xi32, #tpu.memory_space<hbm>> -> memref<1x1x1x64xi32, #tpu.memory_space<hbm>>
      %dma_wait3A_289 = tpu.memref_squeeze %dma_wait3A_288 : memref<1x1x1x64xi32, #tpu.memory_space<hbm>> -> memref<1x64xi32, #tpu.memory_space<hbm>>
      tpu.wait_dma2 semaphore(%arg36 : memref<!tpu.dma_semaphore, #tpu.memory_space<semaphore_mem>>) src(%dma_wait3A_289 : memref<1x64xi32, #tpu.memory_space<hbm>>) dst(%arg14 : memref<1x64xi32, #tpu.memory_space<vmem>>)
      %dma_start3A_290 = arith.constant 0 : i32
      %dma_start3A_291 = arith.constant 0 : i32
      %dma_start3A_292 = tpu.memref_slice %arg14[%dma_start3A_290, %dma_start3A_291] : memref<1x64xi32, #tpu.memory_space<vmem>> -> memref<1x64xi32, #tpu.memory_space<vmem>>
      %dma_start3A_293 = tpu.memref_squeeze %dma_start3A_292 : memref<1x64xi32, #tpu.memory_space<vmem>> -> memref<64xi32, #tpu.memory_space<vmem>>
      %dma_start3A_294 = arith.constant 0 : i32
      %dma_start3A_295 = arith.constant 0 : i32
      %dma_start3A_296 = tpu.memref_slice %arg21[%dma_start3A_294, %dma_start3A_295] : memref<10000x128xf32, #tpu.memory_space<vmem_shared>> -> memref<10000x128xf32, #tpu.memory_space<vmem_shared>>
      tpu.enqueue_indirect_dma source(%arg18 : memref<64x128xf32, #tpu.memory_space<vmem>>) target(%dma_start3A_296 : memref<10000x128xf32, #tpu.memory_space<vmem_shared>>) offsets(%dma_start3A_293 : memref<64xi32, #tpu.memory_space<vmem>>) semaphore(%arg28 : memref<!tpu.dma_semaphore, #tpu.memory_space<semaphore_mem>>) {add = true}
      %add3A_297 = arith.constant 2 : i32
      %add3A_298 = arith.addi %mul3A_209, %add3A_297 : i32
      %add3A_299 = arith.constant 4 : i32
      %add3A_300 = arith.addi %add3A_298, %add3A_299 : i32
      %lt3A_301 = arith.constant 156 : i32
      %lt3A_302 = arith.cmpi slt, %add3A_300, %lt3A_301 : i32
      %convert_element_type3A_303 = arith.extui %lt3A_302 : i1 to i32
      %cond3A_304 = arith.constant 0 : i32
      %cond3A_305 = arith.cmpi ne, %convert_element_type3A_303, %cond3A_304 : i32
      scf.if %cond3A_305 {
        %add3A_374 = arith.constant 2 : i32
        %add3A_375 = arith.addi %mul3A_209, %add3A_374 : i32
        %add3A_376 = arith.constant 4 : i32
        %add3A_377 = arith.addi %add3A_375, %add3A_376 : i32
        %dma_start3A_378 = arith.constant 0 : i32
        %dma_start3A_379 = arith.constant 0 : i32
        %dma_start3A_380 = tpu.memref_slice %arg3[%add3A, %add3A_377, %dma_start3A_378, %dma_start3A_379] : memref<32x156x1x64xi32, #tpu.memory_space<hbm>> -> memref<1x1x1x64xi32, #tpu.memory_space<hbm>>
        %dma_start3A_381 = tpu.memref_squeeze %dma_start3A_380 : memref<1x1x1x64xi32, #tpu.memory_space<hbm>> -> memref<1x64xi32, #tpu.memory_space<hbm>>
        %dma_start3A_382 = arith.constant 0 : i32
        %dma_start3A_383 = arith.constant 0 : i32
        %dma_start3A_384 = tpu.memref_slice %arg3[%add3A, %add3A_377, %dma_start3A_382, %dma_start3A_383] : memref<32x156x1x64xi32, #tpu.memory_space<hbm>> -> memref<1x1x1x64xi32, #tpu.memory_space<hbm>>
        %dma_start3A_385 = tpu.memref_squeeze %dma_start3A_384 : memref<1x1x1x64xi32, #tpu.memory_space<hbm>> -> memref<1x64xi32, #tpu.memory_space<hbm>>
        tpu.enqueue_dma source(%dma_start3A_385 : memref<1x64xi32, #tpu.memory_space<hbm>>) target(%arg10 : memref<1x64xi32, #tpu.memory_space<vmem>>) target_semaphore(%arg32 : memref<!tpu.dma_semaphore, #tpu.memory_space<semaphore_mem>>)
      } else {
      }
      %dma_wait3A_306 = arith.constant 0 : i32
      %dma_wait3A_307 = arith.constant 0 : i32
      %dma_wait3A_308 = tpu.memref_slice %arg11[%dma_wait3A_306, %dma_wait3A_307] : memref<1x64xi32, #tpu.memory_space<vmem>> -> memref<1x64xi32, #tpu.memory_space<vmem>>
      %dma_wait3A_309 = tpu.memref_squeeze %dma_wait3A_308 : memref<1x64xi32, #tpu.memory_space<vmem>> -> memref<64xi32, #tpu.memory_space<vmem>>
      %dma_wait3A_310 = arith.constant 0 : i32
      %dma_wait3A_311 = arith.constant 0 : i32
      %dma_wait3A_312 = tpu.memref_slice %arg2[%dma_wait3A_310, %dma_wait3A_311] : memref<10000x128xf32, #tpu.memory_space<hbm>> -> memref<10000x128xf32, #tpu.memory_space<hbm>>
      tpu.wait_indirect_dma semaphore(%arg25 : memref<!tpu.dma_semaphore, #tpu.memory_space<semaphore_mem>>) src(%dma_wait3A_312 : memref<10000x128xf32, #tpu.memory_space<hbm>>) dst(%arg19 : memref<64x128xf32, #tpu.memory_space<vmem>>)
      %dma_wait3A_313 = arith.constant 0 : i32
      %dma_wait3A_314 = arith.constant 0 : i32
      %dma_wait3A_315 = arith.constant 0 : i32
      %dma_wait3A_316 = tpu.memref_slice %arg4[%add3A, %dma_wait3A_313, %dma_wait3A_314, %dma_wait3A_315] : memref<32x156x1x64xi32, #tpu.memory_space<hbm>> -> memref<1x1x1x64xi32, #tpu.memory_space<hbm>>
      %dma_wait3A_317 = tpu.memref_squeeze %dma_wait3A_316 : memref<1x1x1x64xi32, #tpu.memory_space<hbm>> -> memref<1x64xi32, #tpu.memory_space<hbm>>
      %dma_wait3A_318 = arith.constant 0 : i32
      %dma_wait3A_319 = arith.constant 0 : i32
      %dma_wait3A_320 = tpu.memref_slice %arg4[%add3A, %dma_wait3A_313, %dma_wait3A_318, %dma_wait3A_319] : memref<32x156x1x64xi32, #tpu.memory_space<hbm>> -> memref<1x1x1x64xi32, #tpu.memory_space<hbm>>
      %dma_wait3A_321 = tpu.memref_squeeze %dma_wait3A_320 : memref<1x1x1x64xi32, #tpu.memory_space<hbm>> -> memref<1x64xi32, #tpu.memory_space<hbm>>
      tpu.wait_dma2 semaphore(%arg37 : memref<!tpu.dma_semaphore, #tpu.memory_space<semaphore_mem>>) src(%dma_wait3A_321 : memref<1x64xi32, #tpu.memory_space<hbm>>) dst(%arg15 : memref<1x64xi32, #tpu.memory_space<vmem>>)
      %dma_start3A_322 = arith.constant 0 : i32
      %dma_start3A_323 = arith.constant 0 : i32
      %dma_start3A_324 = tpu.memref_slice %arg15[%dma_start3A_322, %dma_start3A_323] : memref<1x64xi32, #tpu.memory_space<vmem>> -> memref<1x64xi32, #tpu.memory_space<vmem>>
      %dma_start3A_325 = tpu.memref_squeeze %dma_start3A_324 : memref<1x64xi32, #tpu.memory_space<vmem>> -> memref<64xi32, #tpu.memory_space<vmem>>
      %dma_start3A_326 = arith.constant 0 : i32
      %dma_start3A_327 = arith.constant 0 : i32
      %dma_start3A_328 = tpu.memref_slice %arg21[%dma_start3A_326, %dma_start3A_327] : memref<10000x128xf32, #tpu.memory_space<vmem_shared>> -> memref<10000x128xf32, #tpu.memory_space<vmem_shared>>
      tpu.enqueue_indirect_dma source(%arg19 : memref<64x128xf32, #tpu.memory_space<vmem>>) target(%dma_start3A_328 : memref<10000x128xf32, #tpu.memory_space<vmem_shared>>) offsets(%dma_start3A_325 : memref<64xi32, #tpu.memory_space<vmem>>) semaphore(%arg29 : memref<!tpu.dma_semaphore, #tpu.memory_space<semaphore_mem>>) {add = true}
      %add3A_329 = arith.constant 3 : i32
      %add3A_330 = arith.addi %mul3A_209, %add3A_329 : i32
      %add3A_331 = arith.constant 4 : i32
      %add3A_332 = arith.addi %add3A_330, %add3A_331 : i32
      %lt3A_333 = arith.constant 156 : i32
      %lt3A_334 = arith.cmpi slt, %add3A_332, %lt3A_333 : i32
      %convert_element_type3A_335 = arith.extui %lt3A_334 : i1 to i32
      %cond3A_336 = arith.constant 0 : i32
      %cond3A_337 = arith.cmpi ne, %convert_element_type3A_335, %cond3A_336 : i32
      scf.if %cond3A_337 {
        %add3A_374 = arith.constant 3 : i32
        %add3A_375 = arith.addi %mul3A_209, %add3A_374 : i32
        %add3A_376 = arith.constant 4 : i32
        %add3A_377 = arith.addi %add3A_375, %add3A_376 : i32
        %dma_start3A_378 = arith.constant 0 : i32
        %dma_start3A_379 = arith.constant 0 : i32
        %dma_start3A_380 = tpu.memref_slice %arg3[%add3A, %add3A_377, %dma_start3A_378, %dma_start3A_379] : memref<32x156x1x64xi32, #tpu.memory_space<hbm>> -> memref<1x1x1x64xi32, #tpu.memory_space<hbm>>
        %dma_start3A_381 = tpu.memref_squeeze %dma_start3A_380 : memref<1x1x1x64xi32, #tpu.memory_space<hbm>> -> memref<1x64xi32, #tpu.memory_space<hbm>>
        %dma_start3A_382 = arith.constant 0 : i32
        %dma_start3A_383 = arith.constant 0 : i32
        %dma_start3A_384 = tpu.memref_slice %arg3[%add3A, %add3A_377, %dma_start3A_382, %dma_start3A_383] : memref<32x156x1x64xi32, #tpu.memory_space<hbm>> -> memref<1x1x1x64xi32, #tpu.memory_space<hbm>>
        %dma_start3A_385 = tpu.memref_squeeze %dma_start3A_384 : memref<1x1x1x64xi32, #tpu.memory_space<hbm>> -> memref<1x64xi32, #tpu.memory_space<hbm>>
        tpu.enqueue_dma source(%dma_start3A_385 : memref<1x64xi32, #tpu.memory_space<hbm>>) target(%arg11 : memref<1x64xi32, #tpu.memory_space<vmem>>) target_semaphore(%arg33 : memref<!tpu.dma_semaphore, #tpu.memory_space<semaphore_mem>>)
      } else {
      }
      %add3A_338 = arith.constant 0 : i32
      %add3A_339 = arith.addi %mul3A_209, %add3A_338 : i32
      %add3A_340 = arith.constant 4 : i32
      %add3A_341 = arith.addi %add3A_339, %add3A_340 : i32
      %lt3A_342 = arith.constant 156 : i32
      %lt3A_343 = arith.cmpi slt, %add3A_341, %lt3A_342 : i32
      %convert_element_type3A_344 = arith.extui %lt3A_343 : i1 to i32
      %cond3A_345 = arith.constant 0 : i32
      %cond3A_346 = arith.cmpi ne, %convert_element_type3A_344, %cond3A_345 : i32
      scf.if %cond3A_346 {
        %dma_wait3A_374 = arith.constant 0 : i32
        %dma_wait3A_375 = arith.constant 0 : i32
        %dma_wait3A_376 = tpu.memref_slice %arg12[%dma_wait3A_374, %dma_wait3A_375] : memref<1x64xi32, #tpu.memory_space<vmem>> -> memref<1x64xi32, #tpu.memory_space<vmem>>
        %dma_wait3A_377 = tpu.memref_squeeze %dma_wait3A_376 : memref<1x64xi32, #tpu.memory_space<vmem>> -> memref<64xi32, #tpu.memory_space<vmem>>
        %dma_wait3A_378 = arith.constant 0 : i32
        %dma_wait3A_379 = arith.constant 0 : i32
        %dma_wait3A_380 = tpu.memref_slice %arg21[%dma_wait3A_378, %dma_wait3A_379] : memref<10000x128xf32, #tpu.memory_space<vmem_shared>> -> memref<10000x128xf32, #tpu.memory_space<vmem_shared>>
        tpu.wait_indirect_dma semaphore(%arg26 : memref<!tpu.dma_semaphore, #tpu.memory_space<semaphore_mem>>) src(%arg16 : memref<64x128xf32, #tpu.memory_space<vmem>>) dst(%dma_wait3A_380 : memref<10000x128xf32, #tpu.memory_space<vmem_shared>>)
        %dma_wait3A_381 = arith.constant 0 : i32
        %dma_wait3A_382 = arith.constant 0 : i32
        %dma_wait3A_383 = arith.constant 0 : i32
        %dma_wait3A_384 = tpu.memref_slice %arg3[%add3A, %dma_wait3A_381, %dma_wait3A_382, %dma_wait3A_383] : memref<32x156x1x64xi32, #tpu.memory_space<hbm>> -> memref<1x1x1x64xi32, #tpu.memory_space<hbm>>
        %dma_wait3A_385 = tpu.memref_squeeze %dma_wait3A_384 : memref<1x1x1x64xi32, #tpu.memory_space<hbm>> -> memref<1x64xi32, #tpu.memory_space<hbm>>
        %dma_wait3A_386 = arith.constant 0 : i32
        %dma_wait3A_387 = arith.constant 0 : i32
        %dma_wait3A_388 = tpu.memref_slice %arg3[%add3A, %dma_wait3A_381, %dma_wait3A_386, %dma_wait3A_387] : memref<32x156x1x64xi32, #tpu.memory_space<hbm>> -> memref<1x1x1x64xi32, #tpu.memory_space<hbm>>
        %dma_wait3A_389 = tpu.memref_squeeze %dma_wait3A_388 : memref<1x1x1x64xi32, #tpu.memory_space<hbm>> -> memref<1x64xi32, #tpu.memory_space<hbm>>
        tpu.wait_dma2 semaphore(%arg30 : memref<!tpu.dma_semaphore, #tpu.memory_space<semaphore_mem>>) src(%dma_wait3A_389 : memref<1x64xi32, #tpu.memory_space<hbm>>) dst(%arg8 : memref<1x64xi32, #tpu.memory_space<vmem>>)
        %dma_start3A_390 = arith.constant 0 : i32
        %dma_start3A_391 = arith.constant 0 : i32
        %dma_start3A_392 = tpu.memref_slice %arg8[%dma_start3A_390, %dma_start3A_391] : memref<1x64xi32, #tpu.memory_space<vmem>> -> memref<1x64xi32, #tpu.memory_space<vmem>>
        %dma_start3A_393 = tpu.memref_squeeze %dma_start3A_392 : memref<1x64xi32, #tpu.memory_space<vmem>> -> memref<64xi32, #tpu.memory_space<vmem>>
        %dma_start3A_394 = arith.constant 0 : i32
        %dma_start3A_395 = arith.constant 0 : i32
        %dma_start3A_396 = tpu.memref_slice %arg2[%dma_start3A_394, %dma_start3A_395] : memref<10000x128xf32, #tpu.memory_space<hbm>> -> memref<10000x128xf32, #tpu.memory_space<hbm>>
        tpu.enqueue_indirect_dma source(%dma_start3A_396 : memref<10000x128xf32, #tpu.memory_space<hbm>>) target(%arg16 : memref<64x128xf32, #tpu.memory_space<vmem>>) offsets(%dma_start3A_393 : memref<64xi32, #tpu.memory_space<vmem>>) semaphore(%arg22 : memref<!tpu.dma_semaphore, #tpu.memory_space<semaphore_mem>>)
        %add3A_397 = arith.constant 0 : i32
        %add3A_398 = arith.addi %mul3A_209, %add3A_397 : i32
        %add3A_399 = arith.constant 4 : i32
        %add3A_400 = arith.addi %add3A_398, %add3A_399 : i32
        %dma_start3A_401 = arith.constant 0 : i32
        %dma_start3A_402 = arith.constant 0 : i32
        %dma_start3A_403 = tpu.memref_slice %arg4[%add3A, %add3A_400, %dma_start3A_401, %dma_start3A_402] : memref<32x156x1x64xi32, #tpu.memory_space<hbm>> -> memref<1x1x1x64xi32, #tpu.memory_space<hbm>>
        %dma_start3A_404 = tpu.memref_squeeze %dma_start3A_403 : memref<1x1x1x64xi32, #tpu.memory_space<hbm>> -> memref<1x64xi32, #tpu.memory_space<hbm>>
        %dma_start3A_405 = arith.constant 0 : i32
        %dma_start3A_406 = arith.constant 0 : i32
        %dma_start3A_407 = tpu.memref_slice %arg4[%add3A, %add3A_400, %dma_start3A_405, %dma_start3A_406] : memref<32x156x1x64xi32, #tpu.memory_space<hbm>> -> memref<1x1x1x64xi32, #tpu.memory_space<hbm>>
        %dma_start3A_408 = tpu.memref_squeeze %dma_start3A_407 : memref<1x1x1x64xi32, #tpu.memory_space<hbm>> -> memref<1x64xi32, #tpu.memory_space<hbm>>
        tpu.enqueue_dma source(%dma_start3A_408 : memref<1x64xi32, #tpu.memory_space<hbm>>) target(%arg12 : memref<1x64xi32, #tpu.memory_space<vmem>>) target_semaphore(%arg34 : memref<!tpu.dma_semaphore, #tpu.memory_space<semaphore_mem>>)
      } else {
      }
      %add3A_347 = arith.constant 1 : i32
      %add3A_348 = arith.addi %mul3A_209, %add3A_347 : i32
      %add3A_349 = arith.constant 4 : i32
      %add3A_350 = arith.addi %add3A_348, %add3A_349 : i32
      %lt3A_351 = arith.constant 156 : i32
      %lt3A_352 = arith.cmpi slt, %add3A_350, %lt3A_351 : i32
      %convert_element_type3A_353 = arith.extui %lt3A_352 : i1 to i32
      %cond3A_354 = arith.constant 0 : i32
      %cond3A_355 = arith.cmpi ne, %convert_element_type3A_353, %cond3A_354 : i32
      scf.if %cond3A_355 {
        %dma_wait3A_374 = arith.constant 0 : i32
        %dma_wait3A_375 = arith.constant 0 : i32
        %dma_wait3A_376 = tpu.memref_slice %arg13[%dma_wait3A_374, %dma_wait3A_375] : memref<1x64xi32, #tpu.memory_space<vmem>> -> memref<1x64xi32, #tpu.memory_space<vmem>>
        %dma_wait3A_377 = tpu.memref_squeeze %dma_wait3A_376 : memref<1x64xi32, #tpu.memory_space<vmem>> -> memref<64xi32, #tpu.memory_space<vmem>>
        %dma_wait3A_378 = arith.constant 0 : i32
        %dma_wait3A_379 = arith.constant 0 : i32
        %dma_wait3A_380 = tpu.memref_slice %arg21[%dma_wait3A_378, %dma_wait3A_379] : memref<10000x128xf32, #tpu.memory_space<vmem_shared>> -> memref<10000x128xf32, #tpu.memory_space<vmem_shared>>
        tpu.wait_indirect_dma semaphore(%arg27 : memref<!tpu.dma_semaphore, #tpu.memory_space<semaphore_mem>>) src(%arg17 : memref<64x128xf32, #tpu.memory_space<vmem>>) dst(%dma_wait3A_380 : memref<10000x128xf32, #tpu.memory_space<vmem_shared>>)
        %dma_wait3A_381 = arith.constant 0 : i32
        %dma_wait3A_382 = arith.constant 0 : i32
        %dma_wait3A_383 = arith.constant 0 : i32
        %dma_wait3A_384 = tpu.memref_slice %arg3[%add3A, %dma_wait3A_381, %dma_wait3A_382, %dma_wait3A_383] : memref<32x156x1x64xi32, #tpu.memory_space<hbm>> -> memref<1x1x1x64xi32, #tpu.memory_space<hbm>>
        %dma_wait3A_385 = tpu.memref_squeeze %dma_wait3A_384 : memref<1x1x1x64xi32, #tpu.memory_space<hbm>> -> memref<1x64xi32, #tpu.memory_space<hbm>>
        %dma_wait3A_386 = arith.constant 0 : i32
        %dma_wait3A_387 = arith.constant 0 : i32
        %dma_wait3A_388 = tpu.memref_slice %arg3[%add3A, %dma_wait3A_381, %dma_wait3A_386, %dma_wait3A_387] : memref<32x156x1x64xi32, #tpu.memory_space<hbm>> -> memref<1x1x1x64xi32, #tpu.memory_space<hbm>>
        %dma_wait3A_389 = tpu.memref_squeeze %dma_wait3A_388 : memref<1x1x1x64xi32, #tpu.memory_space<hbm>> -> memref<1x64xi32, #tpu.memory_space<hbm>>
        tpu.wait_dma2 semaphore(%arg31 : memref<!tpu.dma_semaphore, #tpu.memory_space<semaphore_mem>>) src(%dma_wait3A_389 : memref<1x64xi32, #tpu.memory_space<hbm>>) dst(%arg9 : memref<1x64xi32, #tpu.memory_space<vmem>>)
        %dma_start3A_390 = arith.constant 0 : i32
        %dma_start3A_391 = arith.constant 0 : i32
        %dma_start3A_392 = tpu.memref_slice %arg9[%dma_start3A_390, %dma_start3A_391] : memref<1x64xi32, #tpu.memory_space<vmem>> -> memref<1x64xi32, #tpu.memory_space<vmem>>
        %dma_start3A_393 = tpu.memref_squeeze %dma_start3A_392 : memref<1x64xi32, #tpu.memory_space<vmem>> -> memref<64xi32, #tpu.memory_space<vmem>>
        %dma_start3A_394 = arith.constant 0 : i32
        %dma_start3A_395 = arith.constant 0 : i32
        %dma_start3A_396 = tpu.memref_slice %arg2[%dma_start3A_394, %dma_start3A_395] : memref<10000x128xf32, #tpu.memory_space<hbm>> -> memref<10000x128xf32, #tpu.memory_space<hbm>>
        tpu.enqueue_indirect_dma source(%dma_start3A_396 : memref<10000x128xf32, #tpu.memory_space<hbm>>) target(%arg17 : memref<64x128xf32, #tpu.memory_space<vmem>>) offsets(%dma_start3A_393 : memref<64xi32, #tpu.memory_space<vmem>>) semaphore(%arg23 : memref<!tpu.dma_semaphore, #tpu.memory_space<semaphore_mem>>)
        %add3A_397 = arith.constant 1 : i32
        %add3A_398 = arith.addi %mul3A_209, %add3A_397 : i32
        %add3A_399 = arith.constant 4 : i32
        %add3A_400 = arith.addi %add3A_398, %add3A_399 : i32
        %dma_start3A_401 = arith.constant 0 : i32
        %dma_start3A_402 = arith.constant 0 : i32
        %dma_start3A_403 = tpu.memref_slice %arg4[%add3A, %add3A_400, %dma_start3A_401, %dma_start3A_402] : memref<32x156x1x64xi32, #tpu.memory_space<hbm>> -> memref<1x1x1x64xi32, #tpu.memory_space<hbm>>
        %dma_start3A_404 = tpu.memref_squeeze %dma_start3A_403 : memref<1x1x1x64xi32, #tpu.memory_space<hbm>> -> memref<1x64xi32, #tpu.memory_space<hbm>>
        %dma_start3A_405 = arith.constant 0 : i32
        %dma_start3A_406 = arith.constant 0 : i32
        %dma_start3A_407 = tpu.memref_slice %arg4[%add3A, %add3A_400, %dma_start3A_405, %dma_start3A_406] : memref<32x156x1x64xi32, #tpu.memory_space<hbm>> -> memref<1x1x1x64xi32, #tpu.memory_space<hbm>>
        %dma_start3A_408 = tpu.memref_squeeze %dma_start3A_407 : memref<1x1x1x64xi32, #tpu.memory_space<hbm>> -> memref<1x64xi32, #tpu.memory_space<hbm>>
        tpu.enqueue_dma source(%dma_start3A_408 : memref<1x64xi32, #tpu.memory_space<hbm>>) target(%arg13 : memref<1x64xi32, #tpu.memory_space<vmem>>) target_semaphore(%arg35 : memref<!tpu.dma_semaphore, #tpu.memory_space<semaphore_mem>>)
      } else {
      }
      %add3A_356 = arith.constant 2 : i32
      %add3A_357 = arith.addi %mul3A_209, %add3A_356 : i32
      %add3A_358 = arith.constant 4 : i32
      %add3A_359 = arith.addi %add3A_357, %add3A_358 : i32
      %lt3A_360 = arith.constant 156 : i32
      %lt3A_361 = arith.cmpi slt, %add3A_359, %lt3A_360 : i32
      %convert_element_type3A_362 = arith.extui %lt3A_361 : i1 to i32
      %cond3A_363 = arith.constant 0 : i32
      %cond3A_364 = arith.cmpi ne, %convert_element_type3A_362, %cond3A_363 : i32
      scf.if %cond3A_364 {
        %dma_wait3A_374 = arith.constant 0 : i32
        %dma_wait3A_375 = arith.constant 0 : i32
        %dma_wait3A_376 = tpu.memref_slice %arg14[%dma_wait3A_374, %dma_wait3A_375] : memref<1x64xi32, #tpu.memory_space<vmem>> -> memref<1x64xi32, #tpu.memory_space<vmem>>
        %dma_wait3A_377 = tpu.memref_squeeze %dma_wait3A_376 : memref<1x64xi32, #tpu.memory_space<vmem>> -> memref<64xi32, #tpu.memory_space<vmem>>
        %dma_wait3A_378 = arith.constant 0 : i32
        %dma_wait3A_379 = arith.constant 0 : i32
        %dma_wait3A_380 = tpu.memref_slice %arg21[%dma_wait3A_378, %dma_wait3A_379] : memref<10000x128xf32, #tpu.memory_space<vmem_shared>> -> memref<10000x128xf32, #tpu.memory_space<vmem_shared>>
        tpu.wait_indirect_dma semaphore(%arg28 : memref<!tpu.dma_semaphore, #tpu.memory_space<semaphore_mem>>) src(%arg18 : memref<64x128xf32, #tpu.memory_space<vmem>>) dst(%dma_wait3A_380 : memref<10000x128xf32, #tpu.memory_space<vmem_shared>>)
        %dma_wait3A_381 = arith.constant 0 : i32
        %dma_wait3A_382 = arith.constant 0 : i32
        %dma_wait3A_383 = arith.constant 0 : i32
        %dma_wait3A_384 = tpu.memref_slice %arg3[%add3A, %dma_wait3A_381, %dma_wait3A_382, %dma_wait3A_383] : memref<32x156x1x64xi32, #tpu.memory_space<hbm>> -> memref<1x1x1x64xi32, #tpu.memory_space<hbm>>
        %dma_wait3A_385 = tpu.memref_squeeze %dma_wait3A_384 : memref<1x1x1x64xi32, #tpu.memory_space<hbm>> -> memref<1x64xi32, #tpu.memory_space<hbm>>
        %dma_wait3A_386 = arith.constant 0 : i32
        %dma_wait3A_387 = arith.constant 0 : i32
        %dma_wait3A_388 = tpu.memref_slice %arg3[%add3A, %dma_wait3A_381, %dma_wait3A_386, %dma_wait3A_387] : memref<32x156x1x64xi32, #tpu.memory_space<hbm>> -> memref<1x1x1x64xi32, #tpu.memory_space<hbm>>
        %dma_wait3A_389 = tpu.memref_squeeze %dma_wait3A_388 : memref<1x1x1x64xi32, #tpu.memory_space<hbm>> -> memref<1x64xi32, #tpu.memory_space<hbm>>
        tpu.wait_dma2 semaphore(%arg32 : memref<!tpu.dma_semaphore, #tpu.memory_space<semaphore_mem>>) src(%dma_wait3A_389 : memref<1x64xi32, #tpu.memory_space<hbm>>) dst(%arg10 : memref<1x64xi32, #tpu.memory_space<vmem>>)
        %dma_start3A_390 = arith.constant 0 : i32
        %dma_start3A_391 = arith.constant 0 : i32
        %dma_start3A_392 = tpu.memref_slice %arg10[%dma_start3A_390, %dma_start3A_391] : memref<1x64xi32, #tpu.memory_space<vmem>> -> memref<1x64xi32, #tpu.memory_space<vmem>>
        %dma_start3A_393 = tpu.memref_squeeze %dma_start3A_392 : memref<1x64xi32, #tpu.memory_space<vmem>> -> memref<64xi32, #tpu.memory_space<vmem>>
        %dma_start3A_394 = arith.constant 0 : i32
        %dma_start3A_395 = arith.constant 0 : i32
        %dma_start3A_396 = tpu.memref_slice %arg2[%dma_start3A_394, %dma_start3A_395] : memref<10000x128xf32, #tpu.memory_space<hbm>> -> memref<10000x128xf32, #tpu.memory_space<hbm>>
        tpu.enqueue_indirect_dma source(%dma_start3A_396 : memref<10000x128xf32, #tpu.memory_space<hbm>>) target(%arg18 : memref<64x128xf32, #tpu.memory_space<vmem>>) offsets(%dma_start3A_393 : memref<64xi32, #tpu.memory_space<vmem>>) semaphore(%arg24 : memref<!tpu.dma_semaphore, #tpu.memory_space<semaphore_mem>>)
        %add3A_397 = arith.constant 2 : i32
        %add3A_398 = arith.addi %mul3A_209, %add3A_397 : i32
        %add3A_399 = arith.constant 4 : i32
        %add3A_400 = arith.addi %add3A_398, %add3A_399 : i32
        %dma_start3A_401 = arith.constant 0 : i32
        %dma_start3A_402 = arith.constant 0 : i32
        %dma_start3A_403 = tpu.memref_slice %arg4[%add3A, %add3A_400, %dma_start3A_401, %dma_start3A_402] : memref<32x156x1x64xi32, #tpu.memory_space<hbm>> -> memref<1x1x1x64xi32, #tpu.memory_space<hbm>>
        %dma_start3A_404 = tpu.memref_squeeze %dma_start3A_403 : memref<1x1x1x64xi32, #tpu.memory_space<hbm>> -> memref<1x64xi32, #tpu.memory_space<hbm>>
        %dma_start3A_405 = arith.constant 0 : i32
        %dma_start3A_406 = arith.constant 0 : i32
        %dma_start3A_407 = tpu.memref_slice %arg4[%add3A, %add3A_400, %dma_start3A_405, %dma_start3A_406] : memref<32x156x1x64xi32, #tpu.memory_space<hbm>> -> memref<1x1x1x64xi32, #tpu.memory_space<hbm>>
        %dma_start3A_408 = tpu.memref_squeeze %dma_start3A_407 : memref<1x1x1x64xi32, #tpu.memory_space<hbm>> -> memref<1x64xi32, #tpu.memory_space<hbm>>
        tpu.enqueue_dma source(%dma_start3A_408 : memref<1x64xi32, #tpu.memory_space<hbm>>) target(%arg14 : memref<1x64xi32, #tpu.memory_space<vmem>>) target_semaphore(%arg36 : memref<!tpu.dma_semaphore, #tpu.memory_space<semaphore_mem>>)
      } else {
      }
      %add3A_365 = arith.constant 3 : i32
      %add3A_366 = arith.addi %mul3A_209, %add3A_365 : i32
      %add3A_367 = arith.constant 4 : i32
      %add3A_368 = arith.addi %add3A_366, %add3A_367 : i32
      %lt3A_369 = arith.constant 156 : i32
      %lt3A_370 = arith.cmpi slt, %add3A_368, %lt3A_369 : i32
      %convert_element_type3A_371 = arith.extui %lt3A_370 : i1 to i32
      %cond3A_372 = arith.constant 0 : i32
      %cond3A_373 = arith.cmpi ne, %convert_element_type3A_371, %cond3A_372 : i32
      scf.if %cond3A_373 {
        %dma_wait3A_374 = arith.constant 0 : i32
        %dma_wait3A_375 = arith.constant 0 : i32
        %dma_wait3A_376 = tpu.memref_slice %arg15[%dma_wait3A_374, %dma_wait3A_375] : memref<1x64xi32, #tpu.memory_space<vmem>> -> memref<1x64xi32, #tpu.memory_space<vmem>>
        %dma_wait3A_377 = tpu.memref_squeeze %dma_wait3A_376 : memref<1x64xi32, #tpu.memory_space<vmem>> -> memref<64xi32, #tpu.memory_space<vmem>>
        %dma_wait3A_378 = arith.constant 0 : i32
        %dma_wait3A_379 = arith.constant 0 : i32
        %dma_wait3A_380 = tpu.memref_slice %arg21[%dma_wait3A_378, %dma_wait3A_379] : memref<10000x128xf32, #tpu.memory_space<vmem_shared>> -> memref<10000x128xf32, #tpu.memory_space<vmem_shared>>
        tpu.wait_indirect_dma semaphore(%arg29 : memref<!tpu.dma_semaphore, #tpu.memory_space<semaphore_mem>>) src(%arg19 : memref<64x128xf32, #tpu.memory_space<vmem>>) dst(%dma_wait3A_380 : memref<10000x128xf32, #tpu.memory_space<vmem_shared>>)
        %dma_wait3A_381 = arith.constant 0 : i32
        %dma_wait3A_382 = arith.constant 0 : i32
        %dma_wait3A_383 = arith.constant 0 : i32
        %dma_wait3A_384 = tpu.memref_slice %arg3[%add3A, %dma_wait3A_381, %dma_wait3A_382, %dma_wait3A_383] : memref<32x156x1x64xi32, #tpu.memory_space<hbm>> -> memref<1x1x1x64xi32, #tpu.memory_space<hbm>>
        %dma_wait3A_385 = tpu.memref_squeeze %dma_wait3A_384 : memref<1x1x1x64xi32, #tpu.memory_space<hbm>> -> memref<1x64xi32, #tpu.memory_space<hbm>>
        %dma_wait3A_386 = arith.constant 0 : i32
        %dma_wait3A_387 = arith.constant 0 : i32
        %dma_wait3A_388 = tpu.memref_slice %arg3[%add3A, %dma_wait3A_381, %dma_wait3A_386, %dma_wait3A_387] : memref<32x156x1x64xi32, #tpu.memory_space<hbm>> -> memref<1x1x1x64xi32, #tpu.memory_space<hbm>>
        %dma_wait3A_389 = tpu.memref_squeeze %dma_wait3A_388 : memref<1x1x1x64xi32, #tpu.memory_space<hbm>> -> memref<1x64xi32, #tpu.memory_space<hbm>>
        tpu.wait_dma2 semaphore(%arg33 : memref<!tpu.dma_semaphore, #tpu.memory_space<semaphore_mem>>) src(%dma_wait3A_389 : memref<1x64xi32, #tpu.memory_space<hbm>>) dst(%arg11 : memref<1x64xi32, #tpu.memory_space<vmem>>)
        %dma_start3A_390 = arith.constant 0 : i32
        %dma_start3A_391 = arith.constant 0 : i32
        %dma_start3A_392 = tpu.memref_slice %arg11[%dma_start3A_390, %dma_start3A_391] : memref<1x64xi32, #tpu.memory_space<vmem>> -> memref<1x64xi32, #tpu.memory_space<vmem>>
        %dma_start3A_393 = tpu.memref_squeeze %dma_start3A_392 : memref<1x64xi32, #tpu.memory_space<vmem>> -> memref<64xi32, #tpu.memory_space<vmem>>
        %dma_start3A_394 = arith.constant 0 : i32
        %dma_start3A_395 = arith.constant 0 : i32
        %dma_start3A_396 = tpu.memref_slice %arg2[%dma_start3A_394, %dma_start3A_395] : memref<10000x128xf32, #tpu.memory_space<hbm>> -> memref<10000x128xf32, #tpu.memory_space<hbm>>
        tpu.enqueue_indirect_dma source(%dma_start3A_396 : memref<10000x128xf32, #tpu.memory_space<hbm>>) target(%arg19 : memref<64x128xf32, #tpu.memory_space<vmem>>) offsets(%dma_start3A_393 : memref<64xi32, #tpu.memory_space<vmem>>) semaphore(%arg25 : memref<!tpu.dma_semaphore, #tpu.memory_space<semaphore_mem>>)
        %add3A_397 = arith.constant 3 : i32
        %add3A_398 = arith.addi %mul3A_209, %add3A_397 : i32
        %add3A_399 = arith.constant 4 : i32
        %add3A_400 = arith.addi %add3A_398, %add3A_399 : i32
        %dma_start3A_401 = arith.constant 0 : i32
        %dma_start3A_402 = arith.constant 0 : i32
        %dma_start3A_403 = tpu.memref_slice %arg4[%add3A, %add3A_400, %dma_start3A_401, %dma_start3A_402] : memref<32x156x1x64xi32, #tpu.memory_space<hbm>> -> memref<1x1x1x64xi32, #tpu.memory_space<hbm>>
        %dma_start3A_404 = tpu.memref_squeeze %dma_start3A_403 : memref<1x1x1x64xi32, #tpu.memory_space<hbm>> -> memref<1x64xi32, #tpu.memory_space<hbm>>
        %dma_start3A_405 = arith.constant 0 : i32
        %dma_start3A_406 = arith.constant 0 : i32
        %dma_start3A_407 = tpu.memref_slice %arg4[%add3A, %add3A_400, %dma_start3A_405, %dma_start3A_406] : memref<32x156x1x64xi32, #tpu.memory_space<hbm>> -> memref<1x1x1x64xi32, #tpu.memory_space<hbm>>
        %dma_start3A_408 = tpu.memref_squeeze %dma_start3A_407 : memref<1x1x1x64xi32, #tpu.memory_space<hbm>> -> memref<1x64xi32, #tpu.memory_space<hbm>>
        tpu.enqueue_dma source(%dma_start3A_408 : memref<1x64xi32, #tpu.memory_space<hbm>>) target(%arg15 : memref<1x64xi32, #tpu.memory_space<vmem>>) target_semaphore(%arg37 : memref<!tpu.dma_semaphore, #tpu.memory_space<semaphore_mem>>)
      } else {
      }
    }
    %scan3A_162 = arith.constant 39 : i32
    %dma_wait3A_163 = arith.constant 0 : i32
    %dma_wait3A_164 = arith.constant 0 : i32
    %dma_wait3A_165 = tpu.memref_slice %arg12[%dma_wait3A_163, %dma_wait3A_164] : memref<1x64xi32, #tpu.memory_space<vmem>> -> memref<1x64xi32, #tpu.memory_space<vmem>>
    %dma_wait3A_166 = tpu.memref_squeeze %dma_wait3A_165 : memref<1x64xi32, #tpu.memory_space<vmem>> -> memref<64xi32, #tpu.memory_space<vmem>>
    %dma_wait3A_167 = arith.constant 0 : i32
    %dma_wait3A_168 = arith.constant 0 : i32
    %dma_wait3A_169 = tpu.memref_slice %arg21[%dma_wait3A_167, %dma_wait3A_168] : memref<10000x128xf32, #tpu.memory_space<vmem_shared>> -> memref<10000x128xf32, #tpu.memory_space<vmem_shared>>
    tpu.wait_indirect_dma semaphore(%arg26 : memref<!tpu.dma_semaphore, #tpu.memory_space<semaphore_mem>>) src(%arg16 : memref<64x128xf32, #tpu.memory_space<vmem>>) dst(%dma_wait3A_169 : memref<10000x128xf32, #tpu.memory_space<vmem_shared>>)
    %dma_wait3A_170 = arith.constant 0 : i32
    %dma_wait3A_171 = arith.constant 0 : i32
    %dma_wait3A_172 = tpu.memref_slice %arg13[%dma_wait3A_170, %dma_wait3A_171] : memref<1x64xi32, #tpu.memory_space<vmem>> -> memref<1x64xi32, #tpu.memory_space<vmem>>
    %dma_wait3A_173 = tpu.memref_squeeze %dma_wait3A_172 : memref<1x64xi32, #tpu.memory_space<vmem>> -> memref<64xi32, #tpu.memory_space<vmem>>
    %dma_wait3A_174 = arith.constant 0 : i32
    %dma_wait3A_175 = arith.constant 0 : i32
    %dma_wait3A_176 = tpu.memref_slice %arg21[%dma_wait3A_174, %dma_wait3A_175] : memref<10000x128xf32, #tpu.memory_space<vmem_shared>> -> memref<10000x128xf32, #tpu.memory_space<vmem_shared>>
    tpu.wait_indirect_dma semaphore(%arg27 : memref<!tpu.dma_semaphore, #tpu.memory_space<semaphore_mem>>) src(%arg17 : memref<64x128xf32, #tpu.memory_space<vmem>>) dst(%dma_wait3A_176 : memref<10000x128xf32, #tpu.memory_space<vmem_shared>>)
    %dma_wait3A_177 = arith.constant 0 : i32
    %dma_wait3A_178 = arith.constant 0 : i32
    %dma_wait3A_179 = tpu.memref_slice %arg14[%dma_wait3A_177, %dma_wait3A_178] : memref<1x64xi32, #tpu.memory_space<vmem>> -> memref<1x64xi32, #tpu.memory_space<vmem>>
    %dma_wait3A_180 = tpu.memref_squeeze %dma_wait3A_179 : memref<1x64xi32, #tpu.memory_space<vmem>> -> memref<64xi32, #tpu.memory_space<vmem>>
    %dma_wait3A_181 = arith.constant 0 : i32
    %dma_wait3A_182 = arith.constant 0 : i32
    %dma_wait3A_183 = tpu.memref_slice %arg21[%dma_wait3A_181, %dma_wait3A_182] : memref<10000x128xf32, #tpu.memory_space<vmem_shared>> -> memref<10000x128xf32, #tpu.memory_space<vmem_shared>>
    tpu.wait_indirect_dma semaphore(%arg28 : memref<!tpu.dma_semaphore, #tpu.memory_space<semaphore_mem>>) src(%arg18 : memref<64x128xf32, #tpu.memory_space<vmem>>) dst(%dma_wait3A_183 : memref<10000x128xf32, #tpu.memory_space<vmem_shared>>)
    %dma_wait3A_184 = arith.constant 0 : i32
    %dma_wait3A_185 = arith.constant 0 : i32
    %dma_wait3A_186 = tpu.memref_slice %arg15[%dma_wait3A_184, %dma_wait3A_185] : memref<1x64xi32, #tpu.memory_space<vmem>> -> memref<1x64xi32, #tpu.memory_space<vmem>>
    %dma_wait3A_187 = tpu.memref_squeeze %dma_wait3A_186 : memref<1x64xi32, #tpu.memory_space<vmem>> -> memref<64xi32, #tpu.memory_space<vmem>>
    %dma_wait3A_188 = arith.constant 0 : i32
    %dma_wait3A_189 = arith.constant 0 : i32
    %dma_wait3A_190 = tpu.memref_slice %arg21[%dma_wait3A_188, %dma_wait3A_189] : memref<10000x128xf32, #tpu.memory_space<vmem_shared>> -> memref<10000x128xf32, #tpu.memory_space<vmem_shared>>
    tpu.wait_indirect_dma semaphore(%arg29 : memref<!tpu.dma_semaphore, #tpu.memory_space<semaphore_mem>>) src(%arg19 : memref<64x128xf32, #tpu.memory_space<vmem>>) dst(%dma_wait3A_190 : memref<10000x128xf32, #tpu.memory_space<vmem_shared>>)
    %lt3A = arith.constant 8 : i32
    %lt3A_191 = arith.cmpi slt, %add3A, %lt3A : i32
    %convert_element_type3A_192 = arith.extui %lt3A_191 : i1 to i32
    %cond3A_193 = arith.constant 0 : i32
    %cond3A_194 = arith.cmpi ne, %convert_element_type3A_192, %cond3A_193 : i32
    scf.if %cond3A_194 {
      "tpu.region"() ({
        %run_scoped3A_221 = tpu.sem_alloc : memref<!tpu.dma_semaphore, #tpu.memory_space<semaphore_mem>>
        %dma_start3A_222 = arith.constant 0 : i32
        %dma_start3A_223 = arith.constant 0 : i32
        %dma_start3A_224 = tpu.memref_slice %arg5[%add3A, %dma_start3A_222, %dma_start3A_223] : memref<8x1x64xi32, #tpu.memory_space<hbm>> -> memref<1x1x64xi32, #tpu.memory_space<hbm>>
        %dma_start3A_225 = tpu.memref_squeeze %dma_start3A_224 : memref<1x1x64xi32, #tpu.memory_space<hbm>> -> memref<1x64xi32, #tpu.memory_space<hbm>>
        %dma_start3A_226 = arith.constant 0 : i32
        %dma_start3A_227 = arith.constant 0 : i32
        %dma_start3A_228 = tpu.memref_slice %arg5[%add3A, %dma_start3A_226, %dma_start3A_227] : memref<8x1x64xi32, #tpu.memory_space<hbm>> -> memref<1x1x64xi32, #tpu.memory_space<hbm>>
        %dma_start3A_229 = tpu.memref_squeeze %dma_start3A_228 : memref<1x1x64xi32, #tpu.memory_space<hbm>> -> memref<1x64xi32, #tpu.memory_space<hbm>>
        tpu.enqueue_dma source(%dma_start3A_229 : memref<1x64xi32, #tpu.memory_space<hbm>>) target(%arg8 : memref<1x64xi32, #tpu.memory_space<vmem>>) target_semaphore(%run_scoped3A_221 : memref<!tpu.dma_semaphore, #tpu.memory_space<semaphore_mem>>)
        %dma_wait3A_230 = arith.constant 0 : i32
        %dma_wait3A_231 = arith.constant 0 : i32
        %dma_wait3A_232 = tpu.memref_slice %arg5[%add3A, %dma_wait3A_230, %dma_wait3A_231] : memref<8x1x64xi32, #tpu.memory_space<hbm>> -> memref<1x1x64xi32, #tpu.memory_space<hbm>>
        %dma_wait3A_233 = tpu.memref_squeeze %dma_wait3A_232 : memref<1x1x64xi32, #tpu.memory_space<hbm>> -> memref<1x64xi32, #tpu.memory_space<hbm>>
        %dma_wait3A_234 = arith.constant 0 : i32
        %dma_wait3A_235 = arith.constant 0 : i32
        %dma_wait3A_236 = tpu.memref_slice %arg5[%add3A, %dma_wait3A_234, %dma_wait3A_235] : memref<8x1x64xi32, #tpu.memory_space<hbm>> -> memref<1x1x64xi32, #tpu.memory_space<hbm>>
        %dma_wait3A_237 = tpu.memref_squeeze %dma_wait3A_236 : memref<1x1x64xi32, #tpu.memory_space<hbm>> -> memref<1x64xi32, #tpu.memory_space<hbm>>
        tpu.wait_dma2 semaphore(%run_scoped3A_221 : memref<!tpu.dma_semaphore, #tpu.memory_space<semaphore_mem>>) src(%dma_wait3A_237 : memref<1x64xi32, #tpu.memory_space<hbm>>) dst(%arg8 : memref<1x64xi32, #tpu.memory_space<vmem>>)
        tpu.yield
      }) : () -> ()
      "tpu.region"() ({
        %run_scoped3A_221 = tpu.sem_alloc : memref<!tpu.dma_semaphore, #tpu.memory_space<semaphore_mem>>
        %dma_start3A_222 = arith.constant 0 : i32
        %dma_start3A_223 = arith.constant 0 : i32
        %dma_start3A_224 = tpu.memref_slice %arg6[%add3A, %dma_start3A_222, %dma_start3A_223] : memref<8x1x64xi32, #tpu.memory_space<hbm>> -> memref<1x1x64xi32, #tpu.memory_space<hbm>>
        %dma_start3A_225 = tpu.memref_squeeze %dma_start3A_224 : memref<1x1x64xi32, #tpu.memory_space<hbm>> -> memref<1x64xi32, #tpu.memory_space<hbm>>
        %dma_start3A_226 = arith.constant 0 : i32
        %dma_start3A_227 = arith.constant 0 : i32
        %dma_start3A_228 = tpu.memref_slice %arg6[%add3A, %dma_start3A_226, %dma_start3A_227] : memref<8x1x64xi32, #tpu.memory_space<hbm>> -> memref<1x1x64xi32, #tpu.memory_space<hbm>>
        %dma_start3A_229 = tpu.memref_squeeze %dma_start3A_228 : memref<1x1x64xi32, #tpu.memory_space<hbm>> -> memref<1x64xi32, #tpu.memory_space<hbm>>
        tpu.enqueue_dma source(%dma_start3A_229 : memref<1x64xi32, #tpu.memory_space<hbm>>) target(%arg12 : memref<1x64xi32, #tpu.memory_space<vmem>>) target_semaphore(%run_scoped3A_221 : memref<!tpu.dma_semaphore, #tpu.memory_space<semaphore_mem>>)
        %dma_wait3A_230 = arith.constant 0 : i32
        %dma_wait3A_231 = arith.constant 0 : i32
        %dma_wait3A_232 = tpu.memref_slice %arg6[%add3A, %dma_wait3A_230, %dma_wait3A_231] : memref<8x1x64xi32, #tpu.memory_space<hbm>> -> memref<1x1x64xi32, #tpu.memory_space<hbm>>
        %dma_wait3A_233 = tpu.memref_squeeze %dma_wait3A_232 : memref<1x1x64xi32, #tpu.memory_space<hbm>> -> memref<1x64xi32, #tpu.memory_space<hbm>>
        %dma_wait3A_234 = arith.constant 0 : i32
        %dma_wait3A_235 = arith.constant 0 : i32
        %dma_wait3A_236 = tpu.memref_slice %arg6[%add3A, %dma_wait3A_234, %dma_wait3A_235] : memref<8x1x64xi32, #tpu.memory_space<hbm>> -> memref<1x1x64xi32, #tpu.memory_space<hbm>>
        %dma_wait3A_237 = tpu.memref_squeeze %dma_wait3A_236 : memref<1x1x64xi32, #tpu.memory_space<hbm>> -> memref<1x64xi32, #tpu.memory_space<hbm>>
        tpu.wait_dma2 semaphore(%run_scoped3A_221 : memref<!tpu.dma_semaphore, #tpu.memory_space<semaphore_mem>>) src(%dma_wait3A_237 : memref<1x64xi32, #tpu.memory_space<hbm>>) dst(%arg12 : memref<1x64xi32, #tpu.memory_space<vmem>>)
        tpu.yield
      }) : () -> ()
      %dma_start3A_207 = arith.constant 0 : i32
      %dma_start3A_208 = arith.constant 0 : i32
      %dma_start3A_209 = tpu.memref_slice %arg8[%dma_start3A_207, %dma_start3A_208] : memref<1x64xi32, #tpu.memory_space<vmem>> -> memref<1x64xi32, #tpu.memory_space<vmem>>
      %dma_start3A_210 = tpu.memref_squeeze %dma_start3A_209 : memref<1x64xi32, #tpu.memory_space<vmem>> -> memref<64xi32, #tpu.memory_space<vmem>>
      %dma_start3A_211 = arith.constant 0 : i32
      %dma_start3A_212 = arith.constant 0 : i32
      %dma_start3A_213 = tpu.memref_slice %arg2[%dma_start3A_211, %dma_start3A_212] : memref<10000x128xf32, #tpu.memory_space<hbm>> -> memref<10000x128xf32, #tpu.memory_space<hbm>>
      tpu.enqueue_indirect_dma source(%dma_start3A_213 : memref<10000x128xf32, #tpu.memory_space<hbm>>) target(%arg16 : memref<64x128xf32, #tpu.memory_space<vmem>>) offsets(%dma_start3A_210 : memref<64xi32, #tpu.memory_space<vmem>>) semaphore(%arg22 : memref<!tpu.dma_semaphore, #tpu.memory_space<semaphore_mem>>)
      %dma_wait3A_214 = arith.constant 0 : i32
      %dma_wait3A_215 = arith.constant 0 : i32
      %dma_wait3A_216 = tpu.memref_slice %arg8[%dma_wait3A_214, %dma_wait3A_215] : memref<1x64xi32, #tpu.memory_space<vmem>> -> memref<1x64xi32, #tpu.memory_space<vmem>>
      %dma_wait3A_217 = tpu.memref_squeeze %dma_wait3A_216 : memref<1x64xi32, #tpu.memory_space<vmem>> -> memref<64xi32, #tpu.memory_space<vmem>>
      %dma_wait3A_218 = arith.constant 0 : i32
      %dma_wait3A_219 = arith.constant 0 : i32
      %dma_wait3A_220 = tpu.memref_slice %arg2[%dma_wait3A_218, %dma_wait3A_219] : memref<10000x128xf32, #tpu.memory_space<hbm>> -> memref<10000x128xf32, #tpu.memory_space<hbm>>
      tpu.wait_indirect_dma semaphore(%arg22 : memref<!tpu.dma_semaphore, #tpu.memory_space<semaphore_mem>>) src(%dma_wait3A_220 : memref<10000x128xf32, #tpu.memory_space<hbm>>) dst(%arg16 : memref<64x128xf32, #tpu.memory_space<vmem>>)
      %run_scoped3A = arith.constant 0 : i32
      "tpu.region"() ({
        %run_scoped3A_221 = tpu.sem_alloc : memref<!tpu.dma_semaphore, #tpu.memory_space<semaphore_mem>>
        %dma_start3A_222 = arith.constant 0 : i32
        %dma_start3A_223 = tpu.memref_slice %arg12[%run_scoped3A, %dma_start3A_222] : memref<1x64xi32, #tpu.memory_space<vmem>> -> memref<1x64xi32, #tpu.memory_space<vmem>>
        %dma_start3A_224 = tpu.memref_squeeze %dma_start3A_223 : memref<1x64xi32, #tpu.memory_space<vmem>> -> memref<64xi32, #tpu.memory_space<vmem>>
        %dma_start3A_225 = arith.constant 0 : i32
        %dma_start3A_226 = arith.constant 0 : i32
        %dma_start3A_227 = tpu.memref_slice %arg21[%dma_start3A_225, %dma_start3A_226] : memref<10000x128xf32, #tpu.memory_space<vmem_shared>> -> memref<10000x128xf32, #tpu.memory_space<vmem_shared>>
        tpu.enqueue_indirect_dma source(%arg16 : memref<64x128xf32, #tpu.memory_space<vmem>>) target(%dma_start3A_227 : memref<10000x128xf32, #tpu.memory_space<vmem_shared>>) offsets(%dma_start3A_224 : memref<64xi32, #tpu.memory_space<vmem>>) semaphore(%run_scoped3A_221 : memref<!tpu.dma_semaphore, #tpu.memory_space<semaphore_mem>>) {add = true}
        %dma_wait3A_228 = arith.constant 0 : i32
        %dma_wait3A_229 = tpu.memref_slice %arg12[%run_scoped3A, %dma_wait3A_228] : memref<1x64xi32, #tpu.memory_space<vmem>> -> memref<1x64xi32, #tpu.memory_space<vmem>>
        %dma_wait3A_230 = tpu.memref_squeeze %dma_wait3A_229 : memref<1x64xi32, #tpu.memory_space<vmem>> -> memref<64xi32, #tpu.memory_space<vmem>>
        %dma_wait3A_231 = arith.constant 0 : i32
        %dma_wait3A_232 = arith.constant 0 : i32
        %dma_wait3A_233 = tpu.memref_slice %arg21[%dma_wait3A_231, %dma_wait3A_232] : memref<10000x128xf32, #tpu.memory_space<vmem_shared>> -> memref<10000x128xf32, #tpu.memory_space<vmem_shared>>
        tpu.wait_indirect_dma semaphore(%run_scoped3A_221 : memref<!tpu.dma_semaphore, #tpu.memory_space<semaphore_mem>>) src(%arg16 : memref<64x128xf32, #tpu.memory_space<vmem>>) dst(%dma_wait3A_233 : memref<10000x128xf32, #tpu.memory_space<vmem_shared>>)
        tpu.yield
      }) : () -> ()
    } else {
    }
    %barrier3A_195 = arith.constant 0 : index
    tpu.barrier barrier_id(%barrier3A_195)
    %mul3A_196 = arith.constant 10000 : i32
    %mul3A_197 = arith.muli %arg0, %mul3A_196 : i32
    %mul3A_198 = arith.constant 624 : i32
    %mul3A_199 = arith.muli %arg1, %mul3A_198 : i32
    %add3A_200 = arith.addi %mul3A_197, %mul3A_199 : i32
    %multiple_of3A_201 = tpu.assume_multiple %add3A_200, 8 : i32
    "tpu.region"() ({
      %run_scoped3A = tpu.sem_alloc : memref<!tpu.dma_semaphore, #tpu.memory_space<semaphore_mem>>
      %dma_start3A_207 = arith.constant 0 : i32
      %dma_start3A_208 = tpu.memref_slice %arg7[%multiple_of3A_201, %dma_start3A_207] : memref<20000x128xf32, #tpu.memory_space<hbm>> -> memref<624x128xf32, #tpu.memory_space<hbm>>
      %dma_start3A_209 = arith.constant 0 : i32
      %dma_start3A_210 = tpu.memref_slice %arg21[%multiple_of3A, %dma_start3A_209] : memref<10000x128xf32, #tpu.memory_space<vmem_shared>> -> memref<624x128xf32, #tpu.memory_space<vmem_shared>>
      tpu.enqueue_dma source(%dma_start3A_210 : memref<624x128xf32, #tpu.memory_space<vmem_shared>>) target(%dma_start3A_208 : memref<624x128xf32, #tpu.memory_space<hbm>>) target_semaphore(%run_scoped3A : memref<!tpu.dma_semaphore, #tpu.memory_space<semaphore_mem>>)
      %dma_wait3A_211 = arith.constant 0 : i32
      %dma_wait3A_212 = tpu.memref_slice %arg7[%multiple_of3A_201, %dma_wait3A_211] : memref<20000x128xf32, #tpu.memory_space<hbm>> -> memref<624x128xf32, #tpu.memory_space<hbm>>
      %dma_wait3A_213 = arith.constant 0 : i32
      %dma_wait3A_214 = tpu.memref_slice %arg21[%multiple_of3A, %dma_wait3A_213] : memref<10000x128xf32, #tpu.memory_space<vmem_shared>> -> memref<624x128xf32, #tpu.memory_space<vmem_shared>>
      tpu.wait_dma2 semaphore(%run_scoped3A : memref<!tpu.dma_semaphore, #tpu.memory_space<semaphore_mem>>) src(%dma_wait3A_214 : memref<624x128xf32, #tpu.memory_space<vmem_shared>>) dst(%dma_wait3A_212 : memref<624x128xf32, #tpu.memory_space<hbm>>)
      tpu.yield
    }) : () -> ()
    %eq3A_202 = arith.constant 0 : i32
    %eq3A_203 = arith.cmpi eq, %arg1, %eq3A_202 : i32
    %convert_element_type3A_204 = arith.extui %eq3A_203 : i1 to i32
    %cond3A_205 = arith.constant 0 : i32
    %cond3A_206 = arith.cmpi ne, %convert_element_type3A_204, %cond3A_205 : i32
    scf.if %cond3A_206 {
      %mul3A_207 = arith.constant 10000 : i32
      %mul3A_208 = arith.muli %arg0, %mul3A_207 : i32
      %add3A_209 = arith.constant 9984 : i32
      %add3A_210 = arith.addi %mul3A_208, %add3A_209 : i32
      %multiple_of3A_211 = tpu.assume_multiple %add3A_210, 8 : i32
      "tpu.region"() ({
        %run_scoped3A = tpu.sem_alloc : memref<!tpu.dma_semaphore, #tpu.memory_space<semaphore_mem>>
        %dma_start3A_212 = arith.constant 0 : i32
        %dma_start3A_213 = tpu.memref_slice %arg7[%multiple_of3A_211, %dma_start3A_212] : memref<20000x128xf32, #tpu.memory_space<hbm>> -> memref<16x128xf32, #tpu.memory_space<hbm>>
        %dma_start3A_214 = arith.constant 9984 : i32
        %dma_start3A_215 = arith.constant 0 : i32
        %dma_start3A_216 = tpu.memref_slice %arg21[%dma_start3A_214, %dma_start3A_215] : memref<10000x128xf32, #tpu.memory_space<vmem_shared>> -> memref<16x128xf32, #tpu.memory_space<vmem_shared>>
        tpu.enqueue_dma source(%dma_start3A_216 : memref<16x128xf32, #tpu.memory_space<vmem_shared>>) target(%dma_start3A_213 : memref<16x128xf32, #tpu.memory_space<hbm>>) target_semaphore(%run_scoped3A : memref<!tpu.dma_semaphore, #tpu.memory_space<semaphore_mem>>)
        %dma_wait3A_217 = arith.constant 0 : i32
        %dma_wait3A_218 = tpu.memref_slice %arg7[%multiple_of3A_211, %dma_wait3A_217] : memref<20000x128xf32, #tpu.memory_space<hbm>> -> memref<16x128xf32, #tpu.memory_space<hbm>>
        %dma_wait3A_219 = arith.constant 9984 : i32
        %dma_wait3A_220 = arith.constant 0 : i32
        %dma_wait3A_221 = tpu.memref_slice %arg21[%dma_wait3A_219, %dma_wait3A_220] : memref<10000x128xf32, #tpu.memory_space<vmem_shared>> -> memref<16x128xf32, #tpu.memory_space<vmem_shared>>
        tpu.wait_dma2 semaphore(%run_scoped3A : memref<!tpu.dma_semaphore, #tpu.memory_space<semaphore_mem>>) src(%dma_wait3A_221 : memref<16x128xf32, #tpu.memory_space<vmem_shared>>) dst(%dma_wait3A_218 : memref<16x128xf32, #tpu.memory_space<hbm>>)
        tpu.yield
      }) : () -> ()
    } else {
    }
    return
  }
}

module attributes {stable_mosaic.version = 14 : i64} {
  func.func @_mm_plain_body(%arg0: i32, %arg1: memref<2000x128xf32, #tpu.memory_space<vmem>>, %arg2: memref<128x128xf32, #tpu.memory_space<vmem>>, %arg3: memref<1x128xf32, #tpu.memory_space<vmem>>, %arg4: memref<2000x128xf32, #tpu.memory_space<vmem>>) attributes {dimension_semantics = [#tpu.dimension_semantics<arbitrary>], iteration_bounds = array<i64: 5>, scalar_prefetch = 0 : i64, scratch_operands = 0 : i64, tpu.core_type = #tpu.core_type<tc>, window_params = [{transform_indices = @transform_0, window_bounds = array<i64: 2000, 128>}, {pipeline_mode = #tpu.pipeline_mode<synchronous>, transform_indices = @transform_1, window_bounds = array<i64: 128, 128>}, {pipeline_mode = #tpu.pipeline_mode<synchronous>, transform_indices = @transform_2, window_bounds = array<i64: 1, 128>}, {transform_indices = @transform_3, window_bounds = array<i64: 2000, 128>}]} {
    %get3A = arith.constant 0 : index
    %get3A_0 = arith.constant 0 : index
    %get3A_1 = vector.load %arg1[%get3A, %get3A_0] : memref<2000x128xf32, #tpu.memory_space<vmem>>, vector<2000x128xf32>
    %get3A_2 = arith.constant 0 : index
    %get3A_3 = arith.constant 0 : index
    %get3A_4 = vector.load %arg2[%get3A_2, %get3A_3] : memref<128x128xf32, #tpu.memory_space<vmem>>, vector<128x128xf32>
    %dot_general3A = arith.constant dense<0.000000e+00> : vector<2000x128xf32>
    %dot_general3A_5 = tpu.matmul %get3A_1, %get3A_4, %dot_general3A {dimension_numbers = #tpu.dot_dimension_numbers<[1], [0], [0], [1], [0, 0, 1, 1], [], []>, transpose_lhs_hint = false} : vector<2000x128xf32>, vector<128x128xf32>, vector<2000x128xf32> -> vector<2000x128xf32>
    %get3A_6 = arith.constant 0 : index
    %get3A_7 = arith.constant 0 : index
    %get3A_8 = vector.load %arg3[%get3A_6, %get3A_7] : memref<1x128xf32, #tpu.memory_space<vmem>>, vector<1x128xf32>
    %add3A = vector.broadcast %get3A_8 : vector<1x128xf32> to vector<2000x128xf32>
    %add3A_9 = arith.addf %dot_general3A_5, %add3A : vector<2000x128xf32>
    %swap3A = arith.constant 0 : index
    %swap3A_10 = arith.constant 0 : index
    %swap3A_11 = vector.load %arg4[%swap3A, %swap3A_10] : memref<2000x128xf32, #tpu.memory_space<vmem>>, vector<2000x128xf32>
    tpu.vector_store %arg4[%swap3A, %swap3A_10], %add3A_9 {strides = array<i32>} : memref<2000x128xf32, #tpu.memory_space<vmem>>, vector<2000x128xf32>,
    return
  }
  func.func @transform_0(%arg0: i32) -> (i32, i32) {
    %c0_i32 = arith.constant 0 : i32
    %c0_i32_0 = arith.constant 0 : i32
    return %arg0, %c0_i32 : i32, i32
  }
  func.func @transform_1(%arg0: i32) -> (i32, i32) {
    %c0_i32 = arith.constant 0 : i32
    %c0_i32_0 = arith.constant 0 : i32
    %c0_i32_1 = arith.constant 0 : i32
    return %c0_i32, %c0_i32_0 : i32, i32
  }
  func.func @transform_2(%arg0: i32) -> (i32, i32) {
    %c0_i32 = arith.constant 0 : i32
    %c0_i32_0 = arith.constant 0 : i32
    %c0_i32_1 = arith.constant 0 : i32
    return %c0_i32, %c0_i32_0 : i32, i32
  }
  func.func @transform_3(%arg0: i32) -> (i32, i32) {
    %c0_i32 = arith.constant 0 : i32
    %c0_i32_0 = arith.constant 0 : i32
    return %arg0, %c0_i32 : i32, i32
  }
}

module attributes {stable_mosaic.version = 14 : i64} {
  func.func @_mm_scale_body(%arg0: i32, %arg1: memref<2x2000x1xf32, #tpu.memory_space<vmem>>, %arg2: memref<2000x128xf32, #tpu.memory_space<vmem>>, %arg3: memref<2000x16xf32, #tpu.memory_space<vmem>>, %arg4: memref<2000x128xf32, #tpu.memory_space<vmem>>) attributes {dimension_semantics = [#tpu.dimension_semantics<arbitrary>], iteration_bounds = array<i64: 5>, scalar_prefetch = 0 : i64, scratch_operands = 0 : i64, tpu.core_type = #tpu.core_type<tc>, window_params = [{transform_indices = @transform_0, window_bounds = array<i64: 2, 2000, 1>}, {transform_indices = @transform_1, window_bounds = array<i64: 2000, 128>}, {transform_indices = @transform_2, window_bounds = array<i64: 2000, 16>}, {transform_indices = @transform_3, window_bounds = array<i64: 2000, 128>}]} {
    %get3A = arith.constant 0 : index
    %get3A_0 = arith.constant 0 : index
    %get3A_1 = arith.constant 0 : index
    %get3A_2 = vector.load %arg1[%get3A, %get3A_0, %get3A_1] : memref<2x2000x1xf32, #tpu.memory_space<vmem>>, vector<1x2000x1xf32>
    %get3A_3 = vector.shape_cast %get3A_2 : vector<1x2000x1xf32> to vector<2000x1xf32>
    %get3A_4 = arith.constant 1 : index
    %get3A_5 = arith.constant 0 : index
    %get3A_6 = arith.constant 0 : index
    %get3A_7 = vector.load %arg1[%get3A_4, %get3A_5, %get3A_6] : memref<2x2000x1xf32, #tpu.memory_space<vmem>>, vector<1x2000x1xf32>
    %get3A_8 = vector.shape_cast %get3A_7 : vector<1x2000x1xf32> to vector<2000x1xf32>
    %add3A = arith.addf %get3A_3, %get3A_8 : vector<2000x1xf32>
    %gt3A = arith.constant 0.000000e+00 : f32
    %gt3A_9 = vector.broadcast %gt3A : f32 to vector<2000x1xf32>
    %gt3A_10 = arith.cmpf ogt, %add3A, %gt3A_9 : vector<2000x1xf32>
    %rsqrt3A = math.rsqrt %add3A : vector<2000x1xf32>
    %jit3A = arith.constant 0.000000e+00 : f32
    %broadcast_in_dim3A = vector.broadcast %jit3A : f32 to vector<2000x1xf32>
    %select_n3A = arith.select %gt3A_10, %rsqrt3A, %broadcast_in_dim3A : vector<2000x1xi1>, vector<2000x1xf32>
    %broadcast_in_dim3A_11 = vector.shape_cast %select_n3A : vector<2000x1xf32> to vector<2000x1xf32>
    %broadcast_in_dim3A_12 = vector.broadcast %broadcast_in_dim3A_11 : vector<2000x1xf32> to vector<2000x16xf32>
    %swap3A = arith.constant 0 : index
    %swap3A_13 = arith.constant 0 : index
    %swap3A_14 = vector.load %arg3[%swap3A, %swap3A_13] : memref<2000x16xf32, #tpu.memory_space<vmem>>, vector<2000x16xf32>
    tpu.vector_store %arg3[%swap3A, %swap3A_13], %broadcast_in_dim3A_12 {strides = array<i32>} : memref<2000x16xf32, #tpu.memory_space<vmem>>, vector<2000x16xf32>,
    %get3A_15 = arith.constant 0 : index
    %get3A_16 = arith.constant 0 : index
    %get3A_17 = vector.load %arg2[%get3A_15, %get3A_16] : memref<2000x128xf32, #tpu.memory_space<vmem>>, vector<2000x128xf32>
    %mul3A = vector.broadcast %select_n3A : vector<2000x1xf32> to vector<2000x128xf32>
    %mul3A_18 = arith.mulf %mul3A, %get3A_17 : vector<2000x128xf32>
    %swap3A_19 = arith.constant 0 : index
    %swap3A_20 = arith.constant 0 : index
    %swap3A_21 = vector.load %arg4[%swap3A_19, %swap3A_20] : memref<2000x128xf32, #tpu.memory_space<vmem>>, vector<2000x128xf32>
    tpu.vector_store %arg4[%swap3A_19, %swap3A_20], %mul3A_18 {strides = array<i32>} : memref<2000x128xf32, #tpu.memory_space<vmem>>, vector<2000x128xf32>,
    return
  }
  func.func @transform_0(%arg0: i32) -> (i32, i32, i32) {
    %c0_i32 = arith.constant 0 : i32
    %c0_i32_0 = arith.constant 0 : i32
    %c0_i32_1 = arith.constant 0 : i32
    return %c0_i32, %arg0, %c0_i32_0 : i32, i32, i32
  }
  func.func @transform_1(%arg0: i32) -> (i32, i32) {
    %c0_i32 = arith.constant 0 : i32
    %c0_i32_0 = arith.constant 0 : i32
    return %arg0, %c0_i32 : i32, i32
  }
  func.func @transform_2(%arg0: i32) -> (i32, i32) {
    %c0_i32 = arith.constant 0 : i32
    %c0_i32_0 = arith.constant 0 : i32
    return %arg0, %c0_i32 : i32, i32
  }
  func.func @transform_3(%arg0: i32) -> (i32, i32) {
    %c0_i32 = arith.constant 0 : i32
    %c0_i32_0 = arith.constant 0 : i32
    return %arg0, %c0_i32 : i32, i32
  }
}

module attributes {stable_mosaic.version = 14 : i64} {
  func.func @_mm_mid_body(%arg0: i32, %arg1: memref<2000x16xf32, #tpu.memory_space<vmem>>, %arg2: memref<2000x128xf32, #tpu.memory_space<vmem>>, %arg3: memref<2x2000x128xf32, #tpu.memory_space<vmem>>, %arg4: memref<128x128xf32, #tpu.memory_space<vmem>>, %arg5: memref<1x128xf32, #tpu.memory_space<vmem>>, %arg6: memref<2000x128xf32, #tpu.memory_space<vmem>>, %arg7: memref<2000x128xf32, #tpu.memory_space<vmem>>) attributes {dimension_semantics = [#tpu.dimension_semantics<arbitrary>], iteration_bounds = array<i64: 5>, scalar_prefetch = 0 : i64, scratch_operands = 0 : i64, tpu.core_type = #tpu.core_type<tc>, window_params = [{transform_indices = @transform_0, window_bounds = array<i64: 2000, 16>}, {transform_indices = @transform_1, window_bounds = array<i64: 2000, 128>}, {transform_indices = @transform_2, window_bounds = array<i64: 2, 2000, 128>}, {pipeline_mode = #tpu.pipeline_mode<synchronous>, transform_indices = @transform_3, window_bounds = array<i64: 128, 128>}, {pipeline_mode = #tpu.pipeline_mode<synchronous>, transform_indices = @transform_4, window_bounds = array<i64: 1, 128>}, {transform_indices = @transform_5, window_bounds = array<i64: 2000, 128>}, {transform_indices = @transform_6, window_bounds = array<i64: 2000, 128>}]} {
    %get3A = arith.constant 0 : index
    %get3A_0 = arith.constant 0 : index
    %get3A_1 = vector.load %arg1[%get3A, %get3A_0] : memref<2000x16xf32, #tpu.memory_space<vmem>>, vector<2000x1xf32>
    %get3A_2 = arith.constant 0 : index
    %get3A_3 = arith.constant 0 : index
    %get3A_4 = arith.constant 0 : index
    %get3A_5 = vector.load %arg3[%get3A_2, %get3A_3, %get3A_4] : memref<2x2000x128xf32, #tpu.memory_space<vmem>>, vector<1x2000x128xf32>
    %get3A_6 = vector.shape_cast %get3A_5 : vector<1x2000x128xf32> to vector<2000x128xf32>
    %get3A_7 = arith.constant 1 : index
    %get3A_8 = arith.constant 0 : index
    %get3A_9 = arith.constant 0 : index
    %get3A_10 = vector.load %arg3[%get3A_7, %get3A_8, %get3A_9] : memref<2x2000x128xf32, #tpu.memory_space<vmem>>, vector<1x2000x128xf32>
    %get3A_11 = vector.shape_cast %get3A_10 : vector<1x2000x128xf32> to vector<2000x128xf32>
    %add3A = arith.addf %get3A_6, %get3A_11 : vector<2000x128xf32>
    %mul3A = vector.broadcast %get3A_1 : vector<2000x1xf32> to vector<2000x128xf32>
    %mul3A_12 = arith.mulf %mul3A, %add3A : vector<2000x128xf32>
    %get3A_13 = arith.constant 0 : index
    %get3A_14 = arith.constant 0 : index
    %get3A_15 = vector.load %arg2[%get3A_13, %get3A_14] : memref<2000x128xf32, #tpu.memory_space<vmem>>, vector<2000x128xf32>
    %add3A_16 = arith.addf %mul3A_12, %get3A_15 : vector<2000x128xf32>
    %max3A = arith.constant 0.000000e+00 : f32
    %max3A_17 = vector.broadcast %max3A : f32 to vector<2000x128xf32>
    %max3A_18 = arith.maximumf %add3A_16, %max3A_17 : vector<2000x128xf32>
    %swap3A = arith.constant 0 : index
    %swap3A_19 = arith.constant 0 : index
    %swap3A_20 = vector.load %arg6[%swap3A, %swap3A_19] : memref<2000x128xf32, #tpu.memory_space<vmem>>, vector<2000x128xf32>
    tpu.vector_store %arg6[%swap3A, %swap3A_19], %max3A_18 {strides = array<i32>} : memref<2000x128xf32, #tpu.memory_space<vmem>>, vector<2000x128xf32>,
    %get3A_21 = arith.constant 0 : index
    %get3A_22 = arith.constant 0 : index
    %get3A_23 = vector.load %arg4[%get3A_21, %get3A_22] : memref<128x128xf32, #tpu.memory_space<vmem>>, vector<128x128xf32>
    %dot_general3A = arith.constant dense<0.000000e+00> : vector<2000x128xf32>
    %dot_general3A_24 = tpu.matmul %max3A_18, %get3A_23, %dot_general3A {dimension_numbers = #tpu.dot_dimension_numbers<[1], [0], [0], [1], [0, 0, 1, 1], [], []>, transpose_lhs_hint = false} : vector<2000x128xf32>, vector<128x128xf32>, vector<2000x128xf32> -> vector<2000x128xf32>
    %get3A_25 = arith.constant 0 : index
    %get3A_26 = arith.constant 0 : index
    %get3A_27 = vector.load %arg5[%get3A_25, %get3A_26] : memref<1x128xf32, #tpu.memory_space<vmem>>, vector<1x128xf32>
    %add3A_28 = vector.broadcast %get3A_27 : vector<1x128xf32> to vector<2000x128xf32>
    %add3A_29 = arith.addf %dot_general3A_24, %add3A_28 : vector<2000x128xf32>
    %mul3A_30 = vector.broadcast %get3A_1 : vector<2000x1xf32> to vector<2000x128xf32>
    %mul3A_31 = arith.mulf %mul3A_30, %add3A_29 : vector<2000x128xf32>
    %swap3A_32 = arith.constant 0 : index
    %swap3A_33 = arith.constant 0 : index
    %swap3A_34 = vector.load %arg7[%swap3A_32, %swap3A_33] : memref<2000x128xf32, #tpu.memory_space<vmem>>, vector<2000x128xf32>
    tpu.vector_store %arg7[%swap3A_32, %swap3A_33], %mul3A_31 {strides = array<i32>} : memref<2000x128xf32, #tpu.memory_space<vmem>>, vector<2000x128xf32>,
    return
  }
  func.func @transform_0(%arg0: i32) -> (i32, i32) {
    %c0_i32 = arith.constant 0 : i32
    %c0_i32_0 = arith.constant 0 : i32
    return %arg0, %c0_i32 : i32, i32
  }
  func.func @transform_1(%arg0: i32) -> (i32, i32) {
    %c0_i32 = arith.constant 0 : i32
    %c0_i32_0 = arith.constant 0 : i32
    return %arg0, %c0_i32 : i32, i32
  }
  func.func @transform_2(%arg0: i32) -> (i32, i32, i32) {
    %c0_i32 = arith.constant 0 : i32
    %c0_i32_0 = arith.constant 0 : i32
    %c0_i32_1 = arith.constant 0 : i32
    return %c0_i32, %arg0, %c0_i32_0 : i32, i32, i32
  }
  func.func @transform_3(%arg0: i32) -> (i32, i32) {
    %c0_i32 = arith.constant 0 : i32
    %c0_i32_0 = arith.constant 0 : i32
    %c0_i32_1 = arith.constant 0 : i32
    return %c0_i32, %c0_i32_0 : i32, i32
  }
  func.func @transform_4(%arg0: i32) -> (i32, i32) {
    %c0_i32 = arith.constant 0 : i32
    %c0_i32_0 = arith.constant 0 : i32
    %c0_i32_1 = arith.constant 0 : i32
    return %c0_i32, %c0_i32_0 : i32, i32
  }
  func.func @transform_5(%arg0: i32) -> (i32, i32) {
    %c0_i32 = arith.constant 0 : i32
    %c0_i32_0 = arith.constant 0 : i32
    return %arg0, %c0_i32 : i32, i32
  }
  func.func @transform_6(%arg0: i32) -> (i32, i32) {
    %c0_i32 = arith.constant 0 : i32
    %c0_i32_0 = arith.constant 0 : i32
    return %arg0, %c0_i32 : i32, i32
  }
}

module attributes {stable_mosaic.version = 14 : i64} {
  func.func @_mm_last_body(%arg0: i32, %arg1: memref<2000x16xf32, #tpu.memory_space<vmem>>, %arg2: memref<2000x128xf32, #tpu.memory_space<vmem>>, %arg3: memref<2x2000x128xf32, #tpu.memory_space<vmem>>, %arg4: memref<128x128xf32, #tpu.memory_space<vmem>>, %arg5: memref<1x128xf32, #tpu.memory_space<vmem>>, %arg6: memref<2000x128xf32, #tpu.memory_space<vmem>>) attributes {dimension_semantics = [#tpu.dimension_semantics<arbitrary>], iteration_bounds = array<i64: 5>, scalar_prefetch = 0 : i64, scratch_operands = 0 : i64, tpu.core_type = #tpu.core_type<tc>, window_params = [{transform_indices = @transform_0, window_bounds = array<i64: 2000, 16>}, {transform_indices = @transform_1, window_bounds = array<i64: 2000, 128>}, {transform_indices = @transform_2, window_bounds = array<i64: 2, 2000, 128>}, {pipeline_mode = #tpu.pipeline_mode<synchronous>, transform_indices = @transform_3, window_bounds = array<i64: 128, 128>}, {pipeline_mode = #tpu.pipeline_mode<synchronous>, transform_indices = @transform_4, window_bounds = array<i64: 1, 128>}, {transform_indices = @transform_5, window_bounds = array<i64: 2000, 128>}]} {
    %get3A = arith.constant 0 : index
    %get3A_0 = arith.constant 0 : index
    %get3A_1 = vector.load %arg1[%get3A, %get3A_0] : memref<2000x16xf32, #tpu.memory_space<vmem>>, vector<2000x1xf32>
    %get3A_2 = arith.constant 0 : index
    %get3A_3 = arith.constant 0 : index
    %get3A_4 = arith.constant 0 : index
    %get3A_5 = vector.load %arg3[%get3A_2, %get3A_3, %get3A_4] : memref<2x2000x128xf32, #tpu.memory_space<vmem>>, vector<1x2000x128xf32>
    %get3A_6 = vector.shape_cast %get3A_5 : vector<1x2000x128xf32> to vector<2000x128xf32>
    %get3A_7 = arith.constant 1 : index
    %get3A_8 = arith.constant 0 : index
    %get3A_9 = arith.constant 0 : index
    %get3A_10 = vector.load %arg3[%get3A_7, %get3A_8, %get3A_9] : memref<2x2000x128xf32, #tpu.memory_space<vmem>>, vector<1x2000x128xf32>
    %get3A_11 = vector.shape_cast %get3A_10 : vector<1x2000x128xf32> to vector<2000x128xf32>
    %add3A = arith.addf %get3A_6, %get3A_11 : vector<2000x128xf32>
    %mul3A = vector.broadcast %get3A_1 : vector<2000x1xf32> to vector<2000x128xf32>
    %mul3A_12 = arith.mulf %mul3A, %add3A : vector<2000x128xf32>
    %get3A_13 = arith.constant 0 : index
    %get3A_14 = arith.constant 0 : index
    %get3A_15 = vector.load %arg2[%get3A_13, %get3A_14] : memref<2000x128xf32, #tpu.memory_space<vmem>>, vector<2000x128xf32>
    %add3A_16 = arith.addf %mul3A_12, %get3A_15 : vector<2000x128xf32>
    %max3A = arith.constant 0.000000e+00 : f32
    %max3A_17 = vector.broadcast %max3A : f32 to vector<2000x128xf32>
    %max3A_18 = arith.maximumf %add3A_16, %max3A_17 : vector<2000x128xf32>
    %get3A_19 = arith.constant 0 : index
    %get3A_20 = arith.constant 0 : index
    %get3A_21 = vector.load %arg4[%get3A_19, %get3A_20] : memref<128x128xf32, #tpu.memory_space<vmem>>, vector<128x128xf32>
    %dot_general3A = arith.constant dense<0.000000e+00> : vector<2000x128xf32>
    %dot_general3A_22 = tpu.matmul %max3A_18, %get3A_21, %dot_general3A {dimension_numbers = #tpu.dot_dimension_numbers<[1], [0], [0], [1], [0, 0, 1, 1], [], []>, transpose_lhs_hint = false} : vector<2000x128xf32>, vector<128x128xf32>, vector<2000x128xf32> -> vector<2000x128xf32>
    %get3A_23 = arith.constant 0 : index
    %get3A_24 = arith.constant 0 : index
    %get3A_25 = vector.load %arg5[%get3A_23, %get3A_24] : memref<1x128xf32, #tpu.memory_space<vmem>>, vector<1x128xf32>
    %add3A_26 = vector.broadcast %get3A_25 : vector<1x128xf32> to vector<2000x128xf32>
    %add3A_27 = arith.addf %dot_general3A_22, %add3A_26 : vector<2000x128xf32>
    %swap3A = arith.constant 0 : index
    %swap3A_28 = arith.constant 0 : index
    %swap3A_29 = vector.load %arg6[%swap3A, %swap3A_28] : memref<2000x128xf32, #tpu.memory_space<vmem>>, vector<2000x128xf32>
    tpu.vector_store %arg6[%swap3A, %swap3A_28], %add3A_27 {strides = array<i32>} : memref<2000x128xf32, #tpu.memory_space<vmem>>, vector<2000x128xf32>,
    return
  }
  func.func @transform_0(%arg0: i32) -> (i32, i32) {
    %c0_i32 = arith.constant 0 : i32
    %c0_i32_0 = arith.constant 0 : i32
    return %arg0, %c0_i32 : i32, i32
  }
  func.func @transform_1(%arg0: i32) -> (i32, i32) {
    %c0_i32 = arith.constant 0 : i32
    %c0_i32_0 = arith.constant 0 : i32
    return %arg0, %c0_i32 : i32, i32
  }
  func.func @transform_2(%arg0: i32) -> (i32, i32, i32) {
    %c0_i32 = arith.constant 0 : i32
    %c0_i32_0 = arith.constant 0 : i32
    %c0_i32_1 = arith.constant 0 : i32
    return %c0_i32, %arg0, %c0_i32_0 : i32, i32, i32
  }
  func.func @transform_3(%arg0: i32) -> (i32, i32) {
    %c0_i32 = arith.constant 0 : i32
    %c0_i32_0 = arith.constant 0 : i32
    %c0_i32_1 = arith.constant 0 : i32
    return %c0_i32, %c0_i32_0 : i32, i32
  }
  func.func @transform_4(%arg0: i32) -> (i32, i32) {
    %c0_i32 = arith.constant 0 : i32
    %c0_i32_0 = arith.constant 0 : i32
    %c0_i32_1 = arith.constant 0 : i32
    return %c0_i32, %c0_i32_0 : i32, i32
  }
  func.func @transform_5(%arg0: i32) -> (i32, i32) {
    %c0_i32 = arith.constant 0 : i32
    %c0_i32_0 = arith.constant 0 : i32
    return %arg0, %c0_i32 : i32, i32
  }
}

</mosaic_0001>

<sc_bundles>
// kernel: kernel.11.cloned.1.call-start
scs
__scs_entry_jumppad:
0x0: {  	(pc) =	sbr.rel $0x88, $3  }
0x1: {  	(tag) =	ssettag $0x0;
	lr =	simm.s32 $0x1  }
0x2: {  	[smem:$0x3F97] =	sst lr;
	_ =	strace $0xD0000000  }
0x3: {  	_ = 	snop  }
0x4: {  	_ = 	snop  }
0x5: {  	_ = 	snop  }
0x6: {  	_ = 	snop  }
0x7: {  	_ = 	snop  }
__scs_overlays_trampoline_lowered:
0x8: {  	[smem:$0x3FA6] =	sst s0  }
0x9: {  	[smem:$0x3FA7] =	sst s1  }
0xa: {  	[smem:$0x3FA8] =	sst s2  }
0xb: {  	[smem:$0x3FA9] =	sst s3  }
0xc: {  	[smem:$0x3FAA] =	sst s4  }
0xd: {  	[smem:$0x3FAB] =	sst s5  }
0xe: {  	[smem:$0x3FAC] =	sst s6  }
0xf: {  	[smem:$0x3FAD] =	sst s7  }
0x10: {  	[smem:$0x3FAE] =	sst s8  }
0x11: {  	[smem:$0x3FAF] =	sst s9;
	s0 =	simm.s32 @!p0 $0x0  }
0x12: {  	s1 =	sld [smem:$0x3F95];
	s0 =	simm.s32 @p0 $0x1  }
0x13: {  	[smem:$0x3FB0] =	sst s0;
	s0 =	simm.s32 @!p1 $0x0  }
0x14: {  	s2 =	sld [smem:$0x3F94];
	s0 =	simm.s32 @p1 $0x1  }
0x15: {  	[smem:$0x3FB1] =	sst s0;
	s0 =	simm.s32 @!p2 $0x0  }
0x16: {  	s3 =	sld [smem:$0x3FDB];
	s0 =	simm.s32 @p2 $0x1  }
0x17: {  	s4 =	simm.s32 $0x1BF5;
	[smem:$0x3FB3] =	sst s0  }
0x18: {  	s0 =	sld [smem:$0x3F96];
	_ =	swait.ge [sflag:s4], $0x0  }
0x19: {  	s7 =	sld [smem:$0x3F97]  }
0x1a: {  	s8 =	sadd.s32 $0xFFFFE003, lr  }
0x1b: {  	s9 =	sadd.s32 $0xFFFFFEF7, lr;
	s5 =	simm.s32 $0xFFFFFFFF;
	p2 =	slt.u32 s8, $0xFFFFF086  }
0x1c: {  	p1 =	slt.u32 s9, $0xF7A;
	s5 =	simm.s32 @!p2 $0x0  }
0x1d: {  	s5 =	simm.s32 @p1 $0x1;
	p0 =	seq.s32 s7, s2  }
0x1e: {  	s7 =	smul.u32 @!p0 $0xF7A, s2;
	p2 =	seq.s32 @!p0 s5, $0x0  }
0x1f: {  	s9 =	smul.u32 $0xF7A, s1;
	s8 =	simm.s32 @!p0 $0x1BF5;
	p2 =	por !p2, p0  }
0x20: {  	[sflag:s8] =	ssyncset.s32 @!p0 $0xFFFFF086;
	s6 =	sadd.s32 @!p0 s3, s7;
	s7 =	simm.s32 @!p0 $0x108  }
0x21: {  	s3 =	sadd.s32 s3, s9;
	s6 =	sadd.s32 @!p0 $0x88, s6;
	s7 =	simm.s32 @p2 $0x1082  }
0x22: {  	[simem:s7], [sflag:s8] =	dma.local @!p0 [hbm:s6], $0xF7A  }
0x23: {  	s9 =	sor.u32 $0xD0000000, s2;
	s6 =	simm.s32 $0x108;
	_ =	swait.ge @!p0 [sflag:s8], $0x0  }
0x24: {  	s3 =	sadd.s32 $0x88, s3;
	s6 =	simm.s32 @!p1 $0x1082;
	[sflag:s4] =	ssyncset.s32 $0xFFFFF086  }
0x25: {  	[simem:s6], [sflag:s4] =	dma.local [hbm:s3], $0xF7A  }
0x26: {  	[smem:$0x3F97] =	sst s1;
	(tag) =	ssettag s2;
	_ =	strace s9  }
0x27: {  	s1 =	sld [smem:$0x3FA7]  }
0x28: {  	s2 =	sld [smem:$0x3FA8]  }
0x29: {  	s4 =	sld [smem:$0x3FAA]  }
0x2a: {  	p0 =	seq.s32 s5, $0x0;
	s5 =	sld [smem:$0x3FAB]  }
0x2b: {  	s6 =	sld [smem:$0x3FAC]  }
0x2c: {  	s7 =	sld [smem:$0x3FAD]  }
0x2d: {  	s3 =	simm.s32 $0x108;
	s8 =	sld [smem:$0x3FAE]  }
0x2e: {  	s3 =	simm.s32 @!p0 $0x1082;
	s9 =	sld [smem:$0x3FAF]  }
0x2f: {  	lr =	sadd.s32 s0, s3;
	s0 =	sld [smem:$0x3FA6]  }
0x30: {  	s3 =	sld [smem:$0x3FA9]  }
0x31: {  	[smem:$0x3FB2] =	sst s10  }
0x32: {  	s10 =	sld [smem:$0x3FB0];
	_ =	sdelay $0x3  }
0x33: {  	p0 =	seq.s32 s10, $0x1;
	s10 =	sld [smem:$0x3FB2];
	_ =	sdelay $0x3  }
0x34: {  	[smem:$0x3FB2] =	sst s10  }
0x35: {  	s10 =	sld [smem:$0x3FB1];
	_ =	sdelay $0x3  }
0x36: {  	p1 =	seq.s32 s10, $0x1;
	s10 =	sld [smem:$0x3FB2];
	_ =	sdelay $0x3  }
0x37: {  	[smem:$0x3FB2] =	sst s10  }
0x38: {  	s10 =	sld [smem:$0x3FB3]  }
0x39: {  	_ = 	snop;
	(pc) =	sbr.ind lr, $3  }
0x3a: {  	_ = 	snop  }
0x3b: {  	_ = 	snop  }
0x3c: {  	p2 =	seq.s32 s10, $0x1;
	s10 =	sld [smem:$0x3FB2]  }
0x3d: {  	_ =	shalt  }
0x3e: {  	_ =	shalt  }
0x3f: {  	_ =	shalt  }
0x40: {  	_ =	shalt  }
0x41: {  	_ =	shalt  }
0x42: {  	_ =	shalt  }
0x43: {  	_ =	shalt  }
0x44: {  	_ =	shalt  }
0x45: {  	_ =	shalt  }
0x46: {  	_ =	shalt  }
0x47: {  	_ =	shalt  }
0x48: {  	_ =	shalt  }
0x49: {  	_ =	shalt  }
0x4a: {  	_ =	shalt  }
0x4b: {  	_ =	shalt  }
0x4c: {  	_ =	shalt  }
0x4d: {  	_ =	shalt  }
0x4e: {  	_ =	shalt  }
0x4f: {  	_ =	shalt  }
0x50: {  	_ =	shalt  }
0x51: {  	_ =	shalt  }
0x52: {  	_ =	shalt  }
0x53: {  	_ =	shalt  }
0x54: {  	_ =	shalt  }
0x55: {  	_ =	shalt  }
0x56: {  	_ =	shalt  }
0x57: {  	_ =	shalt  }
0x58: {  	_ =	shalt  }
0x59: {  	_ =	shalt  }
0x5a: {  	_ =	shalt  }
0x5b: {  	_ =	shalt  }
0x5c: {  	_ =	shalt  }
0x5d: {  	_ =	shalt  }
0x5e: {  	_ =	shalt  }
0x5f: {  	_ =	shalt  }
0x60: {  	_ =	shalt  }
0x61: {  	_ =	shalt  }
0x62: {  	_ =	shalt  }
0x63: {  	_ =	shalt  }
0x64: {  	_ =	shalt  }
0x65: {  	_ =	shalt  }
0x66: {  	_ =	shalt  }
0x67: {  	_ =	shalt  }
0x68: {  	_ =	shalt  }
0x69: {  	_ =	shalt  }
0x6a: {  	_ =	shalt  }
0x6b: {  	_ =	shalt  }
0x6c: {  	_ =	shalt  }
0x6d: {  	_ =	shalt  }
0x6e: {  	_ =	shalt  }
0x6f: {  	_ =	shalt  }
0x70: {  	_ =	shalt  }
0x71: {  	_ =	shalt  }
0x72: {  	_ =	shalt  }
0x73: {  	_ =	shalt  }
0x74: {  	_ =	shalt  }
0x75: {  	_ =	shalt  }
0x76: {  	_ =	shalt  }
0x77: {  	_ =	shalt  }
0x78: {  	_ =	shalt  }
0x79: {  	_ =	shalt  }
0x7a: {  	_ =	shalt  }
0x7b: {  	_ =	shalt  }
0x7c: {  	_ =	shalt  }
0x7d: {  	_ =	shalt  }
0x7e: {  	_ =	shalt  }
0x7f: {  	_ =	shalt  }
0x80: {  	_ =	shalt  }
0x81: {  	_ =	shalt  }
0x82: {  	_ =	shalt  }
0x83: {  	_ =	shalt  }
0x84: {  	_ =	shalt  }
0x85: {  	_ =	shalt  }
0x86: {  	_ =	shalt  }
0x87: {  	_ =	shalt  }
.Lfunc_end0:
.L_simem_size_0:
called_computation_lowered:
.L_overlay_start_0:
0x88: {  	s2 =	sld [smem:$0x3FD9]  }
0x89: {  	s3 =	sld [smem:$0x3FFE];
	_ =	sdelay $0x1  }
0x8a: {  	s1 =	srdreg.scid  }
0x8b: {  	s0 =	sand.u32 $0x1, s1  }
0x8c: {  	s17 =	sshll.u32 s0, $0xA;
	s2 =	sadd.s32 s3, s2  }
0x8d: {  	s2 =	sadd.s32 s2, s17  }
0x8e: {  	[smem:$0x3FBE] =	sst s2  }
0x8f: {  	_ = 	snop  }
0x90: {  	s2 =	sld [smem:$0x3FD0];
	(tm) =	ssettm $0x1  }
0x91: {  	s18 =	sld [smem:$0x3FFB];
	_ =	sdelay $0x3  }
0x92: {  	_ =	strace s18  }
0x93: {  	s3 =	sld [smem:$0x3FFC];
	_ =	sdelay $0x3  }
0x94: {  	_ =	strace s3  }
0x95: {  	s3 =	sld [smem:$0x3FFD];
	_ =	sdelay $0x3  }
0x96: {  	_ =	strace s3  }
0x97: {  	_ =	strace $0x8FFFFFFF  }
0x98: {  	s19 =	sld [smem:$0x3FDB];
	_ =	sdelay $0x1  }
0x99: {  	s4 =	simm.s32 $_scs_section_size  }
0x9a: {  	s5 =	simm.s32 $_size__tile_overlayer_lowered;
	s6 =	simm.s32 $_tile_overlayer_lowered  }
0x9b: {  	s22 =	simm.s32 $0x1BFF;
	s21 =	sshll.u32 s6, $0x1;
	s3 =	sadd.s32 s4, s19  }
0x9c: {  	s7 =	simm.s32 $0x0;
	s20 =	sshll.u32 s5, $0x1;
	s5 =	sadd.s32 s21, s3  }
0x9d: {  	[timem:s7], [sflag:s22] =	dma.local [hbm:s5], s20  }
0x9e: {  	_ =	swait.ge [sflag:s22], s20  }
0x9f: {  	s4 =	ssub.s32 $0x0, s20;
	[sflag:s22] =	ssyncset.done $0x0  }
0xa0: {  	[sflag:s22] =	ssyncadd.s32 s4;
	_ =	sdelay $0x1  }
0xa1: {  	s23 =	simm.s32 $0x1B8B  }
0xa2: {  	_ =	swait.ge [sflag:s23], $0x1  }
0xa3: {  	[sflag:s23] =	ssyncset.done $0x0  }
0xa4: {  	s25 =	simm.s32 $0x1B8E;
	s24 =	sld [smem:$0x3FFE];
	[sflag:s23] =	ssyncadd.s32 $0xFFFFFFFF  }
0xa5: {  	s26 =	simm.s32 $execute0_lowered;
	[smem:$0x3FD2] =	sst s25  }
0xa6: {  	s5 =	sshll.u32 s26, $0x1;
	_ =	strace $0x80000046;
	[dreg:$0x1] =	wrdreg $0xFFFFFFFF  }
0xa7: {  	s28 =	simm.s32 $_size_execute0_lowered;
	s3 =	sadd.s32 s3, s5;
	[dreg:$0x0] =	wrdreg $0x0  }
0xa8: {  	s5 =	sshll.u32 s28, $0x1;
	[dreg:$0x2] =	wrdreg s3  }
0xa9: {  	[dreg:$0x3] =	wrdreg s5  }
0xaa: {  	[dreg:$0x4] =	wrdreg $0xC0  }
0xab: {  	_ =	task [dreg:s7], $0x5FFFF  }
0xac: {  	[dreg:$0x1] =	wrdreg $0xFFFFFFFF  }
0xad: {  	[dreg:$0x0] =	wrdreg $0x60  }
0xae: {  	[dreg:$0x2] =	wrdreg s2  }
0xaf: {  	[dreg:$0x3] =	wrdreg s24  }
0xb0: {  	[dreg:$0x4] =	wrdreg $0x43000  }
0xb1: {  	[dreg:$0x5] =	wrdreg $0x9  }
0xb2: {  	_ =	task.clear_ibuf [dreg:s7], $0x6FFFF;
	_ =	strace $0x90000046  }
0xb3: {  	s29 =	simm.s32 $0x9;
	_ =	strace $0x80000048  }
0xb4: {  	_ =	swait.ge [sflag:s29], $0x1  }
0xb5: {  	[sflag:s29] =	ssyncadd.s32 $0xFFFFFFFF  }
0xb6: {  	_ =	strace $0x90000048  }
0xb7: {  	_ =	sfence  }
0xb8: {  	s30 =	sld [smem:$0x0];
	_ =	sdelay $0x2  }
0xb9: {  	s31 =	sshll.u32 s1, $0xD;
	s1 =	sshrl.u32 s1, $0x2  }
0xba: {  	s3 =	sand.u32 $0x4000, s31;
	s1 =	sadd.s32 s1, s30  }
0xbb: {  	s0 =	sor.u32 s3, s0;
	s1 =	sshll.u32 s1, $0x11  }
0xbc: {  	s0 =	sor.u32 s1, s0  }
0xbd: {  	s0 =	sadd.s32 $0x8F2B, s0  }
0xbe: {  	[sflag:s0] =	ssyncadd.remote.s32 $0x1  }
0xbf: {  	_ =	sfence.sel $0xFFFF  }
0xc0: {  	[dreg:$0x0] =	wrdreg $0xFFFFFFFF;
	(pc) =	sbr.abs _section_cstart, $3  }
0xc1: {  	[dreg:$0x1] =	wrdreg $0xFFFFFFFF  }
0xc2: {  	_ =	task.clear_ibuf [dreg:s7], $0x2FFFF;
	_ =	strace $0x9FFFFFFF  }
0xc3: {  	(tm) =	ssettm $0x7FFFFFFF  }
tec
execute0_lowered:
.L_overlay_start_1:
0x0: {  	(tag) =	ssettag $0x1  }
0x1: {  	s4 =	rddreg [dreg:$0x0]  }
0x2: {  	s1 =	srdreg.scid;
	s5 =	rddreg [dreg:$0x1]  }
0x3: {  	s0 =	stileid.u32;
	s2 =	rddreg [dreg:$0x2];
	s3 =	simm.s32 $0x0  }
0x4: {  	s11 =	simm.s32 $0x4000;
	s6 =	sand.u32 $0x1, s1;
	s1 =	rddreg [dreg:$0x3]  }
0x5: {  	s14 =	simm.s32 $0x0;
	s7 =	smul.u32 $0x280, s0;
	[smem:$0x7FF] =	sst s3  }
0x6: {  	s10 =	sshll.u32 s0, $0xB;
	s12 =	sshll.u32 s0, $0x6;
	s8 =	smul.u32 $0x2800, s6  }
0x7: {  	_ =	strace $0x80000047;
	s9 =	ssub.s32 $0x2, s6;
	s30 =	sshll.u32 s6, $0xF  }
0x8: {  	s31 =	sadd.s32 s4, s10;
	s10 =	simm.s32 $0x50;
	s12 =	sor.u32 $0x1C01, s12  }
0x9: {  	s29 =	sshrl.u32 s9, $0x1;
	s4 =	sadd.s32 s7, s2;
	s8 =	sadd.s32 s7, s8  }
0xa: {  	s9 =	ssub.s32 s9, s29;
	s13 =	sshrl.u32 s4, $0x3;
	s8 =	sshrl.u32 s8, $0x3  }
0xb: {  	s7 =	smax.u32 s9, $0x1;
	s9 =	simm.s32 $0x1;
	s8 =	sadd.s32 s8, s5  }
0xc: {  	v0 =	vimm.f32 $0.0e+00;
	v1 =	vimm.f32 $1.000000000e+00;
	s5 =	sadd.s32 s30, s31;
	s6 =	sadd.s32 $0x2600, s8;
	s8 =	simm.s32 $0x4080  }
.LBB2_1:
0xd: {  	[tilespmem:$0x4080] =	vst v0  }
0xe: {  	[tilespmem:$0x4090] =	vst v0  }
0xf: {  	[tilespmem:$0x40A0] =	vst v0  }
0x10: {  	[tilespmem:$0x40B0] =	vst v0  }
0x11: {  	[tilespmem:$0x40C0] =	vst v0  }
0x12: {  	[tilespmem:$0x40D0] =	vst v0  }
0x13: {  	[tilespmem:$0x40E0] =	vst v0  }
0x14: {  	[tilespmem:$0x40F0] =	vst v0  }
0x15: {  	[tilespmem:$0x4100] =	vst v0  }
0x16: {  	[tilespmem:$0x4110] =	vst v0  }
0x17: {  	[tilespmem:$0x4120] =	vst v0  }
0x18: {  	[tilespmem:$0x4130] =	vst v0  }
0x19: {  	[tilespmem:$0x4140] =	vst v0  }
0x1a: {  	[tilespmem:$0x4150] =	vst v0  }
0x1b: {  	[tilespmem:$0x4160] =	vst v0  }
0x1c: {  	[tilespmem:$0x4170] =	vst v0  }
0x1d: {  	[tilespmem:$0x4180] =	vst v0  }
0x1e: {  	[tilespmem:$0x4190] =	vst v0  }
0x1f: {  	[tilespmem:$0x41A0] =	vst v0  }
0x20: {  	[tilespmem:$0x41B0] =	vst v0  }
0x21: {  	[tilespmem:$0x41C0] =	vst v0  }
0x22: {  	[tilespmem:$0x41D0] =	vst v0  }
0x23: {  	[tilespmem:$0x41E0] =	vst v0  }
0x24: {  	[tilespmem:$0x41F0] =	vst v0  }
0x25: {  	[tilespmem:$0x4200] =	vst v0  }
0x26: {  	[tilespmem:$0x4210] =	vst v0  }
0x27: {  	[tilespmem:$0x4220] =	vst v0  }
0x28: {  	[tilespmem:$0x4230] =	vst v0  }
0x29: {  	[tilespmem:$0x4240] =	vst v0  }
0x2a: {  	[tilespmem:$0x4250] =	vst v0  }
0x2b: {  	[tilespmem:$0x4260] =	vst v0  }
0x2c: {  	[tilespmem:$0x4270] =	vst v0  }
0x2d: {  	[tilespmem:$0x4280] =	vst v0  }
0x2e: {  	[tilespmem:$0x4290] =	vst v0  }
0x2f: {  	[tilespmem:$0x42A0] =	vst v0  }
0x30: {  	[tilespmem:$0x42B0] =	vst v0  }
0x31: {  	[tilespmem:$0x42C0] =	vst v0  }
0x32: {  	[tilespmem:$0x42D0] =	vst v0  }
0x33: {  	[tilespmem:$0x42E0] =	vst v0  }
0x34: {  	[tilespmem:$0x42F0] =	vst v0  }
0x35: {  	[tilespmem:$0x4000] =	vst v1  }
0x36: {  	[tilespmem:$0x4010] =	vst v1  }
0x37: {  	[tilespmem:$0x4020] =	vst v1  }
0x38: {  	[tilespmem:$0x4030] =	vst v1  }
0x39: {  	[tilespmem:$0x4040] =	vst v1  }
0x3a: {  	[spmem:s4] =	stream.linear.scatter [tilespmem:s8], [sflag:$0x1], $0x280, $0x38;
	[tilespmem:$0x4580] =	vst v63  }
0x3b: {  	_ =	swait.ge [sflag:s9], $0x280  }
0x3c: {  	[sflag:s9] =	ssyncset.done $0x0  }
0x3d: {  	[sflag:s9] =	ssyncadd.s32 $0xFFFFFD80  }
0x3e: {  	[bflag:$0x0] =	sbarrier.arrive $0xFFFF  }
0x3f: {  	[tilespmem:s3], [sflag:$0x1] =	stream.linear.gather [hbm4b:s5+s3], $0x3E80, $0x38;
	[tilespmem:$0x4580] =	vst v63  }
0x40: {  	_ =	swait.ge [sflag:s9], $0x3E80  }
0x41: {  	[sflag:s9] =	ssyncset.done $0x0  }
0x42: {  	s15 =	simm.s32 $0x0;
	[sflag:s9] =	ssyncadd.s32 $0xFFFFC180  }
0x43: {  	[spmem:s2] =	stream.indirect.scatter.add.f32 [tilespmem:s11], [sflag:$0x1], $0x1, s15, s10, $0xb8;
	[tilespmem:$0x4580] =	vst v63  }
0x44: {  	_ =	swait.ge [sflag:s9], $0x50  }
0x45: {  	s15 =	simm.s32 $0x200;
	[sflag:s9] =	ssyncset.done $0x0  }
.LBB2_2:
0x46: {  	s16 =	sshra.s32 s15, $0x2;
	[sflag:s9] =	ssyncadd.s32 $0xFFFFFFB0;
	p0 =	sne.s32 s15, $0xF800  }
0x47: {  	[spmem:s2] =	stream.indirect.scatter.add.f32 [tilespmem:s11], [sflag:$0x1], $0x1, s16, s10, $0xb8;
	[tilespmem:$0x4580] =	vst v63  }
.Ltmp0:
0x48: {  	_ = 	snop;
	(pc) =	sbr.rel @p0 .LBB2_2-.Ltmp0, $4  }
0x49: {  	_ = 	snop  }
0x4a: {  	s15 =	sadd.s32 $0x200, s15  }
0x4b: {  	_ =	swait.ge [sflag:s9], $0x50  }
0x4c: {  	[sflag:s9] =	ssyncset.done $0x0  }
0x4d: {  	s14 =	sadd.s32 $0x1, s14  }
0x4e: {  	[sflag:s9] =	ssyncadd.s32 $0xFFFFFFB0;
	p0 =	sne.s32 s14, s7  }
.Ltmp1:
0x4f: {  	[bflag:$0x0] =	sbarrier.arrive $0xFFFF;
	(pc) =	sbr.rel @p0 .LBB2_1-.Ltmp1, $4  }
0x50: {  	[hbm:s6], [sflag:s12] =	dma.local [spmem:s13], $0x50  }
0x51: {  	_ =	swait.ge [sflag:s9], $0x50  }
0x52: {  	[sflag:s9] =	ssyncset.done $0x0  }
0x53: {  	[sflag:s9] =	ssyncadd.s32 $0xFFFFFFB0  }
0x54: {  	_ =	sfence.sel $0x180000  }
0x55: {  	[bflag:$0x0] =	sbarrier.arrive $0xFFFF  }
0x56: {  	p0 =	sne.s32 s0, $0x0;
	_ =	strace $0x90000047  }
0x57: {  	s0 =	sadd.s32 @!p0 $0x100000, s1;
	[bflag:$0x2] =	sbarrier.arrive $0xFFFF  }
0x58: {  	[sflag:s0] =	ssyncadd.tile.s32 @!p0 $0x1;
	_ =	shalt  }
.Lfunc_end2:
_tile_overlayer_lowered:
.L_overlay_start_2:
0x59: {  	(tag) =	ssettag $0x2  }
0x5a: {  	s0 =	rddreg [dreg:$0x0];
	s2 =	stileid.u32  }
0x5b: {  	s1 =	rddreg [dreg:$0x1];
	p0 =	sne.s32 s2, $0x0  }
0x5c: {  	s3 =	rddreg [dreg:$0x2];
	[bflag:$0x3] =	sbarrier.arrive $0xFFFF;
	s2 =	simm.s32 @!p0 $0x1C01  }
0x5d: {  	[timem:s3], [sflag:s2] =	dma.local @!p0 [hbm:s0], s1  }
0x5e: {  	s0 =	simm.s32 @!p0 $0x1  }
0x5f: {  	_ =	swait.ge @!p0 [sflag:s0], s1  }
0x60: {  	s1 =	ssub.s32 @!p0 $0x0, s1;
	[sflag:s0] =	ssyncset.done @!p0 $0x0  }
0x61: {  	[sflag:s0] =	ssyncadd.s32 @!p0 s1  }
0x62: {  	[bflag:$0x3] =	sbarrier.arrive $0xFFFF  }
0x63: {  	_ =	shalt  }

// kernel: kernel.14.cloned.1.call-start
scs
__scs_entry_jumppad:
0x0: {  	(pc) =	sbr.rel $0x88, $3  }
0x1: {  	(tag) =	ssettag $0x0;
	lr =	simm.s32 $0x1  }
0x2: {  	[smem:$0x3F97] =	sst lr;
	_ =	strace $0xD0000000  }
0x3: {  	_ = 	snop  }
0x4: {  	_ = 	snop  }
0x5: {  	_ = 	snop  }
0x6: {  	_ = 	snop  }
0x7: {  	_ = 	snop  }
__scs_overlays_trampoline_lowered:
0x8: {  	[smem:$0x3FA6] =	sst s0  }
0x9: {  	[smem:$0x3FA7] =	sst s1  }
0xa: {  	[smem:$0x3FA8] =	sst s2  }
0xb: {  	[smem:$0x3FA9] =	sst s3  }
0xc: {  	[smem:$0x3FAA] =	sst s4  }
0xd: {  	[smem:$0x3FAB] =	sst s5  }
0xe: {  	[smem:$0x3FAC] =	sst s6  }
0xf: {  	[smem:$0x3FAD] =	sst s7  }
0x10: {  	[smem:$0x3FAE] =	sst s8  }
0x11: {  	[smem:$0x3FAF] =	sst s9;
	s0 =	simm.s32 @!p0 $0x0  }
0x12: {  	s1 =	sld [smem:$0x3F95];
	s0 =	simm.s32 @p0 $0x1  }
0x13: {  	[smem:$0x3FB0] =	sst s0;
	s0 =	simm.s32 @!p1 $0x0  }
0x14: {  	s2 =	sld [smem:$0x3F94];
	s0 =	simm.s32 @p1 $0x1  }
0x15: {  	[smem:$0x3FB1] =	sst s0;
	s0 =	simm.s32 @!p2 $0x0  }
0x16: {  	s3 =	sld [smem:$0x3FDB];
	s0 =	simm.s32 @p2 $0x1  }
0x17: {  	s4 =	simm.s32 $0x1BF5;
	[smem:$0x3FB3] =	sst s0  }
0x18: {  	s0 =	sld [smem:$0x3F96];
	_ =	swait.ge [sflag:s4], $0x0  }
0x19: {  	s7 =	sld [smem:$0x3F97]  }
0x1a: {  	s8 =	sadd.s32 $0xFFFFE003, lr  }
0x1b: {  	s9 =	sadd.s32 $0xFFFFFEF7, lr;
	s5 =	simm.s32 $0xFFFFFFFF;
	p2 =	slt.u32 s8, $0xFFFFF086  }
0x1c: {  	p1 =	slt.u32 s9, $0xF7A;
	s5 =	simm.s32 @!p2 $0x0  }
0x1d: {  	s5 =	simm.s32 @p1 $0x1;
	p0 =	seq.s32 s7, s2  }
0x1e: {  	s7 =	smul.u32 @!p0 $0xF7A, s2;
	p2 =	seq.s32 @!p0 s5, $0x0  }
0x1f: {  	s9 =	smul.u32 $0xF7A, s1;
	s8 =	simm.s32 @!p0 $0x1BF5;
	p2 =	por !p2, p0  }
0x20: {  	[sflag:s8] =	ssyncset.s32 @!p0 $0xFFFFF086;
	s6 =	sadd.s32 @!p0 s3, s7;
	s7 =	simm.s32 @!p0 $0x108  }
0x21: {  	s3 =	sadd.s32 s3, s9;
	s6 =	sadd.s32 @!p0 $0x88, s6;
	s7 =	simm.s32 @p2 $0x1082  }
0x22: {  	[simem:s7], [sflag:s8] =	dma.local @!p0 [hbm:s6], $0xF7A  }
0x23: {  	s9 =	sor.u32 $0xD0000000, s2;
	s6 =	simm.s32 $0x108;
	_ =	swait.ge @!p0 [sflag:s8], $0x0  }
0x24: {  	s3 =	sadd.s32 $0x88, s3;
	s6 =	simm.s32 @!p1 $0x1082;
	[sflag:s4] =	ssyncset.s32 $0xFFFFF086  }
0x25: {  	[simem:s6], [sflag:s4] =	dma.local [hbm:s3], $0xF7A  }
0x26: {  	[smem:$0x3F97] =	sst s1;
	(tag) =	ssettag s2;
	_ =	strace s9  }
0x27: {  	s1 =	sld [smem:$0x3FA7]  }
0x28: {  	s2 =	sld [smem:$0x3FA8]  }
0x29: {  	s4 =	sld [smem:$0x3FAA]  }
0x2a: {  	p0 =	seq.s32 s5, $0x0;
	s5 =	sld [smem:$0x3FAB]  }
0x2b: {  	s6 =	sld [smem:$0x3FAC]  }
0x2c: {  	s7 =	sld [smem:$0x3FAD]  }
0x2d: {  	s3 =	simm.s32 $0x108;
	s8 =	sld [smem:$0x3FAE]  }
0x2e: {  	s3 =	simm.s32 @!p0 $0x1082;
	s9 =	sld [smem:$0x3FAF]  }
0x2f: {  	lr =	sadd.s32 s0, s3;
	s0 =	sld [smem:$0x3FA6]  }
0x30: {  	s3 =	sld [smem:$0x3FA9]  }
0x31: {  	[smem:$0x3FB2] =	sst s10  }
0x32: {  	s10 =	sld [smem:$0x3FB0];
	_ =	sdelay $0x3  }
0x33: {  	p0 =	seq.s32 s10, $0x1;
	s10 =	sld [smem:$0x3FB2];
	_ =	sdelay $0x3  }
0x34: {  	[smem:$0x3FB2] =	sst s10  }
0x35: {  	s10 =	sld [smem:$0x3FB1];
	_ =	sdelay $0x3  }
0x36: {  	p1 =	seq.s32 s10, $0x1;
	s10 =	sld [smem:$0x3FB2];
	_ =	sdelay $0x3  }
0x37: {  	[smem:$0x3FB2] =	sst s10  }
0x38: {  	s10 =	sld [smem:$0x3FB3]  }
0x39: {  	_ = 	snop;
	(pc) =	sbr.ind lr, $3  }
0x3a: {  	_ = 	snop  }
0x3b: {  	_ = 	snop  }
0x3c: {  	p2 =	seq.s32 s10, $0x1;
	s10 =	sld [smem:$0x3FB2]  }
0x3d: {  	_ =	shalt  }
0x3e: {  	_ =	shalt  }
0x3f: {  	_ =	shalt  }
0x40: {  	_ =	shalt  }
0x41: {  	_ =	shalt  }
0x42: {  	_ =	shalt  }
0x43: {  	_ =	shalt  }
0x44: {  	_ =	shalt  }
0x45: {  	_ =	shalt  }
0x46: {  	_ =	shalt  }
0x47: {  	_ =	shalt  }
0x48: {  	_ =	shalt  }
0x49: {  	_ =	shalt  }
0x4a: {  	_ =	shalt  }
0x4b: {  	_ =	shalt  }
0x4c: {  	_ =	shalt  }
0x4d: {  	_ =	shalt  }
0x4e: {  	_ =	shalt  }
0x4f: {  	_ =	shalt  }
0x50: {  	_ =	shalt  }
0x51: {  	_ =	shalt  }
0x52: {  	_ =	shalt  }
0x53: {  	_ =	shalt  }
0x54: {  	_ =	shalt  }
0x55: {  	_ =	shalt  }
0x56: {  	_ =	shalt  }
0x57: {  	_ =	shalt  }
0x58: {  	_ =	shalt  }
0x59: {  	_ =	shalt  }
0x5a: {  	_ =	shalt  }
0x5b: {  	_ =	shalt  }
0x5c: {  	_ =	shalt  }
0x5d: {  	_ =	shalt  }
0x5e: {  	_ =	shalt  }
0x5f: {  	_ =	shalt  }
0x60: {  	_ =	shalt  }
0x61: {  	_ =	shalt  }
0x62: {  	_ =	shalt  }
0x63: {  	_ =	shalt  }
0x64: {  	_ =	shalt  }
0x65: {  	_ =	shalt  }
0x66: {  	_ =	shalt  }
0x67: {  	_ =	shalt  }
0x68: {  	_ =	shalt  }
0x69: {  	_ =	shalt  }
0x6a: {  	_ =	shalt  }
0x6b: {  	_ =	shalt  }
0x6c: {  	_ =	shalt  }
0x6d: {  	_ =	shalt  }
0x6e: {  	_ =	shalt  }
0x6f: {  	_ =	shalt  }
0x70: {  	_ =	shalt  }
0x71: {  	_ =	shalt  }
0x72: {  	_ =	shalt  }
0x73: {  	_ =	shalt  }
0x74: {  	_ =	shalt  }
0x75: {  	_ =	shalt  }
0x76: {  	_ =	shalt  }
0x77: {  	_ =	shalt  }
0x78: {  	_ =	shalt  }
0x79: {  	_ =	shalt  }
0x7a: {  	_ =	shalt  }
0x7b: {  	_ =	shalt  }
0x7c: {  	_ =	shalt  }
0x7d: {  	_ =	shalt  }
0x7e: {  	_ =	shalt  }
0x7f: {  	_ =	shalt  }
0x80: {  	_ =	shalt  }
0x81: {  	_ =	shalt  }
0x82: {  	_ =	shalt  }
0x83: {  	_ =	shalt  }
0x84: {  	_ =	shalt  }
0x85: {  	_ =	shalt  }
0x86: {  	_ =	shalt  }
0x87: {  	_ =	shalt  }
.Lfunc_end0:
.L_simem_size_0:
called_computation.1_lowered:
.L_overlay_start_0:
0x88: {  	s2 =	sld [smem:$0x3FD9]  }
0x89: {  	s3 =	sld [smem:$0x3FFE];
	_ =	sdelay $0x1  }
0x8a: {  	s1 =	srdreg.scid  }
0x8b: {  	s0 =	sand.u32 $0x1, s1  }
0x8c: {  	s17 =	sshll.u32 s0, $0xA;
	s2 =	sadd.s32 s3, s2  }
0x8d: {  	s2 =	sadd.s32 s2, s17  }
0x8e: {  	[smem:$0x3FBE] =	sst s2  }
0x8f: {  	_ = 	snop  }
0x90: {  	s2 =	sld [smem:$0x3FD0];
	(tm) =	ssettm $0x1  }
0x91: {  	s18 =	sld [smem:$0x3FFB];
	_ =	sdelay $0x3  }
0x92: {  	_ =	strace s18  }
0x93: {  	s3 =	sld [smem:$0x3FFC];
	_ =	sdelay $0x3  }
0x94: {  	_ =	strace s3  }
0x95: {  	s3 =	sld [smem:$0x3FFD];
	_ =	sdelay $0x3  }
0x96: {  	_ =	strace s3  }
0x97: {  	_ =	strace $0x8FFFFFFF  }
0x98: {  	s19 =	sld [smem:$0x3FDB];
	_ =	sdelay $0x1  }
0x99: {  	s4 =	simm.s32 $_scs_section_size  }
0x9a: {  	s5 =	simm.s32 $_size__tile_overlayer_lowered;
	s6 =	simm.s32 $_tile_overlayer_lowered  }
0x9b: {  	s22 =	simm.s32 $0x1BFF;
	s21 =	sshll.u32 s6, $0x1;
	s3 =	sadd.s32 s4, s19  }
0x9c: {  	s7 =	simm.s32 $0x0;
	s20 =	sshll.u32 s5, $0x1;
	s5 =	sadd.s32 s21, s3  }
0x9d: {  	[timem:s7], [sflag:s22] =	dma.local [hbm:s5], s20  }
0x9e: {  	_ =	swait.ge [sflag:s22], s20  }
0x9f: {  	s4 =	ssub.s32 $0x0, s20;
	[sflag:s22] =	ssyncset.done $0x0  }
0xa0: {  	[sflag:s22] =	ssyncadd.s32 s4;
	_ =	sdelay $0x1  }
0xa1: {  	s23 =	simm.s32 $0x1B8B  }
0xa2: {  	_ =	swait.ge [sflag:s23], $0x1  }
0xa3: {  	[sflag:s23] =	ssyncset.done $0x0  }
0xa4: {  	s25 =	simm.s32 $0x1B8E;
	s24 =	sld [smem:$0x3FFE];
	[sflag:s23] =	ssyncadd.s32 $0xFFFFFFFF  }
0xa5: {  	s26 =	simm.s32 $execute0_lowered;
	[smem:$0x3FD2] =	sst s25  }
0xa6: {  	s5 =	sshll.u32 s26, $0x1;
	_ =	strace $0x80000049;
	[dreg:$0x1] =	wrdreg $0xFFFFFFFF  }
0xa7: {  	s28 =	simm.s32 $_size_execute0_lowered;
	s3 =	sadd.s32 s3, s5;
	[dreg:$0x0] =	wrdreg $0x0  }
0xa8: {  	s5 =	sshll.u32 s28, $0x1;
	[dreg:$0x2] =	wrdreg s3  }
0xa9: {  	[dreg:$0x3] =	wrdreg s5  }
0xaa: {  	[dreg:$0x4] =	wrdreg $0xC0  }
0xab: {  	_ =	task [dreg:s7], $0x5FFFF  }
0xac: {  	[dreg:$0x1] =	wrdreg $0xFFFFFFFF  }
0xad: {  	[dreg:$0x0] =	wrdreg $0x60  }
0xae: {  	[dreg:$0x2] =	wrdreg s2  }
0xaf: {  	[dreg:$0x3] =	wrdreg s24  }
0xb0: {  	[dreg:$0x4] =	wrdreg $0xB8000  }
0xb1: {  	[dreg:$0x5] =	wrdreg $0x9  }
0xb2: {  	_ =	task.clear_ibuf [dreg:s7], $0x6FFFF;
	_ =	strace $0x90000049  }
0xb3: {  	s29 =	simm.s32 $0x9;
	_ =	strace $0x8000004B  }
0xb4: {  	_ =	swait.ge [sflag:s29], $0x1  }
0xb5: {  	[sflag:s29] =	ssyncadd.s32 $0xFFFFFFFF  }
0xb6: {  	_ =	strace $0x9000004B  }
0xb7: {  	_ =	sfence  }
0xb8: {  	s30 =	sld [smem:$0x0];
	_ =	sdelay $0x2  }
0xb9: {  	s31 =	sshll.u32 s1, $0xD;
	s1 =	sshrl.u32 s1, $0x2  }
0xba: {  	s3 =	sand.u32 $0x4000, s31;
	s1 =	sadd.s32 s1, s30  }
0xbb: {  	s0 =	sor.u32 s3, s0;
	s1 =	sshll.u32 s1, $0x11  }
0xbc: {  	s0 =	sor.u32 s1, s0  }
0xbd: {  	s0 =	sadd.s32 $0x8F2B, s0  }
0xbe: {  	[sflag:s0] =	ssyncadd.remote.s32 $0x1  }
0xbf: {  	_ =	sfence.sel $0xFFFF  }
0xc0: {  	[dreg:$0x0] =	wrdreg $0xFFFFFFFF;
	(pc) =	sbr.abs _section_cstart, $3  }
0xc1: {  	[dreg:$0x1] =	wrdreg $0xFFFFFFFF  }
0xc2: {  	_ =	task.clear_ibuf [dreg:s7], $0x2FFFF;
	_ =	strace $0x9FFFFFFF  }
0xc3: {  	(tm) =	ssettm $0x7FFFFFFF  }
tec
execute0_lowered:
.L_overlay_start_1:
0x0: {  	(tag) =	ssettag $0x1  }
0x1: {  	s2 =	rddreg [dreg:$0x0]  }
0x2: {  	s0 =	rddreg [dreg:$0x1]  }
0x3: {  	s22 =	rddreg [dreg:$0x2];
	s3 =	simm.s32 $0x0  }
0x4: {  	s15 =	stileid.u32;
	s5 =	srdreg.scid;
	s28 =	simm.s32 $0x4  }
0x5: {  	[smem:$0x7FF] =	sst s3;
	s14 =	sadd.s32 $0x16800, s0;
	s6 =	smul.u32 $0x4E000, s15  }
0x6: {  	s1 =	sadd.s32 $0x3000, s0;
	s4 =	sshll.u32 s15, $0x4;
	s20 =	smul.u32 $0x2700, s15  }
0x7: {  	s5 =	sand.u32 $0x1, s5;
	s26 =	smul.u32 $0x4E00, s15;
	_ =	strace $0x8000004A  }
0x8: {  	s4 =	sadd.s32 s4, s0;
	s0 =	sadd.s32 $0x2A400, s0;
	s24 =	smul.u32 $0x4E000, s5  }
0x9: {  	s7 =	ssub.s32 $0x2, s5;
	s8 =	sshll.u32 s5, $0x4;
	s13 =	smul.u32 $0x27100, s5  }
0xa: {  	s5 =	smul.u32 $0x138800, s5;
	s9 =	sshrl.u32 s7, $0x1;
	s6 =	sshrl.u32 s6, $0x2  }
0xb: {  	s8 =	sor.u32 s15, s8;
	s7 =	ssub.s32 s7, s9;
	s31 =	sadd.s32 s6, s22  }
0xc: {  	s19 =	smul.u32 $0x4E00, s8;
	s10 =	sadd.s32 $0x3400, s31;
	[dreg:$0xa] =	wrdreg s31  }
0xd: {  	s9 =	sadd.s32 s20, s13;
	s21 =	sadd.s32 $0x6800, s31;
	[dreg:$0xb] =	wrdreg s10  }
0xe: {  	s5 =	sshrl.u32 s5, $0x3;
	s23 =	sadd.s32 $0x9C00, s31;
	[dreg:$0xc] =	wrdreg s21  }
0xf: {  	s11 =	sadd.s32 $0xD000, s31;
	s9 =	sadd.s32 s0, s9;
	[dreg:$0xd] =	wrdreg s23  }
0x10: {  	s0 =	sadd.s32 s0, s5;
	s6 =	sshrl.u32 s19, $0x3;
	[dreg:$0xe] =	wrdreg s11  }
0x11: {  	s10 =	sadd.s32 s26, s24;
	[dreg:$0x13] =	wrdreg s9;
	s0 =	sadd.s32 $0x27000, s0  }
0x12: {  	s25 =	sadd.s32 s14, s6;
	s12 =	sadd.s32 s1, s6;
	s16 =	sor.u32 $0x10, s6  }
0x13: {  	s18 =	sadd.s32 $0x300, s10;
	s21 =	sadd.s32 $0x280, s10;
	[dreg:$0x1a] =	wrdreg s0  }
0x14: {  	s26 =	sadd.s32 $0x380, s10;
	s13 =	sor.u32 $0x20, s6;
	[dreg:$0xf] =	wrdreg s25  }
0x15: {  	s6 =	sor.u32 $0x30, s6;
	[dreg:$0x10] =	wrdreg s12;
	s17 =	sadd.s32 s14, s16  }
0x16: {  	s24 =	sshrl.u32 s21, $0x3;
	s21 =	sadd.s32 s1, s6;
	[dreg:$0x11] =	wrdreg s17  }
0x17: {  	s12 =	sshrl.u32 s26, $0x3;
	s26 =	sadd.s32 $0x10400, s31;
	[dreg:$0x17] =	wrdreg s21  }
0x18: {  	s19 =	sshrl.u32 s18, $0x3;
	s17 =	sadd.s32 s1, s16;
	[dreg:$0x1d] =	wrdreg s26  }
0x19: {  	s29 =	simm.s32 $0x10;
	s20 =	sadd.s32 s19, s1;
	[dreg:$0x12] =	wrdreg s17  }
0x1a: {  	s30 =	simm.s32 $0x5;
	s23 =	sadd.s32 s19, s14;
	[dreg:$0x4] =	wrdreg s20  }
0x1b: {  	p0 =	sne.s32 s15, $0x0;
	s25 =	sadd.s32 s24, s1;
	[dreg:$0x5] =	wrdreg s23  }
0x1c: {  	s15 =	simm.s32 $0x9;
	s9 =	sadd.s32 s24, s14;
	[dreg:$0x6] =	wrdreg s25  }
0x1d: {  	p1 =	sgt.u32 s8, $0x7;
	s16 =	sadd.s32 s12, s1;
	[dreg:$0x7] =	wrdreg s9  }
0x1e: {  	s11 =	smov.u32 s14;
	s19 =	sadd.s32 s1, s13;
	[dreg:$0x8] =	wrdreg s16  }
0x1f: {  	s18 =	sadd.s32 s12, s14;
	s24 =	smax.u32 s7, $0x1;
	[dreg:$0x15] =	wrdreg s19  }
0x20: {  	s7 =	smov.u32 s1;
	s12 =	simm.s32 $0x100;
	[dreg:$0x9] =	wrdreg s18  }
0x21: {  	s1 =	simm.s32 $0x0;
	s17 =	sadd.s32 s14, s13;
	[dreg:$0x1b] =	wrdreg s24  }
0x22: {  	s20 =	sadd.s32 s14, s6;
	s23 =	sadd.s32 $0x2A000, s4;
	[dreg:$0x14] =	wrdreg s17  }
0x23: {  	s4 =	sadd.s32 $0x2A200, s4;
	s25 =	sadd.s32 $0x200, s10;
	[dreg:$0x16] =	wrdreg s20  }
0x24: {  	s9 =	sadd.s32 $0x138000, s22;
	s10 =	simm.s32 $0x11;
	[dreg:$0x18] =	wrdreg s23  }
0x25: {  	s14 =	simm.s32 $0x200;
	s18 =	simm.s32 $0x80;
	[dreg:$0x19] =	wrdreg s4  }
0x26: {  	s13 =	simm.s32 $0x40;
	[dreg:$0x1c] =	wrdreg s25;
	s20 =	simm.s32 $0x280  }
0x27: {  	v0 =	vimm.f32 $0.0e+00;
	s17 =	simm.s32 $0xA;
	[dreg:$0x1e] =	wrdreg s9;
	s25 =	simm.s32 $0xF  }
.LBB2_1:
0x28: {  	[dreg:$0x1f] =	wrdreg s1;
	s0 =	simm.s32 $0x0;
	s5 =	simm.s32 $0x200  }
.LBB2_2:
0x29: {  	p2 =	sne.s32 s5, $0xCE00;
	[tilespmem:s0+$0x8470] =	vst v0  }
0x2a: {  	[tilespmem:s0+$0x8400] =	vst v0  }
0x2b: {  	[tilespmem:s0+$0x8410] =	vst v0  }
.Ltmp0:
0x2c: {  	[tilespmem:s0+$0x8420] =	vst v0;
	(pc) =	sbr.rel @p2 .LBB2_2-.Ltmp0, $4  }
0x2d: {  	[tilespmem:s0+$0x8430] =	vst v0  }
0x2e: {  	[tilespmem:s0+$0x8440] =	vst v0  }
0x2f: {  	[tilespmem:s0+$0x8450] =	vst v0  }
0x30: {  	[tilespmem:s0+$0x8460] =	vst v0;
	s0 =	sshra.s32 s5, $0x2;
	s5 =	sadd.s32 $0x200, s5  }
0x31: {  	[tilespmem:s0+$0x8470] =	vst v0  }
0x32: {  	[tilespmem:s0+$0x8400] =	vst v0  }
0x33: {  	[tilespmem:s0+$0x8410] =	vst v0  }
0x34: {  	[tilespmem:s0+$0x8420] =	vst v0  }
0x35: {  	[tilespmem:s0+$0x8430] =	vst v0  }
0x36: {  	[tilespmem:s0+$0x8440] =	vst v0  }
0x37: {  	[tilespmem:s0+$0x8450] =	vst v0  }
0x38: {  	[tilespmem:s0+$0x8460] =	vst v0;
	s5 =	simm.s32 $0x8400  }
0x39: {  	[spmem:s31] =	stream.linear.scatter [tilespmem:s5], [sflag:$0x11], $0x3400, $0x38;
	[tilespmem:$0x1F080] =	vst v63  }
0x3a: {  	_ =	swait.ge [sflag:s10], $0x3400  }
0x3b: {  	[sflag:s10] =	ssyncset.done $0x0  }
0x3c: {  	s24 =	rddreg [dreg:$0xb];
	[sflag:s10] =	ssyncadd.s32 $0xFFFFCC00  }
0x3d: {  	[spmem:s24] =	stream.linear.scatter [tilespmem:s5], [sflag:$0x11], $0x3400, $0x38;
	[tilespmem:$0x1F080] =	vst v63  }
0x3e: {  	_ =	swait.ge [sflag:s10], $0x3400  }
0x3f: {  	[sflag:s10] =	ssyncset.done $0x0  }
0x40: {  	s26 =	rddreg [dreg:$0xc];
	[sflag:s10] =	ssyncadd.s32 $0xFFFFCC00  }
0x41: {  	[spmem:s26] =	stream.linear.scatter [tilespmem:s5], [sflag:$0x11], $0x3400, $0x38;
	[tilespmem:$0x1F080] =	vst v63  }
0x42: {  	_ =	swait.ge [sflag:s10], $0x3400  }
0x43: {  	[sflag:s10] =	ssyncset.done $0x0  }
0x44: {  	s1 =	rddreg [dreg:$0xd];
	[sflag:s10] =	ssyncadd.s32 $0xFFFFCC00  }
0x45: {  	[spmem:s1] =	stream.linear.scatter [tilespmem:s5], [sflag:$0x11], $0x3400, $0x38;
	[tilespmem:$0x1F080] =	vst v63  }
0x46: {  	_ =	swait.ge [sflag:s10], $0x3400  }
0x47: {  	[sflag:s10] =	ssyncset.done $0x0  }
0x48: {  	s4 =	rddreg [dreg:$0xe];
	[sflag:s10] =	ssyncadd.s32 $0xFFFFCC00  }
0x49: {  	[spmem:s4] =	stream.linear.scatter [tilespmem:s5], [sflag:$0x11], $0x3400, $0x38;
	[tilespmem:$0x1F080] =	vst v63  }
0x4a: {  	_ =	swait.ge [sflag:s10], $0x3400  }
0x4b: {  	[sflag:s10] =	ssyncset.done $0x0  }
0x4c: {  	s6 =	rddreg [dreg:$0x1d];
	[sflag:s10] =	ssyncadd.s32 $0xFFFFCC00  }
0x4d: {  	[spmem:s6] =	stream.linear.scatter [tilespmem:s5], [sflag:$0x11], $0x3400, $0x38;
	[tilespmem:$0x1F080] =	vst v63  }
0x4e: {  	_ =	swait.ge [sflag:s10], $0x3400  }
0x4f: {  	[sflag:s10] =	ssyncset.done $0x0  }
0x50: {  	s0 =	simm.s32 @!p0 $0x8400;
	[sflag:s10] =	ssyncadd.s32 $0xFFFFCC00  }
0x51: {  	[spmem:s9] =	stream.linear.scatter @!p0 [tilespmem:s0], [sflag:$0x11], $0x800, $0x38;
	[tilespmem:$0x1F080] =	vst v63  }
0x52: {  	s0 =	simm.s32 @!p0 $0x11  }
0x53: {  	_ =	swait.ge @!p0 [sflag:s0], $0x800  }
0x54: {  	[sflag:s0] =	ssyncset.done @!p0 $0x0  }
0x55: {  	[sflag:s0] =	ssyncadd.s32 @!p0 $0xFFFFF800  }
0x56: {  	[bflag:$0x0] =	sbarrier.arrive $0xFFFF  }
0x57: {  	s8 =	simm.s32 $0x0;
	s9 =	rddreg [dreg:$0xf]  }
0x58: {  	[tilespmem:s8], [sflag:$0x9] =	stream.linear.gather [hbm4b:s9+s8], $0x80, $0x38;
	[tilespmem:$0x1F080] =	vst v63  }
0x59: {  	s10 =	rddreg [dreg:$0x10]  }
0x5a: {  	[tilespmem:s14], [sflag:$0xD] =	stream.linear.gather [hbm4b:s10+s8], $0x80, $0x38;
	[tilespmem:$0x1F080] =	vst v63  }
0x5b: {  	s16 =	rddreg [dreg:$0x11]  }
0x5c: {  	[tilespmem:s18], [sflag:$0xA] =	stream.linear.gather [hbm4b:s16+s8], $0x80, $0x38;
	[tilespmem:$0x1F080] =	vst v63  }
0x5d: {  	s19 =	rddreg [dreg:$0x12]  }
0x5e: {  	[tilespmem:s20], [sflag:$0xE] =	stream.linear.gather [hbm4b:s19+s8], $0x80, $0x38;
	[tilespmem:$0x1F080] =	vst v63  }
0x5f: {  	s21 =	rddreg [dreg:$0x14]  }
0x60: {  	[tilespmem:s12], [sflag:$0xB] =	stream.linear.gather [hbm4b:s21+s8], $0x80, $0x38;
	[tilespmem:$0x1F080] =	vst v63  }
0x61: {  	s1 =	simm.s32 $0x300;
	s23 =	rddreg [dreg:$0x15]  }
0x62: {  	[tilespmem:s1], [sflag:$0xF] =	stream.linear.gather [hbm4b:s23+s8], $0x80, $0x38;
	[tilespmem:$0x1F080] =	vst v63  }
0x63: {  	s24 =	rddreg [dreg:$0x16];
	s23 =	simm.s32 $0x180  }
0x64: {  	[tilespmem:s23], [sflag:$0xC] =	stream.linear.gather [hbm4b:s24+s8], $0x80, $0x38;
	[tilespmem:$0x1F080] =	vst v63  }
0x65: {  	s26 =	rddreg [dreg:$0x17];
	s9 =	simm.s32 $0x380  }
0x66: {  	[tilespmem:s9], [sflag:$0x10] =	stream.linear.gather [hbm4b:s26+s8], $0x80, $0x38;
	[tilespmem:$0x1F080] =	vst v63  }
0x67: {  	_ =	swait.ge [sflag:s15], $0x80  }
0x68: {  	[sflag:s15] =	ssyncset.done $0x0  }
0x69: {  	s10 =	simm.s32 $0x400;
	[sflag:s15] =	ssyncadd.s32 $0xFFFFFF80  }
0x6a: {  	[tilespmem:s10], [sflag:$0x1] =	stream.indirect.gather [hbm4b:s2+s13], $0x80, s8, s13, $0xb8;
	[tilespmem:$0x1F080] =	vst v63  }
0x6b: {  	_ =	swait.ge [sflag:s17], $0x80  }
0x6c: {  	[sflag:s17] =	ssyncset.done $0x0  }
0x6d: {  	s6 =	simm.s32 $0x2400;
	s19 =	simm.s32 $0xB;
	[sflag:s17] =	ssyncadd.s32 $0xFFFFFF80  }
0x6e: {  	[tilespmem:s6], [sflag:$0x2] =	stream.indirect.gather [hbm4b:s2+s13], $0x80, s18, s13, $0xb8;
	[tilespmem:$0x1F080] =	vst v63  }
0x6f: {  	_ =	swait.ge [sflag:s19], $0x80  }
0x70: {  	[sflag:s19] =	ssyncset.done $0x0  }
0x71: {  	s31 =	simm.s32 $0xC;
	s21 =	simm.s32 $0x4400;
	[sflag:s19] =	ssyncadd.s32 $0xFFFFFF80  }
0x72: {  	[tilespmem:s21], [sflag:$0x3] =	stream.indirect.gather [hbm4b:s2+s13], $0x80, s12, s13, $0xb8;
	[tilespmem:$0x1F080] =	vst v63  }
0x73: {  	_ =	swait.ge [sflag:s31], $0x80  }
0x74: {  	[sflag:s31] =	ssyncset.done $0x0  }
0x75: {  	s16 =	simm.s32 $0x6400;
	s24 =	simm.s32 $0x1;
	[sflag:s31] =	ssyncadd.s32 $0xFFFFFF80  }
0x76: {  	[tilespmem:s16], [sflag:$0x4] =	stream.indirect.gather [hbm4b:s2+s13], $0x80, s23, s13, $0xb8;
	[tilespmem:$0x1F080] =	vst v63  }
0x77: {  	_ =	swait.ge [sflag:s24], $0x2000  }
0x78: {  	[sflag:s24] =	ssyncset.done $0x0  }
0x79: {  	s26 =	simm.s32 $0xD;
	[sflag:s24] =	ssyncadd.s32 $0xFFFFE000  }
0x7a: {  	_ =	swait.ge [sflag:s26], $0x80  }
0x7b: {  	[sflag:s26] =	ssyncset.done $0x0;
	s8 =	rddreg [dreg:$0x1c]  }
0x7c: {  	[sflag:s26] =	ssyncadd.s32 $0xFFFFFF80;
	s0 =	sshrl.u32 s8, $0x3  }
0x7d: {  	[spmem:s22] =	stream.indirect.scatter.add.f32 [tilespmem:s10], [sflag:$0x5], $0x80, s14, s13, $0xb8;
	[tilespmem:$0x1F080] =	vst v63  }
0x7e: {  	s4 =	sadd.s32 s11, s0  }
0x7f: {  	[tilespmem:s3], [sflag:$0x9] =	stream.linear.gather [hbm4b:s4+s3], $0x80, $0x38;
	[tilespmem:$0x1F080] =	vst v63  }
0x80: {  	s4 =	simm.s32 $0x2  }
0x81: {  	_ =	swait.ge [sflag:s4], $0x2000  }
0x82: {  	[sflag:s4] =	ssyncset.done $0x0  }
0x83: {  	[sflag:s4] =	ssyncadd.s32 $0xFFFFE000;
	s4 =	simm.s32 $0xE  }
0x84: {  	_ =	swait.ge [sflag:s4], $0x80  }
0x85: {  	[sflag:s4] =	ssyncset.done $0x0  }
0x86: {  	s5 =	rddreg [dreg:$0x7];
	[sflag:s4] =	ssyncadd.s32 $0xFFFFFF80  }
0x87: {  	[spmem:s22] =	stream.indirect.scatter.add.f32 [tilespmem:s6], [sflag:$0x6], $0x80, s20, s13, $0xb8;
	[tilespmem:$0x1F080] =	vst v63  }
0x88: {  	s5 =	sadd.s32 $0x0, s5  }
0x89: {  	[tilespmem:s18], [sflag:$0xA] =	stream.linear.gather [hbm4b:s5+s3], $0x80, $0x38;
	[tilespmem:$0x1F080] =	vst v63  }
0x8a: {  	s5 =	simm.s32 $0x3  }
0x8b: {  	_ =	swait.ge [sflag:s5], $0x2000  }
0x8c: {  	[sflag:s5] =	ssyncset.done $0x0  }
0x8d: {  	[sflag:s5] =	ssyncadd.s32 $0xFFFFE000  }
0x8e: {  	_ =	swait.ge [sflag:s25], $0x80  }
0x8f: {  	[sflag:s25] =	ssyncset.done $0x0  }
0x90: {  	s4 =	rddreg [dreg:$0x5];
	[sflag:s25] =	ssyncadd.s32 $0xFFFFFF80  }
0x91: {  	[spmem:s22] =	stream.indirect.scatter.add.f32 [tilespmem:s21], [sflag:$0x7], $0x80, s1, s13, $0xb8;
	[tilespmem:$0x1F080] =	vst v63  }
0x92: {  	s5 =	sadd.s32 $0x0, s4  }
0x93: {  	[tilespmem:s12], [sflag:$0xB] =	stream.linear.gather [hbm4b:s5+s3], $0x80, $0x38;
	[tilespmem:$0x1F080] =	vst v63  }
0x94: {  	_ =	swait.ge [sflag:s28], $0x2000  }
0x95: {  	[sflag:s28] =	ssyncset.done $0x0  }
0x96: {  	[sflag:s28] =	ssyncadd.s32 $0xFFFFE000  }
0x97: {  	_ =	swait.ge [sflag:s29], $0x80  }
0x98: {  	[sflag:s29] =	ssyncset.done $0x0  }
0x99: {  	s4 =	rddreg [dreg:$0x9];
	[sflag:s29] =	ssyncadd.s32 $0xFFFFFF80  }
0x9a: {  	[spmem:s22] =	stream.indirect.scatter.add.f32 [tilespmem:s16], [sflag:$0x8], $0x80, s9, s13, $0xb8;
	[tilespmem:$0x1F080] =	vst v63  }
0x9b: {  	s5 =	sadd.s32 $0x0, s4  }
0x9c: {  	[tilespmem:s23], [sflag:$0xC] =	stream.linear.gather [hbm4b:s5+s3], $0x80, $0x38;
	[tilespmem:$0x1F080] =	vst v63  }
0x9d: {  	_ =	swait.ge [sflag:s30], $0x2000  }
0x9e: {  	[sflag:s30] =	ssyncset.done $0x0  }
0x9f: {  	[sflag:s30] =	ssyncadd.s32 $0xFFFFE000  }
0xa0: {  	_ =	swait.ge [sflag:s15], $0x80  }
0xa1: {  	[sflag:s15] =	ssyncset.done $0x0  }
0xa2: {  	[sflag:s15] =	ssyncadd.s32 $0xFFFFFF80  }
0xa3: {  	[tilespmem:s10], [sflag:$0x1] =	stream.indirect.gather [hbm4b:s2+s13], $0x80, s3, s13, $0xb8;
	[tilespmem:$0x1F080] =	vst v63  }
0xa4: {  	s0 =	sadd.s32 s7, s0;
	s4 =	simm.s32 $0x6  }
0xa5: {  	[tilespmem:s14], [sflag:$0xD] =	stream.linear.gather [hbm4b:s0+s3], $0x80, $0x38;
	[tilespmem:$0x1F080] =	vst v63  }
0xa6: {  	_ =	swait.ge [sflag:s4], $0x2000  }
0xa7: {  	[sflag:s4] =	ssyncset.done $0x0  }
0xa8: {  	[sflag:s4] =	ssyncadd.s32 $0xFFFFE000  }
0xa9: {  	_ =	swait.ge [sflag:s17], $0x80  }
0xaa: {  	[sflag:s17] =	ssyncset.done $0x0  }
0xab: {  	s15 =	rddreg [dreg:$0x6];
	[sflag:s17] =	ssyncadd.s32 $0xFFFFFF80  }
0xac: {  	[tilespmem:s6], [sflag:$0x2] =	stream.indirect.gather [hbm4b:s2+s13], $0x80, s18, s13, $0xb8;
	[tilespmem:$0x1F080] =	vst v63  }
0xad: {  	s0 =	sadd.s32 $0x0, s15;
	s6 =	simm.s32 $0x7  }
0xae: {  	[tilespmem:s20], [sflag:$0xE] =	stream.linear.gather [hbm4b:s0+s3], $0x80, $0x38;
	[tilespmem:$0x1F080] =	vst v63  }
0xaf: {  	_ =	swait.ge [sflag:s6], $0x2000  }
0xb0: {  	[sflag:s6] =	ssyncset.done $0x0  }
0xb1: {  	[sflag:s6] =	ssyncadd.s32 $0xFFFFE000  }
0xb2: {  	_ =	swait.ge [sflag:s19], $0x80  }
0xb3: {  	[sflag:s19] =	ssyncset.done $0x0  }
0xb4: {  	s20 =	rddreg [dreg:$0x4];
	[sflag:s19] =	ssyncadd.s32 $0xFFFFFF80  }
0xb5: {  	[tilespmem:s21], [sflag:$0x3] =	stream.indirect.gather [hbm4b:s2+s13], $0x80, s12, s13, $0xb8;
	[tilespmem:$0x1F080] =	vst v63  }
0xb6: {  	s0 =	sadd.s32 $0x0, s20  }
0xb7: {  	[tilespmem:s1], [sflag:$0xF] =	stream.linear.gather [hbm4b:s0+s3], $0x80, $0x38;
	[tilespmem:$0x1F080] =	vst v63  }
0xb8: {  	s1 =	simm.s32 $0x8  }
0xb9: {  	_ =	swait.ge [sflag:s1], $0x2000  }
0xba: {  	[sflag:s1] =	ssyncset.done $0x0  }
0xbb: {  	[sflag:s1] =	ssyncadd.s32 $0xFFFFE000  }
0xbc: {  	_ =	swait.ge [sflag:s31], $0x80  }
0xbd: {  	[sflag:s31] =	ssyncset.done $0x0  }
0xbe: {  	s21 =	rddreg [dreg:$0x8];
	[sflag:s31] =	ssyncadd.s32 $0xFFFFFF80  }
0xbf: {  	[tilespmem:s16], [sflag:$0x4] =	stream.indirect.gather [hbm4b:s2+s13], $0x80, s23, s13, $0xb8;
	[tilespmem:$0x1F080] =	vst v63  }
0xc0: {  	s0 =	sadd.s32 $0x0, s21  }
0xc1: {  	[tilespmem:s9], [sflag:$0x10] =	stream.linear.gather [hbm4b:s0+s3], $0x80, $0x38;
	[tilespmem:$0x1F080] =	vst v63  }
0xc2: {  	_ =	swait.ge [sflag:s24], $0x2000  }
0xc3: {  	[sflag:s24] =	ssyncset.done $0x0  }
0xc4: {  	[sflag:s24] =	ssyncadd.s32 $0xFFFFE000  }
0xc5: {  	s8 =	sadd.s32 $0x200, s8;
	_ =	swait.ge [sflag:s26], $0x80  }
0xc6: {  	s5 =	simm.s32 $0x80;
	s31 =	simm.s32 $0x40;
	[sflag:s26] =	ssyncset.done $0x0  }
0xc7: {  	s0 =	sshrl.u32 s8, $0x3;
	s8 =	sadd.s32 $0x200, s8;
	[sflag:s26] =	ssyncadd.s32 $0xFFFFFF80  }
.LBB2_4:
0xc8: {  	[spmem:s22] =	stream.indirect.scatter.add.f32 [tilespmem:s10], [sflag:$0x5], $0x80, s14, s13, $0xb8;
	[tilespmem:$0x1F080] =	vst v63  }
0xc9: {  	s9 =	sadd.s32 s11, s0;
	s12 =	simm.s32 $0x2  }
0xca: {  	[tilespmem:s3], [sflag:$0x9] =	stream.linear.gather [hbm4b:s9+s3], $0x80, $0x38;
	[tilespmem:$0x1F080] =	vst v63  }
0xcb: {  	_ =	swait.ge [sflag:s12], $0x2000  }
0xcc: {  	[sflag:s12] =	ssyncset.done $0x0  }
0xcd: {  	s16 =	simm.s32 $0xE;
	[sflag:s12] =	ssyncadd.s32 $0xFFFFE000  }
0xce: {  	_ =	swait.ge [sflag:s16], $0x80  }
0xcf: {  	s23 =	simm.s32 $0x280;
	s20 =	simm.s32 $0x80;
	[sflag:s16] =	ssyncset.done $0x0  }
0xd0: {  	s24 =	simm.s32 $0x2400;
	s26 =	rddreg [dreg:$0x7];
	[sflag:s16] =	ssyncadd.s32 $0xFFFFFF80  }
0xd1: {  	[spmem:s22] =	stream.indirect.scatter.add.f32 [tilespmem:s24], [sflag:$0x6], $0x80, s23, s13, $0xb8;
	[tilespmem:$0x1F080] =	vst v63  }
0xd2: {  	s14 =	smov.u32 s11;
	s21 =	simm.s32 $0x3;
	s11 =	sadd.s32 s31, s26  }
0xd3: {  	[tilespmem:s20], [sflag:$0xA] =	stream.linear.gather [hbm4b:s11+s3], $0x80, $0x38;
	[tilespmem:$0x1F080] =	vst v63  }
0xd4: {  	_ =	swait.ge [sflag:s21], $0x2000  }
0xd5: {  	[sflag:s21] =	ssyncset.done $0x0  }
0xd6: {  	[sflag:s21] =	ssyncadd.s32 $0xFFFFE000  }
0xd7: {  	_ =	swait.ge [sflag:s25], $0x80  }
0xd8: {  	s16 =	simm.s32 $0x300;
	[sflag:s25] =	ssyncset.done $0x0  }
0xd9: {  	s21 =	simm.s32 $0x4400;
	s23 =	rddreg [dreg:$0x5];
	[sflag:s25] =	ssyncadd.s32 $0xFFFFFF80  }
0xda: {  	[spmem:s22] =	stream.indirect.scatter.add.f32 [tilespmem:s21], [sflag:$0x7], $0x80, s16, s13, $0xb8;
	[tilespmem:$0x1F080] =	vst v63  }
0xdb: {  	s12 =	simm.s32 $0x100;
	s11 =	sadd.s32 s31, s23  }
0xdc: {  	[tilespmem:s12], [sflag:$0xB] =	stream.linear.gather [hbm4b:s11+s3], $0x80, $0x38;
	[tilespmem:$0x1F080] =	vst v63  }
0xdd: {  	_ =	swait.ge [sflag:s28], $0x2000  }
0xde: {  	[sflag:s28] =	ssyncset.done $0x0  }
0xdf: {  	[sflag:s28] =	ssyncadd.s32 $0xFFFFE000  }
0xe0: {  	_ =	swait.ge [sflag:s29], $0x80  }
0xe1: {  	s15 =	simm.s32 $0x380;
	[sflag:s29] =	ssyncset.done $0x0  }
0xe2: {  	s23 =	simm.s32 $0x6400;
	s26 =	rddreg [dreg:$0x9];
	[sflag:s29] =	ssyncadd.s32 $0xFFFFFF80  }
0xe3: {  	[spmem:s22] =	stream.indirect.scatter.add.f32 [tilespmem:s23], [sflag:$0x8], $0x80, s15, s13, $0xb8;
	[tilespmem:$0x1F080] =	vst v63  }
0xe4: {  	s11 =	sadd.s32 s31, s26;
	s26 =	simm.s32 $0x180  }
0xe5: {  	[tilespmem:s26], [sflag:$0xC] =	stream.linear.gather [hbm4b:s11+s3], $0x80, $0x38;
	[tilespmem:$0x1F080] =	vst v63  }
0xe6: {  	_ =	swait.ge [sflag:s30], $0x2000  }
0xe7: {  	[sflag:s30] =	ssyncset.done $0x0  }
0xe8: {  	s15 =	simm.s32 $0x9;
	[sflag:s30] =	ssyncadd.s32 $0xFFFFE000  }
0xe9: {  	_ =	swait.ge [sflag:s15], $0x80  }
0xea: {  	[sflag:s15] =	ssyncset.done $0x0  }
0xeb: {  	s17 =	simm.s32 $0x400;
	[sflag:s15] =	ssyncadd.s32 $0xFFFFFF80  }
0xec: {  	[tilespmem:s17], [sflag:$0x1] =	stream.indirect.gather [hbm4b:s2+s13], $0x80, s3, s13, $0xb8;
	[tilespmem:$0x1F080] =	vst v63  }
0xed: {  	s18 =	simm.s32 $0x200;
	s11 =	sadd.s32 s7, s0  }
0xee: {  	[tilespmem:s18], [sflag:$0xD] =	stream.linear.gather [hbm4b:s11+s3], $0x80, $0x38;
	[tilespmem:$0x1F080] =	vst v63  }
0xef: {  	_ =	swait.ge [sflag:s4], $0x2000  }
0xf0: {  	[sflag:s4] =	ssyncset.done $0x0  }
0xf1: {  	s17 =	simm.s32 $0xA;
	[sflag:s4] =	ssyncadd.s32 $0xFFFFE000  }
0xf2: {  	s10 =	sshrl.u32 s8, $0x3;
	_ =	swait.ge [sflag:s17], $0x80  }
0xf3: {  	s0 =	smov.u32 s10;
	[sflag:s17] =	ssyncset.done $0x0  }
0xf4: {  	s18 =	simm.s32 $0x80;
	s10 =	rddreg [dreg:$0x6];
	[sflag:s17] =	ssyncadd.s32 $0xFFFFFF80  }
0xf5: {  	[tilespmem:s24], [sflag:$0x2] =	stream.indirect.gather [hbm4b:s2+s13], $0x80, s18, s13, $0xb8;
	[tilespmem:$0x1F080] =	vst v63  }
0xf6: {  	s20 =	simm.s32 $0x280;
	s10 =	sadd.s32 s31, s10  }
0xf7: {  	[tilespmem:s20], [sflag:$0xE] =	stream.linear.gather [hbm4b:s10+s3], $0x80, $0x38;
	[tilespmem:$0x1F080] =	vst v63  }
0xf8: {  	_ =	swait.ge [sflag:s6], $0x2000  }
0xf9: {  	[sflag:s6] =	ssyncset.done $0x0  }
0xfa: {  	[sflag:s6] =	ssyncadd.s32 $0xFFFFE000  }
0xfb: {  	_ =	swait.ge [sflag:s19], $0x80  }
0xfc: {  	[sflag:s19] =	ssyncset.done $0x0  }
0xfd: {  	s24 =	rddreg [dreg:$0x4];
	[sflag:s19] =	ssyncadd.s32 $0xFFFFFF80  }
0xfe: {  	[tilespmem:s21], [sflag:$0x3] =	stream.indirect.gather [hbm4b:s2+s13], $0x80, s12, s13, $0xb8;
	[tilespmem:$0x1F080] =	vst v63  }
0xff: {  	s10 =	sadd.s32 s31, s24  }
0x100: {  	[tilespmem:s16], [sflag:$0xF] =	stream.linear.gather [hbm4b:s10+s3], $0x80, $0x38;
	[tilespmem:$0x1F080] =	vst v63  }
0x101: {  	_ =	swait.ge [sflag:s1], $0x2000  }
0x102: {  	[sflag:s1] =	ssyncset.done $0x0  }
0x103: {  	s10 =	simm.s32 $0xC;
	[sflag:s1] =	ssyncadd.s32 $0xFFFFE000  }
0x104: {  	_ =	swait.ge [sflag:s10], $0x80  }
0x105: {  	s9 =	smov.u32 s5;
	[sflag:s10] =	ssyncset.done $0x0  }
0x106: {  	s24 =	simm.s32 $0x1;
	s21 =	rddreg [dreg:$0x8];
	[sflag:s10] =	ssyncadd.s32 $0xFFFFFF80  }
0x107: {  	[tilespmem:s23], [sflag:$0x4] =	stream.indirect.gather [hbm4b:s2+s13], $0x80, s26, s13, $0xb8;
	[tilespmem:$0x1F080] =	vst v63  }
0x108: {  	s10 =	sadd.s32 s31, s21;
	s31 =	smov.u32 s9;
	s9 =	simm.s32 $0x380  }
0x109: {  	[tilespmem:s9], [sflag:$0x10] =	stream.linear.gather [hbm4b:s10+s3], $0x80, $0x38;
	[tilespmem:$0x1F080] =	vst v63  }
0x10a: {  	p2 =	sne.s32 s5, $0x940;
	_ =	swait.ge [sflag:s24], $0x2000  }
.Ltmp1:
0x10b: {  	[sflag:s24] =	ssyncset.done $0x0;
	(pc) =	sbr.rel @p2 .LBB2_4-.Ltmp1, $4  }
0x10c: {  	s26 =	simm.s32 $0xD;
	[sflag:s24] =	ssyncadd.s32 $0xFFFFE000  }
0x10d: {  	s8 =	sadd.s32 $0x200, s8;
	_ =	swait.ge [sflag:s26], $0x80  }
0x10e: {  	s5 =	sadd.s32 $0x40, s5;
	s11 =	smov.u32 s14;
	[sflag:s26] =	ssyncset.done $0x0  }
0x10f: {  	s14 =	simm.s32 $0x200;
	s10 =	simm.s32 $0x400;
	[sflag:s26] =	ssyncadd.s32 $0xFFFFFF80  }
0x110: {  	[spmem:s22] =	stream.indirect.scatter.add.f32 [tilespmem:s10], [sflag:$0x5], $0x80, s14, s13, $0xb8;
	[tilespmem:$0x1F080] =	vst v63  }
0x111: {  	s5 =	sadd.s32 s11, s0;
	s26 =	simm.s32 $0x2  }
0x112: {  	[tilespmem:s3], [sflag:$0x9] =	stream.linear.gather [hbm4b:s5+s3], $0x80, $0x38;
	[tilespmem:$0x1F080] =	vst v63  }
0x113: {  	_ =	swait.ge [sflag:s26], $0x2000  }
0x114: {  	[sflag:s26] =	ssyncset.done $0x0  }
0x115: {  	s16 =	simm.s32 $0xE;
	[sflag:s26] =	ssyncadd.s32 $0xFFFFE000  }
0x116: {  	_ =	swait.ge [sflag:s16], $0x80  }
0x117: {  	[sflag:s16] =	ssyncset.done $0x0  }
0x118: {  	s8 =	simm.s32 $0x2400;
	s23 =	rddreg [dreg:$0x7];
	[sflag:s16] =	ssyncadd.s32 $0xFFFFFF80  }
0x119: {  	[spmem:s22] =	stream.indirect.scatter.add.f32 [tilespmem:s8], [sflag:$0x6], $0x80, s20, s13, $0xb8;
	[tilespmem:$0x1F080] =	vst v63  }
0x11a: {  	s5 =	sadd.s32 s31, s23;
	s8 =	simm.s32 $0x3  }
0x11b: {  	[tilespmem:s18], [sflag:$0xA] =	stream.linear.gather [hbm4b:s5+s3], $0x80, $0x38;
	[tilespmem:$0x1F080] =	vst v63  }
0x11c: {  	_ =	swait.ge [sflag:s8], $0x2000  }
0x11d: {  	[sflag:s8] =	ssyncset.done $0x0  }
0x11e: {  	[sflag:s8] =	ssyncadd.s32 $0xFFFFE000  }
0x11f: {  	_ =	swait.ge [sflag:s25], $0x80  }
0x120: {  	s21 =	simm.s32 $0x300;
	[sflag:s25] =	ssyncset.done $0x0  }
0x121: {  	s23 =	simm.s32 $0x4400;
	s24 =	rddreg [dreg:$0x5];
	[sflag:s25] =	ssyncadd.s32 $0xFFFFFF80  }
0x122: {  	[spmem:s22] =	stream.indirect.scatter.add.f32 [tilespmem:s23], [sflag:$0x7], $0x80, s21, s13, $0xb8;
	[tilespmem:$0x1F080] =	vst v63  }
0x123: {  	s5 =	sadd.s32 s31, s24  }
0x124: {  	[tilespmem:s12], [sflag:$0xB] =	stream.linear.gather [hbm4b:s5+s3], $0x80, $0x38;
	[tilespmem:$0x1F080] =	vst v63  }
0x125: {  	_ =	swait.ge [sflag:s28], $0x2000  }
0x126: {  	[sflag:s28] =	ssyncset.done $0x0  }
0x127: {  	[sflag:s28] =	ssyncadd.s32 $0xFFFFE000  }
0x128: {  	_ =	swait.ge [sflag:s29], $0x80  }
0x129: {  	[sflag:s29] =	ssyncset.done $0x0  }
0x12a: {  	s21 =	simm.s32 $0x6400;
	s24 =	rddreg [dreg:$0x9];
	[sflag:s29] =	ssyncadd.s32 $0xFFFFFF80  }
0x12b: {  	[spmem:s22] =	stream.indirect.scatter.add.f32 [tilespmem:s21], [sflag:$0x8], $0x80, s9, s13, $0xb8;
	[tilespmem:$0x1F080] =	vst v63  }
0x12c: {  	s5 =	sadd.s32 s31, s24;
	s24 =	simm.s32 $0x180  }
0x12d: {  	[tilespmem:s24], [sflag:$0xC] =	stream.linear.gather [hbm4b:s5+s3], $0x80, $0x38;
	[tilespmem:$0x1F080] =	vst v63  }
0x12e: {  	_ =	swait.ge [sflag:s30], $0x2000  }
0x12f: {  	[sflag:s30] =	ssyncset.done $0x0  }
0x130: {  	[sflag:s30] =	ssyncadd.s32 $0xFFFFE000  }
0x131: {  	_ =	swait.ge [sflag:s15], $0x80  }
0x132: {  	[sflag:s15] =	ssyncset.done $0x0  }
0x133: {  	[sflag:s15] =	ssyncadd.s32 $0xFFFFFF80  }
0x134: {  	[tilespmem:s10], [sflag:$0x1] =	stream.indirect.gather [hbm4b:s2+s13], $0x80, s3, s13, $0xb8;
	[tilespmem:$0x1F080] =	vst v63  }
0x135: {  	s5 =	sadd.s32 s7, s0  }
0x136: {  	[tilespmem:s14], [sflag:$0xD] =	stream.linear.gather [hbm4b:s5+s3], $0x80, $0x38;
	[tilespmem:$0x1F080] =	vst v63  }
0x137: {  	_ =	swait.ge [sflag:s4], $0x2000  }
0x138: {  	[sflag:s4] =	ssyncset.done $0x0  }
0x139: {  	[sflag:s4] =	ssyncadd.s32 $0xFFFFE000  }
0x13a: {  	_ =	swait.ge [sflag:s17], $0x80  }
0x13b: {  	[sflag:s17] =	ssyncset.done $0x0  }
0x13c: {  	s5 =	simm.s32 $0x2400;
	s0 =	rddreg [dreg:$0x6];
	[sflag:s17] =	ssyncadd.s32 $0xFFFFFF80  }
0x13d: {  	[tilespmem:s5], [sflag:$0x2] =	stream.indirect.gather [hbm4b:s2+s13], $0x80, s18, s13, $0xb8;
	[tilespmem:$0x1F080] =	vst v63  }
0x13e: {  	s0 =	sadd.s32 s31, s0  }
0x13f: {  	[tilespmem:s20], [sflag:$0xE] =	stream.linear.gather [hbm4b:s0+s3], $0x80, $0x38;
	[tilespmem:$0x1F080] =	vst v63  }
0x140: {  	_ =	swait.ge [sflag:s6], $0x2000  }
0x141: {  	[sflag:s6] =	ssyncset.done $0x0  }
0x142: {  	[sflag:s6] =	ssyncadd.s32 $0xFFFFE000  }
0x143: {  	_ =	swait.ge [sflag:s19], $0x80  }
0x144: {  	[sflag:s19] =	ssyncset.done $0x0  }
0x145: {  	s5 =	rddreg [dreg:$0x4];
	[sflag:s19] =	ssyncadd.s32 $0xFFFFFF80  }
0x146: {  	[tilespmem:s23], [sflag:$0x3] =	stream.indirect.gather [hbm4b:s2+s13], $0x80, s12, s13, $0xb8;
	[tilespmem:$0x1F080] =	vst v63  }
0x147: {  	s0 =	sadd.s32 s31, s5;
	s19 =	simm.s32 $0x300  }
0x148: {  	[tilespmem:s19], [sflag:$0xF] =	stream.linear.gather [hbm4b:s0+s3], $0x80, $0x38;
	[tilespmem:$0x1F080] =	vst v63  }
0x149: {  	_ =	swait.ge [sflag:s1], $0x2000  }
0x14a: {  	[sflag:s1] =	ssyncset.done $0x0  }
0x14b: {  	s5 =	simm.s32 $0xC;
	[sflag:s1] =	ssyncadd.s32 $0xFFFFE000  }
0x14c: {  	_ =	swait.ge [sflag:s5], $0x80  }
0x14d: {  	[sflag:s5] =	ssyncset.done $0x0  }
0x14e: {  	s0 =	rddreg [dreg:$0x8];
	[sflag:s5] =	ssyncadd.s32 $0xFFFFFF80  }
0x14f: {  	[tilespmem:s21], [sflag:$0x4] =	stream.indirect.gather [hbm4b:s2+s13], $0x80, s24, s13, $0xb8;
	[tilespmem:$0x1F080] =	vst v63  }
0x150: {  	s0 =	sadd.s32 s31, s0;
	s24 =	simm.s32 $0x1  }
0x151: {  	[tilespmem:s9], [sflag:$0x10] =	stream.linear.gather [hbm4b:s0+s3], $0x80, $0x38;
	[tilespmem:$0x1F080] =	vst v63  }
0x152: {  	_ =	swait.ge [sflag:s24], $0x2000  }
0x153: {  	[sflag:s24] =	ssyncset.done $0x0  }
0x154: {  	s5 =	simm.s32 $0xD;
	[sflag:s24] =	ssyncadd.s32 $0xFFFFE000  }
0x155: {  	_ =	swait.ge [sflag:s5], $0x80  }
0x156: {  	[sflag:s5] =	ssyncset.done $0x0  }
0x157: {  	[sflag:s5] =	ssyncadd.s32 $0xFFFFFF80  }
0x158: {  	[spmem:s22] =	stream.indirect.scatter.add.f32 [tilespmem:s10], [sflag:$0x5], $0x80, s14, s13, $0xb8;
	[tilespmem:$0x1F080] =	vst v63  }
0x159: {  	_ =	swait.ge [sflag:s26], $0x2000  }
0x15a: {  	[sflag:s26] =	ssyncset.done $0x0  }
0x15b: {  	[sflag:s26] =	ssyncadd.s32 $0xFFFFE000  }
0x15c: {  	_ =	swait.ge [sflag:s16], $0x80  }
0x15d: {  	[sflag:s16] =	ssyncset.done $0x0  }
0x15e: {  	[sflag:s16] =	ssyncadd.s32 $0xFFFFFF80;
	s16 =	simm.s32 $0x2400  }
0x15f: {  	[spmem:s22] =	stream.indirect.scatter.add.f32 [tilespmem:s16], [sflag:$0x6], $0x80, s20, s13, $0xb8;
	[tilespmem:$0x1F080] =	vst v63  }
0x160: {  	_ =	swait.ge [sflag:s8], $0x2000  }
0x161: {  	[sflag:s8] =	ssyncset.done $0x0  }
0x162: {  	[sflag:s8] =	ssyncadd.s32 $0xFFFFE000  }
0x163: {  	_ =	swait.ge [sflag:s25], $0x80  }
0x164: {  	[sflag:s25] =	ssyncset.done $0x0  }
0x165: {  	[sflag:s25] =	ssyncadd.s32 $0xFFFFFF80  }
0x166: {  	[spmem:s22] =	stream.indirect.scatter.add.f32 [tilespmem:s23], [sflag:$0x7], $0x80, s19, s13, $0xb8;
	[tilespmem:$0x1F080] =	vst v63  }
0x167: {  	_ =	swait.ge [sflag:s28], $0x2000  }
0x168: {  	[sflag:s28] =	ssyncset.done $0x0  }
0x169: {  	[sflag:s28] =	ssyncadd.s32 $0xFFFFE000  }
0x16a: {  	_ =	swait.ge [sflag:s29], $0x80  }
0x16b: {  	[sflag:s29] =	ssyncset.done $0x0  }
0x16c: {  	[sflag:s29] =	ssyncadd.s32 $0xFFFFFF80  }
0x16d: {  	[spmem:s22] =	stream.indirect.scatter.add.f32 [tilespmem:s21], [sflag:$0x8], $0x80, s9, s13, $0xb8;
	[tilespmem:$0x1F080] =	vst v63  }
0x16e: {  	_ =	swait.ge [sflag:s30], $0x2000  }
0x16f: {  	[sflag:s30] =	ssyncset.done $0x0  }
0x170: {  	[sflag:s30] =	ssyncadd.s32 $0xFFFFE000  }
0x171: {  	_ =	swait.ge [sflag:s4], $0x2000  }
0x172: {  	[sflag:s4] =	ssyncset.done $0x0  }
0x173: {  	[sflag:s4] =	ssyncadd.s32 $0xFFFFE000  }
0x174: {  	_ =	swait.ge [sflag:s6], $0x2000  }
0x175: {  	[sflag:s6] =	ssyncset.done $0x0  }
0x176: {  	[sflag:s6] =	ssyncadd.s32 $0xFFFFE000  }
0x177: {  	_ =	swait.ge [sflag:s1], $0x2000  }
0x178: {  	[sflag:s1] =	ssyncset.done $0x0  }
0x179: {  	s0 =	simm.s32 @!p1 $0x0;
	s5 =	rddreg [dreg:$0x18];
	[sflag:s1] =	ssyncadd.s32 $0xFFFFE000  }
0x17a: {  	[tilespmem:s0], [sflag:$0x11] =	stream.linear.gather @!p1 [hbm4b:s5+s0], $0x80, $0x38;
	[tilespmem:$0x1F080] =	vst v63  }
0x17b: {  	s5 =	simm.s32 @!p1 $0x11  }
0x17c: {  	_ =	swait.ge @!p1 [sflag:s5], $0x80  }
0x17d: {  	[sflag:s5] =	ssyncset.done @!p1 $0x0  }
0x17e: {  	s8 =	simm.s32 @!p1 $0x200;
	s9 =	rddreg [dreg:$0x19];
	[sflag:s5] =	ssyncadd.s32 @!p1 $0xFFFFFF80  }
0x17f: {  	[tilespmem:s8], [sflag:$0x11] =	stream.linear.gather @!p1 [hbm4b:s9+s0], $0x80, $0x38;
	[tilespmem:$0x1F080] =	vst v63  }
0x180: {  	_ =	swait.ge @!p1 [sflag:s5], $0x80  }
0x181: {  	[sflag:s5] =	ssyncset.done @!p1 $0x0  }
0x182: {  	s10 =	simm.s32 @!p1 $0x400;
	s9 =	simm.s32 @!p1 $0x40;
	[sflag:s5] =	ssyncadd.s32 @!p1 $0xFFFFFF80  }
0x183: {  	[tilespmem:s10], [sflag:$0x1] =	stream.indirect.gather @!p1 [hbm4b:s2+s9], $0x80, s0, s9, $0xb8;
	[tilespmem:$0x1F080] =	vst v63  }
0x184: {  	s0 =	simm.s32 @!p1 $0x1  }
0x185: {  	_ =	swait.ge @!p1 [sflag:s0], $0x2000  }
0x186: {  	[sflag:s0] =	ssyncset.done @!p1 $0x0  }
0x187: {  	[sflag:s0] =	ssyncadd.s32 @!p1 $0xFFFFE000  }
0x188: {  	[spmem:s22] =	stream.indirect.scatter.add.f32 @!p1 [tilespmem:s10], [sflag:$0x11], $0x80, s8, s9, $0xb8;
	[tilespmem:$0x1F080] =	vst v63  }
0x189: {  	_ =	swait.ge @!p1 [sflag:s5], $0x2000  }
0x18a: {  	[sflag:s5] =	ssyncset.done @!p1 $0x0  }
0x18b: {  	s19 =	stileid.u32;
	[sflag:s5] =	ssyncadd.s32 @!p1 $0xFFFFE000  }
0x18c: {  	s0 =	sshll.u32 s19, $0x6;
	[bflag:$0x0] =	sbarrier.arrive $0xFFFF  }
0x18d: {  	s0 =	sor.u32 $0x1C11, s0;
	s31 =	rddreg [dreg:$0xa]  }
0x18e: {  	s10 =	simm.s32 $0x11;
	s23 =	rddreg [dreg:$0x13];
	s21 =	sshrl.u32 s31, $0x3  }
0x18f: {  	[hbm:s23], [sflag:s0] =	dma.local [spmem:s21], $0x2700  }
0x190: {  	_ =	swait.ge [sflag:s10], $0x2700  }
0x191: {  	[sflag:s10] =	ssyncset.done $0x0;
	s9 =	rddreg [dreg:$0x1e]  }
0x192: {  	s8 =	rddreg [dreg:$0x1a];
	[sflag:s10] =	ssyncadd.s32 $0xFFFFD900;
	s5 =	sshrl.u32 @!p0 s9, $0x3  }
0x193: {  	[hbm:s8], [sflag:s0] =	dma.local @!p0 [spmem:s5], $0x100  }
0x194: {  	s0 =	simm.s32 @!p0 $0x11  }
0x195: {  	_ =	swait.ge @!p0 [sflag:s0], $0x100  }
0x196: {  	s24 =	rddreg [dreg:$0x1f]  }
0x197: {  	s26 =	rddreg [dreg:$0x1b];
	s1 =	sadd.s32 $0x1, s24  }
0x198: {  	p2 =	sne.s32 s1, s26  }
.Ltmp2:
0x199: {  	_ = 	snop;
	(pc) =	sbr.rel @p2 .LBB2_1-.Ltmp2, $3  }
0x19a: {  	_ =	sdelay $0x1  }
0x19b: {  	[sflag:s0] =	ssyncset.done @!p0 $0x0  }
0x19c: {  	[sflag:s0] =	ssyncadd.s32 @!p0 $0xFFFFFF00  }
0x19d: {  	_ =	sfence.sel $0x180000  }
0x19e: {  	[bflag:$0x0] =	sbarrier.arrive $0xFFFF  }
0x19f: {  	_ =	strace $0x9000004A  }
0x1a0: {  	[bflag:$0x2] =	sbarrier.arrive $0xFFFF  }
0x1a1: {  	s0 =	rddreg [dreg:$0x3]  }
0x1a2: {  	s0 =	sadd.s32 @!p0 $0x100000, s0  }
0x1a3: {  	[sflag:s0] =	ssyncadd.tile.s32 @!p0 $0x1;
	_ =	shalt  }
.Lfunc_end2:
_tile_overlayer_lowered:
.L_overlay_start_2:
0x1a4: {  	(tag) =	ssettag $0x2  }
0x1a5: {  	s0 =	rddreg [dreg:$0x0];
	s2 =	stileid.u32  }
0x1a6: {  	s1 =	rddreg [dreg:$0x1];
	p0 =	sne.s32 s2, $0x0  }
0x1a7: {  	s3 =	rddreg [dreg:$0x2];
	[bflag:$0x3] =	sbarrier.arrive $0xFFFF;
	s2 =	simm.s32 @!p0 $0x1C11  }
0x1a8: {  	[timem:s3], [sflag:s2] =	dma.local @!p0 [hbm:s0], s1  }
0x1a9: {  	s0 =	simm.s32 @!p0 $0x11  }
0x1aa: {  	_ =	swait.ge @!p0 [sflag:s0], s1  }
0x1ab: {  	s1 =	ssub.s32 @!p0 $0x0, s1;
	[sflag:s0] =	ssyncset.done @!p0 $0x0  }
0x1ac: {  	[sflag:s0] =	ssyncadd.s32 @!p0 s1  }
0x1ad: {  	[bflag:$0x3] =	sbarrier.arrive $0xFFFF  }
0x1ae: {  	_ =	shalt  }

// kernel: kernel.17.cloned.1.call-start
scs
__scs_entry_jumppad:
0x0: {  	(pc) =	sbr.rel $0x88, $3  }
0x1: {  	(tag) =	ssettag $0x0;
	lr =	simm.s32 $0x1  }
0x2: {  	[smem:$0x3F97] =	sst lr;
	_ =	strace $0xD0000000  }
0x3: {  	_ = 	snop  }
0x4: {  	_ = 	snop  }
0x5: {  	_ = 	snop  }
0x6: {  	_ = 	snop  }
0x7: {  	_ = 	snop  }
__scs_overlays_trampoline_lowered:
0x8: {  	[smem:$0x3FA6] =	sst s0  }
0x9: {  	[smem:$0x3FA7] =	sst s1  }
0xa: {  	[smem:$0x3FA8] =	sst s2  }
0xb: {  	[smem:$0x3FA9] =	sst s3  }
0xc: {  	[smem:$0x3FAA] =	sst s4  }
0xd: {  	[smem:$0x3FAB] =	sst s5  }
0xe: {  	[smem:$0x3FAC] =	sst s6  }
0xf: {  	[smem:$0x3FAD] =	sst s7  }
0x10: {  	[smem:$0x3FAE] =	sst s8  }
0x11: {  	[smem:$0x3FAF] =	sst s9;
	s0 =	simm.s32 @!p0 $0x0  }
0x12: {  	s1 =	sld [smem:$0x3F95];
	s0 =	simm.s32 @p0 $0x1  }
0x13: {  	[smem:$0x3FB0] =	sst s0;
	s0 =	simm.s32 @!p1 $0x0  }
0x14: {  	s2 =	sld [smem:$0x3F94];
	s0 =	simm.s32 @p1 $0x1  }
0x15: {  	[smem:$0x3FB1] =	sst s0;
	s0 =	simm.s32 @!p2 $0x0  }
0x16: {  	s3 =	sld [smem:$0x3FDB];
	s0 =	simm.s32 @p2 $0x1  }
0x17: {  	s4 =	simm.s32 $0x1BF5;
	[smem:$0x3FB3] =	sst s0  }
0x18: {  	s0 =	sld [smem:$0x3F96];
	_ =	swait.ge [sflag:s4], $0x0  }
0x19: {  	s7 =	sld [smem:$0x3F97]  }
0x1a: {  	s8 =	sadd.s32 $0xFFFFE003, lr  }
0x1b: {  	s9 =	sadd.s32 $0xFFFFFEF7, lr;
	s5 =	simm.s32 $0xFFFFFFFF;
	p2 =	slt.u32 s8, $0xFFFFF086  }
0x1c: {  	p1 =	slt.u32 s9, $0xF7A;
	s5 =	simm.s32 @!p2 $0x0  }
0x1d: {  	s5 =	simm.s32 @p1 $0x1;
	p0 =	seq.s32 s7, s2  }
0x1e: {  	s7 =	smul.u32 @!p0 $0xF7A, s2;
	p2 =	seq.s32 @!p0 s5, $0x0  }
0x1f: {  	s9 =	smul.u32 $0xF7A, s1;
	s8 =	simm.s32 @!p0 $0x1BF5;
	p2 =	por !p2, p0  }
0x20: {  	[sflag:s8] =	ssyncset.s32 @!p0 $0xFFFFF086;
	s6 =	sadd.s32 @!p0 s3, s7;
	s7 =	simm.s32 @!p0 $0x108  }
0x21: {  	s3 =	sadd.s32 s3, s9;
	s6 =	sadd.s32 @!p0 $0x88, s6;
	s7 =	simm.s32 @p2 $0x1082  }
0x22: {  	[simem:s7], [sflag:s8] =	dma.local @!p0 [hbm:s6], $0xF7A  }
0x23: {  	s9 =	sor.u32 $0xD0000000, s2;
	s6 =	simm.s32 $0x108;
	_ =	swait.ge @!p0 [sflag:s8], $0x0  }
0x24: {  	s3 =	sadd.s32 $0x88, s3;
	s6 =	simm.s32 @!p1 $0x1082;
	[sflag:s4] =	ssyncset.s32 $0xFFFFF086  }
0x25: {  	[simem:s6], [sflag:s4] =	dma.local [hbm:s3], $0xF7A  }
0x26: {  	[smem:$0x3F97] =	sst s1;
	(tag) =	ssettag s2;
	_ =	strace s9  }
0x27: {  	s1 =	sld [smem:$0x3FA7]  }
0x28: {  	s2 =	sld [smem:$0x3FA8]  }
0x29: {  	s4 =	sld [smem:$0x3FAA]  }
0x2a: {  	p0 =	seq.s32 s5, $0x0;
	s5 =	sld [smem:$0x3FAB]  }
0x2b: {  	s6 =	sld [smem:$0x3FAC]  }
0x2c: {  	s7 =	sld [smem:$0x3FAD]  }
0x2d: {  	s3 =	simm.s32 $0x108;
	s8 =	sld [smem:$0x3FAE]  }
0x2e: {  	s3 =	simm.s32 @!p0 $0x1082;
	s9 =	sld [smem:$0x3FAF]  }
0x2f: {  	lr =	sadd.s32 s0, s3;
	s0 =	sld [smem:$0x3FA6]  }
0x30: {  	s3 =	sld [smem:$0x3FA9]  }
0x31: {  	[smem:$0x3FB2] =	sst s10  }
0x32: {  	s10 =	sld [smem:$0x3FB0];
	_ =	sdelay $0x3  }
0x33: {  	p0 =	seq.s32 s10, $0x1;
	s10 =	sld [smem:$0x3FB2];
	_ =	sdelay $0x3  }
0x34: {  	[smem:$0x3FB2] =	sst s10  }
0x35: {  	s10 =	sld [smem:$0x3FB1];
	_ =	sdelay $0x3  }
0x36: {  	p1 =	seq.s32 s10, $0x1;
	s10 =	sld [smem:$0x3FB2];
	_ =	sdelay $0x3  }
0x37: {  	[smem:$0x3FB2] =	sst s10  }
0x38: {  	s10 =	sld [smem:$0x3FB3]  }
0x39: {  	_ = 	snop;
	(pc) =	sbr.ind lr, $3  }
0x3a: {  	_ = 	snop  }
0x3b: {  	_ = 	snop  }
0x3c: {  	p2 =	seq.s32 s10, $0x1;
	s10 =	sld [smem:$0x3FB2]  }
0x3d: {  	_ =	shalt  }
0x3e: {  	_ =	shalt  }
0x3f: {  	_ =	shalt  }
0x40: {  	_ =	shalt  }
0x41: {  	_ =	shalt  }
0x42: {  	_ =	shalt  }
0x43: {  	_ =	shalt  }
0x44: {  	_ =	shalt  }
0x45: {  	_ =	shalt  }
0x46: {  	_ =	shalt  }
0x47: {  	_ =	shalt  }
0x48: {  	_ =	shalt  }
0x49: {  	_ =	shalt  }
0x4a: {  	_ =	shalt  }
0x4b: {  	_ =	shalt  }
0x4c: {  	_ =	shalt  }
0x4d: {  	_ =	shalt  }
0x4e: {  	_ =	shalt  }
0x4f: {  	_ =	shalt  }
0x50: {  	_ =	shalt  }
0x51: {  	_ =	shalt  }
0x52: {  	_ =	shalt  }
0x53: {  	_ =	shalt  }
0x54: {  	_ =	shalt  }
0x55: {  	_ =	shalt  }
0x56: {  	_ =	shalt  }
0x57: {  	_ =	shalt  }
0x58: {  	_ =	shalt  }
0x59: {  	_ =	shalt  }
0x5a: {  	_ =	shalt  }
0x5b: {  	_ =	shalt  }
0x5c: {  	_ =	shalt  }
0x5d: {  	_ =	shalt  }
0x5e: {  	_ =	shalt  }
0x5f: {  	_ =	shalt  }
0x60: {  	_ =	shalt  }
0x61: {  	_ =	shalt  }
0x62: {  	_ =	shalt  }
0x63: {  	_ =	shalt  }
0x64: {  	_ =	shalt  }
0x65: {  	_ =	shalt  }
0x66: {  	_ =	shalt  }
0x67: {  	_ =	shalt  }
0x68: {  	_ =	shalt  }
0x69: {  	_ =	shalt  }
0x6a: {  	_ =	shalt  }
0x6b: {  	_ =	shalt  }
0x6c: {  	_ =	shalt  }
0x6d: {  	_ =	shalt  }
0x6e: {  	_ =	shalt  }
0x6f: {  	_ =	shalt  }
0x70: {  	_ =	shalt  }
0x71: {  	_ =	shalt  }
0x72: {  	_ =	shalt  }
0x73: {  	_ =	shalt  }
0x74: {  	_ =	shalt  }
0x75: {  	_ =	shalt  }
0x76: {  	_ =	shalt  }
0x77: {  	_ =	shalt  }
0x78: {  	_ =	shalt  }
0x79: {  	_ =	shalt  }
0x7a: {  	_ =	shalt  }
0x7b: {  	_ =	shalt  }
0x7c: {  	_ =	shalt  }
0x7d: {  	_ =	shalt  }
0x7e: {  	_ =	shalt  }
0x7f: {  	_ =	shalt  }
0x80: {  	_ =	shalt  }
0x81: {  	_ =	shalt  }
0x82: {  	_ =	shalt  }
0x83: {  	_ =	shalt  }
0x84: {  	_ =	shalt  }
0x85: {  	_ =	shalt  }
0x86: {  	_ =	shalt  }
0x87: {  	_ =	shalt  }
.Lfunc_end0:
.L_simem_size_0:
called_computation.2_lowered:
.L_overlay_start_0:
0x88: {  	s2 =	sld [smem:$0x3FD9]  }
0x89: {  	s3 =	sld [smem:$0x3FFE];
	_ =	sdelay $0x1  }
0x8a: {  	s1 =	srdreg.scid  }
0x8b: {  	s0 =	sand.u32 $0x1, s1  }
0x8c: {  	s17 =	sshll.u32 s0, $0xA;
	s2 =	sadd.s32 s3, s2  }
0x8d: {  	s2 =	sadd.s32 s2, s17  }
0x8e: {  	[smem:$0x3FBE] =	sst s2  }
0x8f: {  	_ = 	snop  }
0x90: {  	s2 =	sld [smem:$0x3FD0];
	(tm) =	ssettm $0x1  }
0x91: {  	s18 =	sld [smem:$0x3FFB];
	_ =	sdelay $0x3  }
0x92: {  	_ =	strace s18  }
0x93: {  	s3 =	sld [smem:$0x3FFC];
	_ =	sdelay $0x3  }
0x94: {  	_ =	strace s3  }
0x95: {  	s3 =	sld [smem:$0x3FFD];
	_ =	sdelay $0x3  }
0x96: {  	_ =	strace s3  }
0x97: {  	_ =	strace $0x8FFFFFFF  }
0x98: {  	s19 =	sld [smem:$0x3FDB];
	_ =	sdelay $0x1  }
0x99: {  	s4 =	simm.s32 $_scs_section_size  }
0x9a: {  	s5 =	simm.s32 $_size__tile_overlayer_lowered;
	s6 =	simm.s32 $_tile_overlayer_lowered  }
0x9b: {  	s22 =	simm.s32 $0x1BFF;
	s21 =	sshll.u32 s6, $0x1;
	s3 =	sadd.s32 s4, s19  }
0x9c: {  	s7 =	simm.s32 $0x0;
	s20 =	sshll.u32 s5, $0x1;
	s5 =	sadd.s32 s21, s3  }
0x9d: {  	[timem:s7], [sflag:s22] =	dma.local [hbm:s5], s20  }
0x9e: {  	_ =	swait.ge [sflag:s22], s20  }
0x9f: {  	s4 =	ssub.s32 $0x0, s20;
	[sflag:s22] =	ssyncset.done $0x0  }
0xa0: {  	[sflag:s22] =	ssyncadd.s32 s4;
	_ =	sdelay $0x1  }
0xa1: {  	s23 =	simm.s32 $0x1B8B  }
0xa2: {  	_ =	swait.ge [sflag:s23], $0x1  }
0xa3: {  	[sflag:s23] =	ssyncset.done $0x0  }
0xa4: {  	s25 =	simm.s32 $0x1B8E;
	s24 =	sld [smem:$0x3FFE];
	[sflag:s23] =	ssyncadd.s32 $0xFFFFFFFF  }
0xa5: {  	s26 =	simm.s32 $execute0_lowered;
	[smem:$0x3FD2] =	sst s25  }
0xa6: {  	s5 =	sshll.u32 s26, $0x1;
	_ =	strace $0x8000004C;
	[dreg:$0x1] =	wrdreg $0xFFFFFFFF  }
0xa7: {  	s28 =	simm.s32 $_size_execute0_lowered;
	s3 =	sadd.s32 s3, s5;
	[dreg:$0x0] =	wrdreg $0x0  }
0xa8: {  	s5 =	sshll.u32 s28, $0x1;
	[dreg:$0x2] =	wrdreg s3  }
0xa9: {  	[dreg:$0x3] =	wrdreg s5  }
0xaa: {  	[dreg:$0x4] =	wrdreg $0xC0  }
0xab: {  	_ =	task [dreg:s7], $0x5FFFF  }
0xac: {  	[dreg:$0x1] =	wrdreg $0xFFFFFFFF  }
0xad: {  	[dreg:$0x0] =	wrdreg $0x60  }
0xae: {  	[dreg:$0x2] =	wrdreg s2  }
0xaf: {  	[dreg:$0x3] =	wrdreg s24  }
0xb0: {  	[dreg:$0x4] =	wrdreg $0xB8000  }
0xb1: {  	[dreg:$0x5] =	wrdreg $0x9  }
0xb2: {  	_ =	task.clear_ibuf [dreg:s7], $0x6FFFF;
	_ =	strace $0x9000004C  }
0xb3: {  	s29 =	simm.s32 $0x9;
	_ =	strace $0x8000004E  }
0xb4: {  	_ =	swait.ge [sflag:s29], $0x1  }
0xb5: {  	[sflag:s29] =	ssyncadd.s32 $0xFFFFFFFF  }
0xb6: {  	_ =	strace $0x9000004E  }
0xb7: {  	_ =	sfence  }
0xb8: {  	s30 =	sld [smem:$0x0];
	_ =	sdelay $0x2  }
0xb9: {  	s31 =	sshll.u32 s1, $0xD;
	s1 =	sshrl.u32 s1, $0x2  }
0xba: {  	s3 =	sand.u32 $0x4000, s31;
	s1 =	sadd.s32 s1, s30  }
0xbb: {  	s0 =	sor.u32 s3, s0;
	s1 =	sshll.u32 s1, $0x11  }
0xbc: {  	s0 =	sor.u32 s1, s0  }
0xbd: {  	s0 =	sadd.s32 $0x8F2B, s0  }
0xbe: {  	[sflag:s0] =	ssyncadd.remote.s32 $0x1  }
0xbf: {  	_ =	sfence.sel $0xFFFF  }
0xc0: {  	[dreg:$0x0] =	wrdreg $0xFFFFFFFF;
	(pc) =	sbr.abs _section_cstart, $3  }
0xc1: {  	[dreg:$0x1] =	wrdreg $0xFFFFFFFF  }
0xc2: {  	_ =	task.clear_ibuf [dreg:s7], $0x2FFFF;
	_ =	strace $0x9FFFFFFF  }
0xc3: {  	(tm) =	ssettm $0x7FFFFFFF  }
tec
execute0_lowered:
.L_overlay_start_1:
0x0: {  	(tag) =	ssettag $0x1  }
0x1: {  	s2 =	rddreg [dreg:$0x0]  }
0x2: {  	s0 =	rddreg [dreg:$0x1]  }
0x3: {  	s22 =	rddreg [dreg:$0x2];
	s3 =	simm.s32 $0x0  }
0x4: {  	s15 =	stileid.u32;
	s5 =	srdreg.scid;
	s28 =	simm.s32 $0x4  }
0x5: {  	[smem:$0x7FF] =	sst s3;
	s14 =	sadd.s32 $0x16800, s0;
	s6 =	smul.u32 $0x4E000, s15  }
0x6: {  	s1 =	sadd.s32 $0x3000, s0;
	s4 =	sshll.u32 s15, $0x4;
	s20 =	smul.u32 $0x2700, s15  }
0x7: {  	s5 =	sand.u32 $0x1, s5;
	s26 =	smul.u32 $0x4E00, s15;
	_ =	strace $0x8000004D  }
0x8: {  	s4 =	sadd.s32 s4, s0;
	s0 =	sadd.s32 $0x2A400, s0;
	s24 =	smul.u32 $0x4E000, s5  }
0x9: {  	s7 =	ssub.s32 $0x2, s5;
	s8 =	sshll.u32 s5, $0x4;
	s13 =	smul.u32 $0x27100, s5  }
0xa: {  	s5 =	smul.u32 $0x138800, s5;
	s9 =	sshrl.u32 s7, $0x1;
	s6 =	sshrl.u32 s6, $0x2  }
0xb: {  	s8 =	sor.u32 s15, s8;
	s7 =	ssub.s32 s7, s9;
	s31 =	sadd.s32 s6, s22  }
0xc: {  	s19 =	smul.u32 $0x4E00, s8;
	s10 =	sadd.s32 $0x3400, s31;
	[dreg:$0xa] =	wrdreg s31  }
0xd: {  	s9 =	sadd.s32 s20, s13;
	s21 =	sadd.s32 $0x6800, s31;
	[dreg:$0xb] =	wrdreg s10  }
0xe: {  	s5 =	sshrl.u32 s5, $0x3;
	s23 =	sadd.s32 $0x9C00, s31;
	[dreg:$0xc] =	wrdreg s21  }
0xf: {  	s11 =	sadd.s32 $0xD000, s31;
	s9 =	sadd.s32 s0, s9;
	[dreg:$0xd] =	wrdreg s23  }
0x10: {  	s0 =	sadd.s32 s0, s5;
	s6 =	sshrl.u32 s19, $0x3;
	[dreg:$0xe] =	wrdreg s11  }
0x11: {  	s10 =	sadd.s32 s26, s24;
	[dreg:$0x13] =	wrdreg s9;
	s0 =	sadd.s32 $0x27000, s0  }
0x12: {  	s25 =	sadd.s32 s14, s6;
	s12 =	sadd.s32 s1, s6;
	s16 =	sor.u32 $0x10, s6  }
0x13: {  	s18 =	sadd.s32 $0x300, s10;
	s21 =	sadd.s32 $0x280, s10;
	[dreg:$0x1a] =	wrdreg s0  }
0x14: {  	s26 =	sadd.s32 $0x380, s10;
	s13 =	sor.u32 $0x20, s6;
	[dreg:$0xf] =	wrdreg s25  }
0x15: {  	s6 =	sor.u32 $0x30, s6;
	[dreg:$0x10] =	wrdreg s12;
	s17 =	sadd.s32 s14, s16  }
0x16: {  	s24 =	sshrl.u32 s21, $0x3;
	s21 =	sadd.s32 s1, s6;
	[dreg:$0x11] =	wrdreg s17  }
0x17: {  	s12 =	sshrl.u32 s26, $0x3;
	s26 =	sadd.s32 $0x10400, s31;
	[dreg:$0x17] =	wrdreg s21  }
0x18: {  	s19 =	sshrl.u32 s18, $0x3;
	s17 =	sadd.s32 s1, s16;
	[dreg:$0x1d] =	wrdreg s26  }
0x19: {  	s29 =	simm.s32 $0x10;
	s20 =	sadd.s32 s19, s1;
	[dreg:$0x12] =	wrdreg s17  }
0x1a: {  	s30 =	simm.s32 $0x5;
	s23 =	sadd.s32 s19, s14;
	[dreg:$0x4] =	wrdreg s20  }
0x1b: {  	p0 =	sne.s32 s15, $0x0;
	s25 =	sadd.s32 s24, s1;
	[dreg:$0x5] =	wrdreg s23  }
0x1c: {  	s15 =	simm.s32 $0x9;
	s9 =	sadd.s32 s24, s14;
	[dreg:$0x6] =	wrdreg s25  }
0x1d: {  	p1 =	sgt.u32 s8, $0x7;
	s16 =	sadd.s32 s12, s1;
	[dreg:$0x7] =	wrdreg s9  }
0x1e: {  	s11 =	smov.u32 s14;
	s19 =	sadd.s32 s1, s13;
	[dreg:$0x8] =	wrdreg s16  }
0x1f: {  	s18 =	sadd.s32 s12, s14;
	s24 =	smax.u32 s7, $0x1;
	[dreg:$0x15] =	wrdreg s19  }
0x20: {  	s7 =	smov.u32 s1;
	s12 =	simm.s32 $0x100;
	[dreg:$0x9] =	wrdreg s18  }
0x21: {  	s1 =	simm.s32 $0x0;
	s17 =	sadd.s32 s14, s13;
	[dreg:$0x1b] =	wrdreg s24  }
0x22: {  	s20 =	sadd.s32 s14, s6;
	s23 =	sadd.s32 $0x2A000, s4;
	[dreg:$0x14] =	wrdreg s17  }
0x23: {  	s4 =	sadd.s32 $0x2A200, s4;
	s25 =	sadd.s32 $0x200, s10;
	[dreg:$0x16] =	wrdreg s20  }
0x24: {  	s9 =	sadd.s32 $0x138000, s22;
	s10 =	simm.s32 $0x11;
	[dreg:$0x18] =	wrdreg s23  }
0x25: {  	s14 =	simm.s32 $0x200;
	s18 =	simm.s32 $0x80;
	[dreg:$0x19] =	wrdreg s4  }
0x26: {  	s13 =	simm.s32 $0x40;
	[dreg:$0x1c] =	wrdreg s25;
	s20 =	simm.s32 $0x280  }
0x27: {  	v0 =	vimm.f32 $0.0e+00;
	s17 =	simm.s32 $0xA;
	[dreg:$0x1e] =	wrdreg s9;
	s25 =	simm.s32 $0xF  }
.LBB2_1:
0x28: {  	[dreg:$0x1f] =	wrdreg s1;
	s0 =	simm.s32 $0x0;
	s5 =	simm.s32 $0x200  }
.LBB2_2:
0x29: {  	p2 =	sne.s32 s5, $0xCE00;
	[tilespmem:s0+$0x8470] =	vst v0  }
0x2a: {  	[tilespmem:s0+$0x8400] =	vst v0  }
0x2b: {  	[tilespmem:s0+$0x8410] =	vst v0  }
.Ltmp0:
0x2c: {  	[tilespmem:s0+$0x8420] =	vst v0;
	(pc) =	sbr.rel @p2 .LBB2_2-.Ltmp0, $4  }
0x2d: {  	[tilespmem:s0+$0x8430] =	vst v0  }
0x2e: {  	[tilespmem:s0+$0x8440] =	vst v0  }
0x2f: {  	[tilespmem:s0+$0x8450] =	vst v0  }
0x30: {  	[tilespmem:s0+$0x8460] =	vst v0;
	s0 =	sshra.s32 s5, $0x2;
	s5 =	sadd.s32 $0x200, s5  }
0x31: {  	[tilespmem:s0+$0x8470] =	vst v0  }
0x32: {  	[tilespmem:s0+$0x8400] =	vst v0  }
0x33: {  	[tilespmem:s0+$0x8410] =	vst v0  }
0x34: {  	[tilespmem:s0+$0x8420] =	vst v0  }
0x35: {  	[tilespmem:s0+$0x8430] =	vst v0  }
0x36: {  	[tilespmem:s0+$0x8440] =	vst v0  }
0x37: {  	[tilespmem:s0+$0x8450] =	vst v0  }
0x38: {  	[tilespmem:s0+$0x8460] =	vst v0;
	s5 =	simm.s32 $0x8400  }
0x39: {  	[spmem:s31] =	stream.linear.scatter [tilespmem:s5], [sflag:$0x11], $0x3400, $0x38;
	[tilespmem:$0x1F080] =	vst v63  }
0x3a: {  	_ =	swait.ge [sflag:s10], $0x3400  }
0x3b: {  	[sflag:s10] =	ssyncset.done $0x0  }
0x3c: {  	s24 =	rddreg [dreg:$0xb];
	[sflag:s10] =	ssyncadd.s32 $0xFFFFCC00  }
0x3d: {  	[spmem:s24] =	stream.linear.scatter [tilespmem:s5], [sflag:$0x11], $0x3400, $0x38;
	[tilespmem:$0x1F080] =	vst v63  }
0x3e: {  	_ =	swait.ge [sflag:s10], $0x3400  }
0x3f: {  	[sflag:s10] =	ssyncset.done $0x0  }
0x40: {  	s26 =	rddreg [dreg:$0xc];
	[sflag:s10] =	ssyncadd.s32 $0xFFFFCC00  }
0x41: {  	[spmem:s26] =	stream.linear.scatter [tilespmem:s5], [sflag:$0x11], $0x3400, $0x38;
	[tilespmem:$0x1F080] =	vst v63  }
0x42: {  	_ =	swait.ge [sflag:s10], $0x3400  }
0x43: {  	[sflag:s10] =	ssyncset.done $0x0  }
0x44: {  	s1 =	rddreg [dreg:$0xd];
	[sflag:s10] =	ssyncadd.s32 $0xFFFFCC00  }
0x45: {  	[spmem:s1] =	stream.linear.scatter [tilespmem:s5], [sflag:$0x11], $0x3400, $0x38;
	[tilespmem:$0x1F080] =	vst v63  }
0x46: {  	_ =	swait.ge [sflag:s10], $0x3400  }
0x47: {  	[sflag:s10] =	ssyncset.done $0x0  }
0x48: {  	s4 =	rddreg [dreg:$0xe];
	[sflag:s10] =	ssyncadd.s32 $0xFFFFCC00  }
0x49: {  	[spmem:s4] =	stream.linear.scatter [tilespmem:s5], [sflag:$0x11], $0x3400, $0x38;
	[tilespmem:$0x1F080] =	vst v63  }
0x4a: {  	_ =	swait.ge [sflag:s10], $0x3400  }
0x4b: {  	[sflag:s10] =	ssyncset.done $0x0  }
0x4c: {  	s6 =	rddreg [dreg:$0x1d];
	[sflag:s10] =	ssyncadd.s32 $0xFFFFCC00  }
0x4d: {  	[spmem:s6] =	stream.linear.scatter [tilespmem:s5], [sflag:$0x11], $0x3400, $0x38;
	[tilespmem:$0x1F080] =	vst v63  }
0x4e: {  	_ =	swait.ge [sflag:s10], $0x3400  }
0x4f: {  	[sflag:s10] =	ssyncset.done $0x0  }
0x50: {  	s0 =	simm.s32 @!p0 $0x8400;
	[sflag:s10] =	ssyncadd.s32 $0xFFFFCC00  }
0x51: {  	[spmem:s9] =	stream.linear.scatter @!p0 [tilespmem:s0], [sflag:$0x11], $0x800, $0x38;
	[tilespmem:$0x1F080] =	vst v63  }
0x52: {  	s0 =	simm.s32 @!p0 $0x11  }
0x53: {  	_ =	swait.ge @!p0 [sflag:s0], $0x800  }
0x54: {  	[sflag:s0] =	ssyncset.done @!p0 $0x0  }
0x55: {  	[sflag:s0] =	ssyncadd.s32 @!p0 $0xFFFFF800  }
0x56: {  	[bflag:$0x0] =	sbarrier.arrive $0xFFFF  }
0x57: {  	s8 =	simm.s32 $0x0;
	s9 =	rddreg [dreg:$0xf]  }
0x58: {  	[tilespmem:s8], [sflag:$0x9] =	stream.linear.gather [hbm4b:s9+s8], $0x80, $0x38;
	[tilespmem:$0x1F080] =	vst v63  }
0x59: {  	s10 =	rddreg [dreg:$0x10]  }
0x5a: {  	[tilespmem:s14], [sflag:$0xD] =	stream.linear.gather [hbm4b:s10+s8], $0x80, $0x38;
	[tilespmem:$0x1F080] =	vst v63  }
0x5b: {  	s16 =	rddreg [dreg:$0x11]  }
0x5c: {  	[tilespmem:s18], [sflag:$0xA] =	stream.linear.gather [hbm4b:s16+s8], $0x80, $0x38;
	[tilespmem:$0x1F080] =	vst v63  }
0x5d: {  	s19 =	rddreg [dreg:$0x12]  }
0x5e: {  	[tilespmem:s20], [sflag:$0xE] =	stream.linear.gather [hbm4b:s19+s8], $0x80, $0x38;
	[tilespmem:$0x1F080] =	vst v63  }
0x5f: {  	s21 =	rddreg [dreg:$0x14]  }
0x60: {  	[tilespmem:s12], [sflag:$0xB] =	stream.linear.gather [hbm4b:s21+s8], $0x80, $0x38;
	[tilespmem:$0x1F080] =	vst v63  }
0x61: {  	s1 =	simm.s32 $0x300;
	s23 =	rddreg [dreg:$0x15]  }
0x62: {  	[tilespmem:s1], [sflag:$0xF] =	stream.linear.gather [hbm4b:s23+s8], $0x80, $0x38;
	[tilespmem:$0x1F080] =	vst v63  }
0x63: {  	s24 =	rddreg [dreg:$0x16];
	s23 =	simm.s32 $0x180  }
0x64: {  	[tilespmem:s23], [sflag:$0xC] =	stream.linear.gather [hbm4b:s24+s8], $0x80, $0x38;
	[tilespmem:$0x1F080] =	vst v63  }
0x65: {  	s26 =	rddreg [dreg:$0x17];
	s9 =	simm.s32 $0x380  }
0x66: {  	[tilespmem:s9], [sflag:$0x10] =	stream.linear.gather [hbm4b:s26+s8], $0x80, $0x38;
	[tilespmem:$0x1F080] =	vst v63  }
0x67: {  	_ =	swait.ge [sflag:s15], $0x80  }
0x68: {  	[sflag:s15] =	ssyncset.done $0x0  }
0x69: {  	s10 =	simm.s32 $0x400;
	[sflag:s15] =	ssyncadd.s32 $0xFFFFFF80  }
0x6a: {  	[tilespmem:s10], [sflag:$0x1] =	stream.indirect.gather [hbm4b:s2+s13], $0x80, s8, s13, $0xb8;
	[tilespmem:$0x1F080] =	vst v63  }
0x6b: {  	_ =	swait.ge [sflag:s17], $0x80  }
0x6c: {  	[sflag:s17] =	ssyncset.done $0x0  }
0x6d: {  	s6 =	simm.s32 $0x2400;
	s19 =	simm.s32 $0xB;
	[sflag:s17] =	ssyncadd.s32 $0xFFFFFF80  }
0x6e: {  	[tilespmem:s6], [sflag:$0x2] =	stream.indirect.gather [hbm4b:s2+s13], $0x80, s18, s13, $0xb8;
	[tilespmem:$0x1F080] =	vst v63  }
0x6f: {  	_ =	swait.ge [sflag:s19], $0x80  }
0x70: {  	[sflag:s19] =	ssyncset.done $0x0  }
0x71: {  	s31 =	simm.s32 $0xC;
	s21 =	simm.s32 $0x4400;
	[sflag:s19] =	ssyncadd.s32 $0xFFFFFF80  }
0x72: {  	[tilespmem:s21], [sflag:$0x3] =	stream.indirect.gather [hbm4b:s2+s13], $0x80, s12, s13, $0xb8;
	[tilespmem:$0x1F080] =	vst v63  }
0x73: {  	_ =	swait.ge [sflag:s31], $0x80  }
0x74: {  	[sflag:s31] =	ssyncset.done $0x0  }
0x75: {  	s16 =	simm.s32 $0x6400;
	s24 =	simm.s32 $0x1;
	[sflag:s31] =	ssyncadd.s32 $0xFFFFFF80  }
0x76: {  	[tilespmem:s16], [sflag:$0x4] =	stream.indirect.gather [hbm4b:s2+s13], $0x80, s23, s13, $0xb8;
	[tilespmem:$0x1F080] =	vst v63  }
0x77: {  	_ =	swait.ge [sflag:s24], $0x2000  }
0x78: {  	[sflag:s24] =	ssyncset.done $0x0  }
0x79: {  	s26 =	simm.s32 $0xD;
	[sflag:s24] =	ssyncadd.s32 $0xFFFFE000  }
0x7a: {  	_ =	swait.ge [sflag:s26], $0x80  }
0x7b: {  	[sflag:s26] =	ssyncset.done $0x0;
	s8 =	rddreg [dreg:$0x1c]  }
0x7c: {  	[sflag:s26] =	ssyncadd.s32 $0xFFFFFF80;
	s0 =	sshrl.u32 s8, $0x3  }
0x7d: {  	[spmem:s22] =	stream.indirect.scatter.add.f32 [tilespmem:s10], [sflag:$0x5], $0x80, s14, s13, $0xb8;
	[tilespmem:$0x1F080] =	vst v63  }
0x7e: {  	s4 =	sadd.s32 s11, s0  }
0x7f: {  	[tilespmem:s3], [sflag:$0x9] =	stream.linear.gather [hbm4b:s4+s3], $0x80, $0x38;
	[tilespmem:$0x1F080] =	vst v63  }
0x80: {  	s4 =	simm.s32 $0x2  }
0x81: {  	_ =	swait.ge [sflag:s4], $0x2000  }
0x82: {  	[sflag:s4] =	ssyncset.done $0x0  }
0x83: {  	[sflag:s4] =	ssyncadd.s32 $0xFFFFE000;
	s4 =	simm.s32 $0xE  }
0x84: {  	_ =	swait.ge [sflag:s4], $0x80  }
0x85: {  	[sflag:s4] =	ssyncset.done $0x0  }
0x86: {  	s5 =	rddreg [dreg:$0x7];
	[sflag:s4] =	ssyncadd.s32 $0xFFFFFF80  }
0x87: {  	[spmem:s22] =	stream.indirect.scatter.add.f32 [tilespmem:s6], [sflag:$0x6], $0x80, s20, s13, $0xb8;
	[tilespmem:$0x1F080] =	vst v63  }
0x88: {  	s5 =	sadd.s32 $0x0, s5  }
0x89: {  	[tilespmem:s18], [sflag:$0xA] =	stream.linear.gather [hbm4b:s5+s3], $0x80, $0x38;
	[tilespmem:$0x1F080] =	vst v63  }
0x8a: {  	s5 =	simm.s32 $0x3  }
0x8b: {  	_ =	swait.ge [sflag:s5], $0x2000  }
0x8c: {  	[sflag:s5] =	ssyncset.done $0x0  }
0x8d: {  	[sflag:s5] =	ssyncadd.s32 $0xFFFFE000  }
0x8e: {  	_ =	swait.ge [sflag:s25], $0x80  }
0x8f: {  	[sflag:s25] =	ssyncset.done $0x0  }
0x90: {  	s4 =	rddreg [dreg:$0x5];
	[sflag:s25] =	ssyncadd.s32 $0xFFFFFF80  }
0x91: {  	[spmem:s22] =	stream.indirect.scatter.add.f32 [tilespmem:s21], [sflag:$0x7], $0x80, s1, s13, $0xb8;
	[tilespmem:$0x1F080] =	vst v63  }
0x92: {  	s5 =	sadd.s32 $0x0, s4  }
0x93: {  	[tilespmem:s12], [sflag:$0xB] =	stream.linear.gather [hbm4b:s5+s3], $0x80, $0x38;
	[tilespmem:$0x1F080] =	vst v63  }
0x94: {  	_ =	swait.ge [sflag:s28], $0x2000  }
0x95: {  	[sflag:s28] =	ssyncset.done $0x0  }
0x96: {  	[sflag:s28] =	ssyncadd.s32 $0xFFFFE000  }
0x97: {  	_ =	swait.ge [sflag:s29], $0x80  }
0x98: {  	[sflag:s29] =	ssyncset.done $0x0  }
0x99: {  	s4 =	rddreg [dreg:$0x9];
	[sflag:s29] =	ssyncadd.s32 $0xFFFFFF80  }
0x9a: {  	[spmem:s22] =	stream.indirect.scatter.add.f32 [tilespmem:s16], [sflag:$0x8], $0x80, s9, s13, $0xb8;
	[tilespmem:$0x1F080] =	vst v63  }
0x9b: {  	s5 =	sadd.s32 $0x0, s4  }
0x9c: {  	[tilespmem:s23], [sflag:$0xC] =	stream.linear.gather [hbm4b:s5+s3], $0x80, $0x38;
	[tilespmem:$0x1F080] =	vst v63  }
0x9d: {  	_ =	swait.ge [sflag:s30], $0x2000  }
0x9e: {  	[sflag:s30] =	ssyncset.done $0x0  }
0x9f: {  	[sflag:s30] =	ssyncadd.s32 $0xFFFFE000  }
0xa0: {  	_ =	swait.ge [sflag:s15], $0x80  }
0xa1: {  	[sflag:s15] =	ssyncset.done $0x0  }
0xa2: {  	[sflag:s15] =	ssyncadd.s32 $0xFFFFFF80  }
0xa3: {  	[tilespmem:s10], [sflag:$0x1] =	stream.indirect.gather [hbm4b:s2+s13], $0x80, s3, s13, $0xb8;
	[tilespmem:$0x1F080] =	vst v63  }
0xa4: {  	s0 =	sadd.s32 s7, s0;
	s4 =	simm.s32 $0x6  }
0xa5: {  	[tilespmem:s14], [sflag:$0xD] =	stream.linear.gather [hbm4b:s0+s3], $0x80, $0x38;
	[tilespmem:$0x1F080] =	vst v63  }
0xa6: {  	_ =	swait.ge [sflag:s4], $0x2000  }
0xa7: {  	[sflag:s4] =	ssyncset.done $0x0  }
0xa8: {  	[sflag:s4] =	ssyncadd.s32 $0xFFFFE000  }
0xa9: {  	_ =	swait.ge [sflag:s17], $0x80  }
0xaa: {  	[sflag:s17] =	ssyncset.done $0x0  }
0xab: {  	s15 =	rddreg [dreg:$0x6];
	[sflag:s17] =	ssyncadd.s32 $0xFFFFFF80  }
0xac: {  	[tilespmem:s6], [sflag:$0x2] =	stream.indirect.gather [hbm4b:s2+s13], $0x80, s18, s13, $0xb8;
	[tilespmem:$0x1F080] =	vst v63  }
0xad: {  	s0 =	sadd.s32 $0x0, s15;
	s6 =	simm.s32 $0x7  }
0xae: {  	[tilespmem:s20], [sflag:$0xE] =	stream.linear.gather [hbm4b:s0+s3], $0x80, $0x38;
	[tilespmem:$0x1F080] =	vst v63  }
0xaf: {  	_ =	swait.ge [sflag:s6], $0x2000  }
0xb0: {  	[sflag:s6] =	ssyncset.done $0x0  }
0xb1: {  	[sflag:s6] =	ssyncadd.s32 $0xFFFFE000  }
0xb2: {  	_ =	swait.ge [sflag:s19], $0x80  }
0xb3: {  	[sflag:s19] =	ssyncset.done $0x0  }
0xb4: {  	s20 =	rddreg [dreg:$0x4];
	[sflag:s19] =	ssyncadd.s32 $0xFFFFFF80  }
0xb5: {  	[tilespmem:s21], [sflag:$0x3] =	stream.indirect.gather [hbm4b:s2+s13], $0x80, s12, s13, $0xb8;
	[tilespmem:$0x1F080] =	vst v63  }
0xb6: {  	s0 =	sadd.s32 $0x0, s20  }
0xb7: {  	[tilespmem:s1], [sflag:$0xF] =	stream.linear.gather [hbm4b:s0+s3], $0x80, $0x38;
	[tilespmem:$0x1F080] =	vst v63  }
0xb8: {  	s1 =	simm.s32 $0x8  }
0xb9: {  	_ =	swait.ge [sflag:s1], $0x2000  }
0xba: {  	[sflag:s1] =	ssyncset.done $0x0  }
0xbb: {  	[sflag:s1] =	ssyncadd.s32 $0xFFFFE000  }
0xbc: {  	_ =	swait.ge [sflag:s31], $0x80  }
0xbd: {  	[sflag:s31] =	ssyncset.done $0x0  }
0xbe: {  	s21 =	rddreg [dreg:$0x8];
	[sflag:s31] =	ssyncadd.s32 $0xFFFFFF80  }
0xbf: {  	[tilespmem:s16], [sflag:$0x4] =	stream.indirect.gather [hbm4b:s2+s13], $0x80, s23, s13, $0xb8;
	[tilespmem:$0x1F080] =	vst v63  }
0xc0: {  	s0 =	sadd.s32 $0x0, s21  }
0xc1: {  	[tilespmem:s9], [sflag:$0x10] =	stream.linear.gather [hbm4b:s0+s3], $0x80, $0x38;
	[tilespmem:$0x1F080] =	vst v63  }
0xc2: {  	_ =	swait.ge [sflag:s24], $0x2000  }
0xc3: {  	[sflag:s24] =	ssyncset.done $0x0  }
0xc4: {  	[sflag:s24] =	ssyncadd.s32 $0xFFFFE000  }
0xc5: {  	s8 =	sadd.s32 $0x200, s8;
	_ =	swait.ge [sflag:s26], $0x80  }
0xc6: {  	s5 =	simm.s32 $0x80;
	s31 =	simm.s32 $0x40;
	[sflag:s26] =	ssyncset.done $0x0  }
0xc7: {  	s0 =	sshrl.u32 s8, $0x3;
	s8 =	sadd.s32 $0x200, s8;
	[sflag:s26] =	ssyncadd.s32 $0xFFFFFF80  }
.LBB2_4:
0xc8: {  	[spmem:s22] =	stream.indirect.scatter.add.f32 [tilespmem:s10], [sflag:$0x5], $0x80, s14, s13, $0xb8;
	[tilespmem:$0x1F080] =	vst v63  }
0xc9: {  	s9 =	sadd.s32 s11, s0;
	s12 =	simm.s32 $0x2  }
0xca: {  	[tilespmem:s3], [sflag:$0x9] =	stream.linear.gather [hbm4b:s9+s3], $0x80, $0x38;
	[tilespmem:$0x1F080] =	vst v63  }
0xcb: {  	_ =	swait.ge [sflag:s12], $0x2000  }
0xcc: {  	[sflag:s12] =	ssyncset.done $0x0  }
0xcd: {  	s16 =	simm.s32 $0xE;
	[sflag:s12] =	ssyncadd.s32 $0xFFFFE000  }
0xce: {  	_ =	swait.ge [sflag:s16], $0x80  }
0xcf: {  	s23 =	simm.s32 $0x280;
	s20 =	simm.s32 $0x80;
	[sflag:s16] =	ssyncset.done $0x0  }
0xd0: {  	s24 =	simm.s32 $0x2400;
	s26 =	rddreg [dreg:$0x7];
	[sflag:s16] =	ssyncadd.s32 $0xFFFFFF80  }
0xd1: {  	[spmem:s22] =	stream.indirect.scatter.add.f32 [tilespmem:s24], [sflag:$0x6], $0x80, s23, s13, $0xb8;
	[tilespmem:$0x1F080] =	vst v63  }
0xd2: {  	s14 =	smov.u32 s11;
	s21 =	simm.s32 $0x3;
	s11 =	sadd.s32 s31, s26  }
0xd3: {  	[tilespmem:s20], [sflag:$0xA] =	stream.linear.gather [hbm4b:s11+s3], $0x80, $0x38;
	[tilespmem:$0x1F080] =	vst v63  }
0xd4: {  	_ =	swait.ge [sflag:s21], $0x2000  }
0xd5: {  	[sflag:s21] =	ssyncset.done $0x0  }
0xd6: {  	[sflag:s21] =	ssyncadd.s32 $0xFFFFE000  }
0xd7: {  	_ =	swait.ge [sflag:s25], $0x80  }
0xd8: {  	s16 =	simm.s32 $0x300;
	[sflag:s25] =	ssyncset.done $0x0  }
0xd9: {  	s21 =	simm.s32 $0x4400;
	s23 =	rddreg [dreg:$0x5];
	[sflag:s25] =	ssyncadd.s32 $0xFFFFFF80  }
0xda: {  	[spmem:s22] =	stream.indirect.scatter.add.f32 [tilespmem:s21], [sflag:$0x7], $0x80, s16, s13, $0xb8;
	[tilespmem:$0x1F080] =	vst v63  }
0xdb: {  	s12 =	simm.s32 $0x100;
	s11 =	sadd.s32 s31, s23  }
0xdc: {  	[tilespmem:s12], [sflag:$0xB] =	stream.linear.gather [hbm4b:s11+s3], $0x80, $0x38;
	[tilespmem:$0x1F080] =	vst v63  }
0xdd: {  	_ =	swait.ge [sflag:s28], $0x2000  }
0xde: {  	[sflag:s28] =	ssyncset.done $0x0  }
0xdf: {  	[sflag:s28] =	ssyncadd.s32 $0xFFFFE000  }
0xe0: {  	_ =	swait.ge [sflag:s29], $0x80  }
0xe1: {  	s15 =	simm.s32 $0x380;
	[sflag:s29] =	ssyncset.done $0x0  }
0xe2: {  	s23 =	simm.s32 $0x6400;
	s26 =	rddreg [dreg:$0x9];
	[sflag:s29] =	ssyncadd.s32 $0xFFFFFF80  }
0xe3: {  	[spmem:s22] =	stream.indirect.scatter.add.f32 [tilespmem:s23], [sflag:$0x8], $0x80, s15, s13, $0xb8;
	[tilespmem:$0x1F080] =	vst v63  }
0xe4: {  	s11 =	sadd.s32 s31, s26;
	s26 =	simm.s32 $0x180  }
0xe5: {  	[tilespmem:s26], [sflag:$0xC] =	stream.linear.gather [hbm4b:s11+s3], $0x80, $0x38;
	[tilespmem:$0x1F080] =	vst v63  }
0xe6: {  	_ =	swait.ge [sflag:s30], $0x2000  }
0xe7: {  	[sflag:s30] =	ssyncset.done $0x0  }
0xe8: {  	s15 =	simm.s32 $0x9;
	[sflag:s30] =	ssyncadd.s32 $0xFFFFE000  }
0xe9: {  	_ =	swait.ge [sflag:s15], $0x80  }
0xea: {  	[sflag:s15] =	ssyncset.done $0x0  }
0xeb: {  	s17 =	simm.s32 $0x400;
	[sflag:s15] =	ssyncadd.s32 $0xFFFFFF80  }
0xec: {  	[tilespmem:s17], [sflag:$0x1] =	stream.indirect.gather [hbm4b:s2+s13], $0x80, s3, s13, $0xb8;
	[tilespmem:$0x1F080] =	vst v63  }
0xed: {  	s18 =	simm.s32 $0x200;
	s11 =	sadd.s32 s7, s0  }
0xee: {  	[tilespmem:s18], [sflag:$0xD] =	stream.linear.gather [hbm4b:s11+s3], $0x80, $0x38;
	[tilespmem:$0x1F080] =	vst v63  }
0xef: {  	_ =	swait.ge [sflag:s4], $0x2000  }
0xf0: {  	[sflag:s4] =	ssyncset.done $0x0  }
0xf1: {  	s17 =	simm.s32 $0xA;
	[sflag:s4] =	ssyncadd.s32 $0xFFFFE000  }
0xf2: {  	s10 =	sshrl.u32 s8, $0x3;
	_ =	swait.ge [sflag:s17], $0x80  }
0xf3: {  	s0 =	smov.u32 s10;
	[sflag:s17] =	ssyncset.done $0x0  }
0xf4: {  	s18 =	simm.s32 $0x80;
	s10 =	rddreg [dreg:$0x6];
	[sflag:s17] =	ssyncadd.s32 $0xFFFFFF80  }
0xf5: {  	[tilespmem:s24], [sflag:$0x2] =	stream.indirect.gather [hbm4b:s2+s13], $0x80, s18, s13, $0xb8;
	[tilespmem:$0x1F080] =	vst v63  }
0xf6: {  	s20 =	simm.s32 $0x280;
	s10 =	sadd.s32 s31, s10  }
0xf7: {  	[tilespmem:s20], [sflag:$0xE] =	stream.linear.gather [hbm4b:s10+s3], $0x80, $0x38;
	[tilespmem:$0x1F080] =	vst v63  }
0xf8: {  	_ =	swait.ge [sflag:s6], $0x2000  }
0xf9: {  	[sflag:s6] =	ssyncset.done $0x0  }
0xfa: {  	[sflag:s6] =	ssyncadd.s32 $0xFFFFE000  }
0xfb: {  	_ =	swait.ge [sflag:s19], $0x80  }
0xfc: {  	[sflag:s19] =	ssyncset.done $0x0  }
0xfd: {  	s24 =	rddreg [dreg:$0x4];
	[sflag:s19] =	ssyncadd.s32 $0xFFFFFF80  }
0xfe: {  	[tilespmem:s21], [sflag:$0x3] =	stream.indirect.gather [hbm4b:s2+s13], $0x80, s12, s13, $0xb8;
	[tilespmem:$0x1F080] =	vst v63  }
0xff: {  	s10 =	sadd.s32 s31, s24  }
0x100: {  	[tilespmem:s16], [sflag:$0xF] =	stream.linear.gather [hbm4b:s10+s3], $0x80, $0x38;
	[tilespmem:$0x1F080] =	vst v63  }
0x101: {  	_ =	swait.ge [sflag:s1], $0x2000  }
0x102: {  	[sflag:s1] =	ssyncset.done $0x0  }
0x103: {  	s10 =	simm.s32 $0xC;
	[sflag:s1] =	ssyncadd.s32 $0xFFFFE000  }
0x104: {  	_ =	swait.ge [sflag:s10], $0x80  }
0x105: {  	s9 =	smov.u32 s5;
	[sflag:s10] =	ssyncset.done $0x0  }
0x106: {  	s24 =	simm.s32 $0x1;
	s21 =	rddreg [dreg:$0x8];
	[sflag:s10] =	ssyncadd.s32 $0xFFFFFF80  }
0x107: {  	[tilespmem:s23], [sflag:$0x4] =	stream.indirect.gather [hbm4b:s2+s13], $0x80, s26, s13, $0xb8;
	[tilespmem:$0x1F080] =	vst v63  }
0x108: {  	s10 =	sadd.s32 s31, s21;
	s31 =	smov.u32 s9;
	s9 =	simm.s32 $0x380  }
0x109: {  	[tilespmem:s9], [sflag:$0x10] =	stream.linear.gather [hbm4b:s10+s3], $0x80, $0x38;
	[tilespmem:$0x1F080] =	vst v63  }
0x10a: {  	p2 =	sne.s32 s5, $0x940;
	_ =	swait.ge [sflag:s24], $0x2000  }
.Ltmp1:
0x10b: {  	[sflag:s24] =	ssyncset.done $0x0;
	(pc) =	sbr.rel @p2 .LBB2_4-.Ltmp1, $4  }
0x10c: {  	s26 =	simm.s32 $0xD;
	[sflag:s24] =	ssyncadd.s32 $0xFFFFE000  }
0x10d: {  	s8 =	sadd.s32 $0x200, s8;
	_ =	swait.ge [sflag:s26], $0x80  }
0x10e: {  	s5 =	sadd.s32 $0x40, s5;
	s11 =	smov.u32 s14;
	[sflag:s26] =	ssyncset.done $0x0  }
0x10f: {  	s14 =	simm.s32 $0x200;
	s10 =	simm.s32 $0x400;
	[sflag:s26] =	ssyncadd.s32 $0xFFFFFF80  }
0x110: {  	[spmem:s22] =	stream.indirect.scatter.add.f32 [tilespmem:s10], [sflag:$0x5], $0x80, s14, s13, $0xb8;
	[tilespmem:$0x1F080] =	vst v63  }
0x111: {  	s5 =	sadd.s32 s11, s0;
	s26 =	simm.s32 $0x2  }
0x112: {  	[tilespmem:s3], [sflag:$0x9] =	stream.linear.gather [hbm4b:s5+s3], $0x80, $0x38;
	[tilespmem:$0x1F080] =	vst v63  }
0x113: {  	_ =	swait.ge [sflag:s26], $0x2000  }
0x114: {  	[sflag:s26] =	ssyncset.done $0x0  }
0x115: {  	s16 =	simm.s32 $0xE;
	[sflag:s26] =	ssyncadd.s32 $0xFFFFE000  }
0x116: {  	_ =	swait.ge [sflag:s16], $0x80  }
0x117: {  	[sflag:s16] =	ssyncset.done $0x0  }
0x118: {  	s8 =	simm.s32 $0x2400;
	s23 =	rddreg [dreg:$0x7];
	[sflag:s16] =	ssyncadd.s32 $0xFFFFFF80  }
0x119: {  	[spmem:s22] =	stream.indirect.scatter.add.f32 [tilespmem:s8], [sflag:$0x6], $0x80, s20, s13, $0xb8;
	[tilespmem:$0x1F080] =	vst v63  }
0x11a: {  	s5 =	sadd.s32 s31, s23;
	s8 =	simm.s32 $0x3  }
0x11b: {  	[tilespmem:s18], [sflag:$0xA] =	stream.linear.gather [hbm4b:s5+s3], $0x80, $0x38;
	[tilespmem:$0x1F080] =	vst v63  }
0x11c: {  	_ =	swait.ge [sflag:s8], $0x2000  }
0x11d: {  	[sflag:s8] =	ssyncset.done $0x0  }
0x11e: {  	[sflag:s8] =	ssyncadd.s32 $0xFFFFE000  }
0x11f: {  	_ =	swait.ge [sflag:s25], $0x80  }
0x120: {  	s21 =	simm.s32 $0x300;
	[sflag:s25] =	ssyncset.done $0x0  }
0x121: {  	s23 =	simm.s32 $0x4400;
	s24 =	rddreg [dreg:$0x5];
	[sflag:s25] =	ssyncadd.s32 $0xFFFFFF80  }
0x122: {  	[spmem:s22] =	stream.indirect.scatter.add.f32 [tilespmem:s23], [sflag:$0x7], $0x80, s21, s13, $0xb8;
	[tilespmem:$0x1F080] =	vst v63  }
0x123: {  	s5 =	sadd.s32 s31, s24  }
0x124: {  	[tilespmem:s12], [sflag:$0xB] =	stream.linear.gather [hbm4b:s5+s3], $0x80, $0x38;
	[tilespmem:$0x1F080] =	vst v63  }
0x125: {  	_ =	swait.ge [sflag:s28], $0x2000  }
0x126: {  	[sflag:s28] =	ssyncset.done $0x0  }
0x127: {  	[sflag:s28] =	ssyncadd.s32 $0xFFFFE000  }
0x128: {  	_ =	swait.ge [sflag:s29], $0x80  }
0x129: {  	[sflag:s29] =	ssyncset.done $0x0  }
0x12a: {  	s21 =	simm.s32 $0x6400;
	s24 =	rddreg [dreg:$0x9];
	[sflag:s29] =	ssyncadd.s32 $0xFFFFFF80  }
0x12b: {  	[spmem:s22] =	stream.indirect.scatter.add.f32 [tilespmem:s21], [sflag:$0x8], $0x80, s9, s13, $0xb8;
	[tilespmem:$0x1F080] =	vst v63  }
0x12c: {  	s5 =	sadd.s32 s31, s24;
	s24 =	simm.s32 $0x180  }
0x12d: {  	[tilespmem:s24], [sflag:$0xC] =	stream.linear.gather [hbm4b:s5+s3], $0x80, $0x38;
	[tilespmem:$0x1F080] =	vst v63  }
0x12e: {  	_ =	swait.ge [sflag:s30], $0x2000  }
0x12f: {  	[sflag:s30] =	ssyncset.done $0x0  }
0x130: {  	[sflag:s30] =	ssyncadd.s32 $0xFFFFE000  }
0x131: {  	_ =	swait.ge [sflag:s15], $0x80  }
0x132: {  	[sflag:s15] =	ssyncset.done $0x0  }
0x133: {  	[sflag:s15] =	ssyncadd.s32 $0xFFFFFF80  }
0x134: {  	[tilespmem:s10], [sflag:$0x1] =	stream.indirect.gather [hbm4b:s2+s13], $0x80, s3, s13, $0xb8;
	[tilespmem:$0x1F080] =	vst v63  }
0x135: {  	s5 =	sadd.s32 s7, s0  }
0x136: {  	[tilespmem:s14], [sflag:$0xD] =	stream.linear.gather [hbm4b:s5+s3], $0x80, $0x38;
	[tilespmem:$0x1F080] =	vst v63  }
0x137: {  	_ =	swait.ge [sflag:s4], $0x2000  }
0x138: {  	[sflag:s4] =	ssyncset.done $0x0  }
0x139: {  	[sflag:s4] =	ssyncadd.s32 $0xFFFFE000  }
0x13a: {  	_ =	swait.ge [sflag:s17], $0x80  }
0x13b: {  	[sflag:s17] =	ssyncset.done $0x0  }
0x13c: {  	s5 =	simm.s32 $0x2400;
	s0 =	rddreg [dreg:$0x6];
	[sflag:s17] =	ssyncadd.s32 $0xFFFFFF80  }
0x13d: {  	[tilespmem:s5], [sflag:$0x2] =	stream.indirect.gather [hbm4b:s2+s13], $0x80, s18, s13, $0xb8;
	[tilespmem:$0x1F080] =	vst v63  }
0x13e: {  	s0 =	sadd.s32 s31, s0  }
0x13f: {  	[tilespmem:s20], [sflag:$0xE] =	stream.linear.gather [hbm4b:s0+s3], $0x80, $0x38;
	[tilespmem:$0x1F080] =	vst v63  }
0x140: {  	_ =	swait.ge [sflag:s6], $0x2000  }
0x141: {  	[sflag:s6] =	ssyncset.done $0x0  }
0x142: {  	[sflag:s6] =	ssyncadd.s32 $0xFFFFE000  }
0x143: {  	_ =	swait.ge [sflag:s19], $0x80  }
0x144: {  	[sflag:s19] =	ssyncset.done $0x0  }
0x145: {  	s5 =	rddreg [dreg:$0x4];
	[sflag:s19] =	ssyncadd.s32 $0xFFFFFF80  }
0x146: {  	[tilespmem:s23], [sflag:$0x3] =	stream.indirect.gather [hbm4b:s2+s13], $0x80, s12, s13, $0xb8;
	[tilespmem:$0x1F080] =	vst v63  }
0x147: {  	s0 =	sadd.s32 s31, s5;
	s19 =	simm.s32 $0x300  }
0x148: {  	[tilespmem:s19], [sflag:$0xF] =	stream.linear.gather [hbm4b:s0+s3], $0x80, $0x38;
	[tilespmem:$0x1F080] =	vst v63  }
0x149: {  	_ =	swait.ge [sflag:s1], $0x2000  }
0x14a: {  	[sflag:s1] =	ssyncset.done $0x0  }
0x14b: {  	s5 =	simm.s32 $0xC;
	[sflag:s1] =	ssyncadd.s32 $0xFFFFE000  }
0x14c: {  	_ =	swait.ge [sflag:s5], $0x80  }
0x14d: {  	[sflag:s5] =	ssyncset.done $0x0  }
0x14e: {  	s0 =	rddreg [dreg:$0x8];
	[sflag:s5] =	ssyncadd.s32 $0xFFFFFF80  }
0x14f: {  	[tilespmem:s21], [sflag:$0x4] =	stream.indirect.gather [hbm4b:s2+s13], $0x80, s24, s13, $0xb8;
	[tilespmem:$0x1F080] =	vst v63  }
0x150: {  	s0 =	sadd.s32 s31, s0;
	s24 =	simm.s32 $0x1  }
0x151: {  	[tilespmem:s9], [sflag:$0x10] =	stream.linear.gather [hbm4b:s0+s3], $0x80, $0x38;
	[tilespmem:$0x1F080] =	vst v63  }
0x152: {  	_ =	swait.ge [sflag:s24], $0x2000  }
0x153: {  	[sflag:s24] =	ssyncset.done $0x0  }
0x154: {  	s5 =	simm.s32 $0xD;
	[sflag:s24] =	ssyncadd.s32 $0xFFFFE000  }
0x155: {  	_ =	swait.ge [sflag:s5], $0x80  }
0x156: {  	[sflag:s5] =	ssyncset.done $0x0  }
0x157: {  	[sflag:s5] =	ssyncadd.s32 $0xFFFFFF80  }
0x158: {  	[spmem:s22] =	stream.indirect.scatter.add.f32 [tilespmem:s10], [sflag:$0x5], $0x80, s14, s13, $0xb8;
	[tilespmem:$0x1F080] =	vst v63  }
0x159: {  	_ =	swait.ge [sflag:s26], $0x2000  }
0x15a: {  	[sflag:s26] =	ssyncset.done $0x0  }
0x15b: {  	[sflag:s26] =	ssyncadd.s32 $0xFFFFE000  }
0x15c: {  	_ =	swait.ge [sflag:s16], $0x80  }
0x15d: {  	[sflag:s16] =	ssyncset.done $0x0  }
0x15e: {  	[sflag:s16] =	ssyncadd.s32 $0xFFFFFF80;
	s16 =	simm.s32 $0x2400  }
0x15f: {  	[spmem:s22] =	stream.indirect.scatter.add.f32 [tilespmem:s16], [sflag:$0x6], $0x80, s20, s13, $0xb8;
	[tilespmem:$0x1F080] =	vst v63  }
0x160: {  	_ =	swait.ge [sflag:s8], $0x2000  }
0x161: {  	[sflag:s8] =	ssyncset.done $0x0  }
0x162: {  	[sflag:s8] =	ssyncadd.s32 $0xFFFFE000  }
0x163: {  	_ =	swait.ge [sflag:s25], $0x80  }
0x164: {  	[sflag:s25] =	ssyncset.done $0x0  }
0x165: {  	[sflag:s25] =	ssyncadd.s32 $0xFFFFFF80  }
0x166: {  	[spmem:s22] =	stream.indirect.scatter.add.f32 [tilespmem:s23], [sflag:$0x7], $0x80, s19, s13, $0xb8;
	[tilespmem:$0x1F080] =	vst v63  }
0x167: {  	_ =	swait.ge [sflag:s28], $0x2000  }
0x168: {  	[sflag:s28] =	ssyncset.done $0x0  }
0x169: {  	[sflag:s28] =	ssyncadd.s32 $0xFFFFE000  }
0x16a: {  	_ =	swait.ge [sflag:s29], $0x80  }
0x16b: {  	[sflag:s29] =	ssyncset.done $0x0  }
0x16c: {  	[sflag:s29] =	ssyncadd.s32 $0xFFFFFF80  }
0x16d: {  	[spmem:s22] =	stream.indirect.scatter.add.f32 [tilespmem:s21], [sflag:$0x8], $0x80, s9, s13, $0xb8;
	[tilespmem:$0x1F080] =	vst v63  }
0x16e: {  	_ =	swait.ge [sflag:s30], $0x2000  }
0x16f: {  	[sflag:s30] =	ssyncset.done $0x0  }
0x170: {  	[sflag:s30] =	ssyncadd.s32 $0xFFFFE000  }
0x171: {  	_ =	swait.ge [sflag:s4], $0x2000  }
0x172: {  	[sflag:s4] =	ssyncset.done $0x0  }
0x173: {  	[sflag:s4] =	ssyncadd.s32 $0xFFFFE000  }
0x174: {  	_ =	swait.ge [sflag:s6], $0x2000  }
0x175: {  	[sflag:s6] =	ssyncset.done $0x0  }
0x176: {  	[sflag:s6] =	ssyncadd.s32 $0xFFFFE000  }
0x177: {  	_ =	swait.ge [sflag:s1], $0x2000  }
0x178: {  	[sflag:s1] =	ssyncset.done $0x0  }
0x179: {  	s0 =	simm.s32 @!p1 $0x0;
	s5 =	rddreg [dreg:$0x18];
	[sflag:s1] =	ssyncadd.s32 $0xFFFFE000  }
0x17a: {  	[tilespmem:s0], [sflag:$0x11] =	stream.linear.gather @!p1 [hbm4b:s5+s0], $0x80, $0x38;
	[tilespmem:$0x1F080] =	vst v63  }
0x17b: {  	s5 =	simm.s32 @!p1 $0x11  }
0x17c: {  	_ =	swait.ge @!p1 [sflag:s5], $0x80  }
0x17d: {  	[sflag:s5] =	ssyncset.done @!p1 $0x0  }
0x17e: {  	s8 =	simm.s32 @!p1 $0x200;
	s9 =	rddreg [dreg:$0x19];
	[sflag:s5] =	ssyncadd.s32 @!p1 $0xFFFFFF80  }
0x17f: {  	[tilespmem:s8], [sflag:$0x11] =	stream.linear.gather @!p1 [hbm4b:s9+s0], $0x80, $0x38;
	[tilespmem:$0x1F080] =	vst v63  }
0x180: {  	_ =	swait.ge @!p1 [sflag:s5], $0x80  }
0x181: {  	[sflag:s5] =	ssyncset.done @!p1 $0x0  }
0x182: {  	s10 =	simm.s32 @!p1 $0x400;
	s9 =	simm.s32 @!p1 $0x40;
	[sflag:s5] =	ssyncadd.s32 @!p1 $0xFFFFFF80  }
0x183: {  	[tilespmem:s10], [sflag:$0x1] =	stream.indirect.gather @!p1 [hbm4b:s2+s9], $0x80, s0, s9, $0xb8;
	[tilespmem:$0x1F080] =	vst v63  }
0x184: {  	s0 =	simm.s32 @!p1 $0x1  }
0x185: {  	_ =	swait.ge @!p1 [sflag:s0], $0x2000  }
0x186: {  	[sflag:s0] =	ssyncset.done @!p1 $0x0  }
0x187: {  	[sflag:s0] =	ssyncadd.s32 @!p1 $0xFFFFE000  }
0x188: {  	[spmem:s22] =	stream.indirect.scatter.add.f32 @!p1 [tilespmem:s10], [sflag:$0x11], $0x80, s8, s9, $0xb8;
	[tilespmem:$0x1F080] =	vst v63  }
0x189: {  	_ =	swait.ge @!p1 [sflag:s5], $0x2000  }
0x18a: {  	[sflag:s5] =	ssyncset.done @!p1 $0x0  }
0x18b: {  	s19 =	stileid.u32;
	[sflag:s5] =	ssyncadd.s32 @!p1 $0xFFFFE000  }
0x18c: {  	s0 =	sshll.u32 s19, $0x6;
	[bflag:$0x0] =	sbarrier.arrive $0xFFFF  }
0x18d: {  	s0 =	sor.u32 $0x1C11, s0;
	s31 =	rddreg [dreg:$0xa]  }
0x18e: {  	s10 =	simm.s32 $0x11;
	s23 =	rddreg [dreg:$0x13];
	s21 =	sshrl.u32 s31, $0x3  }
0x18f: {  	[hbm:s23], [sflag:s0] =	dma.local [spmem:s21], $0x2700  }
0x190: {  	_ =	swait.ge [sflag:s10], $0x2700  }
0x191: {  	[sflag:s10] =	ssyncset.done $0x0;
	s9 =	rddreg [dreg:$0x1e]  }
0x192: {  	s8 =	rddreg [dreg:$0x1a];
	[sflag:s10] =	ssyncadd.s32 $0xFFFFD900;
	s5 =	sshrl.u32 @!p0 s9, $0x3  }
0x193: {  	[hbm:s8], [sflag:s0] =	dma.local @!p0 [spmem:s5], $0x100  }
0x194: {  	s0 =	simm.s32 @!p0 $0x11  }
0x195: {  	_ =	swait.ge @!p0 [sflag:s0], $0x100  }
0x196: {  	s24 =	rddreg [dreg:$0x1f]  }
0x197: {  	s26 =	rddreg [dreg:$0x1b];
	s1 =	sadd.s32 $0x1, s24  }
0x198: {  	p2 =	sne.s32 s1, s26  }
.Ltmp2:
0x199: {  	_ = 	snop;
	(pc) =	sbr.rel @p2 .LBB2_1-.Ltmp2, $3  }
0x19a: {  	_ =	sdelay $0x1  }
0x19b: {  	[sflag:s0] =	ssyncset.done @!p0 $0x0  }
0x19c: {  	[sflag:s0] =	ssyncadd.s32 @!p0 $0xFFFFFF00  }
0x19d: {  	_ =	sfence.sel $0x180000  }
0x19e: {  	[bflag:$0x0] =	sbarrier.arrive $0xFFFF  }
0x19f: {  	_ =	strace $0x9000004D  }
0x1a0: {  	[bflag:$0x2] =	sbarrier.arrive $0xFFFF  }
0x1a1: {  	s0 =	rddreg [dreg:$0x3]  }
0x1a2: {  	s0 =	sadd.s32 @!p0 $0x100000, s0  }
0x1a3: {  	[sflag:s0] =	ssyncadd.tile.s32 @!p0 $0x1;
	_ =	shalt  }
.Lfunc_end2:
_tile_overlayer_lowered:
.L_overlay_start_2:
0x1a4: {  	(tag) =	ssettag $0x2  }
0x1a5: {  	s0 =	rddreg [dreg:$0x0];
	s2 =	stileid.u32  }
0x1a6: {  	s1 =	rddreg [dreg:$0x1];
	p0 =	sne.s32 s2, $0x0  }
0x1a7: {  	s3 =	rddreg [dreg:$0x2];
	[bflag:$0x3] =	sbarrier.arrive $0xFFFF;
	s2 =	simm.s32 @!p0 $0x1C11  }
0x1a8: {  	[timem:s3], [sflag:s2] =	dma.local @!p0 [hbm:s0], s1  }
0x1a9: {  	s0 =	simm.s32 @!p0 $0x11  }
0x1aa: {  	_ =	swait.ge @!p0 [sflag:s0], s1  }
0x1ab: {  	s1 =	ssub.s32 @!p0 $0x0, s1;
	[sflag:s0] =	ssyncset.done @!p0 $0x0  }
0x1ac: {  	[sflag:s0] =	ssyncadd.s32 @!p0 s1  }
0x1ad: {  	[bflag:$0x3] =	sbarrier.arrive $0xFFFF  }
0x1ae: {  	_ =	shalt  }

// kernel: kernel.20.cloned.1.call-start
scs
__scs_entry_jumppad:
0x0: {  	(pc) =	sbr.rel $0x88, $3  }
0x1: {  	(tag) =	ssettag $0x0;
	lr =	simm.s32 $0x1  }
0x2: {  	[smem:$0x3F97] =	sst lr;
	_ =	strace $0xD0000000  }
0x3: {  	_ = 	snop  }
0x4: {  	_ = 	snop  }
0x5: {  	_ = 	snop  }
0x6: {  	_ = 	snop  }
0x7: {  	_ = 	snop  }
__scs_overlays_trampoline_lowered:
0x8: {  	[smem:$0x3FA6] =	sst s0  }
0x9: {  	[smem:$0x3FA7] =	sst s1  }
0xa: {  	[smem:$0x3FA8] =	sst s2  }
0xb: {  	[smem:$0x3FA9] =	sst s3  }
0xc: {  	[smem:$0x3FAA] =	sst s4  }
0xd: {  	[smem:$0x3FAB] =	sst s5  }
0xe: {  	[smem:$0x3FAC] =	sst s6  }
0xf: {  	[smem:$0x3FAD] =	sst s7  }
0x10: {  	[smem:$0x3FAE] =	sst s8  }
0x11: {  	[smem:$0x3FAF] =	sst s9;
	s0 =	simm.s32 @!p0 $0x0  }
0x12: {  	s1 =	sld [smem:$0x3F95];
	s0 =	simm.s32 @p0 $0x1  }
0x13: {  	[smem:$0x3FB0] =	sst s0;
	s0 =	simm.s32 @!p1 $0x0  }
0x14: {  	s2 =	sld [smem:$0x3F94];
	s0 =	simm.s32 @p1 $0x1  }
0x15: {  	[smem:$0x3FB1] =	sst s0;
	s0 =	simm.s32 @!p2 $0x0  }
0x16: {  	s3 =	sld [smem:$0x3FDB];
	s0 =	simm.s32 @p2 $0x1  }
0x17: {  	s4 =	simm.s32 $0x1BF5;
	[smem:$0x3FB3] =	sst s0  }
0x18: {  	s0 =	sld [smem:$0x3F96];
	_ =	swait.ge [sflag:s4], $0x0  }
0x19: {  	s7 =	sld [smem:$0x3F97]  }
0x1a: {  	s8 =	sadd.s32 $0xFFFFE003, lr  }
0x1b: {  	s9 =	sadd.s32 $0xFFFFFEF7, lr;
	s5 =	simm.s32 $0xFFFFFFFF;
	p2 =	slt.u32 s8, $0xFFFFF086  }
0x1c: {  	p1 =	slt.u32 s9, $0xF7A;
	s5 =	simm.s32 @!p2 $0x0  }
0x1d: {  	s5 =	simm.s32 @p1 $0x1;
	p0 =	seq.s32 s7, s2  }
0x1e: {  	s7 =	smul.u32 @!p0 $0xF7A, s2;
	p2 =	seq.s32 @!p0 s5, $0x0  }
0x1f: {  	s9 =	smul.u32 $0xF7A, s1;
	s8 =	simm.s32 @!p0 $0x1BF5;
	p2 =	por !p2, p0  }
0x20: {  	[sflag:s8] =	ssyncset.s32 @!p0 $0xFFFFF086;
	s6 =	sadd.s32 @!p0 s3, s7;
	s7 =	simm.s32 @!p0 $0x108  }
0x21: {  	s3 =	sadd.s32 s3, s9;
	s6 =	sadd.s32 @!p0 $0x88, s6;
	s7 =	simm.s32 @p2 $0x1082  }
0x22: {  	[simem:s7], [sflag:s8] =	dma.local @!p0 [hbm:s6], $0xF7A  }
0x23: {  	s9 =	sor.u32 $0xD0000000, s2;
	s6 =	simm.s32 $0x108;
	_ =	swait.ge @!p0 [sflag:s8], $0x0  }
0x24: {  	s3 =	sadd.s32 $0x88, s3;
	s6 =	simm.s32 @!p1 $0x1082;
	[sflag:s4] =	ssyncset.s32 $0xFFFFF086  }
0x25: {  	[simem:s6], [sflag:s4] =	dma.local [hbm:s3], $0xF7A  }
0x26: {  	[smem:$0x3F97] =	sst s1;
	(tag) =	ssettag s2;
	_ =	strace s9  }
0x27: {  	s1 =	sld [smem:$0x3FA7]  }
0x28: {  	s2 =	sld [smem:$0x3FA8]  }
0x29: {  	s4 =	sld [smem:$0x3FAA]  }
0x2a: {  	p0 =	seq.s32 s5, $0x0;
	s5 =	sld [smem:$0x3FAB]  }
0x2b: {  	s6 =	sld [smem:$0x3FAC]  }
0x2c: {  	s7 =	sld [smem:$0x3FAD]  }
0x2d: {  	s3 =	simm.s32 $0x108;
	s8 =	sld [smem:$0x3FAE]  }
0x2e: {  	s3 =	simm.s32 @!p0 $0x1082;
	s9 =	sld [smem:$0x3FAF]  }
0x2f: {  	lr =	sadd.s32 s0, s3;
	s0 =	sld [smem:$0x3FA6]  }
0x30: {  	s3 =	sld [smem:$0x3FA9]  }
0x31: {  	[smem:$0x3FB2] =	sst s10  }
0x32: {  	s10 =	sld [smem:$0x3FB0];
	_ =	sdelay $0x3  }
0x33: {  	p0 =	seq.s32 s10, $0x1;
	s10 =	sld [smem:$0x3FB2];
	_ =	sdelay $0x3  }
0x34: {  	[smem:$0x3FB2] =	sst s10  }
0x35: {  	s10 =	sld [smem:$0x3FB1];
	_ =	sdelay $0x3  }
0x36: {  	p1 =	seq.s32 s10, $0x1;
	s10 =	sld [smem:$0x3FB2];
	_ =	sdelay $0x3  }
0x37: {  	[smem:$0x3FB2] =	sst s10  }
0x38: {  	s10 =	sld [smem:$0x3FB3]  }
0x39: {  	_ = 	snop;
	(pc) =	sbr.ind lr, $3  }
0x3a: {  	_ = 	snop  }
0x3b: {  	_ = 	snop  }
0x3c: {  	p2 =	seq.s32 s10, $0x1;
	s10 =	sld [smem:$0x3FB2]  }
0x3d: {  	_ =	shalt  }
0x3e: {  	_ =	shalt  }
0x3f: {  	_ =	shalt  }
0x40: {  	_ =	shalt  }
0x41: {  	_ =	shalt  }
0x42: {  	_ =	shalt  }
0x43: {  	_ =	shalt  }
0x44: {  	_ =	shalt  }
0x45: {  	_ =	shalt  }
0x46: {  	_ =	shalt  }
0x47: {  	_ =	shalt  }
0x48: {  	_ =	shalt  }
0x49: {  	_ =	shalt  }
0x4a: {  	_ =	shalt  }
0x4b: {  	_ =	shalt  }
0x4c: {  	_ =	shalt  }
0x4d: {  	_ =	shalt  }
0x4e: {  	_ =	shalt  }
0x4f: {  	_ =	shalt  }
0x50: {  	_ =	shalt  }
0x51: {  	_ =	shalt  }
0x52: {  	_ =	shalt  }
0x53: {  	_ =	shalt  }
0x54: {  	_ =	shalt  }
0x55: {  	_ =	shalt  }
0x56: {  	_ =	shalt  }
0x57: {  	_ =	shalt  }
0x58: {  	_ =	shalt  }
0x59: {  	_ =	shalt  }
0x5a: {  	_ =	shalt  }
0x5b: {  	_ =	shalt  }
0x5c: {  	_ =	shalt  }
0x5d: {  	_ =	shalt  }
0x5e: {  	_ =	shalt  }
0x5f: {  	_ =	shalt  }
0x60: {  	_ =	shalt  }
0x61: {  	_ =	shalt  }
0x62: {  	_ =	shalt  }
0x63: {  	_ =	shalt  }
0x64: {  	_ =	shalt  }
0x65: {  	_ =	shalt  }
0x66: {  	_ =	shalt  }
0x67: {  	_ =	shalt  }
0x68: {  	_ =	shalt  }
0x69: {  	_ =	shalt  }
0x6a: {  	_ =	shalt  }
0x6b: {  	_ =	shalt  }
0x6c: {  	_ =	shalt  }
0x6d: {  	_ =	shalt  }
0x6e: {  	_ =	shalt  }
0x6f: {  	_ =	shalt  }
0x70: {  	_ =	shalt  }
0x71: {  	_ =	shalt  }
0x72: {  	_ =	shalt  }
0x73: {  	_ =	shalt  }
0x74: {  	_ =	shalt  }
0x75: {  	_ =	shalt  }
0x76: {  	_ =	shalt  }
0x77: {  	_ =	shalt  }
0x78: {  	_ =	shalt  }
0x79: {  	_ =	shalt  }
0x7a: {  	_ =	shalt  }
0x7b: {  	_ =	shalt  }
0x7c: {  	_ =	shalt  }
0x7d: {  	_ =	shalt  }
0x7e: {  	_ =	shalt  }
0x7f: {  	_ =	shalt  }
0x80: {  	_ =	shalt  }
0x81: {  	_ =	shalt  }
0x82: {  	_ =	shalt  }
0x83: {  	_ =	shalt  }
0x84: {  	_ =	shalt  }
0x85: {  	_ =	shalt  }
0x86: {  	_ =	shalt  }
0x87: {  	_ =	shalt  }
.Lfunc_end0:
.L_simem_size_0:
called_computation.3_lowered:
.L_overlay_start_0:
0x88: {  	s2 =	sld [smem:$0x3FD9]  }
0x89: {  	s3 =	sld [smem:$0x3FFE];
	_ =	sdelay $0x1  }
0x8a: {  	s1 =	srdreg.scid  }
0x8b: {  	s0 =	sand.u32 $0x1, s1  }
0x8c: {  	s17 =	sshll.u32 s0, $0xA;
	s2 =	sadd.s32 s3, s2  }
0x8d: {  	s2 =	sadd.s32 s2, s17  }
0x8e: {  	[smem:$0x3FBE] =	sst s2  }
0x8f: {  	_ = 	snop  }
0x90: {  	s2 =	sld [smem:$0x3FD0];
	(tm) =	ssettm $0x1  }
0x91: {  	s18 =	sld [smem:$0x3FFB];
	_ =	sdelay $0x3  }
0x92: {  	_ =	strace s18  }
0x93: {  	s3 =	sld [smem:$0x3FFC];
	_ =	sdelay $0x3  }
0x94: {  	_ =	strace s3  }
0x95: {  	s3 =	sld [smem:$0x3FFD];
	_ =	sdelay $0x3  }
0x96: {  	_ =	strace s3  }
0x97: {  	_ =	strace $0x8FFFFFFF  }
0x98: {  	s19 =	sld [smem:$0x3FDB];
	_ =	sdelay $0x1  }
0x99: {  	s4 =	simm.s32 $_scs_section_size  }
0x9a: {  	s5 =	simm.s32 $_size__tile_overlayer_lowered;
	s6 =	simm.s32 $_tile_overlayer_lowered  }
0x9b: {  	s22 =	simm.s32 $0x1BFF;
	s21 =	sshll.u32 s6, $0x1;
	s3 =	sadd.s32 s4, s19  }
0x9c: {  	s7 =	simm.s32 $0x0;
	s20 =	sshll.u32 s5, $0x1;
	s5 =	sadd.s32 s21, s3  }
0x9d: {  	[timem:s7], [sflag:s22] =	dma.local [hbm:s5], s20  }
0x9e: {  	_ =	swait.ge [sflag:s22], s20  }
0x9f: {  	s4 =	ssub.s32 $0x0, s20;
	[sflag:s22] =	ssyncset.done $0x0  }
0xa0: {  	[sflag:s22] =	ssyncadd.s32 s4;
	_ =	sdelay $0x1  }
0xa1: {  	s23 =	simm.s32 $0x1B8B  }
0xa2: {  	_ =	swait.ge [sflag:s23], $0x1  }
0xa3: {  	[sflag:s23] =	ssyncset.done $0x0  }
0xa4: {  	s25 =	simm.s32 $0x1B8E;
	s24 =	sld [smem:$0x3FFE];
	[sflag:s23] =	ssyncadd.s32 $0xFFFFFFFF  }
0xa5: {  	s26 =	simm.s32 $execute0_lowered;
	[smem:$0x3FD2] =	sst s25  }
0xa6: {  	s5 =	sshll.u32 s26, $0x1;
	_ =	strace $0x8000004F;
	[dreg:$0x1] =	wrdreg $0xFFFFFFFF  }
0xa7: {  	s28 =	simm.s32 $_size_execute0_lowered;
	s3 =	sadd.s32 s3, s5;
	[dreg:$0x0] =	wrdreg $0x0  }
0xa8: {  	s5 =	sshll.u32 s28, $0x1;
	[dreg:$0x2] =	wrdreg s3  }
0xa9: {  	[dreg:$0x3] =	wrdreg s5  }
0xaa: {  	[dreg:$0x4] =	wrdreg $0xC0  }
0xab: {  	_ =	task [dreg:s7], $0x5FFFF  }
0xac: {  	[dreg:$0x1] =	wrdreg $0xFFFFFFFF  }
0xad: {  	[dreg:$0x0] =	wrdreg $0x60  }
0xae: {  	[dreg:$0x2] =	wrdreg s2  }
0xaf: {  	[dreg:$0x3] =	wrdreg s24  }
0xb0: {  	[dreg:$0x4] =	wrdreg $0xB8000  }
0xb1: {  	[dreg:$0x5] =	wrdreg $0x9  }
0xb2: {  	_ =	task.clear_ibuf [dreg:s7], $0x6FFFF;
	_ =	strace $0x9000004F  }
0xb3: {  	s29 =	simm.s32 $0x9;
	_ =	strace $0x80000051  }
0xb4: {  	_ =	swait.ge [sflag:s29], $0x1  }
0xb5: {  	[sflag:s29] =	ssyncadd.s32 $0xFFFFFFFF  }
0xb6: {  	_ =	strace $0x90000051  }
0xb7: {  	_ =	sfence  }
0xb8: {  	s30 =	sld [smem:$0x0];
	_ =	sdelay $0x2  }
0xb9: {  	s31 =	sshll.u32 s1, $0xD;
	s1 =	sshrl.u32 s1, $0x2  }
0xba: {  	s3 =	sand.u32 $0x4000, s31;
	s1 =	sadd.s32 s1, s30  }
0xbb: {  	s0 =	sor.u32 s3, s0;
	s1 =	sshll.u32 s1, $0x11  }
0xbc: {  	s0 =	sor.u32 s1, s0  }
0xbd: {  	s0 =	sadd.s32 $0x8F2B, s0  }
0xbe: {  	[sflag:s0] =	ssyncadd.remote.s32 $0x1  }
0xbf: {  	_ =	sfence.sel $0xFFFF  }
0xc0: {  	[dreg:$0x0] =	wrdreg $0xFFFFFFFF;
	(pc) =	sbr.abs _section_cstart, $3  }
0xc1: {  	[dreg:$0x1] =	wrdreg $0xFFFFFFFF  }
0xc2: {  	_ =	task.clear_ibuf [dreg:s7], $0x2FFFF;
	_ =	strace $0x9FFFFFFF  }
0xc3: {  	(tm) =	ssettm $0x7FFFFFFF  }
tec
execute0_lowered:
.L_overlay_start_1:
0x0: {  	(tag) =	ssettag $0x1  }
0x1: {  	s2 =	rddreg [dreg:$0x0]  }
0x2: {  	s0 =	rddreg [dreg:$0x1]  }
0x3: {  	s22 =	rddreg [dreg:$0x2];
	s3 =	simm.s32 $0x0  }
0x4: {  	s15 =	stileid.u32;
	s5 =	srdreg.scid;
	s28 =	simm.s32 $0x4  }
0x5: {  	[smem:$0x7FF] =	sst s3;
	s14 =	sadd.s32 $0x16800, s0;
	s6 =	smul.u32 $0x4E000, s15  }
0x6: {  	s1 =	sadd.s32 $0x3000, s0;
	s4 =	sshll.u32 s15, $0x4;
	s20 =	smul.u32 $0x2700, s15  }
0x7: {  	s5 =	sand.u32 $0x1, s5;
	s26 =	smul.u32 $0x4E00, s15;
	_ =	strace $0x80000050  }
0x8: {  	s4 =	sadd.s32 s4, s0;
	s0 =	sadd.s32 $0x2A400, s0;
	s24 =	smul.u32 $0x4E000, s5  }
0x9: {  	s7 =	ssub.s32 $0x2, s5;
	s8 =	sshll.u32 s5, $0x4;
	s13 =	smul.u32 $0x27100, s5  }
0xa: {  	s5 =	smul.u32 $0x138800, s5;
	s9 =	sshrl.u32 s7, $0x1;
	s6 =	sshrl.u32 s6, $0x2  }
0xb: {  	s8 =	sor.u32 s15, s8;
	s7 =	ssub.s32 s7, s9;
	s31 =	sadd.s32 s6, s22  }
0xc: {  	s19 =	smul.u32 $0x4E00, s8;
	s10 =	sadd.s32 $0x3400, s31;
	[dreg:$0xa] =	wrdreg s31  }
0xd: {  	s9 =	sadd.s32 s20, s13;
	s21 =	sadd.s32 $0x6800, s31;
	[dreg:$0xb] =	wrdreg s10  }
0xe: {  	s5 =	sshrl.u32 s5, $0x3;
	s23 =	sadd.s32 $0x9C00, s31;
	[dreg:$0xc] =	wrdreg s21  }
0xf: {  	s11 =	sadd.s32 $0xD000, s31;
	s9 =	sadd.s32 s0, s9;
	[dreg:$0xd] =	wrdreg s23  }
0x10: {  	s0 =	sadd.s32 s0, s5;
	s6 =	sshrl.u32 s19, $0x3;
	[dreg:$0xe] =	wrdreg s11  }
0x11: {  	s10 =	sadd.s32 s26, s24;
	[dreg:$0x13] =	wrdreg s9;
	s0 =	sadd.s32 $0x27000, s0  }
0x12: {  	s25 =	sadd.s32 s14, s6;
	s12 =	sadd.s32 s1, s6;
	s16 =	sor.u32 $0x10, s6  }
0x13: {  	s18 =	sadd.s32 $0x300, s10;
	s21 =	sadd.s32 $0x280, s10;
	[dreg:$0x1a] =	wrdreg s0  }
0x14: {  	s26 =	sadd.s32 $0x380, s10;
	s13 =	sor.u32 $0x20, s6;
	[dreg:$0xf] =	wrdreg s25  }
0x15: {  	s6 =	sor.u32 $0x30, s6;
	[dreg:$0x10] =	wrdreg s12;
	s17 =	sadd.s32 s14, s16  }
0x16: {  	s24 =	sshrl.u32 s21, $0x3;
	s21 =	sadd.s32 s1, s6;
	[dreg:$0x11] =	wrdreg s17  }
0x17: {  	s12 =	sshrl.u32 s26, $0x3;
	s26 =	sadd.s32 $0x10400, s31;
	[dreg:$0x17] =	wrdreg s21  }
0x18: {  	s19 =	sshrl.u32 s18, $0x3;
	s17 =	sadd.s32 s1, s16;
	[dreg:$0x1d] =	wrdreg s26  }
0x19: {  	s29 =	simm.s32 $0x10;
	s20 =	sadd.s32 s19, s1;
	[dreg:$0x12] =	wrdreg s17  }
0x1a: {  	s30 =	simm.s32 $0x5;
	s23 =	sadd.s32 s19, s14;
	[dreg:$0x4] =	wrdreg s20  }
0x1b: {  	p0 =	sne.s32 s15, $0x0;
	s25 =	sadd.s32 s24, s1;
	[dreg:$0x5] =	wrdreg s23  }
0x1c: {  	s15 =	simm.s32 $0x9;
	s9 =	sadd.s32 s24, s14;
	[dreg:$0x6] =	wrdreg s25  }
0x1d: {  	p1 =	sgt.u32 s8, $0x7;
	s16 =	sadd.s32 s12, s1;
	[dreg:$0x7] =	wrdreg s9  }
0x1e: {  	s11 =	smov.u32 s14;
	s19 =	sadd.s32 s1, s13;
	[dreg:$0x8] =	wrdreg s16  }
0x1f: {  	s18 =	sadd.s32 s12, s14;
	s24 =	smax.u32 s7, $0x1;
	[dreg:$0x15] =	wrdreg s19  }
0x20: {  	s7 =	smov.u32 s1;
	s12 =	simm.s32 $0x100;
	[dreg:$0x9] =	wrdreg s18  }
0x21: {  	s1 =	simm.s32 $0x0;
	s17 =	sadd.s32 s14, s13;
	[dreg:$0x1b] =	wrdreg s24  }
0x22: {  	s20 =	sadd.s32 s14, s6;
	s23 =	sadd.s32 $0x2A000, s4;
	[dreg:$0x14] =	wrdreg s17  }
0x23: {  	s4 =	sadd.s32 $0x2A200, s4;
	s25 =	sadd.s32 $0x200, s10;
	[dreg:$0x16] =	wrdreg s20  }
0x24: {  	s9 =	sadd.s32 $0x138000, s22;
	s10 =	simm.s32 $0x11;
	[dreg:$0x18] =	wrdreg s23  }
0x25: {  	s14 =	simm.s32 $0x200;
	s18 =	simm.s32 $0x80;
	[dreg:$0x19] =	wrdreg s4  }
0x26: {  	s13 =	simm.s32 $0x40;
	[dreg:$0x1c] =	wrdreg s25;
	s20 =	simm.s32 $0x280  }
0x27: {  	v0 =	vimm.f32 $0.0e+00;
	s17 =	simm.s32 $0xA;
	[dreg:$0x1e] =	wrdreg s9;
	s25 =	simm.s32 $0xF  }
.LBB2_1:
0x28: {  	[dreg:$0x1f] =	wrdreg s1;
	s0 =	simm.s32 $0x0;
	s5 =	simm.s32 $0x200  }
.LBB2_2:
0x29: {  	p2 =	sne.s32 s5, $0xCE00;
	[tilespmem:s0+$0x8470] =	vst v0  }
0x2a: {  	[tilespmem:s0+$0x8400] =	vst v0  }
0x2b: {  	[tilespmem:s0+$0x8410] =	vst v0  }
.Ltmp0:
0x2c: {  	[tilespmem:s0+$0x8420] =	vst v0;
	(pc) =	sbr.rel @p2 .LBB2_2-.Ltmp0, $4  }
0x2d: {  	[tilespmem:s0+$0x8430] =	vst v0  }
0x2e: {  	[tilespmem:s0+$0x8440] =	vst v0  }
0x2f: {  	[tilespmem:s0+$0x8450] =	vst v0  }
0x30: {  	[tilespmem:s0+$0x8460] =	vst v0;
	s0 =	sshra.s32 s5, $0x2;
	s5 =	sadd.s32 $0x200, s5  }
0x31: {  	[tilespmem:s0+$0x8470] =	vst v0  }
0x32: {  	[tilespmem:s0+$0x8400] =	vst v0  }
0x33: {  	[tilespmem:s0+$0x8410] =	vst v0  }
0x34: {  	[tilespmem:s0+$0x8420] =	vst v0  }
0x35: {  	[tilespmem:s0+$0x8430] =	vst v0  }
0x36: {  	[tilespmem:s0+$0x8440] =	vst v0  }
0x37: {  	[tilespmem:s0+$0x8450] =	vst v0  }
0x38: {  	[tilespmem:s0+$0x8460] =	vst v0;
	s5 =	simm.s32 $0x8400  }
0x39: {  	[spmem:s31] =	stream.linear.scatter [tilespmem:s5], [sflag:$0x11], $0x3400, $0x38;
	[tilespmem:$0x1F080] =	vst v63  }
0x3a: {  	_ =	swait.ge [sflag:s10], $0x3400  }
0x3b: {  	[sflag:s10] =	ssyncset.done $0x0  }
0x3c: {  	s24 =	rddreg [dreg:$0xb];
	[sflag:s10] =	ssyncadd.s32 $0xFFFFCC00  }
0x3d: {  	[spmem:s24] =	stream.linear.scatter [tilespmem:s5], [sflag:$0x11], $0x3400, $0x38;
	[tilespmem:$0x1F080] =	vst v63  }
0x3e: {  	_ =	swait.ge [sflag:s10], $0x3400  }
0x3f: {  	[sflag:s10] =	ssyncset.done $0x0  }
0x40: {  	s26 =	rddreg [dreg:$0xc];
	[sflag:s10] =	ssyncadd.s32 $0xFFFFCC00  }
0x41: {  	[spmem:s26] =	stream.linear.scatter [tilespmem:s5], [sflag:$0x11], $0x3400, $0x38;
	[tilespmem:$0x1F080] =	vst v63  }
0x42: {  	_ =	swait.ge [sflag:s10], $0x3400  }
0x43: {  	[sflag:s10] =	ssyncset.done $0x0  }
0x44: {  	s1 =	rddreg [dreg:$0xd];
	[sflag:s10] =	ssyncadd.s32 $0xFFFFCC00  }
0x45: {  	[spmem:s1] =	stream.linear.scatter [tilespmem:s5], [sflag:$0x11], $0x3400, $0x38;
	[tilespmem:$0x1F080] =	vst v63  }
0x46: {  	_ =	swait.ge [sflag:s10], $0x3400  }
0x47: {  	[sflag:s10] =	ssyncset.done $0x0  }
0x48: {  	s4 =	rddreg [dreg:$0xe];
	[sflag:s10] =	ssyncadd.s32 $0xFFFFCC00  }
0x49: {  	[spmem:s4] =	stream.linear.scatter [tilespmem:s5], [sflag:$0x11], $0x3400, $0x38;
	[tilespmem:$0x1F080] =	vst v63  }
0x4a: {  	_ =	swait.ge [sflag:s10], $0x3400  }
0x4b: {  	[sflag:s10] =	ssyncset.done $0x0  }
0x4c: {  	s6 =	rddreg [dreg:$0x1d];
	[sflag:s10] =	ssyncadd.s32 $0xFFFFCC00  }
0x4d: {  	[spmem:s6] =	stream.linear.scatter [tilespmem:s5], [sflag:$0x11], $0x3400, $0x38;
	[tilespmem:$0x1F080] =	vst v63  }
0x4e: {  	_ =	swait.ge [sflag:s10], $0x3400  }
0x4f: {  	[sflag:s10] =	ssyncset.done $0x0  }
0x50: {  	s0 =	simm.s32 @!p0 $0x8400;
	[sflag:s10] =	ssyncadd.s32 $0xFFFFCC00  }
0x51: {  	[spmem:s9] =	stream.linear.scatter @!p0 [tilespmem:s0], [sflag:$0x11], $0x800, $0x38;
	[tilespmem:$0x1F080] =	vst v63  }
0x52: {  	s0 =	simm.s32 @!p0 $0x11  }
0x53: {  	_ =	swait.ge @!p0 [sflag:s0], $0x800  }
0x54: {  	[sflag:s0] =	ssyncset.done @!p0 $0x0  }
0x55: {  	[sflag:s0] =	ssyncadd.s32 @!p0 $0xFFFFF800  }
0x56: {  	[bflag:$0x0] =	sbarrier.arrive $0xFFFF  }
0x57: {  	s8 =	simm.s32 $0x0;
	s9 =	rddreg [dreg:$0xf]  }
0x58: {  	[tilespmem:s8], [sflag:$0x9] =	stream.linear.gather [hbm4b:s9+s8], $0x80, $0x38;
	[tilespmem:$0x1F080] =	vst v63  }
0x59: {  	s10 =	rddreg [dreg:$0x10]  }
0x5a: {  	[tilespmem:s14], [sflag:$0xD] =	stream.linear.gather [hbm4b:s10+s8], $0x80, $0x38;
	[tilespmem:$0x1F080] =	vst v63  }
0x5b: {  	s16 =	rddreg [dreg:$0x11]  }
0x5c: {  	[tilespmem:s18], [sflag:$0xA] =	stream.linear.gather [hbm4b:s16+s8], $0x80, $0x38;
	[tilespmem:$0x1F080] =	vst v63  }
0x5d: {  	s19 =	rddreg [dreg:$0x12]  }
0x5e: {  	[tilespmem:s20], [sflag:$0xE] =	stream.linear.gather [hbm4b:s19+s8], $0x80, $0x38;
	[tilespmem:$0x1F080] =	vst v63  }
0x5f: {  	s21 =	rddreg [dreg:$0x14]  }
0x60: {  	[tilespmem:s12], [sflag:$0xB] =	stream.linear.gather [hbm4b:s21+s8], $0x80, $0x38;
	[tilespmem:$0x1F080] =	vst v63  }
0x61: {  	s1 =	simm.s32 $0x300;
	s23 =	rddreg [dreg:$0x15]  }
0x62: {  	[tilespmem:s1], [sflag:$0xF] =	stream.linear.gather [hbm4b:s23+s8], $0x80, $0x38;
	[tilespmem:$0x1F080] =	vst v63  }
0x63: {  	s24 =	rddreg [dreg:$0x16];
	s23 =	simm.s32 $0x180  }
0x64: {  	[tilespmem:s23], [sflag:$0xC] =	stream.linear.gather [hbm4b:s24+s8], $0x80, $0x38;
	[tilespmem:$0x1F080] =	vst v63  }
0x65: {  	s26 =	rddreg [dreg:$0x17];
	s9 =	simm.s32 $0x380  }
0x66: {  	[tilespmem:s9], [sflag:$0x10] =	stream.linear.gather [hbm4b:s26+s8], $0x80, $0x38;
	[tilespmem:$0x1F080] =	vst v63  }
0x67: {  	_ =	swait.ge [sflag:s15], $0x80  }
0x68: {  	[sflag:s15] =	ssyncset.done $0x0  }
0x69: {  	s10 =	simm.s32 $0x400;
	[sflag:s15] =	ssyncadd.s32 $0xFFFFFF80  }
0x6a: {  	[tilespmem:s10], [sflag:$0x1] =	stream.indirect.gather [hbm4b:s2+s13], $0x80, s8, s13, $0xb8;
	[tilespmem:$0x1F080] =	vst v63  }
0x6b: {  	_ =	swait.ge [sflag:s17], $0x80  }
0x6c: {  	[sflag:s17] =	ssyncset.done $0x0  }
0x6d: {  	s6 =	simm.s32 $0x2400;
	s19 =	simm.s32 $0xB;
	[sflag:s17] =	ssyncadd.s32 $0xFFFFFF80  }
0x6e: {  	[tilespmem:s6], [sflag:$0x2] =	stream.indirect.gather [hbm4b:s2+s13], $0x80, s18, s13, $0xb8;
	[tilespmem:$0x1F080] =	vst v63  }
0x6f: {  	_ =	swait.ge [sflag:s19], $0x80  }
0x70: {  	[sflag:s19] =	ssyncset.done $0x0  }
0x71: {  	s31 =	simm.s32 $0xC;
	s21 =	simm.s32 $0x4400;
	[sflag:s19] =	ssyncadd.s32 $0xFFFFFF80  }
0x72: {  	[tilespmem:s21], [sflag:$0x3] =	stream.indirect.gather [hbm4b:s2+s13], $0x80, s12, s13, $0xb8;
	[tilespmem:$0x1F080] =	vst v63  }
0x73: {  	_ =	swait.ge [sflag:s31], $0x80  }
0x74: {  	[sflag:s31] =	ssyncset.done $0x0  }
0x75: {  	s16 =	simm.s32 $0x6400;
	s24 =	simm.s32 $0x1;
	[sflag:s31] =	ssyncadd.s32 $0xFFFFFF80  }
0x76: {  	[tilespmem:s16], [sflag:$0x4] =	stream.indirect.gather [hbm4b:s2+s13], $0x80, s23, s13, $0xb8;
	[tilespmem:$0x1F080] =	vst v63  }
0x77: {  	_ =	swait.ge [sflag:s24], $0x2000  }
0x78: {  	[sflag:s24] =	ssyncset.done $0x0  }
0x79: {  	s26 =	simm.s32 $0xD;
	[sflag:s24] =	ssyncadd.s32 $0xFFFFE000  }
0x7a: {  	_ =	swait.ge [sflag:s26], $0x80  }
0x7b: {  	[sflag:s26] =	ssyncset.done $0x0;
	s8 =	rddreg [dreg:$0x1c]  }
0x7c: {  	[sflag:s26] =	ssyncadd.s32 $0xFFFFFF80;
	s0 =	sshrl.u32 s8, $0x3  }
0x7d: {  	[spmem:s22] =	stream.indirect.scatter.add.f32 [tilespmem:s10], [sflag:$0x5], $0x80, s14, s13, $0xb8;
	[tilespmem:$0x1F080] =	vst v63  }
0x7e: {  	s4 =	sadd.s32 s11, s0  }
0x7f: {  	[tilespmem:s3], [sflag:$0x9] =	stream.linear.gather [hbm4b:s4+s3], $0x80, $0x38;
	[tilespmem:$0x1F080] =	vst v63  }
0x80: {  	s4 =	simm.s32 $0x2  }
0x81: {  	_ =	swait.ge [sflag:s4], $0x2000  }
0x82: {  	[sflag:s4] =	ssyncset.done $0x0  }
0x83: {  	[sflag:s4] =	ssyncadd.s32 $0xFFFFE000;
	s4 =	simm.s32 $0xE  }
0x84: {  	_ =	swait.ge [sflag:s4], $0x80  }
0x85: {  	[sflag:s4] =	ssyncset.done $0x0  }
0x86: {  	s5 =	rddreg [dreg:$0x7];
	[sflag:s4] =	ssyncadd.s32 $0xFFFFFF80  }
0x87: {  	[spmem:s22] =	stream.indirect.scatter.add.f32 [tilespmem:s6], [sflag:$0x6], $0x80, s20, s13, $0xb8;
	[tilespmem:$0x1F080] =	vst v63  }
0x88: {  	s5 =	sadd.s32 $0x0, s5  }
0x89: {  	[tilespmem:s18], [sflag:$0xA] =	stream.linear.gather [hbm4b:s5+s3], $0x80, $0x38;
	[tilespmem:$0x1F080] =	vst v63  }
0x8a: {  	s5 =	simm.s32 $0x3  }
0x8b: {  	_ =	swait.ge [sflag:s5], $0x2000  }
0x8c: {  	[sflag:s5] =	ssyncset.done $0x0  }
0x8d: {  	[sflag:s5] =	ssyncadd.s32 $0xFFFFE000  }
0x8e: {  	_ =	swait.ge [sflag:s25], $0x80  }
0x8f: {  	[sflag:s25] =	ssyncset.done $0x0  }
0x90: {  	s4 =	rddreg [dreg:$0x5];
	[sflag:s25] =	ssyncadd.s32 $0xFFFFFF80  }
0x91: {  	[spmem:s22] =	stream.indirect.scatter.add.f32 [tilespmem:s21], [sflag:$0x7], $0x80, s1, s13, $0xb8;
	[tilespmem:$0x1F080] =	vst v63  }
0x92: {  	s5 =	sadd.s32 $0x0, s4  }
0x93: {  	[tilespmem:s12], [sflag:$0xB] =	stream.linear.gather [hbm4b:s5+s3], $0x80, $0x38;
	[tilespmem:$0x1F080] =	vst v63  }
0x94: {  	_ =	swait.ge [sflag:s28], $0x2000  }
0x95: {  	[sflag:s28] =	ssyncset.done $0x0  }
0x96: {  	[sflag:s28] =	ssyncadd.s32 $0xFFFFE000  }
0x97: {  	_ =	swait.ge [sflag:s29], $0x80  }
0x98: {  	[sflag:s29] =	ssyncset.done $0x0  }
0x99: {  	s4 =	rddreg [dreg:$0x9];
	[sflag:s29] =	ssyncadd.s32 $0xFFFFFF80  }
0x9a: {  	[spmem:s22] =	stream.indirect.scatter.add.f32 [tilespmem:s16], [sflag:$0x8], $0x80, s9, s13, $0xb8;
	[tilespmem:$0x1F080] =	vst v63  }
0x9b: {  	s5 =	sadd.s32 $0x0, s4  }
0x9c: {  	[tilespmem:s23], [sflag:$0xC] =	stream.linear.gather [hbm4b:s5+s3], $0x80, $0x38;
	[tilespmem:$0x1F080] =	vst v63  }
0x9d: {  	_ =	swait.ge [sflag:s30], $0x2000  }
0x9e: {  	[sflag:s30] =	ssyncset.done $0x0  }
0x9f: {  	[sflag:s30] =	ssyncadd.s32 $0xFFFFE000  }
0xa0: {  	_ =	swait.ge [sflag:s15], $0x80  }
0xa1: {  	[sflag:s15] =	ssyncset.done $0x0  }
0xa2: {  	[sflag:s15] =	ssyncadd.s32 $0xFFFFFF80  }
0xa3: {  	[tilespmem:s10], [sflag:$0x1] =	stream.indirect.gather [hbm4b:s2+s13], $0x80, s3, s13, $0xb8;
	[tilespmem:$0x1F080] =	vst v63  }
0xa4: {  	s0 =	sadd.s32 s7, s0;
	s4 =	simm.s32 $0x6  }
0xa5: {  	[tilespmem:s14], [sflag:$0xD] =	stream.linear.gather [hbm4b:s0+s3], $0x80, $0x38;
	[tilespmem:$0x1F080] =	vst v63  }
0xa6: {  	_ =	swait.ge [sflag:s4], $0x2000  }
0xa7: {  	[sflag:s4] =	ssyncset.done $0x0  }
0xa8: {  	[sflag:s4] =	ssyncadd.s32 $0xFFFFE000  }
0xa9: {  	_ =	swait.ge [sflag:s17], $0x80  }
0xaa: {  	[sflag:s17] =	ssyncset.done $0x0  }
0xab: {  	s15 =	rddreg [dreg:$0x6];
	[sflag:s17] =	ssyncadd.s32 $0xFFFFFF80  }
0xac: {  	[tilespmem:s6], [sflag:$0x2] =	stream.indirect.gather [hbm4b:s2+s13], $0x80, s18, s13, $0xb8;
	[tilespmem:$0x1F080] =	vst v63  }
0xad: {  	s0 =	sadd.s32 $0x0, s15;
	s6 =	simm.s32 $0x7  }
0xae: {  	[tilespmem:s20], [sflag:$0xE] =	stream.linear.gather [hbm4b:s0+s3], $0x80, $0x38;
	[tilespmem:$0x1F080] =	vst v63  }
0xaf: {  	_ =	swait.ge [sflag:s6], $0x2000  }
0xb0: {  	[sflag:s6] =	ssyncset.done $0x0  }
0xb1: {  	[sflag:s6] =	ssyncadd.s32 $0xFFFFE000  }
0xb2: {  	_ =	swait.ge [sflag:s19], $0x80  }
0xb3: {  	[sflag:s19] =	ssyncset.done $0x0  }
0xb4: {  	s20 =	rddreg [dreg:$0x4];
	[sflag:s19] =	ssyncadd.s32 $0xFFFFFF80  }
0xb5: {  	[tilespmem:s21], [sflag:$0x3] =	stream.indirect.gather [hbm4b:s2+s13], $0x80, s12, s13, $0xb8;
	[tilespmem:$0x1F080] =	vst v63  }
0xb6: {  	s0 =	sadd.s32 $0x0, s20  }
0xb7: {  	[tilespmem:s1], [sflag:$0xF] =	stream.linear.gather [hbm4b:s0+s3], $0x80, $0x38;
	[tilespmem:$0x1F080] =	vst v63  }
0xb8: {  	s1 =	simm.s32 $0x8  }
0xb9: {  	_ =	swait.ge [sflag:s1], $0x2000  }
0xba: {  	[sflag:s1] =	ssyncset.done $0x0  }
0xbb: {  	[sflag:s1] =	ssyncadd.s32 $0xFFFFE000  }
0xbc: {  	_ =	swait.ge [sflag:s31], $0x80  }
0xbd: {  	[sflag:s31] =	ssyncset.done $0x0  }
0xbe: {  	s21 =	rddreg [dreg:$0x8];
	[sflag:s31] =	ssyncadd.s32 $0xFFFFFF80  }
0xbf: {  	[tilespmem:s16], [sflag:$0x4] =	stream.indirect.gather [hbm4b:s2+s13], $0x80, s23, s13, $0xb8;
	[tilespmem:$0x1F080] =	vst v63  }
0xc0: {  	s0 =	sadd.s32 $0x0, s21  }
0xc1: {  	[tilespmem:s9], [sflag:$0x10] =	stream.linear.gather [hbm4b:s0+s3], $0x80, $0x38;
	[tilespmem:$0x1F080] =	vst v63  }
0xc2: {  	_ =	swait.ge [sflag:s24], $0x2000  }
0xc3: {  	[sflag:s24] =	ssyncset.done $0x0  }
0xc4: {  	[sflag:s24] =	ssyncadd.s32 $0xFFFFE000  }
0xc5: {  	s8 =	sadd.s32 $0x200, s8;
	_ =	swait.ge [sflag:s26], $0x80  }
0xc6: {  	s5 =	simm.s32 $0x80;
	s31 =	simm.s32 $0x40;
	[sflag:s26] =	ssyncset.done $0x0  }
0xc7: {  	s0 =	sshrl.u32 s8, $0x3;
	s8 =	sadd.s32 $0x200, s8;
	[sflag:s26] =	ssyncadd.s32 $0xFFFFFF80  }
.LBB2_4:
0xc8: {  	[spmem:s22] =	stream.indirect.scatter.add.f32 [tilespmem:s10], [sflag:$0x5], $0x80, s14, s13, $0xb8;
	[tilespmem:$0x1F080] =	vst v63  }
0xc9: {  	s9 =	sadd.s32 s11, s0;
	s12 =	simm.s32 $0x2  }
0xca: {  	[tilespmem:s3], [sflag:$0x9] =	stream.linear.gather [hbm4b:s9+s3], $0x80, $0x38;
	[tilespmem:$0x1F080] =	vst v63  }
0xcb: {  	_ =	swait.ge [sflag:s12], $0x2000  }
0xcc: {  	[sflag:s12] =	ssyncset.done $0x0  }
0xcd: {  	s16 =	simm.s32 $0xE;
	[sflag:s12] =	ssyncadd.s32 $0xFFFFE000  }
0xce: {  	_ =	swait.ge [sflag:s16], $0x80  }
0xcf: {  	s23 =	simm.s32 $0x280;
	s20 =	simm.s32 $0x80;
	[sflag:s16] =	ssyncset.done $0x0  }
0xd0: {  	s24 =	simm.s32 $0x2400;
	s26 =	rddreg [dreg:$0x7];
	[sflag:s16] =	ssyncadd.s32 $0xFFFFFF80  }
0xd1: {  	[spmem:s22] =	stream.indirect.scatter.add.f32 [tilespmem:s24], [sflag:$0x6], $0x80, s23, s13, $0xb8;
	[tilespmem:$0x1F080] =	vst v63  }
0xd2: {  	s14 =	smov.u32 s11;
	s21 =	simm.s32 $0x3;
	s11 =	sadd.s32 s31, s26  }
0xd3: {  	[tilespmem:s20], [sflag:$0xA] =	stream.linear.gather [hbm4b:s11+s3], $0x80, $0x38;
	[tilespmem:$0x1F080] =	vst v63  }
0xd4: {  	_ =	swait.ge [sflag:s21], $0x2000  }
0xd5: {  	[sflag:s21] =	ssyncset.done $0x0  }
0xd6: {  	[sflag:s21] =	ssyncadd.s32 $0xFFFFE000  }
0xd7: {  	_ =	swait.ge [sflag:s25], $0x80  }
0xd8: {  	s16 =	simm.s32 $0x300;
	[sflag:s25] =	ssyncset.done $0x0  }
0xd9: {  	s21 =	simm.s32 $0x4400;
	s23 =	rddreg [dreg:$0x5];
	[sflag:s25] =	ssyncadd.s32 $0xFFFFFF80  }
0xda: {  	[spmem:s22] =	stream.indirect.scatter.add.f32 [tilespmem:s21], [sflag:$0x7], $0x80, s16, s13, $0xb8;
	[tilespmem:$0x1F080] =	vst v63  }
0xdb: {  	s12 =	simm.s32 $0x100;
	s11 =	sadd.s32 s31, s23  }
0xdc: {  	[tilespmem:s12], [sflag:$0xB] =	stream.linear.gather [hbm4b:s11+s3], $0x80, $0x38;
	[tilespmem:$0x1F080] =	vst v63  }
0xdd: {  	_ =	swait.ge [sflag:s28], $0x2000  }
0xde: {  	[sflag:s28] =	ssyncset.done $0x0  }
0xdf: {  	[sflag:s28] =	ssyncadd.s32 $0xFFFFE000  }
0xe0: {  	_ =	swait.ge [sflag:s29], $0x80  }
0xe1: {  	s15 =	simm.s32 $0x380;
	[sflag:s29] =	ssyncset.done $0x0  }
0xe2: {  	s23 =	simm.s32 $0x6400;
	s26 =	rddreg [dreg:$0x9];
	[sflag:s29] =	ssyncadd.s32 $0xFFFFFF80  }
0xe3: {  	[spmem:s22] =	stream.indirect.scatter.add.f32 [tilespmem:s23], [sflag:$0x8], $0x80, s15, s13, $0xb8;
	[tilespmem:$0x1F080] =	vst v63  }
0xe4: {  	s11 =	sadd.s32 s31, s26;
	s26 =	simm.s32 $0x180  }
0xe5: {  	[tilespmem:s26], [sflag:$0xC] =	stream.linear.gather [hbm4b:s11+s3], $0x80, $0x38;
	[tilespmem:$0x1F080] =	vst v63  }
0xe6: {  	_ =	swait.ge [sflag:s30], $0x2000  }
0xe7: {  	[sflag:s30] =	ssyncset.done $0x0  }
0xe8: {  	s15 =	simm.s32 $0x9;
	[sflag:s30] =	ssyncadd.s32 $0xFFFFE000  }
0xe9: {  	_ =	swait.ge [sflag:s15], $0x80  }
0xea: {  	[sflag:s15] =	ssyncset.done $0x0  }
0xeb: {  	s17 =	simm.s32 $0x400;
	[sflag:s15] =	ssyncadd.s32 $0xFFFFFF80  }
0xec: {  	[tilespmem:s17], [sflag:$0x1] =	stream.indirect.gather [hbm4b:s2+s13], $0x80, s3, s13, $0xb8;
	[tilespmem:$0x1F080] =	vst v63  }
0xed: {  	s18 =	simm.s32 $0x200;
	s11 =	sadd.s32 s7, s0  }
0xee: {  	[tilespmem:s18], [sflag:$0xD] =	stream.linear.gather [hbm4b:s11+s3], $0x80, $0x38;
	[tilespmem:$0x1F080] =	vst v63  }
0xef: {  	_ =	swait.ge [sflag:s4], $0x2000  }
0xf0: {  	[sflag:s4] =	ssyncset.done $0x0  }
0xf1: {  	s17 =	simm.s32 $0xA;
	[sflag:s4] =	ssyncadd.s32 $0xFFFFE000  }
0xf2: {  	s10 =	sshrl.u32 s8, $0x3;
	_ =	swait.ge [sflag:s17], $0x80  }
0xf3: {  	s0 =	smov.u32 s10;
	[sflag:s17] =	ssyncset.done $0x0  }
0xf4: {  	s18 =	simm.s32 $0x80;
	s10 =	rddreg [dreg:$0x6];
	[sflag:s17] =	ssyncadd.s32 $0xFFFFFF80  }
0xf5: {  	[tilespmem:s24], [sflag:$0x2] =	stream.indirect.gather [hbm4b:s2+s13], $0x80, s18, s13, $0xb8;
	[tilespmem:$0x1F080] =	vst v63  }
0xf6: {  	s20 =	simm.s32 $0x280;
	s10 =	sadd.s32 s31, s10  }
0xf7: {  	[tilespmem:s20], [sflag:$0xE] =	stream.linear.gather [hbm4b:s10+s3], $0x80, $0x38;
	[tilespmem:$0x1F080] =	vst v63  }
0xf8: {  	_ =	swait.ge [sflag:s6], $0x2000  }
0xf9: {  	[sflag:s6] =	ssyncset.done $0x0  }
0xfa: {  	[sflag:s6] =	ssyncadd.s32 $0xFFFFE000  }
0xfb: {  	_ =	swait.ge [sflag:s19], $0x80  }
0xfc: {  	[sflag:s19] =	ssyncset.done $0x0  }
0xfd: {  	s24 =	rddreg [dreg:$0x4];
	[sflag:s19] =	ssyncadd.s32 $0xFFFFFF80  }
0xfe: {  	[tilespmem:s21], [sflag:$0x3] =	stream.indirect.gather [hbm4b:s2+s13], $0x80, s12, s13, $0xb8;
	[tilespmem:$0x1F080] =	vst v63  }
0xff: {  	s10 =	sadd.s32 s31, s24  }
0x100: {  	[tilespmem:s16], [sflag:$0xF] =	stream.linear.gather [hbm4b:s10+s3], $0x80, $0x38;
	[tilespmem:$0x1F080] =	vst v63  }
0x101: {  	_ =	swait.ge [sflag:s1], $0x2000  }
0x102: {  	[sflag:s1] =	ssyncset.done $0x0  }
0x103: {  	s10 =	simm.s32 $0xC;
	[sflag:s1] =	ssyncadd.s32 $0xFFFFE000  }
0x104: {  	_ =	swait.ge [sflag:s10], $0x80  }
0x105: {  	s9 =	smov.u32 s5;
	[sflag:s10] =	ssyncset.done $0x0  }
0x106: {  	s24 =	simm.s32 $0x1;
	s21 =	rddreg [dreg:$0x8];
	[sflag:s10] =	ssyncadd.s32 $0xFFFFFF80  }
0x107: {  	[tilespmem:s23], [sflag:$0x4] =	stream.indirect.gather [hbm4b:s2+s13], $0x80, s26, s13, $0xb8;
	[tilespmem:$0x1F080] =	vst v63  }
0x108: {  	s10 =	sadd.s32 s31, s21;
	s31 =	smov.u32 s9;
	s9 =	simm.s32 $0x380  }
0x109: {  	[tilespmem:s9], [sflag:$0x10] =	stream.linear.gather [hbm4b:s10+s3], $0x80, $0x38;
	[tilespmem:$0x1F080] =	vst v63  }
0x10a: {  	p2 =	sne.s32 s5, $0x940;
	_ =	swait.ge [sflag:s24], $0x2000  }
.Ltmp1:
0x10b: {  	[sflag:s24] =	ssyncset.done $0x0;
	(pc) =	sbr.rel @p2 .LBB2_4-.Ltmp1, $4  }
0x10c: {  	s26 =	simm.s32 $0xD;
	[sflag:s24] =	ssyncadd.s32 $0xFFFFE000  }
0x10d: {  	s8 =	sadd.s32 $0x200, s8;
	_ =	swait.ge [sflag:s26], $0x80  }
0x10e: {  	s5 =	sadd.s32 $0x40, s5;
	s11 =	smov.u32 s14;
	[sflag:s26] =	ssyncset.done $0x0  }
0x10f: {  	s14 =	simm.s32 $0x200;
	s10 =	simm.s32 $0x400;
	[sflag:s26] =	ssyncadd.s32 $0xFFFFFF80  }
0x110: {  	[spmem:s22] =	stream.indirect.scatter.add.f32 [tilespmem:s10], [sflag:$0x5], $0x80, s14, s13, $0xb8;
	[tilespmem:$0x1F080] =	vst v63  }
0x111: {  	s5 =	sadd.s32 s11, s0;
	s26 =	simm.s32 $0x2  }
0x112: {  	[tilespmem:s3], [sflag:$0x9] =	stream.linear.gather [hbm4b:s5+s3], $0x80, $0x38;
	[tilespmem:$0x1F080] =	vst v63  }
0x113: {  	_ =	swait.ge [sflag:s26], $0x2000  }
0x114: {  	[sflag:s26] =	ssyncset.done $0x0  }
0x115: {  	s16 =	simm.s32 $0xE;
	[sflag:s26] =	ssyncadd.s32 $0xFFFFE000  }
0x116: {  	_ =	swait.ge [sflag:s16], $0x80  }
0x117: {  	[sflag:s16] =	ssyncset.done $0x0  }
0x118: {  	s8 =	simm.s32 $0x2400;
	s23 =	rddreg [dreg:$0x7];
	[sflag:s16] =	ssyncadd.s32 $0xFFFFFF80  }
0x119: {  	[spmem:s22] =	stream.indirect.scatter.add.f32 [tilespmem:s8], [sflag:$0x6], $0x80, s20, s13, $0xb8;
	[tilespmem:$0x1F080] =	vst v63  }
0x11a: {  	s5 =	sadd.s32 s31, s23;
	s8 =	simm.s32 $0x3  }
0x11b: {  	[tilespmem:s18], [sflag:$0xA] =	stream.linear.gather [hbm4b:s5+s3], $0x80, $0x38;
	[tilespmem:$0x1F080] =	vst v63  }
0x11c: {  	_ =	swait.ge [sflag:s8], $0x2000  }
0x11d: {  	[sflag:s8] =	ssyncset.done $0x0  }
0x11e: {  	[sflag:s8] =	ssyncadd.s32 $0xFFFFE000  }
0x11f: {  	_ =	swait.ge [sflag:s25], $0x80  }
0x120: {  	s21 =	simm.s32 $0x300;
	[sflag:s25] =	ssyncset.done $0x0  }
0x121: {  	s23 =	simm.s32 $0x4400;
	s24 =	rddreg [dreg:$0x5];
	[sflag:s25] =	ssyncadd.s32 $0xFFFFFF80  }
0x122: {  	[spmem:s22] =	stream.indirect.scatter.add.f32 [tilespmem:s23], [sflag:$0x7], $0x80, s21, s13, $0xb8;
	[tilespmem:$0x1F080] =	vst v63  }
0x123: {  	s5 =	sadd.s32 s31, s24  }
0x124: {  	[tilespmem:s12], [sflag:$0xB] =	stream.linear.gather [hbm4b:s5+s3], $0x80, $0x38;
	[tilespmem:$0x1F080] =	vst v63  }
0x125: {  	_ =	swait.ge [sflag:s28], $0x2000  }
0x126: {  	[sflag:s28] =	ssyncset.done $0x0  }
0x127: {  	[sflag:s28] =	ssyncadd.s32 $0xFFFFE000  }
0x128: {  	_ =	swait.ge [sflag:s29], $0x80  }
0x129: {  	[sflag:s29] =	ssyncset.done $0x0  }
0x12a: {  	s21 =	simm.s32 $0x6400;
	s24 =	rddreg [dreg:$0x9];
	[sflag:s29] =	ssyncadd.s32 $0xFFFFFF80  }
0x12b: {  	[spmem:s22] =	stream.indirect.scatter.add.f32 [tilespmem:s21], [sflag:$0x8], $0x80, s9, s13, $0xb8;
	[tilespmem:$0x1F080] =	vst v63  }
0x12c: {  	s5 =	sadd.s32 s31, s24;
	s24 =	simm.s32 $0x180  }
0x12d: {  	[tilespmem:s24], [sflag:$0xC] =	stream.linear.gather [hbm4b:s5+s3], $0x80, $0x38;
	[tilespmem:$0x1F080] =	vst v63  }
0x12e: {  	_ =	swait.ge [sflag:s30], $0x2000  }
0x12f: {  	[sflag:s30] =	ssyncset.done $0x0  }
0x130: {  	[sflag:s30] =	ssyncadd.s32 $0xFFFFE000  }
0x131: {  	_ =	swait.ge [sflag:s15], $0x80  }
0x132: {  	[sflag:s15] =	ssyncset.done $0x0  }
0x133: {  	[sflag:s15] =	ssyncadd.s32 $0xFFFFFF80  }
0x134: {  	[tilespmem:s10], [sflag:$0x1] =	stream.indirect.gather [hbm4b:s2+s13], $0x80, s3, s13, $0xb8;
	[tilespmem:$0x1F080] =	vst v63  }
0x135: {  	s5 =	sadd.s32 s7, s0  }
0x136: {  	[tilespmem:s14], [sflag:$0xD] =	stream.linear.gather [hbm4b:s5+s3], $0x80, $0x38;
	[tilespmem:$0x1F080] =	vst v63  }
0x137: {  	_ =	swait.ge [sflag:s4], $0x2000  }
0x138: {  	[sflag:s4] =	ssyncset.done $0x0  }
0x139: {  	[sflag:s4] =	ssyncadd.s32 $0xFFFFE000  }
0x13a: {  	_ =	swait.ge [sflag:s17], $0x80  }
0x13b: {  	[sflag:s17] =	ssyncset.done $0x0  }
0x13c: {  	s5 =	simm.s32 $0x2400;
	s0 =	rddreg [dreg:$0x6];
	[sflag:s17] =	ssyncadd.s32 $0xFFFFFF80  }
0x13d: {  	[tilespmem:s5], [sflag:$0x2] =	stream.indirect.gather [hbm4b:s2+s13], $0x80, s18, s13, $0xb8;
	[tilespmem:$0x1F080] =	vst v63  }
0x13e: {  	s0 =	sadd.s32 s31, s0  }
0x13f: {  	[tilespmem:s20], [sflag:$0xE] =	stream.linear.gather [hbm4b:s0+s3], $0x80, $0x38;
	[tilespmem:$0x1F080] =	vst v63  }
0x140: {  	_ =	swait.ge [sflag:s6], $0x2000  }
0x141: {  	[sflag:s6] =	ssyncset.done $0x0  }
0x142: {  	[sflag:s6] =	ssyncadd.s32 $0xFFFFE000  }
0x143: {  	_ =	swait.ge [sflag:s19], $0x80  }
0x144: {  	[sflag:s19] =	ssyncset.done $0x0  }
0x145: {  	s5 =	rddreg [dreg:$0x4];
	[sflag:s19] =	ssyncadd.s32 $0xFFFFFF80  }
0x146: {  	[tilespmem:s23], [sflag:$0x3] =	stream.indirect.gather [hbm4b:s2+s13], $0x80, s12, s13, $0xb8;
	[tilespmem:$0x1F080] =	vst v63  }
0x147: {  	s0 =	sadd.s32 s31, s5;
	s19 =	simm.s32 $0x300  }
0x148: {  	[tilespmem:s19], [sflag:$0xF] =	stream.linear.gather [hbm4b:s0+s3], $0x80, $0x38;
	[tilespmem:$0x1F080] =	vst v63  }
0x149: {  	_ =	swait.ge [sflag:s1], $0x2000  }
0x14a: {  	[sflag:s1] =	ssyncset.done $0x0  }
0x14b: {  	s5 =	simm.s32 $0xC;
	[sflag:s1] =	ssyncadd.s32 $0xFFFFE000  }
0x14c: {  	_ =	swait.ge [sflag:s5], $0x80  }
0x14d: {  	[sflag:s5] =	ssyncset.done $0x0  }
0x14e: {  	s0 =	rddreg [dreg:$0x8];
	[sflag:s5] =	ssyncadd.s32 $0xFFFFFF80  }
0x14f: {  	[tilespmem:s21], [sflag:$0x4] =	stream.indirect.gather [hbm4b:s2+s13], $0x80, s24, s13, $0xb8;
	[tilespmem:$0x1F080] =	vst v63  }
0x150: {  	s0 =	sadd.s32 s31, s0;
	s24 =	simm.s32 $0x1  }
0x151: {  	[tilespmem:s9], [sflag:$0x10] =	stream.linear.gather [hbm4b:s0+s3], $0x80, $0x38;
	[tilespmem:$0x1F080] =	vst v63  }
0x152: {  	_ =	swait.ge [sflag:s24], $0x2000  }
0x153: {  	[sflag:s24] =	ssyncset.done $0x0  }
0x154: {  	s5 =	simm.s32 $0xD;
	[sflag:s24] =	ssyncadd.s32 $0xFFFFE000  }
0x155: {  	_ =	swait.ge [sflag:s5], $0x80  }
0x156: {  	[sflag:s5] =	ssyncset.done $0x0  }
0x157: {  	[sflag:s5] =	ssyncadd.s32 $0xFFFFFF80  }
0x158: {  	[spmem:s22] =	stream.indirect.scatter.add.f32 [tilespmem:s10], [sflag:$0x5], $0x80, s14, s13, $0xb8;
	[tilespmem:$0x1F080] =	vst v63  }
0x159: {  	_ =	swait.ge [sflag:s26], $0x2000  }
0x15a: {  	[sflag:s26] =	ssyncset.done $0x0  }
0x15b: {  	[sflag:s26] =	ssyncadd.s32 $0xFFFFE000  }
0x15c: {  	_ =	swait.ge [sflag:s16], $0x80  }
0x15d: {  	[sflag:s16] =	ssyncset.done $0x0  }
0x15e: {  	[sflag:s16] =	ssyncadd.s32 $0xFFFFFF80;
	s16 =	simm.s32 $0x2400  }
0x15f: {  	[spmem:s22] =	stream.indirect.scatter.add.f32 [tilespmem:s16], [sflag:$0x6], $0x80, s20, s13, $0xb8;
	[tilespmem:$0x1F080] =	vst v63  }
0x160: {  	_ =	swait.ge [sflag:s8], $0x2000  }
0x161: {  	[sflag:s8] =	ssyncset.done $0x0  }
0x162: {  	[sflag:s8] =	ssyncadd.s32 $0xFFFFE000  }
0x163: {  	_ =	swait.ge [sflag:s25], $0x80  }
0x164: {  	[sflag:s25] =	ssyncset.done $0x0  }
0x165: {  	[sflag:s25] =	ssyncadd.s32 $0xFFFFFF80  }
0x166: {  	[spmem:s22] =	stream.indirect.scatter.add.f32 [tilespmem:s23], [sflag:$0x7], $0x80, s19, s13, $0xb8;
	[tilespmem:$0x1F080] =	vst v63  }
0x167: {  	_ =	swait.ge [sflag:s28], $0x2000  }
0x168: {  	[sflag:s28] =	ssyncset.done $0x0  }
0x169: {  	[sflag:s28] =	ssyncadd.s32 $0xFFFFE000  }
0x16a: {  	_ =	swait.ge [sflag:s29], $0x80  }
0x16b: {  	[sflag:s29] =	ssyncset.done $0x0  }
0x16c: {  	[sflag:s29] =	ssyncadd.s32 $0xFFFFFF80  }
0x16d: {  	[spmem:s22] =	stream.indirect.scatter.add.f32 [tilespmem:s21], [sflag:$0x8], $0x80, s9, s13, $0xb8;
	[tilespmem:$0x1F080] =	vst v63  }
0x16e: {  	_ =	swait.ge [sflag:s30], $0x2000  }
0x16f: {  	[sflag:s30] =	ssyncset.done $0x0  }
0x170: {  	[sflag:s30] =	ssyncadd.s32 $0xFFFFE000  }
0x171: {  	_ =	swait.ge [sflag:s4], $0x2000  }
0x172: {  	[sflag:s4] =	ssyncset.done $0x0  }
0x173: {  	[sflag:s4] =	ssyncadd.s32 $0xFFFFE000  }
0x174: {  	_ =	swait.ge [sflag:s6], $0x2000  }
0x175: {  	[sflag:s6] =	ssyncset.done $0x0  }
0x176: {  	[sflag:s6] =	ssyncadd.s32 $0xFFFFE000  }
0x177: {  	_ =	swait.ge [sflag:s1], $0x2000  }
0x178: {  	[sflag:s1] =	ssyncset.done $0x0  }
0x179: {  	s0 =	simm.s32 @!p1 $0x0;
	s5 =	rddreg [dreg:$0x18];
	[sflag:s1] =	ssyncadd.s32 $0xFFFFE000  }
0x17a: {  	[tilespmem:s0], [sflag:$0x11] =	stream.linear.gather @!p1 [hbm4b:s5+s0], $0x80, $0x38;
	[tilespmem:$0x1F080] =	vst v63  }
0x17b: {  	s5 =	simm.s32 @!p1 $0x11  }
0x17c: {  	_ =	swait.ge @!p1 [sflag:s5], $0x80  }
0x17d: {  	[sflag:s5] =	ssyncset.done @!p1 $0x0  }
0x17e: {  	s8 =	simm.s32 @!p1 $0x200;
	s9 =	rddreg [dreg:$0x19];
	[sflag:s5] =	ssyncadd.s32 @!p1 $0xFFFFFF80  }
0x17f: {  	[tilespmem:s8], [sflag:$0x11] =	stream.linear.gather @!p1 [hbm4b:s9+s0], $0x80, $0x38;
	[tilespmem:$0x1F080] =	vst v63  }
0x180: {  	_ =	swait.ge @!p1 [sflag:s5], $0x80  }
0x181: {  	[sflag:s5] =	ssyncset.done @!p1 $0x0  }
0x182: {  	s10 =	simm.s32 @!p1 $0x400;
	s9 =	simm.s32 @!p1 $0x40;
	[sflag:s5] =	ssyncadd.s32 @!p1 $0xFFFFFF80  }
0x183: {  	[tilespmem:s10], [sflag:$0x1] =	stream.indirect.gather @!p1 [hbm4b:s2+s9], $0x80, s0, s9, $0xb8;
	[tilespmem:$0x1F080] =	vst v63  }
0x184: {  	s0 =	simm.s32 @!p1 $0x1  }
0x185: {  	_ =	swait.ge @!p1 [sflag:s0], $0x2000  }
0x186: {  	[sflag:s0] =	ssyncset.done @!p1 $0x0  }
0x187: {  	[sflag:s0] =	ssyncadd.s32 @!p1 $0xFFFFE000  }
0x188: {  	[spmem:s22] =	stream.indirect.scatter.add.f32 @!p1 [tilespmem:s10], [sflag:$0x11], $0x80, s8, s9, $0xb8;
	[tilespmem:$0x1F080] =	vst v63  }
0x189: {  	_ =	swait.ge @!p1 [sflag:s5], $0x2000  }
0x18a: {  	[sflag:s5] =	ssyncset.done @!p1 $0x0  }
0x18b: {  	s19 =	stileid.u32;
	[sflag:s5] =	ssyncadd.s32 @!p1 $0xFFFFE000  }
0x18c: {  	s0 =	sshll.u32 s19, $0x6;
	[bflag:$0x0] =	sbarrier.arrive $0xFFFF  }
0x18d: {  	s0 =	sor.u32 $0x1C11, s0;
	s31 =	rddreg [dreg:$0xa]  }
0x18e: {  	s10 =	simm.s32 $0x11;
	s23 =	rddreg [dreg:$0x13];
	s21 =	sshrl.u32 s31, $0x3  }
0x18f: {  	[hbm:s23], [sflag:s0] =	dma.local [spmem:s21], $0x2700  }
0x190: {  	_ =	swait.ge [sflag:s10], $0x2700  }
0x191: {  	[sflag:s10] =	ssyncset.done $0x0;
	s9 =	rddreg [dreg:$0x1e]  }
0x192: {  	s8 =	rddreg [dreg:$0x1a];
	[sflag:s10] =	ssyncadd.s32 $0xFFFFD900;
	s5 =	sshrl.u32 @!p0 s9, $0x3  }
0x193: {  	[hbm:s8], [sflag:s0] =	dma.local @!p0 [spmem:s5], $0x100  }
0x194: {  	s0 =	simm.s32 @!p0 $0x11  }
0x195: {  	_ =	swait.ge @!p0 [sflag:s0], $0x100  }
0x196: {  	s24 =	rddreg [dreg:$0x1f]  }
0x197: {  	s26 =	rddreg [dreg:$0x1b];
	s1 =	sadd.s32 $0x1, s24  }
0x198: {  	p2 =	sne.s32 s1, s26  }
.Ltmp2:
0x199: {  	_ = 	snop;
	(pc) =	sbr.rel @p2 .LBB2_1-.Ltmp2, $3  }
0x19a: {  	_ =	sdelay $0x1  }
0x19b: {  	[sflag:s0] =	ssyncset.done @!p0 $0x0  }
0x19c: {  	[sflag:s0] =	ssyncadd.s32 @!p0 $0xFFFFFF00  }
0x19d: {  	_ =	sfence.sel $0x180000  }
0x19e: {  	[bflag:$0x0] =	sbarrier.arrive $0xFFFF  }
0x19f: {  	_ =	strace $0x90000050  }
0x1a0: {  	[bflag:$0x2] =	sbarrier.arrive $0xFFFF  }
0x1a1: {  	s0 =	rddreg [dreg:$0x3]  }
0x1a2: {  	s0 =	sadd.s32 @!p0 $0x100000, s0  }
0x1a3: {  	[sflag:s0] =	ssyncadd.tile.s32 @!p0 $0x1;
	_ =	shalt  }
.Lfunc_end2:
_tile_overlayer_lowered:
.L_overlay_start_2:
0x1a4: {  	(tag) =	ssettag $0x2  }
0x1a5: {  	s0 =	rddreg [dreg:$0x0];
	s2 =	stileid.u32  }
0x1a6: {  	s1 =	rddreg [dreg:$0x1];
	p0 =	sne.s32 s2, $0x0  }
0x1a7: {  	s3 =	rddreg [dreg:$0x2];
	[bflag:$0x3] =	sbarrier.arrive $0xFFFF;
	s2 =	simm.s32 @!p0 $0x1C11  }
0x1a8: {  	[timem:s3], [sflag:s2] =	dma.local @!p0 [hbm:s0], s1  }
0x1a9: {  	s0 =	simm.s32 @!p0 $0x11  }
0x1aa: {  	_ =	swait.ge @!p0 [sflag:s0], s1  }
0x1ab: {  	s1 =	ssub.s32 @!p0 $0x0, s1;
	[sflag:s0] =	ssyncset.done @!p0 $0x0  }
0x1ac: {  	[sflag:s0] =	ssyncadd.s32 @!p0 s1  }
0x1ad: {  	[bflag:$0x3] =	sbarrier.arrive $0xFFFF  }
0x1ae: {  	_ =	shalt  }

</sc_bundles>
